<compile_context>
chip_gen: v7x
topology: tpu7x:2x2x1
jax: 0.10.2.dev20260603
libtpu: 0.0.44.dev20260713+nightly
codegen_flags: <defaults>
</compile_context>

<pallas_src>
import functools

import jax
import jax.numpy as jnp
from jax import lax
from jax.experimental import pallas as pl
from jax.experimental.pallas import tpu as pltpu
from jax.experimental.pallas import tpu_sc as plsc

BN_EPS_ = 1e-5
_CH = 128
_TILES = 16


def _edge_loop(x_hbm, src_hbm, dst_hbm, idxs_v, idxd_v, rows, acc_sh, sems,
               base0, nchunks):
    gsems, ssems, isems = sems[:2], sems[2:4], sems[4:]

    def idx_fetch(ci, m):
        base = base0 + ci * _CH
        pltpu.async_copy(src_hbm.at[pl.ds(base, _CH)], idxs_v.at[m],
                         isems[m])
        pltpu.async_copy(dst_hbm.at[pl.ds(base, _CH)], idxd_v.at[m],
                         isems[m])

    def idx_wait(m):
        pltpu.make_async_copy(src_hbm.at[pl.ds(base0, _CH)], idxs_v.at[m],
                              isems[m]).wait()
        pltpu.make_async_copy(dst_hbm.at[pl.ds(base0, _CH)], idxd_v.at[m],
                              isems[m]).wait()

    def scat_wait(k):
        pltpu.make_async_copy(rows[k], acc_sh.at[idxd_v.at[0]],
                              ssems[k]).wait()

    def retire(j, m):
        pltpu.make_async_copy(x_hbm.at[idxs_v.at[m]], rows[j],
                              gsems[j]).wait()
        pltpu.async_copy(rows[j], acc_sh.at[idxd_v.at[m]], ssems[j],
                         add=True)

    idx_fetch(0, 0)
    idx_fetch(1, 1)

    @pl.loop(0, nchunks, step=4)
    def _(i):
        for t in range(4):
            k = t % 2
            if t < 2:
                @pl.when(i >= 4)
                def _():
                    scat_wait(k)
                idx_fetch(i + t + 2, t + 2)
            else:
                scat_wait(k)

                @pl.when(i + 4 < nchunks)
                def _():
                    idx_fetch(i + t + 2, t - 2)
            idx_wait(t)
            pltpu.async_copy(x_hbm.at[idxs_v.at[t]], rows[k], gsems[k])
            if t == 0:
                @pl.when(i >= 4)
                def _():
                    retire(1, 3)
            else:
                retire(k ^ 1, t - 1)

    retire(1, 3)
    scat_wait(0)
    scat_wait(1)


def _sc_mesh():
    return plsc.VectorSubcoreMesh(core_axis_name="c", subcore_axis_name="s")


def _agg_edge_split(x, zeros, src, dst, ept):
    n, f = x.shape
    rpt = n // _TILES

    @functools.partial(
        pl.kernel,
        out_type=(
            jax.ShapeDtypeStruct((n, f), jnp.float32),
            jax.ShapeDtypeStruct((n, f), jnp.float32),
        ),
        mesh=_sc_mesh(),
        scratch_types=[
            pltpu.VMEM((4, _CH), jnp.int32),
            pltpu.VMEM((4, _CH), jnp.int32),
            pltpu.VMEM((_CH, f), jnp.float32),
            pltpu.VMEM((_CH, f), jnp.float32),
            pltpu.VMEM_SHARED((n, f), jnp.float32),
            pltpu.SemaphoreType.DMA,
            pltpu.SemaphoreType.DMA,
            pltpu.SemaphoreType.DMA,
            pltpu.SemaphoreType.DMA,
            pltpu.SemaphoreType.DMA,
            pltpu.SemaphoreType.DMA,
            pltpu.SemaphoreType.DMA,
            pltpu.SemaphoreType.DMA,
        ],
    )
    def agg_kernel(x_hbm, z_hbm, src_hbm, dst_hbm, o0_hbm, o1_hbm,
                   idxs_v, idxd_v, rows_a, rows_b, acc_sh, *sems):
        rows = (rows_a, rows_b)
        c = lax.axis_index("c")
        s = lax.axis_index("s")

        def run(init_hbm, o_hbm):
            pltpu.sync_copy(init_hbm.at[pl.ds(s * rpt, rpt)],
                            acc_sh.at[pl.ds(s * rpt, rpt)])
            plsc.subcore_barrier()
            _edge_loop(x_hbm, src_hbm, dst_hbm, idxs_v, idxd_v, rows,
                       acc_sh, sems, (c * _TILES + s) * ept, ept // _CH)
            plsc.subcore_barrier()
            pltpu.sync_copy(acc_sh.at[pl.ds(s * rpt, rpt)],
                            o_hbm.at[pl.ds(s * rpt, rpt)])

        @pl.when(c == 0)
        def _():
            run(x_hbm, o0_hbm)

        @pl.when(c == 1)
        def _():
            run(z_hbm, o1_hbm)

    return agg_kernel(x, zeros, src, dst)


def _agg_feat_split(x_lo, x_hi, src, dst, ept):
    n, fh = x_lo.shape
    rpt = n // _TILES

    @functools.partial(
        pl.kernel,
        out_type=(
            jax.ShapeDtypeStruct((n, fh), jnp.float32),
            jax.ShapeDtypeStruct((n, fh), jnp.float32),
        ),
        mesh=_sc_mesh(),
        scratch_types=[
            pltpu.VMEM((4, _CH), jnp.int32),
            pltpu.VMEM((4, _CH), jnp.int32),
            pltpu.VMEM((_CH, fh), jnp.float32),
            pltpu.VMEM((_CH, fh), jnp.float32),
            pltpu.VMEM_SHARED((n, fh), jnp.float32),
            pltpu.SemaphoreType.DMA,
            pltpu.SemaphoreType.DMA,
            pltpu.SemaphoreType.DMA,
            pltpu.SemaphoreType.DMA,
            pltpu.SemaphoreType.DMA,
            pltpu.SemaphoreType.DMA,
            pltpu.SemaphoreType.DMA,
            pltpu.SemaphoreType.DMA,
        ],
    )
    def agg_kernel(xlo_hbm, xhi_hbm, src_hbm, dst_hbm, olo_hbm, ohi_hbm,
                   idxs_v, idxd_v, rows_a, rows_b, acc_sh, *sems):
        rows = (rows_a, rows_b)
        c = lax.axis_index("c")
        s = lax.axis_index("s")

        def run(x_hbm, o_hbm):
            pltpu.sync_copy(x_hbm.at[pl.ds(s * rpt, rpt)],
                            acc_sh.at[pl.ds(s * rpt, rpt)])
            plsc.subcore_barrier()
            _edge_loop(x_hbm, src_hbm, dst_hbm, idxs_v, idxd_v, rows,
                       acc_sh, sems, s * ept, ept // _CH)
            plsc.subcore_barrier()
            pltpu.sync_copy(acc_sh.at[pl.ds(s * rpt, rpt)],
                            o_hbm.at[pl.ds(s * rpt, rpt)])

        @pl.when(c == 0)
        def _():
            run(xlo_hbm, olo_hbm)

        @pl.when(c == 1)
        def _():
            run(xhi_hbm, ohi_hbm)

    return agg_kernel(x_lo, x_hi, src, dst)


def _mlp_tc(a_lo, a_hi, w1a, w1b, b1, w2, b2, sum_inputs, split_out):
    n = a_lo.shape[0]
    kh = a_lo.shape[1]
    h = w2.shape[1]
    blk = 1264
    hiprec = lax.Precision.HIGHEST

    def body(alo_ref, ahi_ref, w1a_ref, w1b_ref, b1_ref, w2_ref, b2_ref,
             *out_refs):
        if sum_inputs:
            t = jnp.dot(alo_ref[...] + ahi_ref[...], w1a_ref[...],
                        preferred_element_type=jnp.float32, precision=hiprec)
        else:
            t = jnp.dot(alo_ref[...], w1a_ref[...],
                        preferred_element_type=jnp.float32, precision=hiprec)
            t += jnp.dot(ahi_ref[...], w1b_ref[...],
                         preferred_element_type=jnp.float32, precision=hiprec)
        t = jnp.maximum(t + b1_ref[...], 0.0)
        o = jnp.dot(t, w2_ref[...],
                    preferred_element_type=jnp.float32, precision=hiprec)
        o = jnp.maximum(o + b2_ref[...], 0.0)
        if split_out:
            out_refs[0][...] = o[:, : h // 2]
            out_refs[1][...] = o[:, h // 2:]
        else:
            out_refs[0][...] = o

    if split_out:
        out_shape = (
            jax.ShapeDtypeStruct((n, h // 2), jnp.float32),
            jax.ShapeDtypeStruct((n, h // 2), jnp.float32),
        )
        out_specs = (
            pl.BlockSpec((blk, h // 2), lambda i: (i, 0)),
            pl.BlockSpec((blk, h // 2), lambda i: (i, 0)),
        )
    else:
        out_shape = jax.ShapeDtypeStruct((n, h), jnp.float32)
        out_specs = pl.BlockSpec((blk, h), lambda i: (i, 0))

    return pl.pallas_call(
        body,
        grid=(n // blk,),
        in_specs=[
            pl.BlockSpec((blk, kh), lambda i: (i, 0)),
            pl.BlockSpec((blk, kh), lambda i: (i, 0)),
            pl.BlockSpec(w1a.shape, lambda i: (0, 0)),
            pl.BlockSpec(w1b.shape, lambda i: (0, 0)),
            pl.BlockSpec((1, h), lambda i: (0, 0)),
            pl.BlockSpec((h, h), lambda i: (0, 0)),
            pl.BlockSpec((1, h), lambda i: (0, 0)),
        ],
        out_specs=out_specs,
        out_shape=out_shape,
    )(a_lo, a_hi, w1a, w1b, b1, w2, b2)


def kernel(x, edge_index, W0_1, b0_1, g0, be0, W0_2, b0_2,
           W1_1, b1_1, g1, be1, W1_2, b1_2):
    n, d = x.shape
    h = W0_1.shape[1]
    e = edge_index.shape[1]

    src = edge_index[0].astype(jnp.int32)
    dst = edge_index[1].astype(jnp.int32)

    ept0 = -(-e // (2 * _TILES * 2 * _CH)) * 2 * _CH
    ept1 = 2 * ept0
    e_pad = ept0 * 2 * _TILES
    npad = -(-n // (_TILES * 8)) * (_TILES * 8)
    if e_pad != e:
        npadidx = jnp.arange(e_pad - e, dtype=jnp.int32)
        src = jnp.concatenate([src, npadidx % n])
        dst = jnp.concatenate([dst, n + npadidx % (npad - n)])

    s0 = g0 / jnp.sqrt(1.0 + BN_EPS_)
    w0s = W0_1 * s0[None, :]
    b0f = (b0_1 * s0 + be0).reshape(1, h)
    s1 = g1 / jnp.sqrt(1.0 + BN_EPS_)
    w1s = W1_1 * s1[None, :]
    b1f = (b1_1 * s1 + be1).reshape(1, h)
    b0_2r = b0_2.reshape(1, h)
    b1_2r = b1_2.reshape(1, h)

    xp = jnp.pad(x, ((0, npad - n), (0, 0)))
    zp = jnp.zeros_like(xp)
    p0, p1 = _agg_edge_split(xp, zp, src, dst, ept0)
    h_lo, h_hi = _mlp_tc(p0, p1, w0s, w0s, b0f, W0_2, b0_2r,
                         sum_inputs=True, split_out=True)

    a1_lo, a1_hi = _agg_feat_split(h_lo, h_hi, src, dst, ept1)
    out = _mlp_tc(a1_lo, a1_hi, w1s[: h // 2], w1s[h // 2:],
                  b1f, W1_2, b1_2r, sum_inputs=False, split_out=False)
    return out[:n]

# --- scband reference (transcript-rebuilt; emitter-appended) ---
"""Pipeline reference for scband-gin-encoder-16853451670138 (READ-ONLY COPY).

The authoritative reference and input builder live on the scoring server;
editing this copy changes nothing except your own understanding.
"""

import jax, jax.numpy as jnp
import numpy as np

BN_EPS = 1e-5

def setup_inputs(seed: int = 0) -> dict:
    key = jax.random.key(seed)
    ks = jax.random.split(key, 16)
    N, D, H = 10000, 128, 256
    E = 320000
    x = jax.random.normal(ks[0], (N, D), dtype=jnp.float32)
    edge_index = jax.random.randint(ks[1], (2, E), 0, N, dtype=jnp.int64)
    def lin(k, fan_in, fan_out):
        bound = 1.0 / np.sqrt(fan_in)
        kw, kb = jax.random.split(k)
        W = jax.random.uniform(kw, (fan_in, fan_out), minval=-bound, maxval=bound, dtype=jnp.float32)
        b = jax.random.uniform(kb, (fan_out,), minval=-bound, maxval=bound, dtype=jnp.float32)
        return W, b
    W0_1, b0_1 = lin(ks[2], D, H)
    g0 = jnp.ones((H,), jnp.float32); be0 = jnp.zeros((H,), jnp.float32)
    W0_2, b0_2 = lin(ks[3], H, H)
    W1_1, b1_1 = lin(ks[4], H, H)
    g1 = jnp.ones((H,), jnp.float32); be1 = jnp.zeros((H,), jnp.float32)
    W1_2, b1_2 = lin(ks[5], H, H)
    return {"x": x, "edge_index": edge_index,
            "W0_1": W0_1, "b0_1": b0_1, "g0": g0, "be0": be0, "W0_2": W0_2, "b0_2": b0_2,
            "W1_1": W1_1, "b1_1": b1_1, "g1": g1, "be1": be1, "W1_2": W1_2, "b1_2": b1_2}

def _gin_layer(x, edge_index, W1, b1, g, be, W2, b2):
    src, dst = edge_index[0], edge_index[1]
    # scatter-add aggregation: sum of neighbor features
    agg = jnp.zeros_like(x).at[dst].add(x[src])
    h = (1.0 + 0.0) * x + agg  # GIN eps = 0
    h = h @ W1 + b1
    # BatchNorm1d in eval mode with running_mean=0, running_var=1
    h = h * (g / jnp.sqrt(1.0 + BN_EPS)) + be
    h = jax.nn.relu(h)
    h = h @ W2 + b2
    return h

def reference(x, edge_index, W0_1, b0_1, g0, be0, W0_2, b0_2, W1_1, b1_1, g1, be1, W1_2, b1_2):
    # layer 0: conv -> norm(id) -> relu -> dropout(0, eval: id)
    h = _gin_layer(x, edge_index, W0_1, b0_1, g0, be0, W0_2, b0_2)
    h = jax.nn.relu(h)
    # layer 1 (last layer, last_activation=True)
    h = _gin_layer(h, edge_index, W1_1, b1_1, g1, be1, W1_2, b1_2)
    h = jax.nn.relu(h)
    return h

if __name__ == "__main__":
    import jax
    _d = setup_inputs()
    print(jax.jit(kernel)(*tuple(_d.values())))

</pallas_src>

<mosaic_0001>
#map = affine_map<(d0, d1) -> (0, 0)>
#map1 = affine_map<(d0, d1) -> (0)>
module attributes {stable_mosaic.version = 14 : i64} {
  func.func @agg_kernel(%arg0: i32, %arg1: i32, %arg2: memref<10112x128xf32, #tpu.memory_space<hbm>>, %arg3: memref<10112x128xf32, #tpu.memory_space<hbm>>, %arg4: memref<327680xi32, #tpu.memory_space<hbm>>, %arg5: memref<327680xi32, #tpu.memory_space<hbm>>, %arg6: memref<10112x128xf32, #tpu.memory_space<hbm>>, %arg7: memref<10112x128xf32, #tpu.memory_space<hbm>>, %arg8: memref<4x128xi32, #tpu.memory_space<vmem>>, %arg9: memref<4x128xi32, #tpu.memory_space<vmem>>, %arg10: memref<128x128xf32, #tpu.memory_space<vmem>>, %arg11: memref<128x128xf32, #tpu.memory_space<vmem>>, %arg12: memref<10112x128xf32, #tpu.memory_space<vmem_shared>>, %arg13: memref<!tpu.dma_semaphore, #tpu.memory_space<semaphore_mem>>, %arg14: memref<!tpu.dma_semaphore, #tpu.memory_space<semaphore_mem>>, %arg15: memref<!tpu.dma_semaphore, #tpu.memory_space<semaphore_mem>>, %arg16: memref<!tpu.dma_semaphore, #tpu.memory_space<semaphore_mem>>, %arg17: memref<!tpu.dma_semaphore, #tpu.memory_space<semaphore_mem>>, %arg18: memref<!tpu.dma_semaphore, #tpu.memory_space<semaphore_mem>>, %arg19: memref<!tpu.dma_semaphore, #tpu.memory_space<semaphore_mem>>, %arg20: memref<!tpu.dma_semaphore, #tpu.memory_space<semaphore_mem>>) attributes {dimension_semantics = [#tpu.dimension_semantics<core_parallel>, #tpu.dimension_semantics<subcore_parallel>], iteration_bounds = array<i64: 2, 16>, scalar_prefetch = 0 : i64, scratch_operands = 13 : i64, tpu.core_type = #tpu.core_type<sc_vector_subcore>, window_params = [{transform_indices = #map}, {transform_indices = #map}, {transform_indices = #map1}, {transform_indices = #map1}, {transform_indices = #map}, {transform_indices = #map}]} {
    %eq3A = arith.constant 0 : i32
    %eq3A_0 = arith.cmpi eq, %arg0, %eq3A : i32
    %convert_element_type3A = arith.extui %eq3A_0 : i1 to i32
    %cond3A = arith.constant 0 : i32
    %cond3A_1 = arith.cmpi ne, %convert_element_type3A, %cond3A : i32
    scf.if %cond3A_1 {
      %mul3A = arith.constant 632 : i32
      %mul3A_7 = arith.muli %arg1, %mul3A : i32
      %mul3A_8 = arith.constant 632 : i32
      %mul3A_9 = arith.muli %arg1, %mul3A_8 : i32
      "tpu.region"() ({
        %run_scoped3A = tpu.sem_alloc : memref<!tpu.dma_semaphore, #tpu.memory_space<semaphore_mem>>
        %dma_start3A_89 = arith.constant 0 : i32
        %dma_start3A_90 = tpu.memref_slice %arg12[%mul3A_9, %dma_start3A_89] : memref<10112x128xf32, #tpu.memory_space<vmem_shared>> -> memref<632x128xf32, #tpu.memory_space<vmem_shared>>
        %dma_start3A_91 = arith.constant 0 : i32
        %dma_start3A_92 = tpu.memref_slice %arg2[%mul3A_7, %dma_start3A_91] : memref<10112x128xf32, #tpu.memory_space<hbm>> -> memref<632x128xf32, #tpu.memory_space<hbm>>
        tpu.enqueue_dma source(%dma_start3A_92 : memref<632x128xf32, #tpu.memory_space<hbm>>) target(%dma_start3A_90 : memref<632x128xf32, #tpu.memory_space<vmem_shared>>) target_semaphore(%run_scoped3A : memref<!tpu.dma_semaphore, #tpu.memory_space<semaphore_mem>>)
        %dma_wait3A_93 = arith.constant 0 : i32
        %dma_wait3A_94 = tpu.memref_slice %arg12[%mul3A_9, %dma_wait3A_93] : memref<10112x128xf32, #tpu.memory_space<vmem_shared>> -> memref<632x128xf32, #tpu.memory_space<vmem_shared>>
        %dma_wait3A_95 = arith.constant 0 : i32
        %dma_wait3A_96 = tpu.memref_slice %arg2[%mul3A_7, %dma_wait3A_95] : memref<10112x128xf32, #tpu.memory_space<hbm>> -> memref<632x128xf32, #tpu.memory_space<hbm>>
        tpu.wait_dma2 semaphore(%run_scoped3A : memref<!tpu.dma_semaphore, #tpu.memory_space<semaphore_mem>>) src(%dma_wait3A_96 : memref<632x128xf32, #tpu.memory_space<hbm>>) dst(%dma_wait3A_94 : memref<632x128xf32, #tpu.memory_space<vmem_shared>>)
        tpu.yield
      }) : () -> ()
      %barrier3A = arith.constant 0 : index
      tpu.barrier barrier_id(%barrier3A)
      %mul3A_10 = arith.constant 16 : i32
      %mul3A_11 = arith.muli %arg0, %mul3A_10 : i32
      %add3A = arith.addi %mul3A_11, %arg1 : i32
      %mul3A_12 = arith.constant 10240 : i32
      %mul3A_13 = arith.muli %add3A, %mul3A_12 : i32
      %add3A_14 = arith.constant 0 : i32
      %add3A_15 = arith.addi %mul3A_13, %add3A_14 : i32
      %dma_start3A = arith.constant 0 : i32
      %dma_start3A_16 = arith.constant 0 : i32
      %dma_start3A_17 = tpu.memref_slice %arg8[%dma_start3A, %dma_start3A_16] : memref<4x128xi32, #tpu.memory_space<vmem>> -> memref<1x128xi32, #tpu.memory_space<vmem>>
      %dma_start3A_18 = tpu.memref_squeeze %dma_start3A_17 : memref<1x128xi32, #tpu.memory_space<vmem>> -> memref<128xi32, #tpu.memory_space<vmem>>
      %dma_start3A_19 = tpu.memref_slice %arg4[%add3A_15] : memref<327680xi32, #tpu.memory_space<hbm>> -> memref<128xi32, #tpu.memory_space<hbm>>
      %dma_start3A_20 = arith.constant 0 : i32
      %dma_start3A_21 = tpu.memref_slice %arg8[%dma_start3A, %dma_start3A_20] : memref<4x128xi32, #tpu.memory_space<vmem>> -> memref<1x128xi32, #tpu.memory_space<vmem>>
      %dma_start3A_22 = tpu.memref_squeeze %dma_start3A_21 : memref<1x128xi32, #tpu.memory_space<vmem>> -> memref<128xi32, #tpu.memory_space<vmem>>
      %dma_start3A_23 = tpu.memref_slice %arg4[%add3A_15] : memref<327680xi32, #tpu.memory_space<hbm>> -> memref<128xi32, #tpu.memory_space<hbm>>
      tpu.enqueue_dma source(%dma_start3A_23 : memref<128xi32, #tpu.memory_space<hbm>>) target(%dma_start3A_22 : memref<128xi32, #tpu.memory_space<vmem>>) target_semaphore(%arg17 : memref<!tpu.dma_semaphore, #tpu.memory_space<semaphore_mem>>)
      %dma_start3A_24 = arith.constant 0 : i32
      %dma_start3A_25 = arith.constant 0 : i32
      %dma_start3A_26 = tpu.memref_slice %arg9[%dma_start3A_24, %dma_start3A_25] : memref<4x128xi32, #tpu.memory_space<vmem>> -> memref<1x128xi32, #tpu.memory_space<vmem>>
      %dma_start3A_27 = tpu.memref_squeeze %dma_start3A_26 : memref<1x128xi32, #tpu.memory_space<vmem>> -> memref<128xi32, #tpu.memory_space<vmem>>
      %dma_start3A_28 = tpu.memref_slice %arg5[%add3A_15] : memref<327680xi32, #tpu.memory_space<hbm>> -> memref<128xi32, #tpu.memory_space<hbm>>
      %dma_start3A_29 = arith.constant 0 : i32
      %dma_start3A_30 = tpu.memref_slice %arg9[%dma_start3A_24, %dma_start3A_29] : memref<4x128xi32, #tpu.memory_space<vmem>> -> memref<1x128xi32, #tpu.memory_space<vmem>>
      %dma_start3A_31 = tpu.memref_squeeze %dma_start3A_30 : memref<1x128xi32, #tpu.memory_space<vmem>> -> memref<128xi32, #tpu.memory_space<vmem>>
      %dma_start3A_32 = tpu.memref_slice %arg5[%add3A_15] : memref<327680xi32, #tpu.memory_space<hbm>> -> memref<128xi32, #tpu.memory_space<hbm>>
      tpu.enqueue_dma source(%dma_start3A_32 : memref<128xi32, #tpu.memory_space<hbm>>) target(%dma_start3A_31 : memref<128xi32, #tpu.memory_space<vmem>>) target_semaphore(%arg17 : memref<!tpu.dma_semaphore, #tpu.memory_space<semaphore_mem>>)
      %add3A_33 = arith.constant 128 : i32
      %add3A_34 = arith.addi %mul3A_13, %add3A_33 : i32
      %dma_start3A_35 = arith.constant 1 : i32
      %dma_start3A_36 = arith.constant 0 : i32
      %dma_start3A_37 = tpu.memref_slice %arg8[%dma_start3A_35, %dma_start3A_36] : memref<4x128xi32, #tpu.memory_space<vmem>> -> memref<1x128xi32, #tpu.memory_space<vmem>>
      %dma_start3A_38 = tpu.memref_squeeze %dma_start3A_37 : memref<1x128xi32, #tpu.memory_space<vmem>> -> memref<128xi32, #tpu.memory_space<vmem>>
      %dma_start3A_39 = tpu.memref_slice %arg4[%add3A_34] : memref<327680xi32, #tpu.memory_space<hbm>> -> memref<128xi32, #tpu.memory_space<hbm>>
      %dma_start3A_40 = arith.constant 0 : i32
      %dma_start3A_41 = tpu.memref_slice %arg8[%dma_start3A_35, %dma_start3A_40] : memref<4x128xi32, #tpu.memory_space<vmem>> -> memref<1x128xi32, #tpu.memory_space<vmem>>
      %dma_start3A_42 = tpu.memref_squeeze %dma_start3A_41 : memref<1x128xi32, #tpu.memory_space<vmem>> -> memref<128xi32, #tpu.memory_space<vmem>>
      %dma_start3A_43 = tpu.memref_slice %arg4[%add3A_34] : memref<327680xi32, #tpu.memory_space<hbm>> -> memref<128xi32, #tpu.memory_space<hbm>>
      tpu.enqueue_dma source(%dma_start3A_43 : memref<128xi32, #tpu.memory_space<hbm>>) target(%dma_start3A_42 : memref<128xi32, #tpu.memory_space<vmem>>) target_semaphore(%arg18 : memref<!tpu.dma_semaphore, #tpu.memory_space<semaphore_mem>>)
      %dma_start3A_44 = arith.constant 1 : i32
      %dma_start3A_45 = arith.constant 0 : i32
      %dma_start3A_46 = tpu.memref_slice %arg9[%dma_start3A_44, %dma_start3A_45] : memref<4x128xi32, #tpu.memory_space<vmem>> -> memref<1x128xi32, #tpu.memory_space<vmem>>
      %dma_start3A_47 = tpu.memref_squeeze %dma_start3A_46 : memref<1x128xi32, #tpu.memory_space<vmem>> -> memref<128xi32, #tpu.memory_space<vmem>>
      %dma_start3A_48 = tpu.memref_slice %arg5[%add3A_34] : memref<327680xi32, #tpu.memory_space<hbm>> -> memref<128xi32, #tpu.memory_space<hbm>>
      %dma_start3A_49 = arith.constant 0 : i32
      %dma_start3A_50 = tpu.memref_slice %arg9[%dma_start3A_44, %dma_start3A_49] : memref<4x128xi32, #tpu.memory_space<vmem>> -> memref<1x128xi32, #tpu.memory_space<vmem>>
      %dma_start3A_51 = tpu.memref_squeeze %dma_start3A_50 : memref<1x128xi32, #tpu.memory_space<vmem>> -> memref<128xi32, #tpu.memory_space<vmem>>
      %dma_start3A_52 = tpu.memref_slice %arg5[%add3A_34] : memref<327680xi32, #tpu.memory_space<hbm>> -> memref<128xi32, #tpu.memory_space<hbm>>
      tpu.enqueue_dma source(%dma_start3A_52 : memref<128xi32, #tpu.memory_space<hbm>>) target(%dma_start3A_51 : memref<128xi32, #tpu.memory_space<vmem>>) target_semaphore(%arg18 : memref<!tpu.dma_semaphore, #tpu.memory_space<semaphore_mem>>)
      %scan3A = arith.constant 0 : i32
      %scan3A_53 = arith.constant 20 : i32
      %scan3A_54 = arith.addi %scan3A, %scan3A_53 : i32
      %scan3A_55 = arith.constant 1 : i32
      scf.for %scan3A_89 = %scan3A to %scan3A_54 step %scan3A_55  : i32 {
        %mul3A_90 = arith.constant 4 : i32
        %mul3A_91 = arith.muli %scan3A_89, %mul3A_90 : i32
        %add3A_92 = arith.constant 0 : i32
        %add3A_93 = arith.addi %add3A_92, %mul3A_91 : i32
        %ge3A = arith.constant 4 : i32
        %ge3A_94 = arith.cmpi sge, %add3A_93, %ge3A : i32
        %convert_element_type3A_95 = arith.extui %ge3A_94 : i1 to i32
        %cond3A_96 = arith.constant 0 : i32
        %cond3A_97 = arith.cmpi ne, %convert_element_type3A_95, %cond3A_96 : i32
        scf.if %cond3A_97 {
          %dma_wait3A_327 = arith.constant 0 : i32
          %dma_wait3A_328 = arith.constant 0 : i32
          %dma_wait3A_329 = tpu.memref_slice %arg9[%dma_wait3A_327, %dma_wait3A_328] : memref<4x128xi32, #tpu.memory_space<vmem>> -> memref<1x128xi32, #tpu.memory_space<vmem>>
          %dma_wait3A_330 = tpu.memref_squeeze %dma_wait3A_329 : memref<1x128xi32, #tpu.memory_space<vmem>> -> memref<128xi32, #tpu.memory_space<vmem>>
          %dma_wait3A_331 = arith.constant 0 : i32
          %dma_wait3A_332 = arith.constant 0 : i32
          %dma_wait3A_333 = tpu.memref_slice %arg12[%dma_wait3A_331, %dma_wait3A_332] : memref<10112x128xf32, #tpu.memory_space<vmem_shared>> -> memref<10112x128xf32, #tpu.memory_space<vmem_shared>>
          tpu.wait_indirect_dma semaphore(%arg15 : memref<!tpu.dma_semaphore, #tpu.memory_space<semaphore_mem>>) src(%arg10 : memref<128x128xf32, #tpu.memory_space<vmem>>) dst(%dma_wait3A_333 : memref<10112x128xf32, #tpu.memory_space<vmem_shared>>)
        } else {
        }
        %add3A_98 = arith.constant 0 : i32
        %add3A_99 = arith.addi %add3A_93, %add3A_98 : i32
        %add3A_100 = arith.constant 2 : i32
        %add3A_101 = arith.addi %add3A_99, %add3A_100 : i32
        %mul3A_102 = arith.constant 128 : i32
        %mul3A_103 = arith.muli %add3A_101, %mul3A_102 : i32
        %add3A_104 = arith.addi %mul3A_13, %mul3A_103 : i32
        %dma_start3A_105 = arith.constant 2 : i32
        %dma_start3A_106 = arith.constant 0 : i32
        %dma_start3A_107 = tpu.memref_slice %arg8[%dma_start3A_105, %dma_start3A_106] : memref<4x128xi32, #tpu.memory_space<vmem>> -> memref<1x128xi32, #tpu.memory_space<vmem>>
        %dma_start3A_108 = tpu.memref_squeeze %dma_start3A_107 : memref<1x128xi32, #tpu.memory_space<vmem>> -> memref<128xi32, #tpu.memory_space<vmem>>
        %dma_start3A_109 = tpu.memref_slice %arg4[%add3A_104] : memref<327680xi32, #tpu.memory_space<hbm>> -> memref<128xi32, #tpu.memory_space<hbm>>
        %dma_start3A_110 = arith.constant 0 : i32
        %dma_start3A_111 = tpu.memref_slice %arg8[%dma_start3A_105, %dma_start3A_110] : memref<4x128xi32, #tpu.memory_space<vmem>> -> memref<1x128xi32, #tpu.memory_space<vmem>>
        %dma_start3A_112 = tpu.memref_squeeze %dma_start3A_111 : memref<1x128xi32, #tpu.memory_space<vmem>> -> memref<128xi32, #tpu.memory_space<vmem>>
        %dma_start3A_113 = tpu.memref_slice %arg4[%add3A_104] : memref<327680xi32, #tpu.memory_space<hbm>> -> memref<128xi32, #tpu.memory_space<hbm>>
        tpu.enqueue_dma source(%dma_start3A_113 : memref<128xi32, #tpu.memory_space<hbm>>) target(%dma_start3A_112 : memref<128xi32, #tpu.memory_space<vmem>>) target_semaphore(%arg19 : memref<!tpu.dma_semaphore, #tpu.memory_space<semaphore_mem>>)
        %dma_start3A_114 = arith.constant 2 : i32
        %dma_start3A_115 = arith.constant 0 : i32
        %dma_start3A_116 = tpu.memref_slice %arg9[%dma_start3A_114, %dma_start3A_115] : memref<4x128xi32, #tpu.memory_space<vmem>> -> memref<1x128xi32, #tpu.memory_space<vmem>>
        %dma_start3A_117 = tpu.memref_squeeze %dma_start3A_116 : memref<1x128xi32, #tpu.memory_space<vmem>> -> memref<128xi32, #tpu.memory_space<vmem>>
        %dma_start3A_118 = tpu.memref_slice %arg5[%add3A_104] : memref<327680xi32, #tpu.memory_space<hbm>> -> memref<128xi32, #tpu.memory_space<hbm>>
        %dma_start3A_119 = arith.constant 0 : i32
        %dma_start3A_120 = tpu.memref_slice %arg9[%dma_start3A_114, %dma_start3A_119] : memref<4x128xi32, #tpu.memory_space<vmem>> -> memref<1x128xi32, #tpu.memory_space<vmem>>
        %dma_start3A_121 = tpu.memref_squeeze %dma_start3A_120 : memref<1x128xi32, #tpu.memory_space<vmem>> -> memref<128xi32, #tpu.memory_space<vmem>>
        %dma_start3A_122 = tpu.memref_slice %arg5[%add3A_104] : memref<327680xi32, #tpu.memory_space<hbm>> -> memref<128xi32, #tpu.memory_space<hbm>>
        tpu.enqueue_dma source(%dma_start3A_122 : memref<128xi32, #tpu.memory_space<hbm>>) target(%dma_start3A_121 : memref<128xi32, #tpu.memory_space<vmem>>) target_semaphore(%arg19 : memref<!tpu.dma_semaphore, #tpu.memory_space<semaphore_mem>>)
        %dma_wait3A_123 = arith.constant 0 : i32
        %dma_wait3A_124 = arith.constant 0 : i32
        %dma_wait3A_125 = tpu.memref_slice %arg8[%dma_wait3A_123, %dma_wait3A_124] : memref<4x128xi32, #tpu.memory_space<vmem>> -> memref<1x128xi32, #tpu.memory_space<vmem>>
        %dma_wait3A_126 = tpu.memref_squeeze %dma_wait3A_125 : memref<1x128xi32, #tpu.memory_space<vmem>> -> memref<128xi32, #tpu.memory_space<vmem>>
        %dma_wait3A_127 = tpu.memref_slice %arg4[%mul3A_13] : memref<327680xi32, #tpu.memory_space<hbm>> -> memref<128xi32, #tpu.memory_space<hbm>>
        %dma_wait3A_128 = arith.constant 0 : i32
        %dma_wait3A_129 = tpu.memref_slice %arg8[%dma_wait3A_123, %dma_wait3A_128] : memref<4x128xi32, #tpu.memory_space<vmem>> -> memref<1x128xi32, #tpu.memory_space<vmem>>
        %dma_wait3A_130 = tpu.memref_squeeze %dma_wait3A_129 : memref<1x128xi32, #tpu.memory_space<vmem>> -> memref<128xi32, #tpu.memory_space<vmem>>
        %dma_wait3A_131 = tpu.memref_slice %arg4[%mul3A_13] : memref<327680xi32, #tpu.memory_space<hbm>> -> memref<128xi32, #tpu.memory_space<hbm>>
        tpu.wait_dma2 semaphore(%arg17 : memref<!tpu.dma_semaphore, #tpu.memory_space<semaphore_mem>>) src(%dma_wait3A_131 : memref<128xi32, #tpu.memory_space<hbm>>) dst(%dma_wait3A_130 : memref<128xi32, #tpu.memory_space<vmem>>)
        %dma_wait3A_132 = arith.constant 0 : i32
        %dma_wait3A_133 = arith.constant 0 : i32
        %dma_wait3A_134 = tpu.memref_slice %arg9[%dma_wait3A_132, %dma_wait3A_133] : memref<4x128xi32, #tpu.memory_space<vmem>> -> memref<1x128xi32, #tpu.memory_space<vmem>>
        %dma_wait3A_135 = tpu.memref_squeeze %dma_wait3A_134 : memref<1x128xi32, #tpu.memory_space<vmem>> -> memref<128xi32, #tpu.memory_space<vmem>>
        %dma_wait3A_136 = tpu.memref_slice %arg5[%mul3A_13] : memref<327680xi32, #tpu.memory_space<hbm>> -> memref<128xi32, #tpu.memory_space<hbm>>
        %dma_wait3A_137 = arith.constant 0 : i32
        %dma_wait3A_138 = tpu.memref_slice %arg9[%dma_wait3A_132, %dma_wait3A_137] : memref<4x128xi32, #tpu.memory_space<vmem>> -> memref<1x128xi32, #tpu.memory_space<vmem>>
        %dma_wait3A_139 = tpu.memref_squeeze %dma_wait3A_138 : memref<1x128xi32, #tpu.memory_space<vmem>> -> memref<128xi32, #tpu.memory_space<vmem>>
        %dma_wait3A_140 = tpu.memref_slice %arg5[%mul3A_13] : memref<327680xi32, #tpu.memory_space<hbm>> -> memref<128xi32, #tpu.memory_space<hbm>>
        tpu.wait_dma2 semaphore(%arg17 : memref<!tpu.dma_semaphore, #tpu.memory_space<semaphore_mem>>) src(%dma_wait3A_140 : memref<128xi32, #tpu.memory_space<hbm>>) dst(%dma_wait3A_139 : memref<128xi32, #tpu.memory_space<vmem>>)
        %dma_start3A_141 = arith.constant 0 : i32
        %dma_start3A_142 = arith.constant 0 : i32
        %dma_start3A_143 = tpu.memref_slice %arg8[%dma_start3A_141, %dma_start3A_142] : memref<4x128xi32, #tpu.memory_space<vmem>> -> memref<1x128xi32, #tpu.memory_space<vmem>>
        %dma_start3A_144 = tpu.memref_squeeze %dma_start3A_143 : memref<1x128xi32, #tpu.memory_space<vmem>> -> memref<128xi32, #tpu.memory_space<vmem>>
        %dma_start3A_145 = arith.constant 0 : i32
        %dma_start3A_146 = arith.constant 0 : i32
        %dma_start3A_147 = tpu.memref_slice %arg2[%dma_start3A_145, %dma_start3A_146] : memref<10112x128xf32, #tpu.memory_space<hbm>> -> memref<10112x128xf32, #tpu.memory_space<hbm>>
        tpu.enqueue_indirect_dma source(%dma_start3A_147 : memref<10112x128xf32, #tpu.memory_space<hbm>>) target(%arg10 : memref<128x128xf32, #tpu.memory_space<vmem>>) offsets(%dma_start3A_144 : memref<128xi32, #tpu.memory_space<vmem>>) semaphore(%arg13 : memref<!tpu.dma_semaphore, #tpu.memory_space<semaphore_mem>>)
        %ge3A_148 = arith.constant 4 : i32
        %ge3A_149 = arith.cmpi sge, %add3A_93, %ge3A_148 : i32
        %convert_element_type3A_150 = arith.extui %ge3A_149 : i1 to i32
        %cond3A_151 = arith.constant 0 : i32
        %cond3A_152 = arith.cmpi ne, %convert_element_type3A_150, %cond3A_151 : i32
        scf.if %cond3A_152 {
          %dma_wait3A_327 = arith.constant 3 : i32
          %dma_wait3A_328 = arith.constant 0 : i32
          %dma_wait3A_329 = tpu.memref_slice %arg8[%dma_wait3A_327, %dma_wait3A_328] : memref<4x128xi32, #tpu.memory_space<vmem>> -> memref<1x128xi32, #tpu.memory_space<vmem>>
          %dma_wait3A_330 = tpu.memref_squeeze %dma_wait3A_329 : memref<1x128xi32, #tpu.memory_space<vmem>> -> memref<128xi32, #tpu.memory_space<vmem>>
          %dma_wait3A_331 = arith.constant 0 : i32
          %dma_wait3A_332 = arith.constant 0 : i32
          %dma_wait3A_333 = tpu.memref_slice %arg2[%dma_wait3A_331, %dma_wait3A_332] : memref<10112x128xf32, #tpu.memory_space<hbm>> -> memref<10112x128xf32, #tpu.memory_space<hbm>>
          tpu.wait_indirect_dma semaphore(%arg14 : memref<!tpu.dma_semaphore, #tpu.memory_space<semaphore_mem>>) src(%dma_wait3A_333 : memref<10112x128xf32, #tpu.memory_space<hbm>>) dst(%arg11 : memref<128x128xf32, #tpu.memory_space<vmem>>)
          %dma_start3A_334 = arith.constant 3 : i32
          %dma_start3A_335 = arith.constant 0 : i32
          %dma_start3A_336 = tpu.memref_slice %arg9[%dma_start3A_334, %dma_start3A_335] : memref<4x128xi32, #tpu.memory_space<vmem>> -> memref<1x128xi32, #tpu.memory_space<vmem>>
          %dma_start3A_337 = tpu.memref_squeeze %dma_start3A_336 : memref<1x128xi32, #tpu.memory_space<vmem>> -> memref<128xi32, #tpu.memory_space<vmem>>
          %dma_start3A_338 = arith.constant 0 : i32
          %dma_start3A_339 = arith.constant 0 : i32
          %dma_start3A_340 = tpu.memref_slice %arg12[%dma_start3A_338, %dma_start3A_339] : memref<10112x128xf32, #tpu.memory_space<vmem_shared>> -> memref<10112x128xf32, #tpu.memory_space<vmem_shared>>
          tpu.enqueue_indirect_dma source(%arg11 : memref<128x128xf32, #tpu.memory_space<vmem>>) target(%dma_start3A_340 : memref<10112x128xf32, #tpu.memory_space<vmem_shared>>) offsets(%dma_start3A_337 : memref<128xi32, #tpu.memory_space<vmem>>) semaphore(%arg16 : memref<!tpu.dma_semaphore, #tpu.memory_space<semaphore_mem>>) {add = true}
        } else {
        }
        %ge3A_153 = arith.constant 4 : i32
        %ge3A_154 = arith.cmpi sge, %add3A_93, %ge3A_153 : i32
        %convert_element_type3A_155 = arith.extui %ge3A_154 : i1 to i32
        %cond3A_156 = arith.constant 0 : i32
        %cond3A_157 = arith.cmpi ne, %convert_element_type3A_155, %cond3A_156 : i32
        scf.if %cond3A_157 {
          %dma_wait3A_327 = arith.constant 0 : i32
          %dma_wait3A_328 = arith.constant 0 : i32
          %dma_wait3A_329 = tpu.memref_slice %arg9[%dma_wait3A_327, %dma_wait3A_328] : memref<4x128xi32, #tpu.memory_space<vmem>> -> memref<1x128xi32, #tpu.memory_space<vmem>>
          %dma_wait3A_330 = tpu.memref_squeeze %dma_wait3A_329 : memref<1x128xi32, #tpu.memory_space<vmem>> -> memref<128xi32, #tpu.memory_space<vmem>>
          %dma_wait3A_331 = arith.constant 0 : i32
          %dma_wait3A_332 = arith.constant 0 : i32
          %dma_wait3A_333 = tpu.memref_slice %arg12[%dma_wait3A_331, %dma_wait3A_332] : memref<10112x128xf32, #tpu.memory_space<vmem_shared>> -> memref<10112x128xf32, #tpu.memory_space<vmem_shared>>
          tpu.wait_indirect_dma semaphore(%arg16 : memref<!tpu.dma_semaphore, #tpu.memory_space<semaphore_mem>>) src(%arg11 : memref<128x128xf32, #tpu.memory_space<vmem>>) dst(%dma_wait3A_333 : memref<10112x128xf32, #tpu.memory_space<vmem_shared>>)
        } else {
        }
        %add3A_158 = arith.constant 1 : i32
        %add3A_159 = arith.addi %add3A_93, %add3A_158 : i32
        %add3A_160 = arith.constant 2 : i32
        %add3A_161 = arith.addi %add3A_159, %add3A_160 : i32
        %mul3A_162 = arith.constant 128 : i32
        %mul3A_163 = arith.muli %add3A_161, %mul3A_162 : i32
        %add3A_164 = arith.addi %mul3A_13, %mul3A_163 : i32
        %dma_start3A_165 = arith.constant 3 : i32
        %dma_start3A_166 = arith.constant 0 : i32
        %dma_start3A_167 = tpu.memref_slice %arg8[%dma_start3A_165, %dma_start3A_166] : memref<4x128xi32, #tpu.memory_space<vmem>> -> memref<1x128xi32, #tpu.memory_space<vmem>>
        %dma_start3A_168 = tpu.memref_squeeze %dma_start3A_167 : memref<1x128xi32, #tpu.memory_space<vmem>> -> memref<128xi32, #tpu.memory_space<vmem>>
        %dma_start3A_169 = tpu.memref_slice %arg4[%add3A_164] : memref<327680xi32, #tpu.memory_space<hbm>> -> memref<128xi32, #tpu.memory_space<hbm>>
        %dma_start3A_170 = arith.constant 0 : i32
        %dma_start3A_171 = tpu.memref_slice %arg8[%dma_start3A_165, %dma_start3A_170] : memref<4x128xi32, #tpu.memory_space<vmem>> -> memref<1x128xi32, #tpu.memory_space<vmem>>
        %dma_start3A_172 = tpu.memref_squeeze %dma_start3A_171 : memref<1x128xi32, #tpu.memory_space<vmem>> -> memref<128xi32, #tpu.memory_space<vmem>>
        %dma_start3A_173 = tpu.memref_slice %arg4[%add3A_164] : memref<327680xi32, #tpu.memory_space<hbm>> -> memref<128xi32, #tpu.memory_space<hbm>>
        tpu.enqueue_dma source(%dma_start3A_173 : memref<128xi32, #tpu.memory_space<hbm>>) target(%dma_start3A_172 : memref<128xi32, #tpu.memory_space<vmem>>) target_semaphore(%arg20 : memref<!tpu.dma_semaphore, #tpu.memory_space<semaphore_mem>>)
        %dma_start3A_174 = arith.constant 3 : i32
        %dma_start3A_175 = arith.constant 0 : i32
        %dma_start3A_176 = tpu.memref_slice %arg9[%dma_start3A_174, %dma_start3A_175] : memref<4x128xi32, #tpu.memory_space<vmem>> -> memref<1x128xi32, #tpu.memory_space<vmem>>
        %dma_start3A_177 = tpu.memref_squeeze %dma_start3A_176 : memref<1x128xi32, #tpu.memory_space<vmem>> -> memref<128xi32, #tpu.memory_space<vmem>>
        %dma_start3A_178 = tpu.memref_slice %arg5[%add3A_164] : memref<327680xi32, #tpu.memory_space<hbm>> -> memref<128xi32, #tpu.memory_space<hbm>>
        %dma_start3A_179 = arith.constant 0 : i32
        %dma_start3A_180 = tpu.memref_slice %arg9[%dma_start3A_174, %dma_start3A_179] : memref<4x128xi32, #tpu.memory_space<vmem>> -> memref<1x128xi32, #tpu.memory_space<vmem>>
        %dma_start3A_181 = tpu.memref_squeeze %dma_start3A_180 : memref<1x128xi32, #tpu.memory_space<vmem>> -> memref<128xi32, #tpu.memory_space<vmem>>
        %dma_start3A_182 = tpu.memref_slice %arg5[%add3A_164] : memref<327680xi32, #tpu.memory_space<hbm>> -> memref<128xi32, #tpu.memory_space<hbm>>
        tpu.enqueue_dma source(%dma_start3A_182 : memref<128xi32, #tpu.memory_space<hbm>>) target(%dma_start3A_181 : memref<128xi32, #tpu.memory_space<vmem>>) target_semaphore(%arg20 : memref<!tpu.dma_semaphore, #tpu.memory_space<semaphore_mem>>)
        %dma_wait3A_183 = arith.constant 1 : i32
        %dma_wait3A_184 = arith.constant 0 : i32
        %dma_wait3A_185 = tpu.memref_slice %arg8[%dma_wait3A_183, %dma_wait3A_184] : memref<4x128xi32, #tpu.memory_space<vmem>> -> memref<1x128xi32, #tpu.memory_space<vmem>>
        %dma_wait3A_186 = tpu.memref_squeeze %dma_wait3A_185 : memref<1x128xi32, #tpu.memory_space<vmem>> -> memref<128xi32, #tpu.memory_space<vmem>>
        %dma_wait3A_187 = tpu.memref_slice %arg4[%mul3A_13] : memref<327680xi32, #tpu.memory_space<hbm>> -> memref<128xi32, #tpu.memory_space<hbm>>
        %dma_wait3A_188 = arith.constant 0 : i32
        %dma_wait3A_189 = tpu.memref_slice %arg8[%dma_wait3A_183, %dma_wait3A_188] : memref<4x128xi32, #tpu.memory_space<vmem>> -> memref<1x128xi32, #tpu.memory_space<vmem>>
        %dma_wait3A_190 = tpu.memref_squeeze %dma_wait3A_189 : memref<1x128xi32, #tpu.memory_space<vmem>> -> memref<128xi32, #tpu.memory_space<vmem>>
        %dma_wait3A_191 = tpu.memref_slice %arg4[%mul3A_13] : memref<327680xi32, #tpu.memory_space<hbm>> -> memref<128xi32, #tpu.memory_space<hbm>>
        tpu.wait_dma2 semaphore(%arg18 : memref<!tpu.dma_semaphore, #tpu.memory_space<semaphore_mem>>) src(%dma_wait3A_191 : memref<128xi32, #tpu.memory_space<hbm>>) dst(%dma_wait3A_190 : memref<128xi32, #tpu.memory_space<vmem>>)
        %dma_wait3A_192 = arith.constant 1 : i32
        %dma_wait3A_193 = arith.constant 0 : i32
        %dma_wait3A_194 = tpu.memref_slice %arg9[%dma_wait3A_192, %dma_wait3A_193] : memref<4x128xi32, #tpu.memory_space<vmem>> -> memref<1x128xi32, #tpu.memory_space<vmem>>
        %dma_wait3A_195 = tpu.memref_squeeze %dma_wait3A_194 : memref<1x128xi32, #tpu.memory_space<vmem>> -> memref<128xi32, #tpu.memory_space<vmem>>
        %dma_wait3A_196 = tpu.memref_slice %arg5[%mul3A_13] : memref<327680xi32, #tpu.memory_space<hbm>> -> memref<128xi32, #tpu.memory_space<hbm>>
        %dma_wait3A_197 = arith.constant 0 : i32
        %dma_wait3A_198 = tpu.memref_slice %arg9[%dma_wait3A_192, %dma_wait3A_197] : memref<4x128xi32, #tpu.memory_space<vmem>> -> memref<1x128xi32, #tpu.memory_space<vmem>>
        %dma_wait3A_199 = tpu.memref_squeeze %dma_wait3A_198 : memref<1x128xi32, #tpu.memory_space<vmem>> -> memref<128xi32, #tpu.memory_space<vmem>>
        %dma_wait3A_200 = tpu.memref_slice %arg5[%mul3A_13] : memref<327680xi32, #tpu.memory_space<hbm>> -> memref<128xi32, #tpu.memory_space<hbm>>
        tpu.wait_dma2 semaphore(%arg18 : memref<!tpu.dma_semaphore, #tpu.memory_space<semaphore_mem>>) src(%dma_wait3A_200 : memref<128xi32, #tpu.memory_space<hbm>>) dst(%dma_wait3A_199 : memref<128xi32, #tpu.memory_space<vmem>>)
        %dma_start3A_201 = arith.constant 1 : i32
        %dma_start3A_202 = arith.constant 0 : i32
        %dma_start3A_203 = tpu.memref_slice %arg8[%dma_start3A_201, %dma_start3A_202] : memref<4x128xi32, #tpu.memory_space<vmem>> -> memref<1x128xi32, #tpu.memory_space<vmem>>
        %dma_start3A_204 = tpu.memref_squeeze %dma_start3A_203 : memref<1x128xi32, #tpu.memory_space<vmem>> -> memref<128xi32, #tpu.memory_space<vmem>>
        %dma_start3A_205 = arith.constant 0 : i32
        %dma_start3A_206 = arith.constant 0 : i32
        %dma_start3A_207 = tpu.memref_slice %arg2[%dma_start3A_205, %dma_start3A_206] : memref<10112x128xf32, #tpu.memory_space<hbm>> -> memref<10112x128xf32, #tpu.memory_space<hbm>>
        tpu.enqueue_indirect_dma source(%dma_start3A_207 : memref<10112x128xf32, #tpu.memory_space<hbm>>) target(%arg11 : memref<128x128xf32, #tpu.memory_space<vmem>>) offsets(%dma_start3A_204 : memref<128xi32, #tpu.memory_space<vmem>>) semaphore(%arg14 : memref<!tpu.dma_semaphore, #tpu.memory_space<semaphore_mem>>)
        %dma_wait3A_208 = arith.constant 0 : i32
        %dma_wait3A_209 = arith.constant 0 : i32
        %dma_wait3A_210 = tpu.memref_slice %arg8[%dma_wait3A_208, %dma_wait3A_209] : memref<4x128xi32, #tpu.memory_space<vmem>> -> memref<1x128xi32, #tpu.memory_space<vmem>>
        %dma_wait3A_211 = tpu.memref_squeeze %dma_wait3A_210 : memref<1x128xi32, #tpu.memory_space<vmem>> -> memref<128xi32, #tpu.memory_space<vmem>>
        %dma_wait3A_212 = arith.constant 0 : i32
        %dma_wait3A_213 = arith.constant 0 : i32
        %dma_wait3A_214 = tpu.memref_slice %arg2[%dma_wait3A_212, %dma_wait3A_213] : memref<10112x128xf32, #tpu.memory_space<hbm>> -> memref<10112x128xf32, #tpu.memory_space<hbm>>
        tpu.wait_indirect_dma semaphore(%arg13 : memref<!tpu.dma_semaphore, #tpu.memory_space<semaphore_mem>>) src(%dma_wait3A_214 : memref<10112x128xf32, #tpu.memory_space<hbm>>) dst(%arg10 : memref<128x128xf32, #tpu.memory_space<vmem>>)
        %dma_start3A_215 = arith.constant 0 : i32
        %dma_start3A_216 = arith.constant 0 : i32
        %dma_start3A_217 = tpu.memref_slice %arg9[%dma_start3A_215, %dma_start3A_216] : memref<4x128xi32, #tpu.memory_space<vmem>> -> memref<1x128xi32, #tpu.memory_space<vmem>>
        %dma_start3A_218 = tpu.memref_squeeze %dma_start3A_217 : memref<1x128xi32, #tpu.memory_space<vmem>> -> memref<128xi32, #tpu.memory_space<vmem>>
        %dma_start3A_219 = arith.constant 0 : i32
        %dma_start3A_220 = arith.constant 0 : i32
        %dma_start3A_221 = tpu.memref_slice %arg12[%dma_start3A_219, %dma_start3A_220] : memref<10112x128xf32, #tpu.memory_space<vmem_shared>> -> memref<10112x128xf32, #tpu.memory_space<vmem_shared>>
        tpu.enqueue_indirect_dma source(%arg10 : memref<128x128xf32, #tpu.memory_space<vmem>>) target(%dma_start3A_221 : memref<10112x128xf32, #tpu.memory_space<vmem_shared>>) offsets(%dma_start3A_218 : memref<128xi32, #tpu.memory_space<vmem>>) semaphore(%arg15 : memref<!tpu.dma_semaphore, #tpu.memory_space<semaphore_mem>>) {add = true}
        %dma_wait3A_222 = arith.constant 0 : i32
        %dma_wait3A_223 = arith.constant 0 : i32
        %dma_wait3A_224 = tpu.memref_slice %arg9[%dma_wait3A_222, %dma_wait3A_223] : memref<4x128xi32, #tpu.memory_space<vmem>> -> memref<1x128xi32, #tpu.memory_space<vmem>>
        %dma_wait3A_225 = tpu.memref_squeeze %dma_wait3A_224 : memref<1x128xi32, #tpu.memory_space<vmem>> -> memref<128xi32, #tpu.memory_space<vmem>>
        %dma_wait3A_226 = arith.constant 0 : i32
        %dma_wait3A_227 = arith.constant 0 : i32
        %dma_wait3A_228 = tpu.memref_slice %arg12[%dma_wait3A_226, %dma_wait3A_227] : memref<10112x128xf32, #tpu.memory_space<vmem_shared>> -> memref<10112x128xf32, #tpu.memory_space<vmem_shared>>
        tpu.wait_indirect_dma semaphore(%arg15 : memref<!tpu.dma_semaphore, #tpu.memory_space<semaphore_mem>>) src(%arg10 : memref<128x128xf32, #tpu.memory_space<vmem>>) dst(%dma_wait3A_228 : memref<10112x128xf32, #tpu.memory_space<vmem_shared>>)
        %add3A_229 = arith.constant 4 : i32
        %add3A_230 = arith.addi %add3A_93, %add3A_229 : i32
        %lt3A = arith.constant 80 : i32
        %lt3A_231 = arith.cmpi slt, %add3A_230, %lt3A : i32
        %convert_element_type3A_232 = arith.extui %lt3A_231 : i1 to i32
        %cond3A_233 = arith.constant 0 : i32
        %cond3A_234 = arith.cmpi ne, %convert_element_type3A_232, %cond3A_233 : i32
        scf.if %cond3A_234 {
          %add3A_327 = arith.constant 2 : i32
          %add3A_328 = arith.addi %add3A_93, %add3A_327 : i32
          %add3A_329 = arith.constant 2 : i32
          %add3A_330 = arith.addi %add3A_328, %add3A_329 : i32
          %mul3A_331 = arith.constant 128 : i32
          %mul3A_332 = arith.muli %add3A_330, %mul3A_331 : i32
          %add3A_333 = arith.addi %mul3A_13, %mul3A_332 : i32
          %dma_start3A_334 = arith.constant 0 : i32
          %dma_start3A_335 = arith.constant 0 : i32
          %dma_start3A_336 = tpu.memref_slice %arg8[%dma_start3A_334, %dma_start3A_335] : memref<4x128xi32, #tpu.memory_space<vmem>> -> memref<1x128xi32, #tpu.memory_space<vmem>>
          %dma_start3A_337 = tpu.memref_squeeze %dma_start3A_336 : memref<1x128xi32, #tpu.memory_space<vmem>> -> memref<128xi32, #tpu.memory_space<vmem>>
          %dma_start3A_338 = tpu.memref_slice %arg4[%add3A_333] : memref<327680xi32, #tpu.memory_space<hbm>> -> memref<128xi32, #tpu.memory_space<hbm>>
          %dma_start3A_339 = arith.constant 0 : i32
          %dma_start3A_340 = tpu.memref_slice %arg8[%dma_start3A_334, %dma_start3A_339] : memref<4x128xi32, #tpu.memory_space<vmem>> -> memref<1x128xi32, #tpu.memory_space<vmem>>
          %dma_start3A_341 = tpu.memref_squeeze %dma_start3A_340 : memref<1x128xi32, #tpu.memory_space<vmem>> -> memref<128xi32, #tpu.memory_space<vmem>>
          %dma_start3A_342 = tpu.memref_slice %arg4[%add3A_333] : memref<327680xi32, #tpu.memory_space<hbm>> -> memref<128xi32, #tpu.memory_space<hbm>>
          tpu.enqueue_dma source(%dma_start3A_342 : memref<128xi32, #tpu.memory_space<hbm>>) target(%dma_start3A_341 : memref<128xi32, #tpu.memory_space<vmem>>) target_semaphore(%arg17 : memref<!tpu.dma_semaphore, #tpu.memory_space<semaphore_mem>>)
          %dma_start3A_343 = arith.constant 0 : i32
          %dma_start3A_344 = arith.constant 0 : i32
          %dma_start3A_345 = tpu.memref_slice %arg9[%dma_start3A_343, %dma_start3A_344] : memref<4x128xi32, #tpu.memory_space<vmem>> -> memref<1x128xi32, #tpu.memory_space<vmem>>
          %dma_start3A_346 = tpu.memref_squeeze %dma_start3A_345 : memref<1x128xi32, #tpu.memory_space<vmem>> -> memref<128xi32, #tpu.memory_space<vmem>>
          %dma_start3A_347 = tpu.memref_slice %arg5[%add3A_333] : memref<327680xi32, #tpu.memory_space<hbm>> -> memref<128xi32, #tpu.memory_space<hbm>>
          %dma_start3A_348 = arith.constant 0 : i32
          %dma_start3A_349 = tpu.memref_slice %arg9[%dma_start3A_343, %dma_start3A_348] : memref<4x128xi32, #tpu.memory_space<vmem>> -> memref<1x128xi32, #tpu.memory_space<vmem>>
          %dma_start3A_350 = tpu.memref_squeeze %dma_start3A_349 : memref<1x128xi32, #tpu.memory_space<vmem>> -> memref<128xi32, #tpu.memory_space<vmem>>
          %dma_start3A_351 = tpu.memref_slice %arg5[%add3A_333] : memref<327680xi32, #tpu.memory_space<hbm>> -> memref<128xi32, #tpu.memory_space<hbm>>
          tpu.enqueue_dma source(%dma_start3A_351 : memref<128xi32, #tpu.memory_space<hbm>>) target(%dma_start3A_350 : memref<128xi32, #tpu.memory_space<vmem>>) target_semaphore(%arg17 : memref<!tpu.dma_semaphore, #tpu.memory_space<semaphore_mem>>)
        } else {
        }
        %dma_wait3A_235 = arith.constant 2 : i32
        %dma_wait3A_236 = arith.constant 0 : i32
        %dma_wait3A_237 = tpu.memref_slice %arg8[%dma_wait3A_235, %dma_wait3A_236] : memref<4x128xi32, #tpu.memory_space<vmem>> -> memref<1x128xi32, #tpu.memory_space<vmem>>
        %dma_wait3A_238 = tpu.memref_squeeze %dma_wait3A_237 : memref<1x128xi32, #tpu.memory_space<vmem>> -> memref<128xi32, #tpu.memory_space<vmem>>
        %dma_wait3A_239 = tpu.memref_slice %arg4[%mul3A_13] : memref<327680xi32, #tpu.memory_space<hbm>> -> memref<128xi32, #tpu.memory_space<hbm>>
        %dma_wait3A_240 = arith.constant 0 : i32
        %dma_wait3A_241 = tpu.memref_slice %arg8[%dma_wait3A_235, %dma_wait3A_240] : memref<4x128xi32, #tpu.memory_space<vmem>> -> memref<1x128xi32, #tpu.memory_space<vmem>>
        %dma_wait3A_242 = tpu.memref_squeeze %dma_wait3A_241 : memref<1x128xi32, #tpu.memory_space<vmem>> -> memref<128xi32, #tpu.memory_space<vmem>>
        %dma_wait3A_243 = tpu.memref_slice %arg4[%mul3A_13] : memref<327680xi32, #tpu.memory_space<hbm>> -> memref<128xi32, #tpu.memory_space<hbm>>
        tpu.wait_dma2 semaphore(%arg19 : memref<!tpu.dma_semaphore, #tpu.memory_space<semaphore_mem>>) src(%dma_wait3A_243 : memref<128xi32, #tpu.memory_space<hbm>>) dst(%dma_wait3A_242 : memref<128xi32, #tpu.memory_space<vmem>>)
        %dma_wait3A_244 = arith.constant 2 : i32
        %dma_wait3A_245 = arith.constant 0 : i32
        %dma_wait3A_246 = tpu.memref_slice %arg9[%dma_wait3A_244, %dma_wait3A_245] : memref<4x128xi32, #tpu.memory_space<vmem>> -> memref<1x128xi32, #tpu.memory_space<vmem>>
        %dma_wait3A_247 = tpu.memref_squeeze %dma_wait3A_246 : memref<1x128xi32, #tpu.memory_space<vmem>> -> memref<128xi32, #tpu.memory_space<vmem>>
        %dma_wait3A_248 = tpu.memref_slice %arg5[%mul3A_13] : memref<327680xi32, #tpu.memory_space<hbm>> -> memref<128xi32, #tpu.memory_space<hbm>>
        %dma_wait3A_249 = arith.constant 0 : i32
        %dma_wait3A_250 = tpu.memref_slice %arg9[%dma_wait3A_244, %dma_wait3A_249] : memref<4x128xi32, #tpu.memory_space<vmem>> -> memref<1x128xi32, #tpu.memory_space<vmem>>
        %dma_wait3A_251 = tpu.memref_squeeze %dma_wait3A_250 : memref<1x128xi32, #tpu.memory_space<vmem>> -> memref<128xi32, #tpu.memory_space<vmem>>
        %dma_wait3A_252 = tpu.memref_slice %arg5[%mul3A_13] : memref<327680xi32, #tpu.memory_space<hbm>> -> memref<128xi32, #tpu.memory_space<hbm>>
        tpu.wait_dma2 semaphore(%arg19 : memref<!tpu.dma_semaphore, #tpu.memory_space<semaphore_mem>>) src(%dma_wait3A_252 : memref<128xi32, #tpu.memory_space<hbm>>) dst(%dma_wait3A_251 : memref<128xi32, #tpu.memory_space<vmem>>)
        %dma_start3A_253 = arith.constant 2 : i32
        %dma_start3A_254 = arith.constant 0 : i32
        %dma_start3A_255 = tpu.memref_slice %arg8[%dma_start3A_253, %dma_start3A_254] : memref<4x128xi32, #tpu.memory_space<vmem>> -> memref<1x128xi32, #tpu.memory_space<vmem>>
        %dma_start3A_256 = tpu.memref_squeeze %dma_start3A_255 : memref<1x128xi32, #tpu.memory_space<vmem>> -> memref<128xi32, #tpu.memory_space<vmem>>
        %dma_start3A_257 = arith.constant 0 : i32
        %dma_start3A_258 = arith.constant 0 : i32
        %dma_start3A_259 = tpu.memref_slice %arg2[%dma_start3A_257, %dma_start3A_258] : memref<10112x128xf32, #tpu.memory_space<hbm>> -> memref<10112x128xf32, #tpu.memory_space<hbm>>
        tpu.enqueue_indirect_dma source(%dma_start3A_259 : memref<10112x128xf32, #tpu.memory_space<hbm>>) target(%arg10 : memref<128x128xf32, #tpu.memory_space<vmem>>) offsets(%dma_start3A_256 : memref<128xi32, #tpu.memory_space<vmem>>) semaphore(%arg13 : memref<!tpu.dma_semaphore, #tpu.memory_space<semaphore_mem>>)
        %dma_wait3A_260 = arith.constant 1 : i32
        %dma_wait3A_261 = arith.constant 0 : i32
        %dma_wait3A_262 = tpu.memref_slice %arg8[%dma_wait3A_260, %dma_wait3A_261] : memref<4x128xi32, #tpu.memory_space<vmem>> -> memref<1x128xi32, #tpu.memory_space<vmem>>
        %dma_wait3A_263 = tpu.memref_squeeze %dma_wait3A_262 : memref<1x128xi32, #tpu.memory_space<vmem>> -> memref<128xi32, #tpu.memory_space<vmem>>
        %dma_wait3A_264 = arith.constant 0 : i32
        %dma_wait3A_265 = arith.constant 0 : i32
        %dma_wait3A_266 = tpu.memref_slice %arg2[%dma_wait3A_264, %dma_wait3A_265] : memref<10112x128xf32, #tpu.memory_space<hbm>> -> memref<10112x128xf32, #tpu.memory_space<hbm>>
        tpu.wait_indirect_dma semaphore(%arg14 : memref<!tpu.dma_semaphore, #tpu.memory_space<semaphore_mem>>) src(%dma_wait3A_266 : memref<10112x128xf32, #tpu.memory_space<hbm>>) dst(%arg11 : memref<128x128xf32, #tpu.memory_space<vmem>>)
        %dma_start3A_267 = arith.constant 1 : i32
        %dma_start3A_268 = arith.constant 0 : i32
        %dma_start3A_269 = tpu.memref_slice %arg9[%dma_start3A_267, %dma_start3A_268] : memref<4x128xi32, #tpu.memory_space<vmem>> -> memref<1x128xi32, #tpu.memory_space<vmem>>
        %dma_start3A_270 = tpu.memref_squeeze %dma_start3A_269 : memref<1x128xi32, #tpu.memory_space<vmem>> -> memref<128xi32, #tpu.memory_space<vmem>>
        %dma_start3A_271 = arith.constant 0 : i32
        %dma_start3A_272 = arith.constant 0 : i32
        %dma_start3A_273 = tpu.memref_slice %arg12[%dma_start3A_271, %dma_start3A_272] : memref<10112x128xf32, #tpu.memory_space<vmem_shared>> -> memref<10112x128xf32, #tpu.memory_space<vmem_shared>>
        tpu.enqueue_indirect_dma source(%arg11 : memref<128x128xf32, #tpu.memory_space<vmem>>) target(%dma_start3A_273 : memref<10112x128xf32, #tpu.memory_space<vmem_shared>>) offsets(%dma_start3A_270 : memref<128xi32, #tpu.memory_space<vmem>>) semaphore(%arg16 : memref<!tpu.dma_semaphore, #tpu.memory_space<semaphore_mem>>) {add = true}
        %dma_wait3A_274 = arith.constant 0 : i32
        %dma_wait3A_275 = arith.constant 0 : i32
        %dma_wait3A_276 = tpu.memref_slice %arg9[%dma_wait3A_274, %dma_wait3A_275] : memref<4x128xi32, #tpu.memory_space<vmem>> -> memref<1x128xi32, #tpu.memory_space<vmem>>
        %dma_wait3A_277 = tpu.memref_squeeze %dma_wait3A_276 : memref<1x128xi32, #tpu.memory_space<vmem>> -> memref<128xi32, #tpu.memory_space<vmem>>
        %dma_wait3A_278 = arith.constant 0 : i32
        %dma_wait3A_279 = arith.constant 0 : i32
        %dma_wait3A_280 = tpu.memref_slice %arg12[%dma_wait3A_278, %dma_wait3A_279] : memref<10112x128xf32, #tpu.memory_space<vmem_shared>> -> memref<10112x128xf32, #tpu.memory_space<vmem_shared>>
        tpu.wait_indirect_dma semaphore(%arg16 : memref<!tpu.dma_semaphore, #tpu.memory_space<semaphore_mem>>) src(%arg11 : memref<128x128xf32, #tpu.memory_space<vmem>>) dst(%dma_wait3A_280 : memref<10112x128xf32, #tpu.memory_space<vmem_shared>>)
        %add3A_281 = arith.constant 4 : i32
        %add3A_282 = arith.addi %add3A_93, %add3A_281 : i32
        %lt3A_283 = arith.constant 80 : i32
        %lt3A_284 = arith.cmpi slt, %add3A_282, %lt3A_283 : i32
        %convert_element_type3A_285 = arith.extui %lt3A_284 : i1 to i32
        %cond3A_286 = arith.constant 0 : i32
        %cond3A_287 = arith.cmpi ne, %convert_element_type3A_285, %cond3A_286 : i32
        scf.if %cond3A_287 {
          %add3A_327 = arith.constant 3 : i32
          %add3A_328 = arith.addi %add3A_93, %add3A_327 : i32
          %add3A_329 = arith.constant 2 : i32
          %add3A_330 = arith.addi %add3A_328, %add3A_329 : i32
          %mul3A_331 = arith.constant 128 : i32
          %mul3A_332 = arith.muli %add3A_330, %mul3A_331 : i32
          %add3A_333 = arith.addi %mul3A_13, %mul3A_332 : i32
          %dma_start3A_334 = arith.constant 1 : i32
          %dma_start3A_335 = arith.constant 0 : i32
          %dma_start3A_336 = tpu.memref_slice %arg8[%dma_start3A_334, %dma_start3A_335] : memref<4x128xi32, #tpu.memory_space<vmem>> -> memref<1x128xi32, #tpu.memory_space<vmem>>
          %dma_start3A_337 = tpu.memref_squeeze %dma_start3A_336 : memref<1x128xi32, #tpu.memory_space<vmem>> -> memref<128xi32, #tpu.memory_space<vmem>>
          %dma_start3A_338 = tpu.memref_slice %arg4[%add3A_333] : memref<327680xi32, #tpu.memory_space<hbm>> -> memref<128xi32, #tpu.memory_space<hbm>>
          %dma_start3A_339 = arith.constant 0 : i32
          %dma_start3A_340 = tpu.memref_slice %arg8[%dma_start3A_334, %dma_start3A_339] : memref<4x128xi32, #tpu.memory_space<vmem>> -> memref<1x128xi32, #tpu.memory_space<vmem>>
          %dma_start3A_341 = tpu.memref_squeeze %dma_start3A_340 : memref<1x128xi32, #tpu.memory_space<vmem>> -> memref<128xi32, #tpu.memory_space<vmem>>
          %dma_start3A_342 = tpu.memref_slice %arg4[%add3A_333] : memref<327680xi32, #tpu.memory_space<hbm>> -> memref<128xi32, #tpu.memory_space<hbm>>
          tpu.enqueue_dma source(%dma_start3A_342 : memref<128xi32, #tpu.memory_space<hbm>>) target(%dma_start3A_341 : memref<128xi32, #tpu.memory_space<vmem>>) target_semaphore(%arg18 : memref<!tpu.dma_semaphore, #tpu.memory_space<semaphore_mem>>)
          %dma_start3A_343 = arith.constant 1 : i32
          %dma_start3A_344 = arith.constant 0 : i32
          %dma_start3A_345 = tpu.memref_slice %arg9[%dma_start3A_343, %dma_start3A_344] : memref<4x128xi32, #tpu.memory_space<vmem>> -> memref<1x128xi32, #tpu.memory_space<vmem>>
          %dma_start3A_346 = tpu.memref_squeeze %dma_start3A_345 : memref<1x128xi32, #tpu.memory_space<vmem>> -> memref<128xi32, #tpu.memory_space<vmem>>
          %dma_start3A_347 = tpu.memref_slice %arg5[%add3A_333] : memref<327680xi32, #tpu.memory_space<hbm>> -> memref<128xi32, #tpu.memory_space<hbm>>
          %dma_start3A_348 = arith.constant 0 : i32
          %dma_start3A_349 = tpu.memref_slice %arg9[%dma_start3A_343, %dma_start3A_348] : memref<4x128xi32, #tpu.memory_space<vmem>> -> memref<1x128xi32, #tpu.memory_space<vmem>>
          %dma_start3A_350 = tpu.memref_squeeze %dma_start3A_349 : memref<1x128xi32, #tpu.memory_space<vmem>> -> memref<128xi32, #tpu.memory_space<vmem>>
          %dma_start3A_351 = tpu.memref_slice %arg5[%add3A_333] : memref<327680xi32, #tpu.memory_space<hbm>> -> memref<128xi32, #tpu.memory_space<hbm>>
          tpu.enqueue_dma source(%dma_start3A_351 : memref<128xi32, #tpu.memory_space<hbm>>) target(%dma_start3A_350 : memref<128xi32, #tpu.memory_space<vmem>>) target_semaphore(%arg18 : memref<!tpu.dma_semaphore, #tpu.memory_space<semaphore_mem>>)
        } else {
        }
        %dma_wait3A_288 = arith.constant 3 : i32
        %dma_wait3A_289 = arith.constant 0 : i32
        %dma_wait3A_290 = tpu.memref_slice %arg8[%dma_wait3A_288, %dma_wait3A_289] : memref<4x128xi32, #tpu.memory_space<vmem>> -> memref<1x128xi32, #tpu.memory_space<vmem>>
        %dma_wait3A_291 = tpu.memref_squeeze %dma_wait3A_290 : memref<1x128xi32, #tpu.memory_space<vmem>> -> memref<128xi32, #tpu.memory_space<vmem>>
        %dma_wait3A_292 = tpu.memref_slice %arg4[%mul3A_13] : memref<327680xi32, #tpu.memory_space<hbm>> -> memref<128xi32, #tpu.memory_space<hbm>>
        %dma_wait3A_293 = arith.constant 0 : i32
        %dma_wait3A_294 = tpu.memref_slice %arg8[%dma_wait3A_288, %dma_wait3A_293] : memref<4x128xi32, #tpu.memory_space<vmem>> -> memref<1x128xi32, #tpu.memory_space<vmem>>
        %dma_wait3A_295 = tpu.memref_squeeze %dma_wait3A_294 : memref<1x128xi32, #tpu.memory_space<vmem>> -> memref<128xi32, #tpu.memory_space<vmem>>
        %dma_wait3A_296 = tpu.memref_slice %arg4[%mul3A_13] : memref<327680xi32, #tpu.memory_space<hbm>> -> memref<128xi32, #tpu.memory_space<hbm>>
        tpu.wait_dma2 semaphore(%arg20 : memref<!tpu.dma_semaphore, #tpu.memory_space<semaphore_mem>>) src(%dma_wait3A_296 : memref<128xi32, #tpu.memory_space<hbm>>) dst(%dma_wait3A_295 : memref<128xi32, #tpu.memory_space<vmem>>)
        %dma_wait3A_297 = arith.constant 3 : i32
        %dma_wait3A_298 = arith.constant 0 : i32
        %dma_wait3A_299 = tpu.memref_slice %arg9[%dma_wait3A_297, %dma_wait3A_298] : memref<4x128xi32, #tpu.memory_space<vmem>> -> memref<1x128xi32, #tpu.memory_space<vmem>>
        %dma_wait3A_300 = tpu.memref_squeeze %dma_wait3A_299 : memref<1x128xi32, #tpu.memory_space<vmem>> -> memref<128xi32, #tpu.memory_space<vmem>>
        %dma_wait3A_301 = tpu.memref_slice %arg5[%mul3A_13] : memref<327680xi32, #tpu.memory_space<hbm>> -> memref<128xi32, #tpu.memory_space<hbm>>
        %dma_wait3A_302 = arith.constant 0 : i32
        %dma_wait3A_303 = tpu.memref_slice %arg9[%dma_wait3A_297, %dma_wait3A_302] : memref<4x128xi32, #tpu.memory_space<vmem>> -> memref<1x128xi32, #tpu.memory_space<vmem>>
        %dma_wait3A_304 = tpu.memref_squeeze %dma_wait3A_303 : memref<1x128xi32, #tpu.memory_space<vmem>> -> memref<128xi32, #tpu.memory_space<vmem>>
        %dma_wait3A_305 = tpu.memref_slice %arg5[%mul3A_13] : memref<327680xi32, #tpu.memory_space<hbm>> -> memref<128xi32, #tpu.memory_space<hbm>>
        tpu.wait_dma2 semaphore(%arg20 : memref<!tpu.dma_semaphore, #tpu.memory_space<semaphore_mem>>) src(%dma_wait3A_305 : memref<128xi32, #tpu.memory_space<hbm>>) dst(%dma_wait3A_304 : memref<128xi32, #tpu.memory_space<vmem>>)
        %dma_start3A_306 = arith.constant 3 : i32
        %dma_start3A_307 = arith.constant 0 : i32
        %dma_start3A_308 = tpu.memref_slice %arg8[%dma_start3A_306, %dma_start3A_307] : memref<4x128xi32, #tpu.memory_space<vmem>> -> memref<1x128xi32, #tpu.memory_space<vmem>>
        %dma_start3A_309 = tpu.memref_squeeze %dma_start3A_308 : memref<1x128xi32, #tpu.memory_space<vmem>> -> memref<128xi32, #tpu.memory_space<vmem>>
        %dma_start3A_310 = arith.constant 0 : i32
        %dma_start3A_311 = arith.constant 0 : i32
        %dma_start3A_312 = tpu.memref_slice %arg2[%dma_start3A_310, %dma_start3A_311] : memref<10112x128xf32, #tpu.memory_space<hbm>> -> memref<10112x128xf32, #tpu.memory_space<hbm>>
        tpu.enqueue_indirect_dma source(%dma_start3A_312 : memref<10112x128xf32, #tpu.memory_space<hbm>>) target(%arg11 : memref<128x128xf32, #tpu.memory_space<vmem>>) offsets(%dma_start3A_309 : memref<128xi32, #tpu.memory_space<vmem>>) semaphore(%arg14 : memref<!tpu.dma_semaphore, #tpu.memory_space<semaphore_mem>>)
        %dma_wait3A_313 = arith.constant 2 : i32
        %dma_wait3A_314 = arith.constant 0 : i32
        %dma_wait3A_315 = tpu.memref_slice %arg8[%dma_wait3A_313, %dma_wait3A_314] : memref<4x128xi32, #tpu.memory_space<vmem>> -> memref<1x128xi32, #tpu.memory_space<vmem>>
        %dma_wait3A_316 = tpu.memref_squeeze %dma_wait3A_315 : memref<1x128xi32, #tpu.memory_space<vmem>> -> memref<128xi32, #tpu.memory_space<vmem>>
        %dma_wait3A_317 = arith.constant 0 : i32
        %dma_wait3A_318 = arith.constant 0 : i32
        %dma_wait3A_319 = tpu.memref_slice %arg2[%dma_wait3A_317, %dma_wait3A_318] : memref<10112x128xf32, #tpu.memory_space<hbm>> -> memref<10112x128xf32, #tpu.memory_space<hbm>>
        tpu.wait_indirect_dma semaphore(%arg13 : memref<!tpu.dma_semaphore, #tpu.memory_space<semaphore_mem>>) src(%dma_wait3A_319 : memref<10112x128xf32, #tpu.memory_space<hbm>>) dst(%arg10 : memref<128x128xf32, #tpu.memory_space<vmem>>)
        %dma_start3A_320 = arith.constant 2 : i32
        %dma_start3A_321 = arith.constant 0 : i32
        %dma_start3A_322 = tpu.memref_slice %arg9[%dma_start3A_320, %dma_start3A_321] : memref<4x128xi32, #tpu.memory_space<vmem>> -> memref<1x128xi32, #tpu.memory_space<vmem>>
        %dma_start3A_323 = tpu.memref_squeeze %dma_start3A_322 : memref<1x128xi32, #tpu.memory_space<vmem>> -> memref<128xi32, #tpu.memory_space<vmem>>
        %dma_start3A_324 = arith.constant 0 : i32
        %dma_start3A_325 = arith.constant 0 : i32
        %dma_start3A_326 = tpu.memref_slice %arg12[%dma_start3A_324, %dma_start3A_325] : memref<10112x128xf32, #tpu.memory_space<vmem_shared>> -> memref<10112x128xf32, #tpu.memory_space<vmem_shared>>
        tpu.enqueue_indirect_dma source(%arg10 : memref<128x128xf32, #tpu.memory_space<vmem>>) target(%dma_start3A_326 : memref<10112x128xf32, #tpu.memory_space<vmem_shared>>) offsets(%dma_start3A_323 : memref<128xi32, #tpu.memory_space<vmem>>) semaphore(%arg15 : memref<!tpu.dma_semaphore, #tpu.memory_space<semaphore_mem>>) {add = true}
      }
      %scan3A_56 = arith.constant 20 : i32
      %dma_wait3A = arith.constant 3 : i32
      %dma_wait3A_57 = arith.constant 0 : i32
      %dma_wait3A_58 = tpu.memref_slice %arg8[%dma_wait3A, %dma_wait3A_57] : memref<4x128xi32, #tpu.memory_space<vmem>> -> memref<1x128xi32, #tpu.memory_space<vmem>>
      %dma_wait3A_59 = tpu.memref_squeeze %dma_wait3A_58 : memref<1x128xi32, #tpu.memory_space<vmem>> -> memref<128xi32, #tpu.memory_space<vmem>>
      %dma_wait3A_60 = arith.constant 0 : i32
      %dma_wait3A_61 = arith.constant 0 : i32
      %dma_wait3A_62 = tpu.memref_slice %arg2[%dma_wait3A_60, %dma_wait3A_61] : memref<10112x128xf32, #tpu.memory_space<hbm>> -> memref<10112x128xf32, #tpu.memory_space<hbm>>
      tpu.wait_indirect_dma semaphore(%arg14 : memref<!tpu.dma_semaphore, #tpu.memory_space<semaphore_mem>>) src(%dma_wait3A_62 : memref<10112x128xf32, #tpu.memory_space<hbm>>) dst(%arg11 : memref<128x128xf32, #tpu.memory_space<vmem>>)
      %dma_start3A_63 = arith.constant 3 : i32
      %dma_start3A_64 = arith.constant 0 : i32
      %dma_start3A_65 = tpu.memref_slice %arg9[%dma_start3A_63, %dma_start3A_64] : memref<4x128xi32, #tpu.memory_space<vmem>> -> memref<1x128xi32, #tpu.memory_space<vmem>>
      %dma_start3A_66 = tpu.memref_squeeze %dma_start3A_65 : memref<1x128xi32, #tpu.memory_space<vmem>> -> memref<128xi32, #tpu.memory_space<vmem>>
      %dma_start3A_67 = arith.constant 0 : i32
      %dma_start3A_68 = arith.constant 0 : i32
      %dma_start3A_69 = tpu.memref_slice %arg12[%dma_start3A_67, %dma_start3A_68] : memref<10112x128xf32, #tpu.memory_space<vmem_shared>> -> memref<10112x128xf32, #tpu.memory_space<vmem_shared>>
      tpu.enqueue_indirect_dma source(%arg11 : memref<128x128xf32, #tpu.memory_space<vmem>>) target(%dma_start3A_69 : memref<10112x128xf32, #tpu.memory_space<vmem_shared>>) offsets(%dma_start3A_66 : memref<128xi32, #tpu.memory_space<vmem>>) semaphore(%arg16 : memref<!tpu.dma_semaphore, #tpu.memory_space<semaphore_mem>>) {add = true}
      %dma_wait3A_70 = arith.constant 0 : i32
      %dma_wait3A_71 = arith.constant 0 : i32
      %dma_wait3A_72 = tpu.memref_slice %arg9[%dma_wait3A_70, %dma_wait3A_71] : memref<4x128xi32, #tpu.memory_space<vmem>> -> memref<1x128xi32, #tpu.memory_space<vmem>>
      %dma_wait3A_73 = tpu.memref_squeeze %dma_wait3A_72 : memref<1x128xi32, #tpu.memory_space<vmem>> -> memref<128xi32, #tpu.memory_space<vmem>>
      %dma_wait3A_74 = arith.constant 0 : i32
      %dma_wait3A_75 = arith.constant 0 : i32
      %dma_wait3A_76 = tpu.memref_slice %arg12[%dma_wait3A_74, %dma_wait3A_75] : memref<10112x128xf32, #tpu.memory_space<vmem_shared>> -> memref<10112x128xf32, #tpu.memory_space<vmem_shared>>
      tpu.wait_indirect_dma semaphore(%arg15 : memref<!tpu.dma_semaphore, #tpu.memory_space<semaphore_mem>>) src(%arg10 : memref<128x128xf32, #tpu.memory_space<vmem>>) dst(%dma_wait3A_76 : memref<10112x128xf32, #tpu.memory_space<vmem_shared>>)
      %dma_wait3A_77 = arith.constant 0 : i32
      %dma_wait3A_78 = arith.constant 0 : i32
      %dma_wait3A_79 = tpu.memref_slice %arg9[%dma_wait3A_77, %dma_wait3A_78] : memref<4x128xi32, #tpu.memory_space<vmem>> -> memref<1x128xi32, #tpu.memory_space<vmem>>
      %dma_wait3A_80 = tpu.memref_squeeze %dma_wait3A_79 : memref<1x128xi32, #tpu.memory_space<vmem>> -> memref<128xi32, #tpu.memory_space<vmem>>
      %dma_wait3A_81 = arith.constant 0 : i32
      %dma_wait3A_82 = arith.constant 0 : i32
      %dma_wait3A_83 = tpu.memref_slice %arg12[%dma_wait3A_81, %dma_wait3A_82] : memref<10112x128xf32, #tpu.memory_space<vmem_shared>> -> memref<10112x128xf32, #tpu.memory_space<vmem_shared>>
      tpu.wait_indirect_dma semaphore(%arg16 : memref<!tpu.dma_semaphore, #tpu.memory_space<semaphore_mem>>) src(%arg11 : memref<128x128xf32, #tpu.memory_space<vmem>>) dst(%dma_wait3A_83 : memref<10112x128xf32, #tpu.memory_space<vmem_shared>>)
      %barrier3A_84 = arith.constant 0 : index
      tpu.barrier barrier_id(%barrier3A_84)
      %mul3A_85 = arith.constant 632 : i32
      %mul3A_86 = arith.muli %arg1, %mul3A_85 : i32
      %mul3A_87 = arith.constant 632 : i32
      %mul3A_88 = arith.muli %arg1, %mul3A_87 : i32
      "tpu.region"() ({
        %run_scoped3A = tpu.sem_alloc : memref<!tpu.dma_semaphore, #tpu.memory_space<semaphore_mem>>
        %dma_start3A_89 = arith.constant 0 : i32
        %dma_start3A_90 = tpu.memref_slice %arg6[%mul3A_88, %dma_start3A_89] : memref<10112x128xf32, #tpu.memory_space<hbm>> -> memref<632x128xf32, #tpu.memory_space<hbm>>
        %dma_start3A_91 = arith.constant 0 : i32
        %dma_start3A_92 = tpu.memref_slice %arg12[%mul3A_86, %dma_start3A_91] : memref<10112x128xf32, #tpu.memory_space<vmem_shared>> -> memref<632x128xf32, #tpu.memory_space<vmem_shared>>
        tpu.enqueue_dma source(%dma_start3A_92 : memref<632x128xf32, #tpu.memory_space<vmem_shared>>) target(%dma_start3A_90 : memref<632x128xf32, #tpu.memory_space<hbm>>) target_semaphore(%run_scoped3A : memref<!tpu.dma_semaphore, #tpu.memory_space<semaphore_mem>>)
        %dma_wait3A_93 = arith.constant 0 : i32
        %dma_wait3A_94 = tpu.memref_slice %arg6[%mul3A_88, %dma_wait3A_93] : memref<10112x128xf32, #tpu.memory_space<hbm>> -> memref<632x128xf32, #tpu.memory_space<hbm>>
        %dma_wait3A_95 = arith.constant 0 : i32
        %dma_wait3A_96 = tpu.memref_slice %arg12[%mul3A_86, %dma_wait3A_95] : memref<10112x128xf32, #tpu.memory_space<vmem_shared>> -> memref<632x128xf32, #tpu.memory_space<vmem_shared>>
        tpu.wait_dma2 semaphore(%run_scoped3A : memref<!tpu.dma_semaphore, #tpu.memory_space<semaphore_mem>>) src(%dma_wait3A_96 : memref<632x128xf32, #tpu.memory_space<vmem_shared>>) dst(%dma_wait3A_94 : memref<632x128xf32, #tpu.memory_space<hbm>>)
        tpu.yield
      }) : () -> ()
    } else {
    }
    %eq3A_2 = arith.constant 1 : i32
    %eq3A_3 = arith.cmpi eq, %arg0, %eq3A_2 : i32
    %convert_element_type3A_4 = arith.extui %eq3A_3 : i1 to i32
    %cond3A_5 = arith.constant 0 : i32
    %cond3A_6 = arith.cmpi ne, %convert_element_type3A_4, %cond3A_5 : i32
    scf.if %cond3A_6 {
      %mul3A = arith.constant 632 : i32
      %mul3A_7 = arith.muli %arg1, %mul3A : i32
      %mul3A_8 = arith.constant 632 : i32
      %mul3A_9 = arith.muli %arg1, %mul3A_8 : i32
      "tpu.region"() ({
        %run_scoped3A = tpu.sem_alloc : memref<!tpu.dma_semaphore, #tpu.memory_space<semaphore_mem>>
        %dma_start3A_89 = arith.constant 0 : i32
        %dma_start3A_90 = tpu.memref_slice %arg12[%mul3A_9, %dma_start3A_89] : memref<10112x128xf32, #tpu.memory_space<vmem_shared>> -> memref<632x128xf32, #tpu.memory_space<vmem_shared>>
        %dma_start3A_91 = arith.constant 0 : i32
        %dma_start3A_92 = tpu.memref_slice %arg3[%mul3A_7, %dma_start3A_91] : memref<10112x128xf32, #tpu.memory_space<hbm>> -> memref<632x128xf32, #tpu.memory_space<hbm>>
        tpu.enqueue_dma source(%dma_start3A_92 : memref<632x128xf32, #tpu.memory_space<hbm>>) target(%dma_start3A_90 : memref<632x128xf32, #tpu.memory_space<vmem_shared>>) target_semaphore(%run_scoped3A : memref<!tpu.dma_semaphore, #tpu.memory_space<semaphore_mem>>)
        %dma_wait3A_93 = arith.constant 0 : i32
        %dma_wait3A_94 = tpu.memref_slice %arg12[%mul3A_9, %dma_wait3A_93] : memref<10112x128xf32, #tpu.memory_space<vmem_shared>> -> memref<632x128xf32, #tpu.memory_space<vmem_shared>>
        %dma_wait3A_95 = arith.constant 0 : i32
        %dma_wait3A_96 = tpu.memref_slice %arg3[%mul3A_7, %dma_wait3A_95] : memref<10112x128xf32, #tpu.memory_space<hbm>> -> memref<632x128xf32, #tpu.memory_space<hbm>>
        tpu.wait_dma2 semaphore(%run_scoped3A : memref<!tpu.dma_semaphore, #tpu.memory_space<semaphore_mem>>) src(%dma_wait3A_96 : memref<632x128xf32, #tpu.memory_space<hbm>>) dst(%dma_wait3A_94 : memref<632x128xf32, #tpu.memory_space<vmem_shared>>)
        tpu.yield
      }) : () -> ()
      %barrier3A = arith.constant 0 : index
      tpu.barrier barrier_id(%barrier3A)
      %mul3A_10 = arith.constant 16 : i32
      %mul3A_11 = arith.muli %arg0, %mul3A_10 : i32
      %add3A = arith.addi %mul3A_11, %arg1 : i32
      %mul3A_12 = arith.constant 10240 : i32
      %mul3A_13 = arith.muli %add3A, %mul3A_12 : i32
      %add3A_14 = arith.constant 0 : i32
      %add3A_15 = arith.addi %mul3A_13, %add3A_14 : i32
      %dma_start3A = arith.constant 0 : i32
      %dma_start3A_16 = arith.constant 0 : i32
      %dma_start3A_17 = tpu.memref_slice %arg8[%dma_start3A, %dma_start3A_16] : memref<4x128xi32, #tpu.memory_space<vmem>> -> memref<1x128xi32, #tpu.memory_space<vmem>>
      %dma_start3A_18 = tpu.memref_squeeze %dma_start3A_17 : memref<1x128xi32, #tpu.memory_space<vmem>> -> memref<128xi32, #tpu.memory_space<vmem>>
      %dma_start3A_19 = tpu.memref_slice %arg4[%add3A_15] : memref<327680xi32, #tpu.memory_space<hbm>> -> memref<128xi32, #tpu.memory_space<hbm>>
      %dma_start3A_20 = arith.constant 0 : i32
      %dma_start3A_21 = tpu.memref_slice %arg8[%dma_start3A, %dma_start3A_20] : memref<4x128xi32, #tpu.memory_space<vmem>> -> memref<1x128xi32, #tpu.memory_space<vmem>>
      %dma_start3A_22 = tpu.memref_squeeze %dma_start3A_21 : memref<1x128xi32, #tpu.memory_space<vmem>> -> memref<128xi32, #tpu.memory_space<vmem>>
      %dma_start3A_23 = tpu.memref_slice %arg4[%add3A_15] : memref<327680xi32, #tpu.memory_space<hbm>> -> memref<128xi32, #tpu.memory_space<hbm>>
      tpu.enqueue_dma source(%dma_start3A_23 : memref<128xi32, #tpu.memory_space<hbm>>) target(%dma_start3A_22 : memref<128xi32, #tpu.memory_space<vmem>>) target_semaphore(%arg17 : memref<!tpu.dma_semaphore, #tpu.memory_space<semaphore_mem>>)
      %dma_start3A_24 = arith.constant 0 : i32
      %dma_start3A_25 = arith.constant 0 : i32
      %dma_start3A_26 = tpu.memref_slice %arg9[%dma_start3A_24, %dma_start3A_25] : memref<4x128xi32, #tpu.memory_space<vmem>> -> memref<1x128xi32, #tpu.memory_space<vmem>>
      %dma_start3A_27 = tpu.memref_squeeze %dma_start3A_26 : memref<1x128xi32, #tpu.memory_space<vmem>> -> memref<128xi32, #tpu.memory_space<vmem>>
      %dma_start3A_28 = tpu.memref_slice %arg5[%add3A_15] : memref<327680xi32, #tpu.memory_space<hbm>> -> memref<128xi32, #tpu.memory_space<hbm>>
      %dma_start3A_29 = arith.constant 0 : i32
      %dma_start3A_30 = tpu.memref_slice %arg9[%dma_start3A_24, %dma_start3A_29] : memref<4x128xi32, #tpu.memory_space<vmem>> -> memref<1x128xi32, #tpu.memory_space<vmem>>
      %dma_start3A_31 = tpu.memref_squeeze %dma_start3A_30 : memref<1x128xi32, #tpu.memory_space<vmem>> -> memref<128xi32, #tpu.memory_space<vmem>>
      %dma_start3A_32 = tpu.memref_slice %arg5[%add3A_15] : memref<327680xi32, #tpu.memory_space<hbm>> -> memref<128xi32, #tpu.memory_space<hbm>>
      tpu.enqueue_dma source(%dma_start3A_32 : memref<128xi32, #tpu.memory_space<hbm>>) target(%dma_start3A_31 : memref<128xi32, #tpu.memory_space<vmem>>) target_semaphore(%arg17 : memref<!tpu.dma_semaphore, #tpu.memory_space<semaphore_mem>>)
      %add3A_33 = arith.constant 128 : i32
      %add3A_34 = arith.addi %mul3A_13, %add3A_33 : i32
      %dma_start3A_35 = arith.constant 1 : i32
      %dma_start3A_36 = arith.constant 0 : i32
      %dma_start3A_37 = tpu.memref_slice %arg8[%dma_start3A_35, %dma_start3A_36] : memref<4x128xi32, #tpu.memory_space<vmem>> -> memref<1x128xi32, #tpu.memory_space<vmem>>
      %dma_start3A_38 = tpu.memref_squeeze %dma_start3A_37 : memref<1x128xi32, #tpu.memory_space<vmem>> -> memref<128xi32, #tpu.memory_space<vmem>>
      %dma_start3A_39 = tpu.memref_slice %arg4[%add3A_34] : memref<327680xi32, #tpu.memory_space<hbm>> -> memref<128xi32, #tpu.memory_space<hbm>>
      %dma_start3A_40 = arith.constant 0 : i32
      %dma_start3A_41 = tpu.memref_slice %arg8[%dma_start3A_35, %dma_start3A_40] : memref<4x128xi32, #tpu.memory_space<vmem>> -> memref<1x128xi32, #tpu.memory_space<vmem>>
      %dma_start3A_42 = tpu.memref_squeeze %dma_start3A_41 : memref<1x128xi32, #tpu.memory_space<vmem>> -> memref<128xi32, #tpu.memory_space<vmem>>
      %dma_start3A_43 = tpu.memref_slice %arg4[%add3A_34] : memref<327680xi32, #tpu.memory_space<hbm>> -> memref<128xi32, #tpu.memory_space<hbm>>
      tpu.enqueue_dma source(%dma_start3A_43 : memref<128xi32, #tpu.memory_space<hbm>>) target(%dma_start3A_42 : memref<128xi32, #tpu.memory_space<vmem>>) target_semaphore(%arg18 : memref<!tpu.dma_semaphore, #tpu.memory_space<semaphore_mem>>)
      %dma_start3A_44 = arith.constant 1 : i32
      %dma_start3A_45 = arith.constant 0 : i32
      %dma_start3A_46 = tpu.memref_slice %arg9[%dma_start3A_44, %dma_start3A_45] : memref<4x128xi32, #tpu.memory_space<vmem>> -> memref<1x128xi32, #tpu.memory_space<vmem>>
      %dma_start3A_47 = tpu.memref_squeeze %dma_start3A_46 : memref<1x128xi32, #tpu.memory_space<vmem>> -> memref<128xi32, #tpu.memory_space<vmem>>
      %dma_start3A_48 = tpu.memref_slice %arg5[%add3A_34] : memref<327680xi32, #tpu.memory_space<hbm>> -> memref<128xi32, #tpu.memory_space<hbm>>
      %dma_start3A_49 = arith.constant 0 : i32
      %dma_start3A_50 = tpu.memref_slice %arg9[%dma_start3A_44, %dma_start3A_49] : memref<4x128xi32, #tpu.memory_space<vmem>> -> memref<1x128xi32, #tpu.memory_space<vmem>>
      %dma_start3A_51 = tpu.memref_squeeze %dma_start3A_50 : memref<1x128xi32, #tpu.memory_space<vmem>> -> memref<128xi32, #tpu.memory_space<vmem>>
      %dma_start3A_52 = tpu.memref_slice %arg5[%add3A_34] : memref<327680xi32, #tpu.memory_space<hbm>> -> memref<128xi32, #tpu.memory_space<hbm>>
      tpu.enqueue_dma source(%dma_start3A_52 : memref<128xi32, #tpu.memory_space<hbm>>) target(%dma_start3A_51 : memref<128xi32, #tpu.memory_space<vmem>>) target_semaphore(%arg18 : memref<!tpu.dma_semaphore, #tpu.memory_space<semaphore_mem>>)
      %scan3A = arith.constant 0 : i32
      %scan3A_53 = arith.constant 20 : i32
      %scan3A_54 = arith.addi %scan3A, %scan3A_53 : i32
      %scan3A_55 = arith.constant 1 : i32
      scf.for %scan3A_89 = %scan3A to %scan3A_54 step %scan3A_55  : i32 {
        %mul3A_90 = arith.constant 4 : i32
        %mul3A_91 = arith.muli %scan3A_89, %mul3A_90 : i32
        %add3A_92 = arith.constant 0 : i32
        %add3A_93 = arith.addi %add3A_92, %mul3A_91 : i32
        %ge3A = arith.constant 4 : i32
        %ge3A_94 = arith.cmpi sge, %add3A_93, %ge3A : i32
        %convert_element_type3A_95 = arith.extui %ge3A_94 : i1 to i32
        %cond3A_96 = arith.constant 0 : i32
        %cond3A_97 = arith.cmpi ne, %convert_element_type3A_95, %cond3A_96 : i32
        scf.if %cond3A_97 {
          %dma_wait3A_327 = arith.constant 0 : i32
          %dma_wait3A_328 = arith.constant 0 : i32
          %dma_wait3A_329 = tpu.memref_slice %arg9[%dma_wait3A_327, %dma_wait3A_328] : memref<4x128xi32, #tpu.memory_space<vmem>> -> memref<1x128xi32, #tpu.memory_space<vmem>>
          %dma_wait3A_330 = tpu.memref_squeeze %dma_wait3A_329 : memref<1x128xi32, #tpu.memory_space<vmem>> -> memref<128xi32, #tpu.memory_space<vmem>>
          %dma_wait3A_331 = arith.constant 0 : i32
          %dma_wait3A_332 = arith.constant 0 : i32
          %dma_wait3A_333 = tpu.memref_slice %arg12[%dma_wait3A_331, %dma_wait3A_332] : memref<10112x128xf32, #tpu.memory_space<vmem_shared>> -> memref<10112x128xf32, #tpu.memory_space<vmem_shared>>
          tpu.wait_indirect_dma semaphore(%arg15 : memref<!tpu.dma_semaphore, #tpu.memory_space<semaphore_mem>>) src(%arg10 : memref<128x128xf32, #tpu.memory_space<vmem>>) dst(%dma_wait3A_333 : memref<10112x128xf32, #tpu.memory_space<vmem_shared>>)
        } else {
        }
        %add3A_98 = arith.constant 0 : i32
        %add3A_99 = arith.addi %add3A_93, %add3A_98 : i32
        %add3A_100 = arith.constant 2 : i32
        %add3A_101 = arith.addi %add3A_99, %add3A_100 : i32
        %mul3A_102 = arith.constant 128 : i32
        %mul3A_103 = arith.muli %add3A_101, %mul3A_102 : i32
        %add3A_104 = arith.addi %mul3A_13, %mul3A_103 : i32
        %dma_start3A_105 = arith.constant 2 : i32
        %dma_start3A_106 = arith.constant 0 : i32
        %dma_start3A_107 = tpu.memref_slice %arg8[%dma_start3A_105, %dma_start3A_106] : memref<4x128xi32, #tpu.memory_space<vmem>> -> memref<1x128xi32, #tpu.memory_space<vmem>>
        %dma_start3A_108 = tpu.memref_squeeze %dma_start3A_107 : memref<1x128xi32, #tpu.memory_space<vmem>> -> memref<128xi32, #tpu.memory_space<vmem>>
        %dma_start3A_109 = tpu.memref_slice %arg4[%add3A_104] : memref<327680xi32, #tpu.memory_space<hbm>> -> memref<128xi32, #tpu.memory_space<hbm>>
        %dma_start3A_110 = arith.constant 0 : i32
        %dma_start3A_111 = tpu.memref_slice %arg8[%dma_start3A_105, %dma_start3A_110] : memref<4x128xi32, #tpu.memory_space<vmem>> -> memref<1x128xi32, #tpu.memory_space<vmem>>
        %dma_start3A_112 = tpu.memref_squeeze %dma_start3A_111 : memref<1x128xi32, #tpu.memory_space<vmem>> -> memref<128xi32, #tpu.memory_space<vmem>>
        %dma_start3A_113 = tpu.memref_slice %arg4[%add3A_104] : memref<327680xi32, #tpu.memory_space<hbm>> -> memref<128xi32, #tpu.memory_space<hbm>>
        tpu.enqueue_dma source(%dma_start3A_113 : memref<128xi32, #tpu.memory_space<hbm>>) target(%dma_start3A_112 : memref<128xi32, #tpu.memory_space<vmem>>) target_semaphore(%arg19 : memref<!tpu.dma_semaphore, #tpu.memory_space<semaphore_mem>>)
        %dma_start3A_114 = arith.constant 2 : i32
        %dma_start3A_115 = arith.constant 0 : i32
        %dma_start3A_116 = tpu.memref_slice %arg9[%dma_start3A_114, %dma_start3A_115] : memref<4x128xi32, #tpu.memory_space<vmem>> -> memref<1x128xi32, #tpu.memory_space<vmem>>
        %dma_start3A_117 = tpu.memref_squeeze %dma_start3A_116 : memref<1x128xi32, #tpu.memory_space<vmem>> -> memref<128xi32, #tpu.memory_space<vmem>>
        %dma_start3A_118 = tpu.memref_slice %arg5[%add3A_104] : memref<327680xi32, #tpu.memory_space<hbm>> -> memref<128xi32, #tpu.memory_space<hbm>>
        %dma_start3A_119 = arith.constant 0 : i32
        %dma_start3A_120 = tpu.memref_slice %arg9[%dma_start3A_114, %dma_start3A_119] : memref<4x128xi32, #tpu.memory_space<vmem>> -> memref<1x128xi32, #tpu.memory_space<vmem>>
        %dma_start3A_121 = tpu.memref_squeeze %dma_start3A_120 : memref<1x128xi32, #tpu.memory_space<vmem>> -> memref<128xi32, #tpu.memory_space<vmem>>
        %dma_start3A_122 = tpu.memref_slice %arg5[%add3A_104] : memref<327680xi32, #tpu.memory_space<hbm>> -> memref<128xi32, #tpu.memory_space<hbm>>
        tpu.enqueue_dma source(%dma_start3A_122 : memref<128xi32, #tpu.memory_space<hbm>>) target(%dma_start3A_121 : memref<128xi32, #tpu.memory_space<vmem>>) target_semaphore(%arg19 : memref<!tpu.dma_semaphore, #tpu.memory_space<semaphore_mem>>)
        %dma_wait3A_123 = arith.constant 0 : i32
        %dma_wait3A_124 = arith.constant 0 : i32
        %dma_wait3A_125 = tpu.memref_slice %arg8[%dma_wait3A_123, %dma_wait3A_124] : memref<4x128xi32, #tpu.memory_space<vmem>> -> memref<1x128xi32, #tpu.memory_space<vmem>>
        %dma_wait3A_126 = tpu.memref_squeeze %dma_wait3A_125 : memref<1x128xi32, #tpu.memory_space<vmem>> -> memref<128xi32, #tpu.memory_space<vmem>>
        %dma_wait3A_127 = tpu.memref_slice %arg4[%mul3A_13] : memref<327680xi32, #tpu.memory_space<hbm>> -> memref<128xi32, #tpu.memory_space<hbm>>
        %dma_wait3A_128 = arith.constant 0 : i32
        %dma_wait3A_129 = tpu.memref_slice %arg8[%dma_wait3A_123, %dma_wait3A_128] : memref<4x128xi32, #tpu.memory_space<vmem>> -> memref<1x128xi32, #tpu.memory_space<vmem>>
        %dma_wait3A_130 = tpu.memref_squeeze %dma_wait3A_129 : memref<1x128xi32, #tpu.memory_space<vmem>> -> memref<128xi32, #tpu.memory_space<vmem>>
        %dma_wait3A_131 = tpu.memref_slice %arg4[%mul3A_13] : memref<327680xi32, #tpu.memory_space<hbm>> -> memref<128xi32, #tpu.memory_space<hbm>>
        tpu.wait_dma2 semaphore(%arg17 : memref<!tpu.dma_semaphore, #tpu.memory_space<semaphore_mem>>) src(%dma_wait3A_131 : memref<128xi32, #tpu.memory_space<hbm>>) dst(%dma_wait3A_130 : memref<128xi32, #tpu.memory_space<vmem>>)
        %dma_wait3A_132 = arith.constant 0 : i32
        %dma_wait3A_133 = arith.constant 0 : i32
        %dma_wait3A_134 = tpu.memref_slice %arg9[%dma_wait3A_132, %dma_wait3A_133] : memref<4x128xi32, #tpu.memory_space<vmem>> -> memref<1x128xi32, #tpu.memory_space<vmem>>
        %dma_wait3A_135 = tpu.memref_squeeze %dma_wait3A_134 : memref<1x128xi32, #tpu.memory_space<vmem>> -> memref<128xi32, #tpu.memory_space<vmem>>
        %dma_wait3A_136 = tpu.memref_slice %arg5[%mul3A_13] : memref<327680xi32, #tpu.memory_space<hbm>> -> memref<128xi32, #tpu.memory_space<hbm>>
        %dma_wait3A_137 = arith.constant 0 : i32
        %dma_wait3A_138 = tpu.memref_slice %arg9[%dma_wait3A_132, %dma_wait3A_137] : memref<4x128xi32, #tpu.memory_space<vmem>> -> memref<1x128xi32, #tpu.memory_space<vmem>>
        %dma_wait3A_139 = tpu.memref_squeeze %dma_wait3A_138 : memref<1x128xi32, #tpu.memory_space<vmem>> -> memref<128xi32, #tpu.memory_space<vmem>>
        %dma_wait3A_140 = tpu.memref_slice %arg5[%mul3A_13] : memref<327680xi32, #tpu.memory_space<hbm>> -> memref<128xi32, #tpu.memory_space<hbm>>
        tpu.wait_dma2 semaphore(%arg17 : memref<!tpu.dma_semaphore, #tpu.memory_space<semaphore_mem>>) src(%dma_wait3A_140 : memref<128xi32, #tpu.memory_space<hbm>>) dst(%dma_wait3A_139 : memref<128xi32, #tpu.memory_space<vmem>>)
        %dma_start3A_141 = arith.constant 0 : i32
        %dma_start3A_142 = arith.constant 0 : i32
        %dma_start3A_143 = tpu.memref_slice %arg8[%dma_start3A_141, %dma_start3A_142] : memref<4x128xi32, #tpu.memory_space<vmem>> -> memref<1x128xi32, #tpu.memory_space<vmem>>
        %dma_start3A_144 = tpu.memref_squeeze %dma_start3A_143 : memref<1x128xi32, #tpu.memory_space<vmem>> -> memref<128xi32, #tpu.memory_space<vmem>>
        %dma_start3A_145 = arith.constant 0 : i32
        %dma_start3A_146 = arith.constant 0 : i32
        %dma_start3A_147 = tpu.memref_slice %arg2[%dma_start3A_145, %dma_start3A_146] : memref<10112x128xf32, #tpu.memory_space<hbm>> -> memref<10112x128xf32, #tpu.memory_space<hbm>>
        tpu.enqueue_indirect_dma source(%dma_start3A_147 : memref<10112x128xf32, #tpu.memory_space<hbm>>) target(%arg10 : memref<128x128xf32, #tpu.memory_space<vmem>>) offsets(%dma_start3A_144 : memref<128xi32, #tpu.memory_space<vmem>>) semaphore(%arg13 : memref<!tpu.dma_semaphore, #tpu.memory_space<semaphore_mem>>)
        %ge3A_148 = arith.constant 4 : i32
        %ge3A_149 = arith.cmpi sge, %add3A_93, %ge3A_148 : i32
        %convert_element_type3A_150 = arith.extui %ge3A_149 : i1 to i32
        %cond3A_151 = arith.constant 0 : i32
        %cond3A_152 = arith.cmpi ne, %convert_element_type3A_150, %cond3A_151 : i32
        scf.if %cond3A_152 {
          %dma_wait3A_327 = arith.constant 3 : i32
          %dma_wait3A_328 = arith.constant 0 : i32
          %dma_wait3A_329 = tpu.memref_slice %arg8[%dma_wait3A_327, %dma_wait3A_328] : memref<4x128xi32, #tpu.memory_space<vmem>> -> memref<1x128xi32, #tpu.memory_space<vmem>>
          %dma_wait3A_330 = tpu.memref_squeeze %dma_wait3A_329 : memref<1x128xi32, #tpu.memory_space<vmem>> -> memref<128xi32, #tpu.memory_space<vmem>>
          %dma_wait3A_331 = arith.constant 0 : i32
          %dma_wait3A_332 = arith.constant 0 : i32
          %dma_wait3A_333 = tpu.memref_slice %arg2[%dma_wait3A_331, %dma_wait3A_332] : memref<10112x128xf32, #tpu.memory_space<hbm>> -> memref<10112x128xf32, #tpu.memory_space<hbm>>
          tpu.wait_indirect_dma semaphore(%arg14 : memref<!tpu.dma_semaphore, #tpu.memory_space<semaphore_mem>>) src(%dma_wait3A_333 : memref<10112x128xf32, #tpu.memory_space<hbm>>) dst(%arg11 : memref<128x128xf32, #tpu.memory_space<vmem>>)
          %dma_start3A_334 = arith.constant 3 : i32
          %dma_start3A_335 = arith.constant 0 : i32
          %dma_start3A_336 = tpu.memref_slice %arg9[%dma_start3A_334, %dma_start3A_335] : memref<4x128xi32, #tpu.memory_space<vmem>> -> memref<1x128xi32, #tpu.memory_space<vmem>>
          %dma_start3A_337 = tpu.memref_squeeze %dma_start3A_336 : memref<1x128xi32, #tpu.memory_space<vmem>> -> memref<128xi32, #tpu.memory_space<vmem>>
          %dma_start3A_338 = arith.constant 0 : i32
          %dma_start3A_339 = arith.constant 0 : i32
          %dma_start3A_340 = tpu.memref_slice %arg12[%dma_start3A_338, %dma_start3A_339] : memref<10112x128xf32, #tpu.memory_space<vmem_shared>> -> memref<10112x128xf32, #tpu.memory_space<vmem_shared>>
          tpu.enqueue_indirect_dma source(%arg11 : memref<128x128xf32, #tpu.memory_space<vmem>>) target(%dma_start3A_340 : memref<10112x128xf32, #tpu.memory_space<vmem_shared>>) offsets(%dma_start3A_337 : memref<128xi32, #tpu.memory_space<vmem>>) semaphore(%arg16 : memref<!tpu.dma_semaphore, #tpu.memory_space<semaphore_mem>>) {add = true}
        } else {
        }
        %ge3A_153 = arith.constant 4 : i32
        %ge3A_154 = arith.cmpi sge, %add3A_93, %ge3A_153 : i32
        %convert_element_type3A_155 = arith.extui %ge3A_154 : i1 to i32
        %cond3A_156 = arith.constant 0 : i32
        %cond3A_157 = arith.cmpi ne, %convert_element_type3A_155, %cond3A_156 : i32
        scf.if %cond3A_157 {
          %dma_wait3A_327 = arith.constant 0 : i32
          %dma_wait3A_328 = arith.constant 0 : i32
          %dma_wait3A_329 = tpu.memref_slice %arg9[%dma_wait3A_327, %dma_wait3A_328] : memref<4x128xi32, #tpu.memory_space<vmem>> -> memref<1x128xi32, #tpu.memory_space<vmem>>
          %dma_wait3A_330 = tpu.memref_squeeze %dma_wait3A_329 : memref<1x128xi32, #tpu.memory_space<vmem>> -> memref<128xi32, #tpu.memory_space<vmem>>
          %dma_wait3A_331 = arith.constant 0 : i32
          %dma_wait3A_332 = arith.constant 0 : i32
          %dma_wait3A_333 = tpu.memref_slice %arg12[%dma_wait3A_331, %dma_wait3A_332] : memref<10112x128xf32, #tpu.memory_space<vmem_shared>> -> memref<10112x128xf32, #tpu.memory_space<vmem_shared>>
          tpu.wait_indirect_dma semaphore(%arg16 : memref<!tpu.dma_semaphore, #tpu.memory_space<semaphore_mem>>) src(%arg11 : memref<128x128xf32, #tpu.memory_space<vmem>>) dst(%dma_wait3A_333 : memref<10112x128xf32, #tpu.memory_space<vmem_shared>>)
        } else {
        }
        %add3A_158 = arith.constant 1 : i32
        %add3A_159 = arith.addi %add3A_93, %add3A_158 : i32
        %add3A_160 = arith.constant 2 : i32
        %add3A_161 = arith.addi %add3A_159, %add3A_160 : i32
        %mul3A_162 = arith.constant 128 : i32
        %mul3A_163 = arith.muli %add3A_161, %mul3A_162 : i32
        %add3A_164 = arith.addi %mul3A_13, %mul3A_163 : i32
        %dma_start3A_165 = arith.constant 3 : i32
        %dma_start3A_166 = arith.constant 0 : i32
        %dma_start3A_167 = tpu.memref_slice %arg8[%dma_start3A_165, %dma_start3A_166] : memref<4x128xi32, #tpu.memory_space<vmem>> -> memref<1x128xi32, #tpu.memory_space<vmem>>
        %dma_start3A_168 = tpu.memref_squeeze %dma_start3A_167 : memref<1x128xi32, #tpu.memory_space<vmem>> -> memref<128xi32, #tpu.memory_space<vmem>>
        %dma_start3A_169 = tpu.memref_slice %arg4[%add3A_164] : memref<327680xi32, #tpu.memory_space<hbm>> -> memref<128xi32, #tpu.memory_space<hbm>>
        %dma_start3A_170 = arith.constant 0 : i32
        %dma_start3A_171 = tpu.memref_slice %arg8[%dma_start3A_165, %dma_start3A_170] : memref<4x128xi32, #tpu.memory_space<vmem>> -> memref<1x128xi32, #tpu.memory_space<vmem>>
        %dma_start3A_172 = tpu.memref_squeeze %dma_start3A_171 : memref<1x128xi32, #tpu.memory_space<vmem>> -> memref<128xi32, #tpu.memory_space<vmem>>
        %dma_start3A_173 = tpu.memref_slice %arg4[%add3A_164] : memref<327680xi32, #tpu.memory_space<hbm>> -> memref<128xi32, #tpu.memory_space<hbm>>
        tpu.enqueue_dma source(%dma_start3A_173 : memref<128xi32, #tpu.memory_space<hbm>>) target(%dma_start3A_172 : memref<128xi32, #tpu.memory_space<vmem>>) target_semaphore(%arg20 : memref<!tpu.dma_semaphore, #tpu.memory_space<semaphore_mem>>)
        %dma_start3A_174 = arith.constant 3 : i32
        %dma_start3A_175 = arith.constant 0 : i32
        %dma_start3A_176 = tpu.memref_slice %arg9[%dma_start3A_174, %dma_start3A_175] : memref<4x128xi32, #tpu.memory_space<vmem>> -> memref<1x128xi32, #tpu.memory_space<vmem>>
        %dma_start3A_177 = tpu.memref_squeeze %dma_start3A_176 : memref<1x128xi32, #tpu.memory_space<vmem>> -> memref<128xi32, #tpu.memory_space<vmem>>
        %dma_start3A_178 = tpu.memref_slice %arg5[%add3A_164] : memref<327680xi32, #tpu.memory_space<hbm>> -> memref<128xi32, #tpu.memory_space<hbm>>
        %dma_start3A_179 = arith.constant 0 : i32
        %dma_start3A_180 = tpu.memref_slice %arg9[%dma_start3A_174, %dma_start3A_179] : memref<4x128xi32, #tpu.memory_space<vmem>> -> memref<1x128xi32, #tpu.memory_space<vmem>>
        %dma_start3A_181 = tpu.memref_squeeze %dma_start3A_180 : memref<1x128xi32, #tpu.memory_space<vmem>> -> memref<128xi32, #tpu.memory_space<vmem>>
        %dma_start3A_182 = tpu.memref_slice %arg5[%add3A_164] : memref<327680xi32, #tpu.memory_space<hbm>> -> memref<128xi32, #tpu.memory_space<hbm>>
        tpu.enqueue_dma source(%dma_start3A_182 : memref<128xi32, #tpu.memory_space<hbm>>) target(%dma_start3A_181 : memref<128xi32, #tpu.memory_space<vmem>>) target_semaphore(%arg20 : memref<!tpu.dma_semaphore, #tpu.memory_space<semaphore_mem>>)
        %dma_wait3A_183 = arith.constant 1 : i32
        %dma_wait3A_184 = arith.constant 0 : i32
        %dma_wait3A_185 = tpu.memref_slice %arg8[%dma_wait3A_183, %dma_wait3A_184] : memref<4x128xi32, #tpu.memory_space<vmem>> -> memref<1x128xi32, #tpu.memory_space<vmem>>
        %dma_wait3A_186 = tpu.memref_squeeze %dma_wait3A_185 : memref<1x128xi32, #tpu.memory_space<vmem>> -> memref<128xi32, #tpu.memory_space<vmem>>
        %dma_wait3A_187 = tpu.memref_slice %arg4[%mul3A_13] : memref<327680xi32, #tpu.memory_space<hbm>> -> memref<128xi32, #tpu.memory_space<hbm>>
        %dma_wait3A_188 = arith.constant 0 : i32
        %dma_wait3A_189 = tpu.memref_slice %arg8[%dma_wait3A_183, %dma_wait3A_188] : memref<4x128xi32, #tpu.memory_space<vmem>> -> memref<1x128xi32, #tpu.memory_space<vmem>>
        %dma_wait3A_190 = tpu.memref_squeeze %dma_wait3A_189 : memref<1x128xi32, #tpu.memory_space<vmem>> -> memref<128xi32, #tpu.memory_space<vmem>>
        %dma_wait3A_191 = tpu.memref_slice %arg4[%mul3A_13] : memref<327680xi32, #tpu.memory_space<hbm>> -> memref<128xi32, #tpu.memory_space<hbm>>
        tpu.wait_dma2 semaphore(%arg18 : memref<!tpu.dma_semaphore, #tpu.memory_space<semaphore_mem>>) src(%dma_wait3A_191 : memref<128xi32, #tpu.memory_space<hbm>>) dst(%dma_wait3A_190 : memref<128xi32, #tpu.memory_space<vmem>>)
        %dma_wait3A_192 = arith.constant 1 : i32
        %dma_wait3A_193 = arith.constant 0 : i32
        %dma_wait3A_194 = tpu.memref_slice %arg9[%dma_wait3A_192, %dma_wait3A_193] : memref<4x128xi32, #tpu.memory_space<vmem>> -> memref<1x128xi32, #tpu.memory_space<vmem>>
        %dma_wait3A_195 = tpu.memref_squeeze %dma_wait3A_194 : memref<1x128xi32, #tpu.memory_space<vmem>> -> memref<128xi32, #tpu.memory_space<vmem>>
        %dma_wait3A_196 = tpu.memref_slice %arg5[%mul3A_13] : memref<327680xi32, #tpu.memory_space<hbm>> -> memref<128xi32, #tpu.memory_space<hbm>>
        %dma_wait3A_197 = arith.constant 0 : i32
        %dma_wait3A_198 = tpu.memref_slice %arg9[%dma_wait3A_192, %dma_wait3A_197] : memref<4x128xi32, #tpu.memory_space<vmem>> -> memref<1x128xi32, #tpu.memory_space<vmem>>
        %dma_wait3A_199 = tpu.memref_squeeze %dma_wait3A_198 : memref<1x128xi32, #tpu.memory_space<vmem>> -> memref<128xi32, #tpu.memory_space<vmem>>
        %dma_wait3A_200 = tpu.memref_slice %arg5[%mul3A_13] : memref<327680xi32, #tpu.memory_space<hbm>> -> memref<128xi32, #tpu.memory_space<hbm>>
        tpu.wait_dma2 semaphore(%arg18 : memref<!tpu.dma_semaphore, #tpu.memory_space<semaphore_mem>>) src(%dma_wait3A_200 : memref<128xi32, #tpu.memory_space<hbm>>) dst(%dma_wait3A_199 : memref<128xi32, #tpu.memory_space<vmem>>)
        %dma_start3A_201 = arith.constant 1 : i32
        %dma_start3A_202 = arith.constant 0 : i32
        %dma_start3A_203 = tpu.memref_slice %arg8[%dma_start3A_201, %dma_start3A_202] : memref<4x128xi32, #tpu.memory_space<vmem>> -> memref<1x128xi32, #tpu.memory_space<vmem>>
        %dma_start3A_204 = tpu.memref_squeeze %dma_start3A_203 : memref<1x128xi32, #tpu.memory_space<vmem>> -> memref<128xi32, #tpu.memory_space<vmem>>
        %dma_start3A_205 = arith.constant 0 : i32
        %dma_start3A_206 = arith.constant 0 : i32
        %dma_start3A_207 = tpu.memref_slice %arg2[%dma_start3A_205, %dma_start3A_206] : memref<10112x128xf32, #tpu.memory_space<hbm>> -> memref<10112x128xf32, #tpu.memory_space<hbm>>
        tpu.enqueue_indirect_dma source(%dma_start3A_207 : memref<10112x128xf32, #tpu.memory_space<hbm>>) target(%arg11 : memref<128x128xf32, #tpu.memory_space<vmem>>) offsets(%dma_start3A_204 : memref<128xi32, #tpu.memory_space<vmem>>) semaphore(%arg14 : memref<!tpu.dma_semaphore, #tpu.memory_space<semaphore_mem>>)
        %dma_wait3A_208 = arith.constant 0 : i32
        %dma_wait3A_209 = arith.constant 0 : i32
        %dma_wait3A_210 = tpu.memref_slice %arg8[%dma_wait3A_208, %dma_wait3A_209] : memref<4x128xi32, #tpu.memory_space<vmem>> -> memref<1x128xi32, #tpu.memory_space<vmem>>
        %dma_wait3A_211 = tpu.memref_squeeze %dma_wait3A_210 : memref<1x128xi32, #tpu.memory_space<vmem>> -> memref<128xi32, #tpu.memory_space<vmem>>
        %dma_wait3A_212 = arith.constant 0 : i32
        %dma_wait3A_213 = arith.constant 0 : i32
        %dma_wait3A_214 = tpu.memref_slice %arg2[%dma_wait3A_212, %dma_wait3A_213] : memref<10112x128xf32, #tpu.memory_space<hbm>> -> memref<10112x128xf32, #tpu.memory_space<hbm>>
        tpu.wait_indirect_dma semaphore(%arg13 : memref<!tpu.dma_semaphore, #tpu.memory_space<semaphore_mem>>) src(%dma_wait3A_214 : memref<10112x128xf32, #tpu.memory_space<hbm>>) dst(%arg10 : memref<128x128xf32, #tpu.memory_space<vmem>>)
        %dma_start3A_215 = arith.constant 0 : i32
        %dma_start3A_216 = arith.constant 0 : i32
        %dma_start3A_217 = tpu.memref_slice %arg9[%dma_start3A_215, %dma_start3A_216] : memref<4x128xi32, #tpu.memory_space<vmem>> -> memref<1x128xi32, #tpu.memory_space<vmem>>
        %dma_start3A_218 = tpu.memref_squeeze %dma_start3A_217 : memref<1x128xi32, #tpu.memory_space<vmem>> -> memref<128xi32, #tpu.memory_space<vmem>>
        %dma_start3A_219 = arith.constant 0 : i32
        %dma_start3A_220 = arith.constant 0 : i32
        %dma_start3A_221 = tpu.memref_slice %arg12[%dma_start3A_219, %dma_start3A_220] : memref<10112x128xf32, #tpu.memory_space<vmem_shared>> -> memref<10112x128xf32, #tpu.memory_space<vmem_shared>>
        tpu.enqueue_indirect_dma source(%arg10 : memref<128x128xf32, #tpu.memory_space<vmem>>) target(%dma_start3A_221 : memref<10112x128xf32, #tpu.memory_space<vmem_shared>>) offsets(%dma_start3A_218 : memref<128xi32, #tpu.memory_space<vmem>>) semaphore(%arg15 : memref<!tpu.dma_semaphore, #tpu.memory_space<semaphore_mem>>) {add = true}
        %dma_wait3A_222 = arith.constant 0 : i32
        %dma_wait3A_223 = arith.constant 0 : i32
        %dma_wait3A_224 = tpu.memref_slice %arg9[%dma_wait3A_222, %dma_wait3A_223] : memref<4x128xi32, #tpu.memory_space<vmem>> -> memref<1x128xi32, #tpu.memory_space<vmem>>
        %dma_wait3A_225 = tpu.memref_squeeze %dma_wait3A_224 : memref<1x128xi32, #tpu.memory_space<vmem>> -> memref<128xi32, #tpu.memory_space<vmem>>
        %dma_wait3A_226 = arith.constant 0 : i32
        %dma_wait3A_227 = arith.constant 0 : i32
        %dma_wait3A_228 = tpu.memref_slice %arg12[%dma_wait3A_226, %dma_wait3A_227] : memref<10112x128xf32, #tpu.memory_space<vmem_shared>> -> memref<10112x128xf32, #tpu.memory_space<vmem_shared>>
        tpu.wait_indirect_dma semaphore(%arg15 : memref<!tpu.dma_semaphore, #tpu.memory_space<semaphore_mem>>) src(%arg10 : memref<128x128xf32, #tpu.memory_space<vmem>>) dst(%dma_wait3A_228 : memref<10112x128xf32, #tpu.memory_space<vmem_shared>>)
        %add3A_229 = arith.constant 4 : i32
        %add3A_230 = arith.addi %add3A_93, %add3A_229 : i32
        %lt3A = arith.constant 80 : i32
        %lt3A_231 = arith.cmpi slt, %add3A_230, %lt3A : i32
        %convert_element_type3A_232 = arith.extui %lt3A_231 : i1 to i32
        %cond3A_233 = arith.constant 0 : i32
        %cond3A_234 = arith.cmpi ne, %convert_element_type3A_232, %cond3A_233 : i32
        scf.if %cond3A_234 {
          %add3A_327 = arith.constant 2 : i32
          %add3A_328 = arith.addi %add3A_93, %add3A_327 : i32
          %add3A_329 = arith.constant 2 : i32
          %add3A_330 = arith.addi %add3A_328, %add3A_329 : i32
          %mul3A_331 = arith.constant 128 : i32
          %mul3A_332 = arith.muli %add3A_330, %mul3A_331 : i32
          %add3A_333 = arith.addi %mul3A_13, %mul3A_332 : i32
          %dma_start3A_334 = arith.constant 0 : i32
          %dma_start3A_335 = arith.constant 0 : i32
          %dma_start3A_336 = tpu.memref_slice %arg8[%dma_start3A_334, %dma_start3A_335] : memref<4x128xi32, #tpu.memory_space<vmem>> -> memref<1x128xi32, #tpu.memory_space<vmem>>
          %dma_start3A_337 = tpu.memref_squeeze %dma_start3A_336 : memref<1x128xi32, #tpu.memory_space<vmem>> -> memref<128xi32, #tpu.memory_space<vmem>>
          %dma_start3A_338 = tpu.memref_slice %arg4[%add3A_333] : memref<327680xi32, #tpu.memory_space<hbm>> -> memref<128xi32, #tpu.memory_space<hbm>>
          %dma_start3A_339 = arith.constant 0 : i32
          %dma_start3A_340 = tpu.memref_slice %arg8[%dma_start3A_334, %dma_start3A_339] : memref<4x128xi32, #tpu.memory_space<vmem>> -> memref<1x128xi32, #tpu.memory_space<vmem>>
          %dma_start3A_341 = tpu.memref_squeeze %dma_start3A_340 : memref<1x128xi32, #tpu.memory_space<vmem>> -> memref<128xi32, #tpu.memory_space<vmem>>
          %dma_start3A_342 = tpu.memref_slice %arg4[%add3A_333] : memref<327680xi32, #tpu.memory_space<hbm>> -> memref<128xi32, #tpu.memory_space<hbm>>
          tpu.enqueue_dma source(%dma_start3A_342 : memref<128xi32, #tpu.memory_space<hbm>>) target(%dma_start3A_341 : memref<128xi32, #tpu.memory_space<vmem>>) target_semaphore(%arg17 : memref<!tpu.dma_semaphore, #tpu.memory_space<semaphore_mem>>)
          %dma_start3A_343 = arith.constant 0 : i32
          %dma_start3A_344 = arith.constant 0 : i32
          %dma_start3A_345 = tpu.memref_slice %arg9[%dma_start3A_343, %dma_start3A_344] : memref<4x128xi32, #tpu.memory_space<vmem>> -> memref<1x128xi32, #tpu.memory_space<vmem>>
          %dma_start3A_346 = tpu.memref_squeeze %dma_start3A_345 : memref<1x128xi32, #tpu.memory_space<vmem>> -> memref<128xi32, #tpu.memory_space<vmem>>
          %dma_start3A_347 = tpu.memref_slice %arg5[%add3A_333] : memref<327680xi32, #tpu.memory_space<hbm>> -> memref<128xi32, #tpu.memory_space<hbm>>
          %dma_start3A_348 = arith.constant 0 : i32
          %dma_start3A_349 = tpu.memref_slice %arg9[%dma_start3A_343, %dma_start3A_348] : memref<4x128xi32, #tpu.memory_space<vmem>> -> memref<1x128xi32, #tpu.memory_space<vmem>>
          %dma_start3A_350 = tpu.memref_squeeze %dma_start3A_349 : memref<1x128xi32, #tpu.memory_space<vmem>> -> memref<128xi32, #tpu.memory_space<vmem>>
          %dma_start3A_351 = tpu.memref_slice %arg5[%add3A_333] : memref<327680xi32, #tpu.memory_space<hbm>> -> memref<128xi32, #tpu.memory_space<hbm>>
          tpu.enqueue_dma source(%dma_start3A_351 : memref<128xi32, #tpu.memory_space<hbm>>) target(%dma_start3A_350 : memref<128xi32, #tpu.memory_space<vmem>>) target_semaphore(%arg17 : memref<!tpu.dma_semaphore, #tpu.memory_space<semaphore_mem>>)
        } else {
        }
        %dma_wait3A_235 = arith.constant 2 : i32
        %dma_wait3A_236 = arith.constant 0 : i32
        %dma_wait3A_237 = tpu.memref_slice %arg8[%dma_wait3A_235, %dma_wait3A_236] : memref<4x128xi32, #tpu.memory_space<vmem>> -> memref<1x128xi32, #tpu.memory_space<vmem>>
        %dma_wait3A_238 = tpu.memref_squeeze %dma_wait3A_237 : memref<1x128xi32, #tpu.memory_space<vmem>> -> memref<128xi32, #tpu.memory_space<vmem>>
        %dma_wait3A_239 = tpu.memref_slice %arg4[%mul3A_13] : memref<327680xi32, #tpu.memory_space<hbm>> -> memref<128xi32, #tpu.memory_space<hbm>>
        %dma_wait3A_240 = arith.constant 0 : i32
        %dma_wait3A_241 = tpu.memref_slice %arg8[%dma_wait3A_235, %dma_wait3A_240] : memref<4x128xi32, #tpu.memory_space<vmem>> -> memref<1x128xi32, #tpu.memory_space<vmem>>
        %dma_wait3A_242 = tpu.memref_squeeze %dma_wait3A_241 : memref<1x128xi32, #tpu.memory_space<vmem>> -> memref<128xi32, #tpu.memory_space<vmem>>
        %dma_wait3A_243 = tpu.memref_slice %arg4[%mul3A_13] : memref<327680xi32, #tpu.memory_space<hbm>> -> memref<128xi32, #tpu.memory_space<hbm>>
        tpu.wait_dma2 semaphore(%arg19 : memref<!tpu.dma_semaphore, #tpu.memory_space<semaphore_mem>>) src(%dma_wait3A_243 : memref<128xi32, #tpu.memory_space<hbm>>) dst(%dma_wait3A_242 : memref<128xi32, #tpu.memory_space<vmem>>)
        %dma_wait3A_244 = arith.constant 2 : i32
        %dma_wait3A_245 = arith.constant 0 : i32
        %dma_wait3A_246 = tpu.memref_slice %arg9[%dma_wait3A_244, %dma_wait3A_245] : memref<4x128xi32, #tpu.memory_space<vmem>> -> memref<1x128xi32, #tpu.memory_space<vmem>>
        %dma_wait3A_247 = tpu.memref_squeeze %dma_wait3A_246 : memref<1x128xi32, #tpu.memory_space<vmem>> -> memref<128xi32, #tpu.memory_space<vmem>>
        %dma_wait3A_248 = tpu.memref_slice %arg5[%mul3A_13] : memref<327680xi32, #tpu.memory_space<hbm>> -> memref<128xi32, #tpu.memory_space<hbm>>
        %dma_wait3A_249 = arith.constant 0 : i32
        %dma_wait3A_250 = tpu.memref_slice %arg9[%dma_wait3A_244, %dma_wait3A_249] : memref<4x128xi32, #tpu.memory_space<vmem>> -> memref<1x128xi32, #tpu.memory_space<vmem>>
        %dma_wait3A_251 = tpu.memref_squeeze %dma_wait3A_250 : memref<1x128xi32, #tpu.memory_space<vmem>> -> memref<128xi32, #tpu.memory_space<vmem>>
        %dma_wait3A_252 = tpu.memref_slice %arg5[%mul3A_13] : memref<327680xi32, #tpu.memory_space<hbm>> -> memref<128xi32, #tpu.memory_space<hbm>>
        tpu.wait_dma2 semaphore(%arg19 : memref<!tpu.dma_semaphore, #tpu.memory_space<semaphore_mem>>) src(%dma_wait3A_252 : memref<128xi32, #tpu.memory_space<hbm>>) dst(%dma_wait3A_251 : memref<128xi32, #tpu.memory_space<vmem>>)
        %dma_start3A_253 = arith.constant 2 : i32
        %dma_start3A_254 = arith.constant 0 : i32
        %dma_start3A_255 = tpu.memref_slice %arg8[%dma_start3A_253, %dma_start3A_254] : memref<4x128xi32, #tpu.memory_space<vmem>> -> memref<1x128xi32, #tpu.memory_space<vmem>>
        %dma_start3A_256 = tpu.memref_squeeze %dma_start3A_255 : memref<1x128xi32, #tpu.memory_space<vmem>> -> memref<128xi32, #tpu.memory_space<vmem>>
        %dma_start3A_257 = arith.constant 0 : i32
        %dma_start3A_258 = arith.constant 0 : i32
        %dma_start3A_259 = tpu.memref_slice %arg2[%dma_start3A_257, %dma_start3A_258] : memref<10112x128xf32, #tpu.memory_space<hbm>> -> memref<10112x128xf32, #tpu.memory_space<hbm>>
        tpu.enqueue_indirect_dma source(%dma_start3A_259 : memref<10112x128xf32, #tpu.memory_space<hbm>>) target(%arg10 : memref<128x128xf32, #tpu.memory_space<vmem>>) offsets(%dma_start3A_256 : memref<128xi32, #tpu.memory_space<vmem>>) semaphore(%arg13 : memref<!tpu.dma_semaphore, #tpu.memory_space<semaphore_mem>>)
        %dma_wait3A_260 = arith.constant 1 : i32
        %dma_wait3A_261 = arith.constant 0 : i32
        %dma_wait3A_262 = tpu.memref_slice %arg8[%dma_wait3A_260, %dma_wait3A_261] : memref<4x128xi32, #tpu.memory_space<vmem>> -> memref<1x128xi32, #tpu.memory_space<vmem>>
        %dma_wait3A_263 = tpu.memref_squeeze %dma_wait3A_262 : memref<1x128xi32, #tpu.memory_space<vmem>> -> memref<128xi32, #tpu.memory_space<vmem>>
        %dma_wait3A_264 = arith.constant 0 : i32
        %dma_wait3A_265 = arith.constant 0 : i32
        %dma_wait3A_266 = tpu.memref_slice %arg2[%dma_wait3A_264, %dma_wait3A_265] : memref<10112x128xf32, #tpu.memory_space<hbm>> -> memref<10112x128xf32, #tpu.memory_space<hbm>>
        tpu.wait_indirect_dma semaphore(%arg14 : memref<!tpu.dma_semaphore, #tpu.memory_space<semaphore_mem>>) src(%dma_wait3A_266 : memref<10112x128xf32, #tpu.memory_space<hbm>>) dst(%arg11 : memref<128x128xf32, #tpu.memory_space<vmem>>)
        %dma_start3A_267 = arith.constant 1 : i32
        %dma_start3A_268 = arith.constant 0 : i32
        %dma_start3A_269 = tpu.memref_slice %arg9[%dma_start3A_267, %dma_start3A_268] : memref<4x128xi32, #tpu.memory_space<vmem>> -> memref<1x128xi32, #tpu.memory_space<vmem>>
        %dma_start3A_270 = tpu.memref_squeeze %dma_start3A_269 : memref<1x128xi32, #tpu.memory_space<vmem>> -> memref<128xi32, #tpu.memory_space<vmem>>
        %dma_start3A_271 = arith.constant 0 : i32
        %dma_start3A_272 = arith.constant 0 : i32
        %dma_start3A_273 = tpu.memref_slice %arg12[%dma_start3A_271, %dma_start3A_272] : memref<10112x128xf32, #tpu.memory_space<vmem_shared>> -> memref<10112x128xf32, #tpu.memory_space<vmem_shared>>
        tpu.enqueue_indirect_dma source(%arg11 : memref<128x128xf32, #tpu.memory_space<vmem>>) target(%dma_start3A_273 : memref<10112x128xf32, #tpu.memory_space<vmem_shared>>) offsets(%dma_start3A_270 : memref<128xi32, #tpu.memory_space<vmem>>) semaphore(%arg16 : memref<!tpu.dma_semaphore, #tpu.memory_space<semaphore_mem>>) {add = true}
        %dma_wait3A_274 = arith.constant 0 : i32
        %dma_wait3A_275 = arith.constant 0 : i32
        %dma_wait3A_276 = tpu.memref_slice %arg9[%dma_wait3A_274, %dma_wait3A_275] : memref<4x128xi32, #tpu.memory_space<vmem>> -> memref<1x128xi32, #tpu.memory_space<vmem>>
        %dma_wait3A_277 = tpu.memref_squeeze %dma_wait3A_276 : memref<1x128xi32, #tpu.memory_space<vmem>> -> memref<128xi32, #tpu.memory_space<vmem>>
        %dma_wait3A_278 = arith.constant 0 : i32
        %dma_wait3A_279 = arith.constant 0 : i32
        %dma_wait3A_280 = tpu.memref_slice %arg12[%dma_wait3A_278, %dma_wait3A_279] : memref<10112x128xf32, #tpu.memory_space<vmem_shared>> -> memref<10112x128xf32, #tpu.memory_space<vmem_shared>>
        tpu.wait_indirect_dma semaphore(%arg16 : memref<!tpu.dma_semaphore, #tpu.memory_space<semaphore_mem>>) src(%arg11 : memref<128x128xf32, #tpu.memory_space<vmem>>) dst(%dma_wait3A_280 : memref<10112x128xf32, #tpu.memory_space<vmem_shared>>)
        %add3A_281 = arith.constant 4 : i32
        %add3A_282 = arith.addi %add3A_93, %add3A_281 : i32
        %lt3A_283 = arith.constant 80 : i32
        %lt3A_284 = arith.cmpi slt, %add3A_282, %lt3A_283 : i32
        %convert_element_type3A_285 = arith.extui %lt3A_284 : i1 to i32
        %cond3A_286 = arith.constant 0 : i32
        %cond3A_287 = arith.cmpi ne, %convert_element_type3A_285, %cond3A_286 : i32
        scf.if %cond3A_287 {
          %add3A_327 = arith.constant 3 : i32
          %add3A_328 = arith.addi %add3A_93, %add3A_327 : i32
          %add3A_329 = arith.constant 2 : i32
          %add3A_330 = arith.addi %add3A_328, %add3A_329 : i32
          %mul3A_331 = arith.constant 128 : i32
          %mul3A_332 = arith.muli %add3A_330, %mul3A_331 : i32
          %add3A_333 = arith.addi %mul3A_13, %mul3A_332 : i32
          %dma_start3A_334 = arith.constant 1 : i32
          %dma_start3A_335 = arith.constant 0 : i32
          %dma_start3A_336 = tpu.memref_slice %arg8[%dma_start3A_334, %dma_start3A_335] : memref<4x128xi32, #tpu.memory_space<vmem>> -> memref<1x128xi32, #tpu.memory_space<vmem>>
          %dma_start3A_337 = tpu.memref_squeeze %dma_start3A_336 : memref<1x128xi32, #tpu.memory_space<vmem>> -> memref<128xi32, #tpu.memory_space<vmem>>
          %dma_start3A_338 = tpu.memref_slice %arg4[%add3A_333] : memref<327680xi32, #tpu.memory_space<hbm>> -> memref<128xi32, #tpu.memory_space<hbm>>
          %dma_start3A_339 = arith.constant 0 : i32
          %dma_start3A_340 = tpu.memref_slice %arg8[%dma_start3A_334, %dma_start3A_339] : memref<4x128xi32, #tpu.memory_space<vmem>> -> memref<1x128xi32, #tpu.memory_space<vmem>>
          %dma_start3A_341 = tpu.memref_squeeze %dma_start3A_340 : memref<1x128xi32, #tpu.memory_space<vmem>> -> memref<128xi32, #tpu.memory_space<vmem>>
          %dma_start3A_342 = tpu.memref_slice %arg4[%add3A_333] : memref<327680xi32, #tpu.memory_space<hbm>> -> memref<128xi32, #tpu.memory_space<hbm>>
          tpu.enqueue_dma source(%dma_start3A_342 : memref<128xi32, #tpu.memory_space<hbm>>) target(%dma_start3A_341 : memref<128xi32, #tpu.memory_space<vmem>>) target_semaphore(%arg18 : memref<!tpu.dma_semaphore, #tpu.memory_space<semaphore_mem>>)
          %dma_start3A_343 = arith.constant 1 : i32
          %dma_start3A_344 = arith.constant 0 : i32
          %dma_start3A_345 = tpu.memref_slice %arg9[%dma_start3A_343, %dma_start3A_344] : memref<4x128xi32, #tpu.memory_space<vmem>> -> memref<1x128xi32, #tpu.memory_space<vmem>>
          %dma_start3A_346 = tpu.memref_squeeze %dma_start3A_345 : memref<1x128xi32, #tpu.memory_space<vmem>> -> memref<128xi32, #tpu.memory_space<vmem>>
          %dma_start3A_347 = tpu.memref_slice %arg5[%add3A_333] : memref<327680xi32, #tpu.memory_space<hbm>> -> memref<128xi32, #tpu.memory_space<hbm>>
          %dma_start3A_348 = arith.constant 0 : i32
          %dma_start3A_349 = tpu.memref_slice %arg9[%dma_start3A_343, %dma_start3A_348] : memref<4x128xi32, #tpu.memory_space<vmem>> -> memref<1x128xi32, #tpu.memory_space<vmem>>
          %dma_start3A_350 = tpu.memref_squeeze %dma_start3A_349 : memref<1x128xi32, #tpu.memory_space<vmem>> -> memref<128xi32, #tpu.memory_space<vmem>>
          %dma_start3A_351 = tpu.memref_slice %arg5[%add3A_333] : memref<327680xi32, #tpu.memory_space<hbm>> -> memref<128xi32, #tpu.memory_space<hbm>>
          tpu.enqueue_dma source(%dma_start3A_351 : memref<128xi32, #tpu.memory_space<hbm>>) target(%dma_start3A_350 : memref<128xi32, #tpu.memory_space<vmem>>) target_semaphore(%arg18 : memref<!tpu.dma_semaphore, #tpu.memory_space<semaphore_mem>>)
        } else {
        }
        %dma_wait3A_288 = arith.constant 3 : i32
        %dma_wait3A_289 = arith.constant 0 : i32
        %dma_wait3A_290 = tpu.memref_slice %arg8[%dma_wait3A_288, %dma_wait3A_289] : memref<4x128xi32, #tpu.memory_space<vmem>> -> memref<1x128xi32, #tpu.memory_space<vmem>>
        %dma_wait3A_291 = tpu.memref_squeeze %dma_wait3A_290 : memref<1x128xi32, #tpu.memory_space<vmem>> -> memref<128xi32, #tpu.memory_space<vmem>>
        %dma_wait3A_292 = tpu.memref_slice %arg4[%mul3A_13] : memref<327680xi32, #tpu.memory_space<hbm>> -> memref<128xi32, #tpu.memory_space<hbm>>
        %dma_wait3A_293 = arith.constant 0 : i32
        %dma_wait3A_294 = tpu.memref_slice %arg8[%dma_wait3A_288, %dma_wait3A_293] : memref<4x128xi32, #tpu.memory_space<vmem>> -> memref<1x128xi32, #tpu.memory_space<vmem>>
        %dma_wait3A_295 = tpu.memref_squeeze %dma_wait3A_294 : memref<1x128xi32, #tpu.memory_space<vmem>> -> memref<128xi32, #tpu.memory_space<vmem>>
        %dma_wait3A_296 = tpu.memref_slice %arg4[%mul3A_13] : memref<327680xi32, #tpu.memory_space<hbm>> -> memref<128xi32, #tpu.memory_space<hbm>>
        tpu.wait_dma2 semaphore(%arg20 : memref<!tpu.dma_semaphore, #tpu.memory_space<semaphore_mem>>) src(%dma_wait3A_296 : memref<128xi32, #tpu.memory_space<hbm>>) dst(%dma_wait3A_295 : memref<128xi32, #tpu.memory_space<vmem>>)
        %dma_wait3A_297 = arith.constant 3 : i32
        %dma_wait3A_298 = arith.constant 0 : i32
        %dma_wait3A_299 = tpu.memref_slice %arg9[%dma_wait3A_297, %dma_wait3A_298] : memref<4x128xi32, #tpu.memory_space<vmem>> -> memref<1x128xi32, #tpu.memory_space<vmem>>
        %dma_wait3A_300 = tpu.memref_squeeze %dma_wait3A_299 : memref<1x128xi32, #tpu.memory_space<vmem>> -> memref<128xi32, #tpu.memory_space<vmem>>
        %dma_wait3A_301 = tpu.memref_slice %arg5[%mul3A_13] : memref<327680xi32, #tpu.memory_space<hbm>> -> memref<128xi32, #tpu.memory_space<hbm>>
        %dma_wait3A_302 = arith.constant 0 : i32
        %dma_wait3A_303 = tpu.memref_slice %arg9[%dma_wait3A_297, %dma_wait3A_302] : memref<4x128xi32, #tpu.memory_space<vmem>> -> memref<1x128xi32, #tpu.memory_space<vmem>>
        %dma_wait3A_304 = tpu.memref_squeeze %dma_wait3A_303 : memref<1x128xi32, #tpu.memory_space<vmem>> -> memref<128xi32, #tpu.memory_space<vmem>>
        %dma_wait3A_305 = tpu.memref_slice %arg5[%mul3A_13] : memref<327680xi32, #tpu.memory_space<hbm>> -> memref<128xi32, #tpu.memory_space<hbm>>
        tpu.wait_dma2 semaphore(%arg20 : memref<!tpu.dma_semaphore, #tpu.memory_space<semaphore_mem>>) src(%dma_wait3A_305 : memref<128xi32, #tpu.memory_space<hbm>>) dst(%dma_wait3A_304 : memref<128xi32, #tpu.memory_space<vmem>>)
        %dma_start3A_306 = arith.constant 3 : i32
        %dma_start3A_307 = arith.constant 0 : i32
        %dma_start3A_308 = tpu.memref_slice %arg8[%dma_start3A_306, %dma_start3A_307] : memref<4x128xi32, #tpu.memory_space<vmem>> -> memref<1x128xi32, #tpu.memory_space<vmem>>
        %dma_start3A_309 = tpu.memref_squeeze %dma_start3A_308 : memref<1x128xi32, #tpu.memory_space<vmem>> -> memref<128xi32, #tpu.memory_space<vmem>>
        %dma_start3A_310 = arith.constant 0 : i32
        %dma_start3A_311 = arith.constant 0 : i32
        %dma_start3A_312 = tpu.memref_slice %arg2[%dma_start3A_310, %dma_start3A_311] : memref<10112x128xf32, #tpu.memory_space<hbm>> -> memref<10112x128xf32, #tpu.memory_space<hbm>>
        tpu.enqueue_indirect_dma source(%dma_start3A_312 : memref<10112x128xf32, #tpu.memory_space<hbm>>) target(%arg11 : memref<128x128xf32, #tpu.memory_space<vmem>>) offsets(%dma_start3A_309 : memref<128xi32, #tpu.memory_space<vmem>>) semaphore(%arg14 : memref<!tpu.dma_semaphore, #tpu.memory_space<semaphore_mem>>)
        %dma_wait3A_313 = arith.constant 2 : i32
        %dma_wait3A_314 = arith.constant 0 : i32
        %dma_wait3A_315 = tpu.memref_slice %arg8[%dma_wait3A_313, %dma_wait3A_314] : memref<4x128xi32, #tpu.memory_space<vmem>> -> memref<1x128xi32, #tpu.memory_space<vmem>>
        %dma_wait3A_316 = tpu.memref_squeeze %dma_wait3A_315 : memref<1x128xi32, #tpu.memory_space<vmem>> -> memref<128xi32, #tpu.memory_space<vmem>>
        %dma_wait3A_317 = arith.constant 0 : i32
        %dma_wait3A_318 = arith.constant 0 : i32
        %dma_wait3A_319 = tpu.memref_slice %arg2[%dma_wait3A_317, %dma_wait3A_318] : memref<10112x128xf32, #tpu.memory_space<hbm>> -> memref<10112x128xf32, #tpu.memory_space<hbm>>
        tpu.wait_indirect_dma semaphore(%arg13 : memref<!tpu.dma_semaphore, #tpu.memory_space<semaphore_mem>>) src(%dma_wait3A_319 : memref<10112x128xf32, #tpu.memory_space<hbm>>) dst(%arg10 : memref<128x128xf32, #tpu.memory_space<vmem>>)
        %dma_start3A_320 = arith.constant 2 : i32
        %dma_start3A_321 = arith.constant 0 : i32
        %dma_start3A_322 = tpu.memref_slice %arg9[%dma_start3A_320, %dma_start3A_321] : memref<4x128xi32, #tpu.memory_space<vmem>> -> memref<1x128xi32, #tpu.memory_space<vmem>>
        %dma_start3A_323 = tpu.memref_squeeze %dma_start3A_322 : memref<1x128xi32, #tpu.memory_space<vmem>> -> memref<128xi32, #tpu.memory_space<vmem>>
        %dma_start3A_324 = arith.constant 0 : i32
        %dma_start3A_325 = arith.constant 0 : i32
        %dma_start3A_326 = tpu.memref_slice %arg12[%dma_start3A_324, %dma_start3A_325] : memref<10112x128xf32, #tpu.memory_space<vmem_shared>> -> memref<10112x128xf32, #tpu.memory_space<vmem_shared>>
        tpu.enqueue_indirect_dma source(%arg10 : memref<128x128xf32, #tpu.memory_space<vmem>>) target(%dma_start3A_326 : memref<10112x128xf32, #tpu.memory_space<vmem_shared>>) offsets(%dma_start3A_323 : memref<128xi32, #tpu.memory_space<vmem>>) semaphore(%arg15 : memref<!tpu.dma_semaphore, #tpu.memory_space<semaphore_mem>>) {add = true}
      }
      %scan3A_56 = arith.constant 20 : i32
      %dma_wait3A = arith.constant 3 : i32
      %dma_wait3A_57 = arith.constant 0 : i32
      %dma_wait3A_58 = tpu.memref_slice %arg8[%dma_wait3A, %dma_wait3A_57] : memref<4x128xi32, #tpu.memory_space<vmem>> -> memref<1x128xi32, #tpu.memory_space<vmem>>
      %dma_wait3A_59 = tpu.memref_squeeze %dma_wait3A_58 : memref<1x128xi32, #tpu.memory_space<vmem>> -> memref<128xi32, #tpu.memory_space<vmem>>
      %dma_wait3A_60 = arith.constant 0 : i32
      %dma_wait3A_61 = arith.constant 0 : i32
      %dma_wait3A_62 = tpu.memref_slice %arg2[%dma_wait3A_60, %dma_wait3A_61] : memref<10112x128xf32, #tpu.memory_space<hbm>> -> memref<10112x128xf32, #tpu.memory_space<hbm>>
      tpu.wait_indirect_dma semaphore(%arg14 : memref<!tpu.dma_semaphore, #tpu.memory_space<semaphore_mem>>) src(%dma_wait3A_62 : memref<10112x128xf32, #tpu.memory_space<hbm>>) dst(%arg11 : memref<128x128xf32, #tpu.memory_space<vmem>>)
      %dma_start3A_63 = arith.constant 3 : i32
      %dma_start3A_64 = arith.constant 0 : i32
      %dma_start3A_65 = tpu.memref_slice %arg9[%dma_start3A_63, %dma_start3A_64] : memref<4x128xi32, #tpu.memory_space<vmem>> -> memref<1x128xi32, #tpu.memory_space<vmem>>
      %dma_start3A_66 = tpu.memref_squeeze %dma_start3A_65 : memref<1x128xi32, #tpu.memory_space<vmem>> -> memref<128xi32, #tpu.memory_space<vmem>>
      %dma_start3A_67 = arith.constant 0 : i32
      %dma_start3A_68 = arith.constant 0 : i32
      %dma_start3A_69 = tpu.memref_slice %arg12[%dma_start3A_67, %dma_start3A_68] : memref<10112x128xf32, #tpu.memory_space<vmem_shared>> -> memref<10112x128xf32, #tpu.memory_space<vmem_shared>>
      tpu.enqueue_indirect_dma source(%arg11 : memref<128x128xf32, #tpu.memory_space<vmem>>) target(%dma_start3A_69 : memref<10112x128xf32, #tpu.memory_space<vmem_shared>>) offsets(%dma_start3A_66 : memref<128xi32, #tpu.memory_space<vmem>>) semaphore(%arg16 : memref<!tpu.dma_semaphore, #tpu.memory_space<semaphore_mem>>) {add = true}
      %dma_wait3A_70 = arith.constant 0 : i32
      %dma_wait3A_71 = arith.constant 0 : i32
      %dma_wait3A_72 = tpu.memref_slice %arg9[%dma_wait3A_70, %dma_wait3A_71] : memref<4x128xi32, #tpu.memory_space<vmem>> -> memref<1x128xi32, #tpu.memory_space<vmem>>
      %dma_wait3A_73 = tpu.memref_squeeze %dma_wait3A_72 : memref<1x128xi32, #tpu.memory_space<vmem>> -> memref<128xi32, #tpu.memory_space<vmem>>
      %dma_wait3A_74 = arith.constant 0 : i32
      %dma_wait3A_75 = arith.constant 0 : i32
      %dma_wait3A_76 = tpu.memref_slice %arg12[%dma_wait3A_74, %dma_wait3A_75] : memref<10112x128xf32, #tpu.memory_space<vmem_shared>> -> memref<10112x128xf32, #tpu.memory_space<vmem_shared>>
      tpu.wait_indirect_dma semaphore(%arg15 : memref<!tpu.dma_semaphore, #tpu.memory_space<semaphore_mem>>) src(%arg10 : memref<128x128xf32, #tpu.memory_space<vmem>>) dst(%dma_wait3A_76 : memref<10112x128xf32, #tpu.memory_space<vmem_shared>>)
      %dma_wait3A_77 = arith.constant 0 : i32
      %dma_wait3A_78 = arith.constant 0 : i32
      %dma_wait3A_79 = tpu.memref_slice %arg9[%dma_wait3A_77, %dma_wait3A_78] : memref<4x128xi32, #tpu.memory_space<vmem>> -> memref<1x128xi32, #tpu.memory_space<vmem>>
      %dma_wait3A_80 = tpu.memref_squeeze %dma_wait3A_79 : memref<1x128xi32, #tpu.memory_space<vmem>> -> memref<128xi32, #tpu.memory_space<vmem>>
      %dma_wait3A_81 = arith.constant 0 : i32
      %dma_wait3A_82 = arith.constant 0 : i32
      %dma_wait3A_83 = tpu.memref_slice %arg12[%dma_wait3A_81, %dma_wait3A_82] : memref<10112x128xf32, #tpu.memory_space<vmem_shared>> -> memref<10112x128xf32, #tpu.memory_space<vmem_shared>>
      tpu.wait_indirect_dma semaphore(%arg16 : memref<!tpu.dma_semaphore, #tpu.memory_space<semaphore_mem>>) src(%arg11 : memref<128x128xf32, #tpu.memory_space<vmem>>) dst(%dma_wait3A_83 : memref<10112x128xf32, #tpu.memory_space<vmem_shared>>)
      %barrier3A_84 = arith.constant 0 : index
      tpu.barrier barrier_id(%barrier3A_84)
      %mul3A_85 = arith.constant 632 : i32
      %mul3A_86 = arith.muli %arg1, %mul3A_85 : i32
      %mul3A_87 = arith.constant 632 : i32
      %mul3A_88 = arith.muli %arg1, %mul3A_87 : i32
      "tpu.region"() ({
        %run_scoped3A = tpu.sem_alloc : memref<!tpu.dma_semaphore, #tpu.memory_space<semaphore_mem>>
        %dma_start3A_89 = arith.constant 0 : i32
        %dma_start3A_90 = tpu.memref_slice %arg7[%mul3A_88, %dma_start3A_89] : memref<10112x128xf32, #tpu.memory_space<hbm>> -> memref<632x128xf32, #tpu.memory_space<hbm>>
        %dma_start3A_91 = arith.constant 0 : i32
        %dma_start3A_92 = tpu.memref_slice %arg12[%mul3A_86, %dma_start3A_91] : memref<10112x128xf32, #tpu.memory_space<vmem_shared>> -> memref<632x128xf32, #tpu.memory_space<vmem_shared>>
        tpu.enqueue_dma source(%dma_start3A_92 : memref<632x128xf32, #tpu.memory_space<vmem_shared>>) target(%dma_start3A_90 : memref<632x128xf32, #tpu.memory_space<hbm>>) target_semaphore(%run_scoped3A : memref<!tpu.dma_semaphore, #tpu.memory_space<semaphore_mem>>)
        %dma_wait3A_93 = arith.constant 0 : i32
        %dma_wait3A_94 = tpu.memref_slice %arg7[%mul3A_88, %dma_wait3A_93] : memref<10112x128xf32, #tpu.memory_space<hbm>> -> memref<632x128xf32, #tpu.memory_space<hbm>>
        %dma_wait3A_95 = arith.constant 0 : i32
        %dma_wait3A_96 = tpu.memref_slice %arg12[%mul3A_86, %dma_wait3A_95] : memref<10112x128xf32, #tpu.memory_space<vmem_shared>> -> memref<632x128xf32, #tpu.memory_space<vmem_shared>>
        tpu.wait_dma2 semaphore(%run_scoped3A : memref<!tpu.dma_semaphore, #tpu.memory_space<semaphore_mem>>) src(%dma_wait3A_96 : memref<632x128xf32, #tpu.memory_space<vmem_shared>>) dst(%dma_wait3A_94 : memref<632x128xf32, #tpu.memory_space<hbm>>)
        tpu.yield
      }) : () -> ()
    } else {
    }
    return
  }
}

#map = affine_map<(d0, d1) -> (0, 0)>
#map1 = affine_map<(d0, d1) -> (0)>
module attributes {stable_mosaic.version = 14 : i64} {
  func.func @agg_kernel(%arg0: i32, %arg1: i32, %arg2: memref<10112x128xf32, #tpu.memory_space<hbm>>, %arg3: memref<10112x128xf32, #tpu.memory_space<hbm>>, %arg4: memref<327680xi32, #tpu.memory_space<hbm>>, %arg5: memref<327680xi32, #tpu.memory_space<hbm>>, %arg6: memref<10112x128xf32, #tpu.memory_space<hbm>>, %arg7: memref<10112x128xf32, #tpu.memory_space<hbm>>, %arg8: memref<4x128xi32, #tpu.memory_space<vmem>>, %arg9: memref<4x128xi32, #tpu.memory_space<vmem>>, %arg10: memref<128x128xf32, #tpu.memory_space<vmem>>, %arg11: memref<128x128xf32, #tpu.memory_space<vmem>>, %arg12: memref<10112x128xf32, #tpu.memory_space<vmem_shared>>, %arg13: memref<!tpu.dma_semaphore, #tpu.memory_space<semaphore_mem>>, %arg14: memref<!tpu.dma_semaphore, #tpu.memory_space<semaphore_mem>>, %arg15: memref<!tpu.dma_semaphore, #tpu.memory_space<semaphore_mem>>, %arg16: memref<!tpu.dma_semaphore, #tpu.memory_space<semaphore_mem>>, %arg17: memref<!tpu.dma_semaphore, #tpu.memory_space<semaphore_mem>>, %arg18: memref<!tpu.dma_semaphore, #tpu.memory_space<semaphore_mem>>, %arg19: memref<!tpu.dma_semaphore, #tpu.memory_space<semaphore_mem>>, %arg20: memref<!tpu.dma_semaphore, #tpu.memory_space<semaphore_mem>>) attributes {dimension_semantics = [#tpu.dimension_semantics<core_parallel>, #tpu.dimension_semantics<subcore_parallel>], iteration_bounds = array<i64: 2, 16>, scalar_prefetch = 0 : i64, scratch_operands = 13 : i64, tpu.core_type = #tpu.core_type<sc_vector_subcore>, window_params = [{transform_indices = #map}, {transform_indices = #map}, {transform_indices = #map1}, {transform_indices = #map1}, {transform_indices = #map}, {transform_indices = #map}]} {
    %eq3A = arith.constant 0 : i32
    %eq3A_0 = arith.cmpi eq, %arg0, %eq3A : i32
    %convert_element_type3A = arith.extui %eq3A_0 : i1 to i32
    %cond3A = arith.constant 0 : i32
    %cond3A_1 = arith.cmpi ne, %convert_element_type3A, %cond3A : i32
    scf.if %cond3A_1 {
      %mul3A = arith.constant 632 : i32
      %mul3A_7 = arith.muli %arg1, %mul3A : i32
      %mul3A_8 = arith.constant 632 : i32
      %mul3A_9 = arith.muli %arg1, %mul3A_8 : i32
      "tpu.region"() ({
        %run_scoped3A = tpu.sem_alloc : memref<!tpu.dma_semaphore, #tpu.memory_space<semaphore_mem>>
        %dma_start3A_86 = arith.constant 0 : i32
        %dma_start3A_87 = tpu.memref_slice %arg12[%mul3A_9, %dma_start3A_86] : memref<10112x128xf32, #tpu.memory_space<vmem_shared>> -> memref<632x128xf32, #tpu.memory_space<vmem_shared>>
        %dma_start3A_88 = arith.constant 0 : i32
        %dma_start3A_89 = tpu.memref_slice %arg2[%mul3A_7, %dma_start3A_88] : memref<10112x128xf32, #tpu.memory_space<hbm>> -> memref<632x128xf32, #tpu.memory_space<hbm>>
        tpu.enqueue_dma source(%dma_start3A_89 : memref<632x128xf32, #tpu.memory_space<hbm>>) target(%dma_start3A_87 : memref<632x128xf32, #tpu.memory_space<vmem_shared>>) target_semaphore(%run_scoped3A : memref<!tpu.dma_semaphore, #tpu.memory_space<semaphore_mem>>)
        %dma_wait3A_90 = arith.constant 0 : i32
        %dma_wait3A_91 = tpu.memref_slice %arg12[%mul3A_9, %dma_wait3A_90] : memref<10112x128xf32, #tpu.memory_space<vmem_shared>> -> memref<632x128xf32, #tpu.memory_space<vmem_shared>>
        %dma_wait3A_92 = arith.constant 0 : i32
        %dma_wait3A_93 = tpu.memref_slice %arg2[%mul3A_7, %dma_wait3A_92] : memref<10112x128xf32, #tpu.memory_space<hbm>> -> memref<632x128xf32, #tpu.memory_space<hbm>>
        tpu.wait_dma2 semaphore(%run_scoped3A : memref<!tpu.dma_semaphore, #tpu.memory_space<semaphore_mem>>) src(%dma_wait3A_93 : memref<632x128xf32, #tpu.memory_space<hbm>>) dst(%dma_wait3A_91 : memref<632x128xf32, #tpu.memory_space<vmem_shared>>)
        tpu.yield
      }) : () -> ()
      %barrier3A = arith.constant 0 : index
      tpu.barrier barrier_id(%barrier3A)
      %mul3A_10 = arith.constant 20480 : i32
      %mul3A_11 = arith.muli %arg1, %mul3A_10 : i32
      %add3A = arith.constant 0 : i32
      %add3A_12 = arith.addi %mul3A_11, %add3A : i32
      %dma_start3A = arith.constant 0 : i32
      %dma_start3A_13 = arith.constant 0 : i32
      %dma_start3A_14 = tpu.memref_slice %arg8[%dma_start3A, %dma_start3A_13] : memref<4x128xi32, #tpu.memory_space<vmem>> -> memref<1x128xi32, #tpu.memory_space<vmem>>
      %dma_start3A_15 = tpu.memref_squeeze %dma_start3A_14 : memref<1x128xi32, #tpu.memory_space<vmem>> -> memref<128xi32, #tpu.memory_space<vmem>>
      %dma_start3A_16 = tpu.memref_slice %arg4[%add3A_12] : memref<327680xi32, #tpu.memory_space<hbm>> -> memref<128xi32, #tpu.memory_space<hbm>>
      %dma_start3A_17 = arith.constant 0 : i32
      %dma_start3A_18 = tpu.memref_slice %arg8[%dma_start3A, %dma_start3A_17] : memref<4x128xi32, #tpu.memory_space<vmem>> -> memref<1x128xi32, #tpu.memory_space<vmem>>
      %dma_start3A_19 = tpu.memref_squeeze %dma_start3A_18 : memref<1x128xi32, #tpu.memory_space<vmem>> -> memref<128xi32, #tpu.memory_space<vmem>>
      %dma_start3A_20 = tpu.memref_slice %arg4[%add3A_12] : memref<327680xi32, #tpu.memory_space<hbm>> -> memref<128xi32, #tpu.memory_space<hbm>>
      tpu.enqueue_dma source(%dma_start3A_20 : memref<128xi32, #tpu.memory_space<hbm>>) target(%dma_start3A_19 : memref<128xi32, #tpu.memory_space<vmem>>) target_semaphore(%arg17 : memref<!tpu.dma_semaphore, #tpu.memory_space<semaphore_mem>>)
      %dma_start3A_21 = arith.constant 0 : i32
      %dma_start3A_22 = arith.constant 0 : i32
      %dma_start3A_23 = tpu.memref_slice %arg9[%dma_start3A_21, %dma_start3A_22] : memref<4x128xi32, #tpu.memory_space<vmem>> -> memref<1x128xi32, #tpu.memory_space<vmem>>
      %dma_start3A_24 = tpu.memref_squeeze %dma_start3A_23 : memref<1x128xi32, #tpu.memory_space<vmem>> -> memref<128xi32, #tpu.memory_space<vmem>>
      %dma_start3A_25 = tpu.memref_slice %arg5[%add3A_12] : memref<327680xi32, #tpu.memory_space<hbm>> -> memref<128xi32, #tpu.memory_space<hbm>>
      %dma_start3A_26 = arith.constant 0 : i32
      %dma_start3A_27 = tpu.memref_slice %arg9[%dma_start3A_21, %dma_start3A_26] : memref<4x128xi32, #tpu.memory_space<vmem>> -> memref<1x128xi32, #tpu.memory_space<vmem>>
      %dma_start3A_28 = tpu.memref_squeeze %dma_start3A_27 : memref<1x128xi32, #tpu.memory_space<vmem>> -> memref<128xi32, #tpu.memory_space<vmem>>
      %dma_start3A_29 = tpu.memref_slice %arg5[%add3A_12] : memref<327680xi32, #tpu.memory_space<hbm>> -> memref<128xi32, #tpu.memory_space<hbm>>
      tpu.enqueue_dma source(%dma_start3A_29 : memref<128xi32, #tpu.memory_space<hbm>>) target(%dma_start3A_28 : memref<128xi32, #tpu.memory_space<vmem>>) target_semaphore(%arg17 : memref<!tpu.dma_semaphore, #tpu.memory_space<semaphore_mem>>)
      %add3A_30 = arith.constant 128 : i32
      %add3A_31 = arith.addi %mul3A_11, %add3A_30 : i32
      %dma_start3A_32 = arith.constant 1 : i32
      %dma_start3A_33 = arith.constant 0 : i32
      %dma_start3A_34 = tpu.memref_slice %arg8[%dma_start3A_32, %dma_start3A_33] : memref<4x128xi32, #tpu.memory_space<vmem>> -> memref<1x128xi32, #tpu.memory_space<vmem>>
      %dma_start3A_35 = tpu.memref_squeeze %dma_start3A_34 : memref<1x128xi32, #tpu.memory_space<vmem>> -> memref<128xi32, #tpu.memory_space<vmem>>
      %dma_start3A_36 = tpu.memref_slice %arg4[%add3A_31] : memref<327680xi32, #tpu.memory_space<hbm>> -> memref<128xi32, #tpu.memory_space<hbm>>
      %dma_start3A_37 = arith.constant 0 : i32
      %dma_start3A_38 = tpu.memref_slice %arg8[%dma_start3A_32, %dma_start3A_37] : memref<4x128xi32, #tpu.memory_space<vmem>> -> memref<1x128xi32, #tpu.memory_space<vmem>>
      %dma_start3A_39 = tpu.memref_squeeze %dma_start3A_38 : memref<1x128xi32, #tpu.memory_space<vmem>> -> memref<128xi32, #tpu.memory_space<vmem>>
      %dma_start3A_40 = tpu.memref_slice %arg4[%add3A_31] : memref<327680xi32, #tpu.memory_space<hbm>> -> memref<128xi32, #tpu.memory_space<hbm>>
      tpu.enqueue_dma source(%dma_start3A_40 : memref<128xi32, #tpu.memory_space<hbm>>) target(%dma_start3A_39 : memref<128xi32, #tpu.memory_space<vmem>>) target_semaphore(%arg18 : memref<!tpu.dma_semaphore, #tpu.memory_space<semaphore_mem>>)
      %dma_start3A_41 = arith.constant 1 : i32
      %dma_start3A_42 = arith.constant 0 : i32
      %dma_start3A_43 = tpu.memref_slice %arg9[%dma_start3A_41, %dma_start3A_42] : memref<4x128xi32, #tpu.memory_space<vmem>> -> memref<1x128xi32, #tpu.memory_space<vmem>>
      %dma_start3A_44 = tpu.memref_squeeze %dma_start3A_43 : memref<1x128xi32, #tpu.memory_space<vmem>> -> memref<128xi32, #tpu.memory_space<vmem>>
      %dma_start3A_45 = tpu.memref_slice %arg5[%add3A_31] : memref<327680xi32, #tpu.memory_space<hbm>> -> memref<128xi32, #tpu.memory_space<hbm>>
      %dma_start3A_46 = arith.constant 0 : i32
      %dma_start3A_47 = tpu.memref_slice %arg9[%dma_start3A_41, %dma_start3A_46] : memref<4x128xi32, #tpu.memory_space<vmem>> -> memref<1x128xi32, #tpu.memory_space<vmem>>
      %dma_start3A_48 = tpu.memref_squeeze %dma_start3A_47 : memref<1x128xi32, #tpu.memory_space<vmem>> -> memref<128xi32, #tpu.memory_space<vmem>>
      %dma_start3A_49 = tpu.memref_slice %arg5[%add3A_31] : memref<327680xi32, #tpu.memory_space<hbm>> -> memref<128xi32, #tpu.memory_space<hbm>>
      tpu.enqueue_dma source(%dma_start3A_49 : memref<128xi32, #tpu.memory_space<hbm>>) target(%dma_start3A_48 : memref<128xi32, #tpu.memory_space<vmem>>) target_semaphore(%arg18 : memref<!tpu.dma_semaphore, #tpu.memory_space<semaphore_mem>>)
      %scan3A = arith.constant 0 : i32
      %scan3A_50 = arith.constant 40 : i32
      %scan3A_51 = arith.addi %scan3A, %scan3A_50 : i32
      %scan3A_52 = arith.constant 1 : i32
      scf.for %scan3A_86 = %scan3A to %scan3A_51 step %scan3A_52  : i32 {
        %mul3A_87 = arith.constant 4 : i32
        %mul3A_88 = arith.muli %scan3A_86, %mul3A_87 : i32
        %add3A_89 = arith.constant 0 : i32
        %add3A_90 = arith.addi %add3A_89, %mul3A_88 : i32
        %ge3A = arith.constant 4 : i32
        %ge3A_91 = arith.cmpi sge, %add3A_90, %ge3A : i32
        %convert_element_type3A_92 = arith.extui %ge3A_91 : i1 to i32
        %cond3A_93 = arith.constant 0 : i32
        %cond3A_94 = arith.cmpi ne, %convert_element_type3A_92, %cond3A_93 : i32
        scf.if %cond3A_94 {
          %dma_wait3A_324 = arith.constant 0 : i32
          %dma_wait3A_325 = arith.constant 0 : i32
          %dma_wait3A_326 = tpu.memref_slice %arg9[%dma_wait3A_324, %dma_wait3A_325] : memref<4x128xi32, #tpu.memory_space<vmem>> -> memref<1x128xi32, #tpu.memory_space<vmem>>
          %dma_wait3A_327 = tpu.memref_squeeze %dma_wait3A_326 : memref<1x128xi32, #tpu.memory_space<vmem>> -> memref<128xi32, #tpu.memory_space<vmem>>
          %dma_wait3A_328 = arith.constant 0 : i32
          %dma_wait3A_329 = arith.constant 0 : i32
          %dma_wait3A_330 = tpu.memref_slice %arg12[%dma_wait3A_328, %dma_wait3A_329] : memref<10112x128xf32, #tpu.memory_space<vmem_shared>> -> memref<10112x128xf32, #tpu.memory_space<vmem_shared>>
          tpu.wait_indirect_dma semaphore(%arg15 : memref<!tpu.dma_semaphore, #tpu.memory_space<semaphore_mem>>) src(%arg10 : memref<128x128xf32, #tpu.memory_space<vmem>>) dst(%dma_wait3A_330 : memref<10112x128xf32, #tpu.memory_space<vmem_shared>>)
        } else {
        }
        %add3A_95 = arith.constant 0 : i32
        %add3A_96 = arith.addi %add3A_90, %add3A_95 : i32
        %add3A_97 = arith.constant 2 : i32
        %add3A_98 = arith.addi %add3A_96, %add3A_97 : i32
        %mul3A_99 = arith.constant 128 : i32
        %mul3A_100 = arith.muli %add3A_98, %mul3A_99 : i32
        %add3A_101 = arith.addi %mul3A_11, %mul3A_100 : i32
        %dma_start3A_102 = arith.constant 2 : i32
        %dma_start3A_103 = arith.constant 0 : i32
        %dma_start3A_104 = tpu.memref_slice %arg8[%dma_start3A_102, %dma_start3A_103] : memref<4x128xi32, #tpu.memory_space<vmem>> -> memref<1x128xi32, #tpu.memory_space<vmem>>
        %dma_start3A_105 = tpu.memref_squeeze %dma_start3A_104 : memref<1x128xi32, #tpu.memory_space<vmem>> -> memref<128xi32, #tpu.memory_space<vmem>>
        %dma_start3A_106 = tpu.memref_slice %arg4[%add3A_101] : memref<327680xi32, #tpu.memory_space<hbm>> -> memref<128xi32, #tpu.memory_space<hbm>>
        %dma_start3A_107 = arith.constant 0 : i32
        %dma_start3A_108 = tpu.memref_slice %arg8[%dma_start3A_102, %dma_start3A_107] : memref<4x128xi32, #tpu.memory_space<vmem>> -> memref<1x128xi32, #tpu.memory_space<vmem>>
        %dma_start3A_109 = tpu.memref_squeeze %dma_start3A_108 : memref<1x128xi32, #tpu.memory_space<vmem>> -> memref<128xi32, #tpu.memory_space<vmem>>
        %dma_start3A_110 = tpu.memref_slice %arg4[%add3A_101] : memref<327680xi32, #tpu.memory_space<hbm>> -> memref<128xi32, #tpu.memory_space<hbm>>
        tpu.enqueue_dma source(%dma_start3A_110 : memref<128xi32, #tpu.memory_space<hbm>>) target(%dma_start3A_109 : memref<128xi32, #tpu.memory_space<vmem>>) target_semaphore(%arg19 : memref<!tpu.dma_semaphore, #tpu.memory_space<semaphore_mem>>)
        %dma_start3A_111 = arith.constant 2 : i32
        %dma_start3A_112 = arith.constant 0 : i32
        %dma_start3A_113 = tpu.memref_slice %arg9[%dma_start3A_111, %dma_start3A_112] : memref<4x128xi32, #tpu.memory_space<vmem>> -> memref<1x128xi32, #tpu.memory_space<vmem>>
        %dma_start3A_114 = tpu.memref_squeeze %dma_start3A_113 : memref<1x128xi32, #tpu.memory_space<vmem>> -> memref<128xi32, #tpu.memory_space<vmem>>
        %dma_start3A_115 = tpu.memref_slice %arg5[%add3A_101] : memref<327680xi32, #tpu.memory_space<hbm>> -> memref<128xi32, #tpu.memory_space<hbm>>
        %dma_start3A_116 = arith.constant 0 : i32
        %dma_start3A_117 = tpu.memref_slice %arg9[%dma_start3A_111, %dma_start3A_116] : memref<4x128xi32, #tpu.memory_space<vmem>> -> memref<1x128xi32, #tpu.memory_space<vmem>>
        %dma_start3A_118 = tpu.memref_squeeze %dma_start3A_117 : memref<1x128xi32, #tpu.memory_space<vmem>> -> memref<128xi32, #tpu.memory_space<vmem>>
        %dma_start3A_119 = tpu.memref_slice %arg5[%add3A_101] : memref<327680xi32, #tpu.memory_space<hbm>> -> memref<128xi32, #tpu.memory_space<hbm>>
        tpu.enqueue_dma source(%dma_start3A_119 : memref<128xi32, #tpu.memory_space<hbm>>) target(%dma_start3A_118 : memref<128xi32, #tpu.memory_space<vmem>>) target_semaphore(%arg19 : memref<!tpu.dma_semaphore, #tpu.memory_space<semaphore_mem>>)
        %dma_wait3A_120 = arith.constant 0 : i32
        %dma_wait3A_121 = arith.constant 0 : i32
        %dma_wait3A_122 = tpu.memref_slice %arg8[%dma_wait3A_120, %dma_wait3A_121] : memref<4x128xi32, #tpu.memory_space<vmem>> -> memref<1x128xi32, #tpu.memory_space<vmem>>
        %dma_wait3A_123 = tpu.memref_squeeze %dma_wait3A_122 : memref<1x128xi32, #tpu.memory_space<vmem>> -> memref<128xi32, #tpu.memory_space<vmem>>
        %dma_wait3A_124 = tpu.memref_slice %arg4[%mul3A_11] : memref<327680xi32, #tpu.memory_space<hbm>> -> memref<128xi32, #tpu.memory_space<hbm>>
        %dma_wait3A_125 = arith.constant 0 : i32
        %dma_wait3A_126 = tpu.memref_slice %arg8[%dma_wait3A_120, %dma_wait3A_125] : memref<4x128xi32, #tpu.memory_space<vmem>> -> memref<1x128xi32, #tpu.memory_space<vmem>>
        %dma_wait3A_127 = tpu.memref_squeeze %dma_wait3A_126 : memref<1x128xi32, #tpu.memory_space<vmem>> -> memref<128xi32, #tpu.memory_space<vmem>>
        %dma_wait3A_128 = tpu.memref_slice %arg4[%mul3A_11] : memref<327680xi32, #tpu.memory_space<hbm>> -> memref<128xi32, #tpu.memory_space<hbm>>
        tpu.wait_dma2 semaphore(%arg17 : memref<!tpu.dma_semaphore, #tpu.memory_space<semaphore_mem>>) src(%dma_wait3A_128 : memref<128xi32, #tpu.memory_space<hbm>>) dst(%dma_wait3A_127 : memref<128xi32, #tpu.memory_space<vmem>>)
        %dma_wait3A_129 = arith.constant 0 : i32
        %dma_wait3A_130 = arith.constant 0 : i32
        %dma_wait3A_131 = tpu.memref_slice %arg9[%dma_wait3A_129, %dma_wait3A_130] : memref<4x128xi32, #tpu.memory_space<vmem>> -> memref<1x128xi32, #tpu.memory_space<vmem>>
        %dma_wait3A_132 = tpu.memref_squeeze %dma_wait3A_131 : memref<1x128xi32, #tpu.memory_space<vmem>> -> memref<128xi32, #tpu.memory_space<vmem>>
        %dma_wait3A_133 = tpu.memref_slice %arg5[%mul3A_11] : memref<327680xi32, #tpu.memory_space<hbm>> -> memref<128xi32, #tpu.memory_space<hbm>>
        %dma_wait3A_134 = arith.constant 0 : i32
        %dma_wait3A_135 = tpu.memref_slice %arg9[%dma_wait3A_129, %dma_wait3A_134] : memref<4x128xi32, #tpu.memory_space<vmem>> -> memref<1x128xi32, #tpu.memory_space<vmem>>
        %dma_wait3A_136 = tpu.memref_squeeze %dma_wait3A_135 : memref<1x128xi32, #tpu.memory_space<vmem>> -> memref<128xi32, #tpu.memory_space<vmem>>
        %dma_wait3A_137 = tpu.memref_slice %arg5[%mul3A_11] : memref<327680xi32, #tpu.memory_space<hbm>> -> memref<128xi32, #tpu.memory_space<hbm>>
        tpu.wait_dma2 semaphore(%arg17 : memref<!tpu.dma_semaphore, #tpu.memory_space<semaphore_mem>>) src(%dma_wait3A_137 : memref<128xi32, #tpu.memory_space<hbm>>) dst(%dma_wait3A_136 : memref<128xi32, #tpu.memory_space<vmem>>)
        %dma_start3A_138 = arith.constant 0 : i32
        %dma_start3A_139 = arith.constant 0 : i32
        %dma_start3A_140 = tpu.memref_slice %arg8[%dma_start3A_138, %dma_start3A_139] : memref<4x128xi32, #tpu.memory_space<vmem>> -> memref<1x128xi32, #tpu.memory_space<vmem>>
        %dma_start3A_141 = tpu.memref_squeeze %dma_start3A_140 : memref<1x128xi32, #tpu.memory_space<vmem>> -> memref<128xi32, #tpu.memory_space<vmem>>
        %dma_start3A_142 = arith.constant 0 : i32
        %dma_start3A_143 = arith.constant 0 : i32
        %dma_start3A_144 = tpu.memref_slice %arg2[%dma_start3A_142, %dma_start3A_143] : memref<10112x128xf32, #tpu.memory_space<hbm>> -> memref<10112x128xf32, #tpu.memory_space<hbm>>
        tpu.enqueue_indirect_dma source(%dma_start3A_144 : memref<10112x128xf32, #tpu.memory_space<hbm>>) target(%arg10 : memref<128x128xf32, #tpu.memory_space<vmem>>) offsets(%dma_start3A_141 : memref<128xi32, #tpu.memory_space<vmem>>) semaphore(%arg13 : memref<!tpu.dma_semaphore, #tpu.memory_space<semaphore_mem>>)
        %ge3A_145 = arith.constant 4 : i32
        %ge3A_146 = arith.cmpi sge, %add3A_90, %ge3A_145 : i32
        %convert_element_type3A_147 = arith.extui %ge3A_146 : i1 to i32
        %cond3A_148 = arith.constant 0 : i32
        %cond3A_149 = arith.cmpi ne, %convert_element_type3A_147, %cond3A_148 : i32
        scf.if %cond3A_149 {
          %dma_wait3A_324 = arith.constant 3 : i32
          %dma_wait3A_325 = arith.constant 0 : i32
          %dma_wait3A_326 = tpu.memref_slice %arg8[%dma_wait3A_324, %dma_wait3A_325] : memref<4x128xi32, #tpu.memory_space<vmem>> -> memref<1x128xi32, #tpu.memory_space<vmem>>
          %dma_wait3A_327 = tpu.memref_squeeze %dma_wait3A_326 : memref<1x128xi32, #tpu.memory_space<vmem>> -> memref<128xi32, #tpu.memory_space<vmem>>
          %dma_wait3A_328 = arith.constant 0 : i32
          %dma_wait3A_329 = arith.constant 0 : i32
          %dma_wait3A_330 = tpu.memref_slice %arg2[%dma_wait3A_328, %dma_wait3A_329] : memref<10112x128xf32, #tpu.memory_space<hbm>> -> memref<10112x128xf32, #tpu.memory_space<hbm>>
          tpu.wait_indirect_dma semaphore(%arg14 : memref<!tpu.dma_semaphore, #tpu.memory_space<semaphore_mem>>) src(%dma_wait3A_330 : memref<10112x128xf32, #tpu.memory_space<hbm>>) dst(%arg11 : memref<128x128xf32, #tpu.memory_space<vmem>>)
          %dma_start3A_331 = arith.constant 3 : i32
          %dma_start3A_332 = arith.constant 0 : i32
          %dma_start3A_333 = tpu.memref_slice %arg9[%dma_start3A_331, %dma_start3A_332] : memref<4x128xi32, #tpu.memory_space<vmem>> -> memref<1x128xi32, #tpu.memory_space<vmem>>
          %dma_start3A_334 = tpu.memref_squeeze %dma_start3A_333 : memref<1x128xi32, #tpu.memory_space<vmem>> -> memref<128xi32, #tpu.memory_space<vmem>>
          %dma_start3A_335 = arith.constant 0 : i32
          %dma_start3A_336 = arith.constant 0 : i32
          %dma_start3A_337 = tpu.memref_slice %arg12[%dma_start3A_335, %dma_start3A_336] : memref<10112x128xf32, #tpu.memory_space<vmem_shared>> -> memref<10112x128xf32, #tpu.memory_space<vmem_shared>>
          tpu.enqueue_indirect_dma source(%arg11 : memref<128x128xf32, #tpu.memory_space<vmem>>) target(%dma_start3A_337 : memref<10112x128xf32, #tpu.memory_space<vmem_shared>>) offsets(%dma_start3A_334 : memref<128xi32, #tpu.memory_space<vmem>>) semaphore(%arg16 : memref<!tpu.dma_semaphore, #tpu.memory_space<semaphore_mem>>) {add = true}
        } else {
        }
        %ge3A_150 = arith.constant 4 : i32
        %ge3A_151 = arith.cmpi sge, %add3A_90, %ge3A_150 : i32
        %convert_element_type3A_152 = arith.extui %ge3A_151 : i1 to i32
        %cond3A_153 = arith.constant 0 : i32
        %cond3A_154 = arith.cmpi ne, %convert_element_type3A_152, %cond3A_153 : i32
        scf.if %cond3A_154 {
          %dma_wait3A_324 = arith.constant 0 : i32
          %dma_wait3A_325 = arith.constant 0 : i32
          %dma_wait3A_326 = tpu.memref_slice %arg9[%dma_wait3A_324, %dma_wait3A_325] : memref<4x128xi32, #tpu.memory_space<vmem>> -> memref<1x128xi32, #tpu.memory_space<vmem>>
          %dma_wait3A_327 = tpu.memref_squeeze %dma_wait3A_326 : memref<1x128xi32, #tpu.memory_space<vmem>> -> memref<128xi32, #tpu.memory_space<vmem>>
          %dma_wait3A_328 = arith.constant 0 : i32
          %dma_wait3A_329 = arith.constant 0 : i32
          %dma_wait3A_330 = tpu.memref_slice %arg12[%dma_wait3A_328, %dma_wait3A_329] : memref<10112x128xf32, #tpu.memory_space<vmem_shared>> -> memref<10112x128xf32, #tpu.memory_space<vmem_shared>>
          tpu.wait_indirect_dma semaphore(%arg16 : memref<!tpu.dma_semaphore, #tpu.memory_space<semaphore_mem>>) src(%arg11 : memref<128x128xf32, #tpu.memory_space<vmem>>) dst(%dma_wait3A_330 : memref<10112x128xf32, #tpu.memory_space<vmem_shared>>)
        } else {
        }
        %add3A_155 = arith.constant 1 : i32
        %add3A_156 = arith.addi %add3A_90, %add3A_155 : i32
        %add3A_157 = arith.constant 2 : i32
        %add3A_158 = arith.addi %add3A_156, %add3A_157 : i32
        %mul3A_159 = arith.constant 128 : i32
        %mul3A_160 = arith.muli %add3A_158, %mul3A_159 : i32
        %add3A_161 = arith.addi %mul3A_11, %mul3A_160 : i32
        %dma_start3A_162 = arith.constant 3 : i32
        %dma_start3A_163 = arith.constant 0 : i32
        %dma_start3A_164 = tpu.memref_slice %arg8[%dma_start3A_162, %dma_start3A_163] : memref<4x128xi32, #tpu.memory_space<vmem>> -> memref<1x128xi32, #tpu.memory_space<vmem>>
        %dma_start3A_165 = tpu.memref_squeeze %dma_start3A_164 : memref<1x128xi32, #tpu.memory_space<vmem>> -> memref<128xi32, #tpu.memory_space<vmem>>
        %dma_start3A_166 = tpu.memref_slice %arg4[%add3A_161] : memref<327680xi32, #tpu.memory_space<hbm>> -> memref<128xi32, #tpu.memory_space<hbm>>
        %dma_start3A_167 = arith.constant 0 : i32
        %dma_start3A_168 = tpu.memref_slice %arg8[%dma_start3A_162, %dma_start3A_167] : memref<4x128xi32, #tpu.memory_space<vmem>> -> memref<1x128xi32, #tpu.memory_space<vmem>>
        %dma_start3A_169 = tpu.memref_squeeze %dma_start3A_168 : memref<1x128xi32, #tpu.memory_space<vmem>> -> memref<128xi32, #tpu.memory_space<vmem>>
        %dma_start3A_170 = tpu.memref_slice %arg4[%add3A_161] : memref<327680xi32, #tpu.memory_space<hbm>> -> memref<128xi32, #tpu.memory_space<hbm>>
        tpu.enqueue_dma source(%dma_start3A_170 : memref<128xi32, #tpu.memory_space<hbm>>) target(%dma_start3A_169 : memref<128xi32, #tpu.memory_space<vmem>>) target_semaphore(%arg20 : memref<!tpu.dma_semaphore, #tpu.memory_space<semaphore_mem>>)
        %dma_start3A_171 = arith.constant 3 : i32
        %dma_start3A_172 = arith.constant 0 : i32
        %dma_start3A_173 = tpu.memref_slice %arg9[%dma_start3A_171, %dma_start3A_172] : memref<4x128xi32, #tpu.memory_space<vmem>> -> memref<1x128xi32, #tpu.memory_space<vmem>>
        %dma_start3A_174 = tpu.memref_squeeze %dma_start3A_173 : memref<1x128xi32, #tpu.memory_space<vmem>> -> memref<128xi32, #tpu.memory_space<vmem>>
        %dma_start3A_175 = tpu.memref_slice %arg5[%add3A_161] : memref<327680xi32, #tpu.memory_space<hbm>> -> memref<128xi32, #tpu.memory_space<hbm>>
        %dma_start3A_176 = arith.constant 0 : i32
        %dma_start3A_177 = tpu.memref_slice %arg9[%dma_start3A_171, %dma_start3A_176] : memref<4x128xi32, #tpu.memory_space<vmem>> -> memref<1x128xi32, #tpu.memory_space<vmem>>
        %dma_start3A_178 = tpu.memref_squeeze %dma_start3A_177 : memref<1x128xi32, #tpu.memory_space<vmem>> -> memref<128xi32, #tpu.memory_space<vmem>>
        %dma_start3A_179 = tpu.memref_slice %arg5[%add3A_161] : memref<327680xi32, #tpu.memory_space<hbm>> -> memref<128xi32, #tpu.memory_space<hbm>>
        tpu.enqueue_dma source(%dma_start3A_179 : memref<128xi32, #tpu.memory_space<hbm>>) target(%dma_start3A_178 : memref<128xi32, #tpu.memory_space<vmem>>) target_semaphore(%arg20 : memref<!tpu.dma_semaphore, #tpu.memory_space<semaphore_mem>>)
        %dma_wait3A_180 = arith.constant 1 : i32
        %dma_wait3A_181 = arith.constant 0 : i32
        %dma_wait3A_182 = tpu.memref_slice %arg8[%dma_wait3A_180, %dma_wait3A_181] : memref<4x128xi32, #tpu.memory_space<vmem>> -> memref<1x128xi32, #tpu.memory_space<vmem>>
        %dma_wait3A_183 = tpu.memref_squeeze %dma_wait3A_182 : memref<1x128xi32, #tpu.memory_space<vmem>> -> memref<128xi32, #tpu.memory_space<vmem>>
        %dma_wait3A_184 = tpu.memref_slice %arg4[%mul3A_11] : memref<327680xi32, #tpu.memory_space<hbm>> -> memref<128xi32, #tpu.memory_space<hbm>>
        %dma_wait3A_185 = arith.constant 0 : i32
        %dma_wait3A_186 = tpu.memref_slice %arg8[%dma_wait3A_180, %dma_wait3A_185] : memref<4x128xi32, #tpu.memory_space<vmem>> -> memref<1x128xi32, #tpu.memory_space<vmem>>
        %dma_wait3A_187 = tpu.memref_squeeze %dma_wait3A_186 : memref<1x128xi32, #tpu.memory_space<vmem>> -> memref<128xi32, #tpu.memory_space<vmem>>
        %dma_wait3A_188 = tpu.memref_slice %arg4[%mul3A_11] : memref<327680xi32, #tpu.memory_space<hbm>> -> memref<128xi32, #tpu.memory_space<hbm>>
        tpu.wait_dma2 semaphore(%arg18 : memref<!tpu.dma_semaphore, #tpu.memory_space<semaphore_mem>>) src(%dma_wait3A_188 : memref<128xi32, #tpu.memory_space<hbm>>) dst(%dma_wait3A_187 : memref<128xi32, #tpu.memory_space<vmem>>)
        %dma_wait3A_189 = arith.constant 1 : i32
        %dma_wait3A_190 = arith.constant 0 : i32
        %dma_wait3A_191 = tpu.memref_slice %arg9[%dma_wait3A_189, %dma_wait3A_190] : memref<4x128xi32, #tpu.memory_space<vmem>> -> memref<1x128xi32, #tpu.memory_space<vmem>>
        %dma_wait3A_192 = tpu.memref_squeeze %dma_wait3A_191 : memref<1x128xi32, #tpu.memory_space<vmem>> -> memref<128xi32, #tpu.memory_space<vmem>>
        %dma_wait3A_193 = tpu.memref_slice %arg5[%mul3A_11] : memref<327680xi32, #tpu.memory_space<hbm>> -> memref<128xi32, #tpu.memory_space<hbm>>
        %dma_wait3A_194 = arith.constant 0 : i32
        %dma_wait3A_195 = tpu.memref_slice %arg9[%dma_wait3A_189, %dma_wait3A_194] : memref<4x128xi32, #tpu.memory_space<vmem>> -> memref<1x128xi32, #tpu.memory_space<vmem>>
        %dma_wait3A_196 = tpu.memref_squeeze %dma_wait3A_195 : memref<1x128xi32, #tpu.memory_space<vmem>> -> memref<128xi32, #tpu.memory_space<vmem>>
        %dma_wait3A_197 = tpu.memref_slice %arg5[%mul3A_11] : memref<327680xi32, #tpu.memory_space<hbm>> -> memref<128xi32, #tpu.memory_space<hbm>>
        tpu.wait_dma2 semaphore(%arg18 : memref<!tpu.dma_semaphore, #tpu.memory_space<semaphore_mem>>) src(%dma_wait3A_197 : memref<128xi32, #tpu.memory_space<hbm>>) dst(%dma_wait3A_196 : memref<128xi32, #tpu.memory_space<vmem>>)
        %dma_start3A_198 = arith.constant 1 : i32
        %dma_start3A_199 = arith.constant 0 : i32
        %dma_start3A_200 = tpu.memref_slice %arg8[%dma_start3A_198, %dma_start3A_199] : memref<4x128xi32, #tpu.memory_space<vmem>> -> memref<1x128xi32, #tpu.memory_space<vmem>>
        %dma_start3A_201 = tpu.memref_squeeze %dma_start3A_200 : memref<1x128xi32, #tpu.memory_space<vmem>> -> memref<128xi32, #tpu.memory_space<vmem>>
        %dma_start3A_202 = arith.constant 0 : i32
        %dma_start3A_203 = arith.constant 0 : i32
        %dma_start3A_204 = tpu.memref_slice %arg2[%dma_start3A_202, %dma_start3A_203] : memref<10112x128xf32, #tpu.memory_space<hbm>> -> memref<10112x128xf32, #tpu.memory_space<hbm>>
        tpu.enqueue_indirect_dma source(%dma_start3A_204 : memref<10112x128xf32, #tpu.memory_space<hbm>>) target(%arg11 : memref<128x128xf32, #tpu.memory_space<vmem>>) offsets(%dma_start3A_201 : memref<128xi32, #tpu.memory_space<vmem>>) semaphore(%arg14 : memref<!tpu.dma_semaphore, #tpu.memory_space<semaphore_mem>>)
        %dma_wait3A_205 = arith.constant 0 : i32
        %dma_wait3A_206 = arith.constant 0 : i32
        %dma_wait3A_207 = tpu.memref_slice %arg8[%dma_wait3A_205, %dma_wait3A_206] : memref<4x128xi32, #tpu.memory_space<vmem>> -> memref<1x128xi32, #tpu.memory_space<vmem>>
        %dma_wait3A_208 = tpu.memref_squeeze %dma_wait3A_207 : memref<1x128xi32, #tpu.memory_space<vmem>> -> memref<128xi32, #tpu.memory_space<vmem>>
        %dma_wait3A_209 = arith.constant 0 : i32
        %dma_wait3A_210 = arith.constant 0 : i32
        %dma_wait3A_211 = tpu.memref_slice %arg2[%dma_wait3A_209, %dma_wait3A_210] : memref<10112x128xf32, #tpu.memory_space<hbm>> -> memref<10112x128xf32, #tpu.memory_space<hbm>>
        tpu.wait_indirect_dma semaphore(%arg13 : memref<!tpu.dma_semaphore, #tpu.memory_space<semaphore_mem>>) src(%dma_wait3A_211 : memref<10112x128xf32, #tpu.memory_space<hbm>>) dst(%arg10 : memref<128x128xf32, #tpu.memory_space<vmem>>)
        %dma_start3A_212 = arith.constant 0 : i32
        %dma_start3A_213 = arith.constant 0 : i32
        %dma_start3A_214 = tpu.memref_slice %arg9[%dma_start3A_212, %dma_start3A_213] : memref<4x128xi32, #tpu.memory_space<vmem>> -> memref<1x128xi32, #tpu.memory_space<vmem>>
        %dma_start3A_215 = tpu.memref_squeeze %dma_start3A_214 : memref<1x128xi32, #tpu.memory_space<vmem>> -> memref<128xi32, #tpu.memory_space<vmem>>
        %dma_start3A_216 = arith.constant 0 : i32
        %dma_start3A_217 = arith.constant 0 : i32
        %dma_start3A_218 = tpu.memref_slice %arg12[%dma_start3A_216, %dma_start3A_217] : memref<10112x128xf32, #tpu.memory_space<vmem_shared>> -> memref<10112x128xf32, #tpu.memory_space<vmem_shared>>
        tpu.enqueue_indirect_dma source(%arg10 : memref<128x128xf32, #tpu.memory_space<vmem>>) target(%dma_start3A_218 : memref<10112x128xf32, #tpu.memory_space<vmem_shared>>) offsets(%dma_start3A_215 : memref<128xi32, #tpu.memory_space<vmem>>) semaphore(%arg15 : memref<!tpu.dma_semaphore, #tpu.memory_space<semaphore_mem>>) {add = true}
        %dma_wait3A_219 = arith.constant 0 : i32
        %dma_wait3A_220 = arith.constant 0 : i32
        %dma_wait3A_221 = tpu.memref_slice %arg9[%dma_wait3A_219, %dma_wait3A_220] : memref<4x128xi32, #tpu.memory_space<vmem>> -> memref<1x128xi32, #tpu.memory_space<vmem>>
        %dma_wait3A_222 = tpu.memref_squeeze %dma_wait3A_221 : memref<1x128xi32, #tpu.memory_space<vmem>> -> memref<128xi32, #tpu.memory_space<vmem>>
        %dma_wait3A_223 = arith.constant 0 : i32
        %dma_wait3A_224 = arith.constant 0 : i32
        %dma_wait3A_225 = tpu.memref_slice %arg12[%dma_wait3A_223, %dma_wait3A_224] : memref<10112x128xf32, #tpu.memory_space<vmem_shared>> -> memref<10112x128xf32, #tpu.memory_space<vmem_shared>>
        tpu.wait_indirect_dma semaphore(%arg15 : memref<!tpu.dma_semaphore, #tpu.memory_space<semaphore_mem>>) src(%arg10 : memref<128x128xf32, #tpu.memory_space<vmem>>) dst(%dma_wait3A_225 : memref<10112x128xf32, #tpu.memory_space<vmem_shared>>)
        %add3A_226 = arith.constant 4 : i32
        %add3A_227 = arith.addi %add3A_90, %add3A_226 : i32
        %lt3A = arith.constant 160 : i32
        %lt3A_228 = arith.cmpi slt, %add3A_227, %lt3A : i32
        %convert_element_type3A_229 = arith.extui %lt3A_228 : i1 to i32
        %cond3A_230 = arith.constant 0 : i32
        %cond3A_231 = arith.cmpi ne, %convert_element_type3A_229, %cond3A_230 : i32
        scf.if %cond3A_231 {
          %add3A_324 = arith.constant 2 : i32
          %add3A_325 = arith.addi %add3A_90, %add3A_324 : i32
          %add3A_326 = arith.constant 2 : i32
          %add3A_327 = arith.addi %add3A_325, %add3A_326 : i32
          %mul3A_328 = arith.constant 128 : i32
          %mul3A_329 = arith.muli %add3A_327, %mul3A_328 : i32
          %add3A_330 = arith.addi %mul3A_11, %mul3A_329 : i32
          %dma_start3A_331 = arith.constant 0 : i32
          %dma_start3A_332 = arith.constant 0 : i32
          %dma_start3A_333 = tpu.memref_slice %arg8[%dma_start3A_331, %dma_start3A_332] : memref<4x128xi32, #tpu.memory_space<vmem>> -> memref<1x128xi32, #tpu.memory_space<vmem>>
          %dma_start3A_334 = tpu.memref_squeeze %dma_start3A_333 : memref<1x128xi32, #tpu.memory_space<vmem>> -> memref<128xi32, #tpu.memory_space<vmem>>
          %dma_start3A_335 = tpu.memref_slice %arg4[%add3A_330] : memref<327680xi32, #tpu.memory_space<hbm>> -> memref<128xi32, #tpu.memory_space<hbm>>
          %dma_start3A_336 = arith.constant 0 : i32
          %dma_start3A_337 = tpu.memref_slice %arg8[%dma_start3A_331, %dma_start3A_336] : memref<4x128xi32, #tpu.memory_space<vmem>> -> memref<1x128xi32, #tpu.memory_space<vmem>>
          %dma_start3A_338 = tpu.memref_squeeze %dma_start3A_337 : memref<1x128xi32, #tpu.memory_space<vmem>> -> memref<128xi32, #tpu.memory_space<vmem>>
          %dma_start3A_339 = tpu.memref_slice %arg4[%add3A_330] : memref<327680xi32, #tpu.memory_space<hbm>> -> memref<128xi32, #tpu.memory_space<hbm>>
          tpu.enqueue_dma source(%dma_start3A_339 : memref<128xi32, #tpu.memory_space<hbm>>) target(%dma_start3A_338 : memref<128xi32, #tpu.memory_space<vmem>>) target_semaphore(%arg17 : memref<!tpu.dma_semaphore, #tpu.memory_space<semaphore_mem>>)
          %dma_start3A_340 = arith.constant 0 : i32
          %dma_start3A_341 = arith.constant 0 : i32
          %dma_start3A_342 = tpu.memref_slice %arg9[%dma_start3A_340, %dma_start3A_341] : memref<4x128xi32, #tpu.memory_space<vmem>> -> memref<1x128xi32, #tpu.memory_space<vmem>>
          %dma_start3A_343 = tpu.memref_squeeze %dma_start3A_342 : memref<1x128xi32, #tpu.memory_space<vmem>> -> memref<128xi32, #tpu.memory_space<vmem>>
          %dma_start3A_344 = tpu.memref_slice %arg5[%add3A_330] : memref<327680xi32, #tpu.memory_space<hbm>> -> memref<128xi32, #tpu.memory_space<hbm>>
          %dma_start3A_345 = arith.constant 0 : i32
          %dma_start3A_346 = tpu.memref_slice %arg9[%dma_start3A_340, %dma_start3A_345] : memref<4x128xi32, #tpu.memory_space<vmem>> -> memref<1x128xi32, #tpu.memory_space<vmem>>
          %dma_start3A_347 = tpu.memref_squeeze %dma_start3A_346 : memref<1x128xi32, #tpu.memory_space<vmem>> -> memref<128xi32, #tpu.memory_space<vmem>>
          %dma_start3A_348 = tpu.memref_slice %arg5[%add3A_330] : memref<327680xi32, #tpu.memory_space<hbm>> -> memref<128xi32, #tpu.memory_space<hbm>>
          tpu.enqueue_dma source(%dma_start3A_348 : memref<128xi32, #tpu.memory_space<hbm>>) target(%dma_start3A_347 : memref<128xi32, #tpu.memory_space<vmem>>) target_semaphore(%arg17 : memref<!tpu.dma_semaphore, #tpu.memory_space<semaphore_mem>>)
        } else {
        }
        %dma_wait3A_232 = arith.constant 2 : i32
        %dma_wait3A_233 = arith.constant 0 : i32
        %dma_wait3A_234 = tpu.memref_slice %arg8[%dma_wait3A_232, %dma_wait3A_233] : memref<4x128xi32, #tpu.memory_space<vmem>> -> memref<1x128xi32, #tpu.memory_space<vmem>>
        %dma_wait3A_235 = tpu.memref_squeeze %dma_wait3A_234 : memref<1x128xi32, #tpu.memory_space<vmem>> -> memref<128xi32, #tpu.memory_space<vmem>>
        %dma_wait3A_236 = tpu.memref_slice %arg4[%mul3A_11] : memref<327680xi32, #tpu.memory_space<hbm>> -> memref<128xi32, #tpu.memory_space<hbm>>
        %dma_wait3A_237 = arith.constant 0 : i32
        %dma_wait3A_238 = tpu.memref_slice %arg8[%dma_wait3A_232, %dma_wait3A_237] : memref<4x128xi32, #tpu.memory_space<vmem>> -> memref<1x128xi32, #tpu.memory_space<vmem>>
        %dma_wait3A_239 = tpu.memref_squeeze %dma_wait3A_238 : memref<1x128xi32, #tpu.memory_space<vmem>> -> memref<128xi32, #tpu.memory_space<vmem>>
        %dma_wait3A_240 = tpu.memref_slice %arg4[%mul3A_11] : memref<327680xi32, #tpu.memory_space<hbm>> -> memref<128xi32, #tpu.memory_space<hbm>>
        tpu.wait_dma2 semaphore(%arg19 : memref<!tpu.dma_semaphore, #tpu.memory_space<semaphore_mem>>) src(%dma_wait3A_240 : memref<128xi32, #tpu.memory_space<hbm>>) dst(%dma_wait3A_239 : memref<128xi32, #tpu.memory_space<vmem>>)
        %dma_wait3A_241 = arith.constant 2 : i32
        %dma_wait3A_242 = arith.constant 0 : i32
        %dma_wait3A_243 = tpu.memref_slice %arg9[%dma_wait3A_241, %dma_wait3A_242] : memref<4x128xi32, #tpu.memory_space<vmem>> -> memref<1x128xi32, #tpu.memory_space<vmem>>
        %dma_wait3A_244 = tpu.memref_squeeze %dma_wait3A_243 : memref<1x128xi32, #tpu.memory_space<vmem>> -> memref<128xi32, #tpu.memory_space<vmem>>
        %dma_wait3A_245 = tpu.memref_slice %arg5[%mul3A_11] : memref<327680xi32, #tpu.memory_space<hbm>> -> memref<128xi32, #tpu.memory_space<hbm>>
        %dma_wait3A_246 = arith.constant 0 : i32
        %dma_wait3A_247 = tpu.memref_slice %arg9[%dma_wait3A_241, %dma_wait3A_246] : memref<4x128xi32, #tpu.memory_space<vmem>> -> memref<1x128xi32, #tpu.memory_space<vmem>>
        %dma_wait3A_248 = tpu.memref_squeeze %dma_wait3A_247 : memref<1x128xi32, #tpu.memory_space<vmem>> -> memref<128xi32, #tpu.memory_space<vmem>>
        %dma_wait3A_249 = tpu.memref_slice %arg5[%mul3A_11] : memref<327680xi32, #tpu.memory_space<hbm>> -> memref<128xi32, #tpu.memory_space<hbm>>
        tpu.wait_dma2 semaphore(%arg19 : memref<!tpu.dma_semaphore, #tpu.memory_space<semaphore_mem>>) src(%dma_wait3A_249 : memref<128xi32, #tpu.memory_space<hbm>>) dst(%dma_wait3A_248 : memref<128xi32, #tpu.memory_space<vmem>>)
        %dma_start3A_250 = arith.constant 2 : i32
        %dma_start3A_251 = arith.constant 0 : i32
        %dma_start3A_252 = tpu.memref_slice %arg8[%dma_start3A_250, %dma_start3A_251] : memref<4x128xi32, #tpu.memory_space<vmem>> -> memref<1x128xi32, #tpu.memory_space<vmem>>
        %dma_start3A_253 = tpu.memref_squeeze %dma_start3A_252 : memref<1x128xi32, #tpu.memory_space<vmem>> -> memref<128xi32, #tpu.memory_space<vmem>>
        %dma_start3A_254 = arith.constant 0 : i32
        %dma_start3A_255 = arith.constant 0 : i32
        %dma_start3A_256 = tpu.memref_slice %arg2[%dma_start3A_254, %dma_start3A_255] : memref<10112x128xf32, #tpu.memory_space<hbm>> -> memref<10112x128xf32, #tpu.memory_space<hbm>>
        tpu.enqueue_indirect_dma source(%dma_start3A_256 : memref<10112x128xf32, #tpu.memory_space<hbm>>) target(%arg10 : memref<128x128xf32, #tpu.memory_space<vmem>>) offsets(%dma_start3A_253 : memref<128xi32, #tpu.memory_space<vmem>>) semaphore(%arg13 : memref<!tpu.dma_semaphore, #tpu.memory_space<semaphore_mem>>)
        %dma_wait3A_257 = arith.constant 1 : i32
        %dma_wait3A_258 = arith.constant 0 : i32
        %dma_wait3A_259 = tpu.memref_slice %arg8[%dma_wait3A_257, %dma_wait3A_258] : memref<4x128xi32, #tpu.memory_space<vmem>> -> memref<1x128xi32, #tpu.memory_space<vmem>>
        %dma_wait3A_260 = tpu.memref_squeeze %dma_wait3A_259 : memref<1x128xi32, #tpu.memory_space<vmem>> -> memref<128xi32, #tpu.memory_space<vmem>>
        %dma_wait3A_261 = arith.constant 0 : i32
        %dma_wait3A_262 = arith.constant 0 : i32
        %dma_wait3A_263 = tpu.memref_slice %arg2[%dma_wait3A_261, %dma_wait3A_262] : memref<10112x128xf32, #tpu.memory_space<hbm>> -> memref<10112x128xf32, #tpu.memory_space<hbm>>
        tpu.wait_indirect_dma semaphore(%arg14 : memref<!tpu.dma_semaphore, #tpu.memory_space<semaphore_mem>>) src(%dma_wait3A_263 : memref<10112x128xf32, #tpu.memory_space<hbm>>) dst(%arg11 : memref<128x128xf32, #tpu.memory_space<vmem>>)
        %dma_start3A_264 = arith.constant 1 : i32
        %dma_start3A_265 = arith.constant 0 : i32
        %dma_start3A_266 = tpu.memref_slice %arg9[%dma_start3A_264, %dma_start3A_265] : memref<4x128xi32, #tpu.memory_space<vmem>> -> memref<1x128xi32, #tpu.memory_space<vmem>>
        %dma_start3A_267 = tpu.memref_squeeze %dma_start3A_266 : memref<1x128xi32, #tpu.memory_space<vmem>> -> memref<128xi32, #tpu.memory_space<vmem>>
        %dma_start3A_268 = arith.constant 0 : i32
        %dma_start3A_269 = arith.constant 0 : i32
        %dma_start3A_270 = tpu.memref_slice %arg12[%dma_start3A_268, %dma_start3A_269] : memref<10112x128xf32, #tpu.memory_space<vmem_shared>> -> memref<10112x128xf32, #tpu.memory_space<vmem_shared>>
        tpu.enqueue_indirect_dma source(%arg11 : memref<128x128xf32, #tpu.memory_space<vmem>>) target(%dma_start3A_270 : memref<10112x128xf32, #tpu.memory_space<vmem_shared>>) offsets(%dma_start3A_267 : memref<128xi32, #tpu.memory_space<vmem>>) semaphore(%arg16 : memref<!tpu.dma_semaphore, #tpu.memory_space<semaphore_mem>>) {add = true}
        %dma_wait3A_271 = arith.constant 0 : i32
        %dma_wait3A_272 = arith.constant 0 : i32
        %dma_wait3A_273 = tpu.memref_slice %arg9[%dma_wait3A_271, %dma_wait3A_272] : memref<4x128xi32, #tpu.memory_space<vmem>> -> memref<1x128xi32, #tpu.memory_space<vmem>>
        %dma_wait3A_274 = tpu.memref_squeeze %dma_wait3A_273 : memref<1x128xi32, #tpu.memory_space<vmem>> -> memref<128xi32, #tpu.memory_space<vmem>>
        %dma_wait3A_275 = arith.constant 0 : i32
        %dma_wait3A_276 = arith.constant 0 : i32
        %dma_wait3A_277 = tpu.memref_slice %arg12[%dma_wait3A_275, %dma_wait3A_276] : memref<10112x128xf32, #tpu.memory_space<vmem_shared>> -> memref<10112x128xf32, #tpu.memory_space<vmem_shared>>
        tpu.wait_indirect_dma semaphore(%arg16 : memref<!tpu.dma_semaphore, #tpu.memory_space<semaphore_mem>>) src(%arg11 : memref<128x128xf32, #tpu.memory_space<vmem>>) dst(%dma_wait3A_277 : memref<10112x128xf32, #tpu.memory_space<vmem_shared>>)
        %add3A_278 = arith.constant 4 : i32
        %add3A_279 = arith.addi %add3A_90, %add3A_278 : i32
        %lt3A_280 = arith.constant 160 : i32
        %lt3A_281 = arith.cmpi slt, %add3A_279, %lt3A_280 : i32
        %convert_element_type3A_282 = arith.extui %lt3A_281 : i1 to i32
        %cond3A_283 = arith.constant 0 : i32
        %cond3A_284 = arith.cmpi ne, %convert_element_type3A_282, %cond3A_283 : i32
        scf.if %cond3A_284 {
          %add3A_324 = arith.constant 3 : i32
          %add3A_325 = arith.addi %add3A_90, %add3A_324 : i32
          %add3A_326 = arith.constant 2 : i32
          %add3A_327 = arith.addi %add3A_325, %add3A_326 : i32
          %mul3A_328 = arith.constant 128 : i32
          %mul3A_329 = arith.muli %add3A_327, %mul3A_328 : i32
          %add3A_330 = arith.addi %mul3A_11, %mul3A_329 : i32
          %dma_start3A_331 = arith.constant 1 : i32
          %dma_start3A_332 = arith.constant 0 : i32
          %dma_start3A_333 = tpu.memref_slice %arg8[%dma_start3A_331, %dma_start3A_332] : memref<4x128xi32, #tpu.memory_space<vmem>> -> memref<1x128xi32, #tpu.memory_space<vmem>>
          %dma_start3A_334 = tpu.memref_squeeze %dma_start3A_333 : memref<1x128xi32, #tpu.memory_space<vmem>> -> memref<128xi32, #tpu.memory_space<vmem>>
          %dma_start3A_335 = tpu.memref_slice %arg4[%add3A_330] : memref<327680xi32, #tpu.memory_space<hbm>> -> memref<128xi32, #tpu.memory_space<hbm>>
          %dma_start3A_336 = arith.constant 0 : i32
          %dma_start3A_337 = tpu.memref_slice %arg8[%dma_start3A_331, %dma_start3A_336] : memref<4x128xi32, #tpu.memory_space<vmem>> -> memref<1x128xi32, #tpu.memory_space<vmem>>
          %dma_start3A_338 = tpu.memref_squeeze %dma_start3A_337 : memref<1x128xi32, #tpu.memory_space<vmem>> -> memref<128xi32, #tpu.memory_space<vmem>>
          %dma_start3A_339 = tpu.memref_slice %arg4[%add3A_330] : memref<327680xi32, #tpu.memory_space<hbm>> -> memref<128xi32, #tpu.memory_space<hbm>>
          tpu.enqueue_dma source(%dma_start3A_339 : memref<128xi32, #tpu.memory_space<hbm>>) target(%dma_start3A_338 : memref<128xi32, #tpu.memory_space<vmem>>) target_semaphore(%arg18 : memref<!tpu.dma_semaphore, #tpu.memory_space<semaphore_mem>>)
          %dma_start3A_340 = arith.constant 1 : i32
          %dma_start3A_341 = arith.constant 0 : i32
          %dma_start3A_342 = tpu.memref_slice %arg9[%dma_start3A_340, %dma_start3A_341] : memref<4x128xi32, #tpu.memory_space<vmem>> -> memref<1x128xi32, #tpu.memory_space<vmem>>
          %dma_start3A_343 = tpu.memref_squeeze %dma_start3A_342 : memref<1x128xi32, #tpu.memory_space<vmem>> -> memref<128xi32, #tpu.memory_space<vmem>>
          %dma_start3A_344 = tpu.memref_slice %arg5[%add3A_330] : memref<327680xi32, #tpu.memory_space<hbm>> -> memref<128xi32, #tpu.memory_space<hbm>>
          %dma_start3A_345 = arith.constant 0 : i32
          %dma_start3A_346 = tpu.memref_slice %arg9[%dma_start3A_340, %dma_start3A_345] : memref<4x128xi32, #tpu.memory_space<vmem>> -> memref<1x128xi32, #tpu.memory_space<vmem>>
          %dma_start3A_347 = tpu.memref_squeeze %dma_start3A_346 : memref<1x128xi32, #tpu.memory_space<vmem>> -> memref<128xi32, #tpu.memory_space<vmem>>
          %dma_start3A_348 = tpu.memref_slice %arg5[%add3A_330] : memref<327680xi32, #tpu.memory_space<hbm>> -> memref<128xi32, #tpu.memory_space<hbm>>
          tpu.enqueue_dma source(%dma_start3A_348 : memref<128xi32, #tpu.memory_space<hbm>>) target(%dma_start3A_347 : memref<128xi32, #tpu.memory_space<vmem>>) target_semaphore(%arg18 : memref<!tpu.dma_semaphore, #tpu.memory_space<semaphore_mem>>)
        } else {
        }
        %dma_wait3A_285 = arith.constant 3 : i32
        %dma_wait3A_286 = arith.constant 0 : i32
        %dma_wait3A_287 = tpu.memref_slice %arg8[%dma_wait3A_285, %dma_wait3A_286] : memref<4x128xi32, #tpu.memory_space<vmem>> -> memref<1x128xi32, #tpu.memory_space<vmem>>
        %dma_wait3A_288 = tpu.memref_squeeze %dma_wait3A_287 : memref<1x128xi32, #tpu.memory_space<vmem>> -> memref<128xi32, #tpu.memory_space<vmem>>
        %dma_wait3A_289 = tpu.memref_slice %arg4[%mul3A_11] : memref<327680xi32, #tpu.memory_space<hbm>> -> memref<128xi32, #tpu.memory_space<hbm>>
        %dma_wait3A_290 = arith.constant 0 : i32
        %dma_wait3A_291 = tpu.memref_slice %arg8[%dma_wait3A_285, %dma_wait3A_290] : memref<4x128xi32, #tpu.memory_space<vmem>> -> memref<1x128xi32, #tpu.memory_space<vmem>>
        %dma_wait3A_292 = tpu.memref_squeeze %dma_wait3A_291 : memref<1x128xi32, #tpu.memory_space<vmem>> -> memref<128xi32, #tpu.memory_space<vmem>>
        %dma_wait3A_293 = tpu.memref_slice %arg4[%mul3A_11] : memref<327680xi32, #tpu.memory_space<hbm>> -> memref<128xi32, #tpu.memory_space<hbm>>
        tpu.wait_dma2 semaphore(%arg20 : memref<!tpu.dma_semaphore, #tpu.memory_space<semaphore_mem>>) src(%dma_wait3A_293 : memref<128xi32, #tpu.memory_space<hbm>>) dst(%dma_wait3A_292 : memref<128xi32, #tpu.memory_space<vmem>>)
        %dma_wait3A_294 = arith.constant 3 : i32
        %dma_wait3A_295 = arith.constant 0 : i32
        %dma_wait3A_296 = tpu.memref_slice %arg9[%dma_wait3A_294, %dma_wait3A_295] : memref<4x128xi32, #tpu.memory_space<vmem>> -> memref<1x128xi32, #tpu.memory_space<vmem>>
        %dma_wait3A_297 = tpu.memref_squeeze %dma_wait3A_296 : memref<1x128xi32, #tpu.memory_space<vmem>> -> memref<128xi32, #tpu.memory_space<vmem>>
        %dma_wait3A_298 = tpu.memref_slice %arg5[%mul3A_11] : memref<327680xi32, #tpu.memory_space<hbm>> -> memref<128xi32, #tpu.memory_space<hbm>>
        %dma_wait3A_299 = arith.constant 0 : i32
        %dma_wait3A_300 = tpu.memref_slice %arg9[%dma_wait3A_294, %dma_wait3A_299] : memref<4x128xi32, #tpu.memory_space<vmem>> -> memref<1x128xi32, #tpu.memory_space<vmem>>
        %dma_wait3A_301 = tpu.memref_squeeze %dma_wait3A_300 : memref<1x128xi32, #tpu.memory_space<vmem>> -> memref<128xi32, #tpu.memory_space<vmem>>
        %dma_wait3A_302 = tpu.memref_slice %arg5[%mul3A_11] : memref<327680xi32, #tpu.memory_space<hbm>> -> memref<128xi32, #tpu.memory_space<hbm>>
        tpu.wait_dma2 semaphore(%arg20 : memref<!tpu.dma_semaphore, #tpu.memory_space<semaphore_mem>>) src(%dma_wait3A_302 : memref<128xi32, #tpu.memory_space<hbm>>) dst(%dma_wait3A_301 : memref<128xi32, #tpu.memory_space<vmem>>)
        %dma_start3A_303 = arith.constant 3 : i32
        %dma_start3A_304 = arith.constant 0 : i32
        %dma_start3A_305 = tpu.memref_slice %arg8[%dma_start3A_303, %dma_start3A_304] : memref<4x128xi32, #tpu.memory_space<vmem>> -> memref<1x128xi32, #tpu.memory_space<vmem>>
        %dma_start3A_306 = tpu.memref_squeeze %dma_start3A_305 : memref<1x128xi32, #tpu.memory_space<vmem>> -> memref<128xi32, #tpu.memory_space<vmem>>
        %dma_start3A_307 = arith.constant 0 : i32
        %dma_start3A_308 = arith.constant 0 : i32
        %dma_start3A_309 = tpu.memref_slice %arg2[%dma_start3A_307, %dma_start3A_308] : memref<10112x128xf32, #tpu.memory_space<hbm>> -> memref<10112x128xf32, #tpu.memory_space<hbm>>
        tpu.enqueue_indirect_dma source(%dma_start3A_309 : memref<10112x128xf32, #tpu.memory_space<hbm>>) target(%arg11 : memref<128x128xf32, #tpu.memory_space<vmem>>) offsets(%dma_start3A_306 : memref<128xi32, #tpu.memory_space<vmem>>) semaphore(%arg14 : memref<!tpu.dma_semaphore, #tpu.memory_space<semaphore_mem>>)
        %dma_wait3A_310 = arith.constant 2 : i32
        %dma_wait3A_311 = arith.constant 0 : i32
        %dma_wait3A_312 = tpu.memref_slice %arg8[%dma_wait3A_310, %dma_wait3A_311] : memref<4x128xi32, #tpu.memory_space<vmem>> -> memref<1x128xi32, #tpu.memory_space<vmem>>
        %dma_wait3A_313 = tpu.memref_squeeze %dma_wait3A_312 : memref<1x128xi32, #tpu.memory_space<vmem>> -> memref<128xi32, #tpu.memory_space<vmem>>
        %dma_wait3A_314 = arith.constant 0 : i32
        %dma_wait3A_315 = arith.constant 0 : i32
        %dma_wait3A_316 = tpu.memref_slice %arg2[%dma_wait3A_314, %dma_wait3A_315] : memref<10112x128xf32, #tpu.memory_space<hbm>> -> memref<10112x128xf32, #tpu.memory_space<hbm>>
        tpu.wait_indirect_dma semaphore(%arg13 : memref<!tpu.dma_semaphore, #tpu.memory_space<semaphore_mem>>) src(%dma_wait3A_316 : memref<10112x128xf32, #tpu.memory_space<hbm>>) dst(%arg10 : memref<128x128xf32, #tpu.memory_space<vmem>>)
        %dma_start3A_317 = arith.constant 2 : i32
        %dma_start3A_318 = arith.constant 0 : i32
        %dma_start3A_319 = tpu.memref_slice %arg9[%dma_start3A_317, %dma_start3A_318] : memref<4x128xi32, #tpu.memory_space<vmem>> -> memref<1x128xi32, #tpu.memory_space<vmem>>
        %dma_start3A_320 = tpu.memref_squeeze %dma_start3A_319 : memref<1x128xi32, #tpu.memory_space<vmem>> -> memref<128xi32, #tpu.memory_space<vmem>>
        %dma_start3A_321 = arith.constant 0 : i32
        %dma_start3A_322 = arith.constant 0 : i32
        %dma_start3A_323 = tpu.memref_slice %arg12[%dma_start3A_321, %dma_start3A_322] : memref<10112x128xf32, #tpu.memory_space<vmem_shared>> -> memref<10112x128xf32, #tpu.memory_space<vmem_shared>>
        tpu.enqueue_indirect_dma source(%arg10 : memref<128x128xf32, #tpu.memory_space<vmem>>) target(%dma_start3A_323 : memref<10112x128xf32, #tpu.memory_space<vmem_shared>>) offsets(%dma_start3A_320 : memref<128xi32, #tpu.memory_space<vmem>>) semaphore(%arg15 : memref<!tpu.dma_semaphore, #tpu.memory_space<semaphore_mem>>) {add = true}
      }
      %scan3A_53 = arith.constant 40 : i32
      %dma_wait3A = arith.constant 3 : i32
      %dma_wait3A_54 = arith.constant 0 : i32
      %dma_wait3A_55 = tpu.memref_slice %arg8[%dma_wait3A, %dma_wait3A_54] : memref<4x128xi32, #tpu.memory_space<vmem>> -> memref<1x128xi32, #tpu.memory_space<vmem>>
      %dma_wait3A_56 = tpu.memref_squeeze %dma_wait3A_55 : memref<1x128xi32, #tpu.memory_space<vmem>> -> memref<128xi32, #tpu.memory_space<vmem>>
      %dma_wait3A_57 = arith.constant 0 : i32
      %dma_wait3A_58 = arith.constant 0 : i32
      %dma_wait3A_59 = tpu.memref_slice %arg2[%dma_wait3A_57, %dma_wait3A_58] : memref<10112x128xf32, #tpu.memory_space<hbm>> -> memref<10112x128xf32, #tpu.memory_space<hbm>>
      tpu.wait_indirect_dma semaphore(%arg14 : memref<!tpu.dma_semaphore, #tpu.memory_space<semaphore_mem>>) src(%dma_wait3A_59 : memref<10112x128xf32, #tpu.memory_space<hbm>>) dst(%arg11 : memref<128x128xf32, #tpu.memory_space<vmem>>)
      %dma_start3A_60 = arith.constant 3 : i32
      %dma_start3A_61 = arith.constant 0 : i32
      %dma_start3A_62 = tpu.memref_slice %arg9[%dma_start3A_60, %dma_start3A_61] : memref<4x128xi32, #tpu.memory_space<vmem>> -> memref<1x128xi32, #tpu.memory_space<vmem>>
      %dma_start3A_63 = tpu.memref_squeeze %dma_start3A_62 : memref<1x128xi32, #tpu.memory_space<vmem>> -> memref<128xi32, #tpu.memory_space<vmem>>
      %dma_start3A_64 = arith.constant 0 : i32
      %dma_start3A_65 = arith.constant 0 : i32
      %dma_start3A_66 = tpu.memref_slice %arg12[%dma_start3A_64, %dma_start3A_65] : memref<10112x128xf32, #tpu.memory_space<vmem_shared>> -> memref<10112x128xf32, #tpu.memory_space<vmem_shared>>
      tpu.enqueue_indirect_dma source(%arg11 : memref<128x128xf32, #tpu.memory_space<vmem>>) target(%dma_start3A_66 : memref<10112x128xf32, #tpu.memory_space<vmem_shared>>) offsets(%dma_start3A_63 : memref<128xi32, #tpu.memory_space<vmem>>) semaphore(%arg16 : memref<!tpu.dma_semaphore, #tpu.memory_space<semaphore_mem>>) {add = true}
      %dma_wait3A_67 = arith.constant 0 : i32
      %dma_wait3A_68 = arith.constant 0 : i32
      %dma_wait3A_69 = tpu.memref_slice %arg9[%dma_wait3A_67, %dma_wait3A_68] : memref<4x128xi32, #tpu.memory_space<vmem>> -> memref<1x128xi32, #tpu.memory_space<vmem>>
      %dma_wait3A_70 = tpu.memref_squeeze %dma_wait3A_69 : memref<1x128xi32, #tpu.memory_space<vmem>> -> memref<128xi32, #tpu.memory_space<vmem>>
      %dma_wait3A_71 = arith.constant 0 : i32
      %dma_wait3A_72 = arith.constant 0 : i32
      %dma_wait3A_73 = tpu.memref_slice %arg12[%dma_wait3A_71, %dma_wait3A_72] : memref<10112x128xf32, #tpu.memory_space<vmem_shared>> -> memref<10112x128xf32, #tpu.memory_space<vmem_shared>>
      tpu.wait_indirect_dma semaphore(%arg15 : memref<!tpu.dma_semaphore, #tpu.memory_space<semaphore_mem>>) src(%arg10 : memref<128x128xf32, #tpu.memory_space<vmem>>) dst(%dma_wait3A_73 : memref<10112x128xf32, #tpu.memory_space<vmem_shared>>)
      %dma_wait3A_74 = arith.constant 0 : i32
      %dma_wait3A_75 = arith.constant 0 : i32
      %dma_wait3A_76 = tpu.memref_slice %arg9[%dma_wait3A_74, %dma_wait3A_75] : memref<4x128xi32, #tpu.memory_space<vmem>> -> memref<1x128xi32, #tpu.memory_space<vmem>>
      %dma_wait3A_77 = tpu.memref_squeeze %dma_wait3A_76 : memref<1x128xi32, #tpu.memory_space<vmem>> -> memref<128xi32, #tpu.memory_space<vmem>>
      %dma_wait3A_78 = arith.constant 0 : i32
      %dma_wait3A_79 = arith.constant 0 : i32
      %dma_wait3A_80 = tpu.memref_slice %arg12[%dma_wait3A_78, %dma_wait3A_79] : memref<10112x128xf32, #tpu.memory_space<vmem_shared>> -> memref<10112x128xf32, #tpu.memory_space<vmem_shared>>
      tpu.wait_indirect_dma semaphore(%arg16 : memref<!tpu.dma_semaphore, #tpu.memory_space<semaphore_mem>>) src(%arg11 : memref<128x128xf32, #tpu.memory_space<vmem>>) dst(%dma_wait3A_80 : memref<10112x128xf32, #tpu.memory_space<vmem_shared>>)
      %barrier3A_81 = arith.constant 0 : index
      tpu.barrier barrier_id(%barrier3A_81)
      %mul3A_82 = arith.constant 632 : i32
      %mul3A_83 = arith.muli %arg1, %mul3A_82 : i32
      %mul3A_84 = arith.constant 632 : i32
      %mul3A_85 = arith.muli %arg1, %mul3A_84 : i32
      "tpu.region"() ({
        %run_scoped3A = tpu.sem_alloc : memref<!tpu.dma_semaphore, #tpu.memory_space<semaphore_mem>>
        %dma_start3A_86 = arith.constant 0 : i32
        %dma_start3A_87 = tpu.memref_slice %arg6[%mul3A_85, %dma_start3A_86] : memref<10112x128xf32, #tpu.memory_space<hbm>> -> memref<632x128xf32, #tpu.memory_space<hbm>>
        %dma_start3A_88 = arith.constant 0 : i32
        %dma_start3A_89 = tpu.memref_slice %arg12[%mul3A_83, %dma_start3A_88] : memref<10112x128xf32, #tpu.memory_space<vmem_shared>> -> memref<632x128xf32, #tpu.memory_space<vmem_shared>>
        tpu.enqueue_dma source(%dma_start3A_89 : memref<632x128xf32, #tpu.memory_space<vmem_shared>>) target(%dma_start3A_87 : memref<632x128xf32, #tpu.memory_space<hbm>>) target_semaphore(%run_scoped3A : memref<!tpu.dma_semaphore, #tpu.memory_space<semaphore_mem>>)
        %dma_wait3A_90 = arith.constant 0 : i32
        %dma_wait3A_91 = tpu.memref_slice %arg6[%mul3A_85, %dma_wait3A_90] : memref<10112x128xf32, #tpu.memory_space<hbm>> -> memref<632x128xf32, #tpu.memory_space<hbm>>
        %dma_wait3A_92 = arith.constant 0 : i32
        %dma_wait3A_93 = tpu.memref_slice %arg12[%mul3A_83, %dma_wait3A_92] : memref<10112x128xf32, #tpu.memory_space<vmem_shared>> -> memref<632x128xf32, #tpu.memory_space<vmem_shared>>
        tpu.wait_dma2 semaphore(%run_scoped3A : memref<!tpu.dma_semaphore, #tpu.memory_space<semaphore_mem>>) src(%dma_wait3A_93 : memref<632x128xf32, #tpu.memory_space<vmem_shared>>) dst(%dma_wait3A_91 : memref<632x128xf32, #tpu.memory_space<hbm>>)
        tpu.yield
      }) : () -> ()
    } else {
    }
    %eq3A_2 = arith.constant 1 : i32
    %eq3A_3 = arith.cmpi eq, %arg0, %eq3A_2 : i32
    %convert_element_type3A_4 = arith.extui %eq3A_3 : i1 to i32
    %cond3A_5 = arith.constant 0 : i32
    %cond3A_6 = arith.cmpi ne, %convert_element_type3A_4, %cond3A_5 : i32
    scf.if %cond3A_6 {
      %mul3A = arith.constant 632 : i32
      %mul3A_7 = arith.muli %arg1, %mul3A : i32
      %mul3A_8 = arith.constant 632 : i32
      %mul3A_9 = arith.muli %arg1, %mul3A_8 : i32
      "tpu.region"() ({
        %run_scoped3A = tpu.sem_alloc : memref<!tpu.dma_semaphore, #tpu.memory_space<semaphore_mem>>
        %dma_start3A_86 = arith.constant 0 : i32
        %dma_start3A_87 = tpu.memref_slice %arg12[%mul3A_9, %dma_start3A_86] : memref<10112x128xf32, #tpu.memory_space<vmem_shared>> -> memref<632x128xf32, #tpu.memory_space<vmem_shared>>
        %dma_start3A_88 = arith.constant 0 : i32
        %dma_start3A_89 = tpu.memref_slice %arg3[%mul3A_7, %dma_start3A_88] : memref<10112x128xf32, #tpu.memory_space<hbm>> -> memref<632x128xf32, #tpu.memory_space<hbm>>
        tpu.enqueue_dma source(%dma_start3A_89 : memref<632x128xf32, #tpu.memory_space<hbm>>) target(%dma_start3A_87 : memref<632x128xf32, #tpu.memory_space<vmem_shared>>) target_semaphore(%run_scoped3A : memref<!tpu.dma_semaphore, #tpu.memory_space<semaphore_mem>>)
        %dma_wait3A_90 = arith.constant 0 : i32
        %dma_wait3A_91 = tpu.memref_slice %arg12[%mul3A_9, %dma_wait3A_90] : memref<10112x128xf32, #tpu.memory_space<vmem_shared>> -> memref<632x128xf32, #tpu.memory_space<vmem_shared>>
        %dma_wait3A_92 = arith.constant 0 : i32
        %dma_wait3A_93 = tpu.memref_slice %arg3[%mul3A_7, %dma_wait3A_92] : memref<10112x128xf32, #tpu.memory_space<hbm>> -> memref<632x128xf32, #tpu.memory_space<hbm>>
        tpu.wait_dma2 semaphore(%run_scoped3A : memref<!tpu.dma_semaphore, #tpu.memory_space<semaphore_mem>>) src(%dma_wait3A_93 : memref<632x128xf32, #tpu.memory_space<hbm>>) dst(%dma_wait3A_91 : memref<632x128xf32, #tpu.memory_space<vmem_shared>>)
        tpu.yield
      }) : () -> ()
      %barrier3A = arith.constant 0 : index
      tpu.barrier barrier_id(%barrier3A)
      %mul3A_10 = arith.constant 20480 : i32
      %mul3A_11 = arith.muli %arg1, %mul3A_10 : i32
      %add3A = arith.constant 0 : i32
      %add3A_12 = arith.addi %mul3A_11, %add3A : i32
      %dma_start3A = arith.constant 0 : i32
      %dma_start3A_13 = arith.constant 0 : i32
      %dma_start3A_14 = tpu.memref_slice %arg8[%dma_start3A, %dma_start3A_13] : memref<4x128xi32, #tpu.memory_space<vmem>> -> memref<1x128xi32, #tpu.memory_space<vmem>>
      %dma_start3A_15 = tpu.memref_squeeze %dma_start3A_14 : memref<1x128xi32, #tpu.memory_space<vmem>> -> memref<128xi32, #tpu.memory_space<vmem>>
      %dma_start3A_16 = tpu.memref_slice %arg4[%add3A_12] : memref<327680xi32, #tpu.memory_space<hbm>> -> memref<128xi32, #tpu.memory_space<hbm>>
      %dma_start3A_17 = arith.constant 0 : i32
      %dma_start3A_18 = tpu.memref_slice %arg8[%dma_start3A, %dma_start3A_17] : memref<4x128xi32, #tpu.memory_space<vmem>> -> memref<1x128xi32, #tpu.memory_space<vmem>>
      %dma_start3A_19 = tpu.memref_squeeze %dma_start3A_18 : memref<1x128xi32, #tpu.memory_space<vmem>> -> memref<128xi32, #tpu.memory_space<vmem>>
      %dma_start3A_20 = tpu.memref_slice %arg4[%add3A_12] : memref<327680xi32, #tpu.memory_space<hbm>> -> memref<128xi32, #tpu.memory_space<hbm>>
      tpu.enqueue_dma source(%dma_start3A_20 : memref<128xi32, #tpu.memory_space<hbm>>) target(%dma_start3A_19 : memref<128xi32, #tpu.memory_space<vmem>>) target_semaphore(%arg17 : memref<!tpu.dma_semaphore, #tpu.memory_space<semaphore_mem>>)
      %dma_start3A_21 = arith.constant 0 : i32
      %dma_start3A_22 = arith.constant 0 : i32
      %dma_start3A_23 = tpu.memref_slice %arg9[%dma_start3A_21, %dma_start3A_22] : memref<4x128xi32, #tpu.memory_space<vmem>> -> memref<1x128xi32, #tpu.memory_space<vmem>>
      %dma_start3A_24 = tpu.memref_squeeze %dma_start3A_23 : memref<1x128xi32, #tpu.memory_space<vmem>> -> memref<128xi32, #tpu.memory_space<vmem>>
      %dma_start3A_25 = tpu.memref_slice %arg5[%add3A_12] : memref<327680xi32, #tpu.memory_space<hbm>> -> memref<128xi32, #tpu.memory_space<hbm>>
      %dma_start3A_26 = arith.constant 0 : i32
      %dma_start3A_27 = tpu.memref_slice %arg9[%dma_start3A_21, %dma_start3A_26] : memref<4x128xi32, #tpu.memory_space<vmem>> -> memref<1x128xi32, #tpu.memory_space<vmem>>
      %dma_start3A_28 = tpu.memref_squeeze %dma_start3A_27 : memref<1x128xi32, #tpu.memory_space<vmem>> -> memref<128xi32, #tpu.memory_space<vmem>>
      %dma_start3A_29 = tpu.memref_slice %arg5[%add3A_12] : memref<327680xi32, #tpu.memory_space<hbm>> -> memref<128xi32, #tpu.memory_space<hbm>>
      tpu.enqueue_dma source(%dma_start3A_29 : memref<128xi32, #tpu.memory_space<hbm>>) target(%dma_start3A_28 : memref<128xi32, #tpu.memory_space<vmem>>) target_semaphore(%arg17 : memref<!tpu.dma_semaphore, #tpu.memory_space<semaphore_mem>>)
      %add3A_30 = arith.constant 128 : i32
      %add3A_31 = arith.addi %mul3A_11, %add3A_30 : i32
      %dma_start3A_32 = arith.constant 1 : i32
      %dma_start3A_33 = arith.constant 0 : i32
      %dma_start3A_34 = tpu.memref_slice %arg8[%dma_start3A_32, %dma_start3A_33] : memref<4x128xi32, #tpu.memory_space<vmem>> -> memref<1x128xi32, #tpu.memory_space<vmem>>
      %dma_start3A_35 = tpu.memref_squeeze %dma_start3A_34 : memref<1x128xi32, #tpu.memory_space<vmem>> -> memref<128xi32, #tpu.memory_space<vmem>>
      %dma_start3A_36 = tpu.memref_slice %arg4[%add3A_31] : memref<327680xi32, #tpu.memory_space<hbm>> -> memref<128xi32, #tpu.memory_space<hbm>>
      %dma_start3A_37 = arith.constant 0 : i32
      %dma_start3A_38 = tpu.memref_slice %arg8[%dma_start3A_32, %dma_start3A_37] : memref<4x128xi32, #tpu.memory_space<vmem>> -> memref<1x128xi32, #tpu.memory_space<vmem>>
      %dma_start3A_39 = tpu.memref_squeeze %dma_start3A_38 : memref<1x128xi32, #tpu.memory_space<vmem>> -> memref<128xi32, #tpu.memory_space<vmem>>
      %dma_start3A_40 = tpu.memref_slice %arg4[%add3A_31] : memref<327680xi32, #tpu.memory_space<hbm>> -> memref<128xi32, #tpu.memory_space<hbm>>
      tpu.enqueue_dma source(%dma_start3A_40 : memref<128xi32, #tpu.memory_space<hbm>>) target(%dma_start3A_39 : memref<128xi32, #tpu.memory_space<vmem>>) target_semaphore(%arg18 : memref<!tpu.dma_semaphore, #tpu.memory_space<semaphore_mem>>)
      %dma_start3A_41 = arith.constant 1 : i32
      %dma_start3A_42 = arith.constant 0 : i32
      %dma_start3A_43 = tpu.memref_slice %arg9[%dma_start3A_41, %dma_start3A_42] : memref<4x128xi32, #tpu.memory_space<vmem>> -> memref<1x128xi32, #tpu.memory_space<vmem>>
      %dma_start3A_44 = tpu.memref_squeeze %dma_start3A_43 : memref<1x128xi32, #tpu.memory_space<vmem>> -> memref<128xi32, #tpu.memory_space<vmem>>
      %dma_start3A_45 = tpu.memref_slice %arg5[%add3A_31] : memref<327680xi32, #tpu.memory_space<hbm>> -> memref<128xi32, #tpu.memory_space<hbm>>
      %dma_start3A_46 = arith.constant 0 : i32
      %dma_start3A_47 = tpu.memref_slice %arg9[%dma_start3A_41, %dma_start3A_46] : memref<4x128xi32, #tpu.memory_space<vmem>> -> memref<1x128xi32, #tpu.memory_space<vmem>>
      %dma_start3A_48 = tpu.memref_squeeze %dma_start3A_47 : memref<1x128xi32, #tpu.memory_space<vmem>> -> memref<128xi32, #tpu.memory_space<vmem>>
      %dma_start3A_49 = tpu.memref_slice %arg5[%add3A_31] : memref<327680xi32, #tpu.memory_space<hbm>> -> memref<128xi32, #tpu.memory_space<hbm>>
      tpu.enqueue_dma source(%dma_start3A_49 : memref<128xi32, #tpu.memory_space<hbm>>) target(%dma_start3A_48 : memref<128xi32, #tpu.memory_space<vmem>>) target_semaphore(%arg18 : memref<!tpu.dma_semaphore, #tpu.memory_space<semaphore_mem>>)
      %scan3A = arith.constant 0 : i32
      %scan3A_50 = arith.constant 40 : i32
      %scan3A_51 = arith.addi %scan3A, %scan3A_50 : i32
      %scan3A_52 = arith.constant 1 : i32
      scf.for %scan3A_86 = %scan3A to %scan3A_51 step %scan3A_52  : i32 {
        %mul3A_87 = arith.constant 4 : i32
        %mul3A_88 = arith.muli %scan3A_86, %mul3A_87 : i32
        %add3A_89 = arith.constant 0 : i32
        %add3A_90 = arith.addi %add3A_89, %mul3A_88 : i32
        %ge3A = arith.constant 4 : i32
        %ge3A_91 = arith.cmpi sge, %add3A_90, %ge3A : i32
        %convert_element_type3A_92 = arith.extui %ge3A_91 : i1 to i32
        %cond3A_93 = arith.constant 0 : i32
        %cond3A_94 = arith.cmpi ne, %convert_element_type3A_92, %cond3A_93 : i32
        scf.if %cond3A_94 {
          %dma_wait3A_324 = arith.constant 0 : i32
          %dma_wait3A_325 = arith.constant 0 : i32
          %dma_wait3A_326 = tpu.memref_slice %arg9[%dma_wait3A_324, %dma_wait3A_325] : memref<4x128xi32, #tpu.memory_space<vmem>> -> memref<1x128xi32, #tpu.memory_space<vmem>>
          %dma_wait3A_327 = tpu.memref_squeeze %dma_wait3A_326 : memref<1x128xi32, #tpu.memory_space<vmem>> -> memref<128xi32, #tpu.memory_space<vmem>>
          %dma_wait3A_328 = arith.constant 0 : i32
          %dma_wait3A_329 = arith.constant 0 : i32
          %dma_wait3A_330 = tpu.memref_slice %arg12[%dma_wait3A_328, %dma_wait3A_329] : memref<10112x128xf32, #tpu.memory_space<vmem_shared>> -> memref<10112x128xf32, #tpu.memory_space<vmem_shared>>
          tpu.wait_indirect_dma semaphore(%arg15 : memref<!tpu.dma_semaphore, #tpu.memory_space<semaphore_mem>>) src(%arg10 : memref<128x128xf32, #tpu.memory_space<vmem>>) dst(%dma_wait3A_330 : memref<10112x128xf32, #tpu.memory_space<vmem_shared>>)
        } else {
        }
        %add3A_95 = arith.constant 0 : i32
        %add3A_96 = arith.addi %add3A_90, %add3A_95 : i32
        %add3A_97 = arith.constant 2 : i32
        %add3A_98 = arith.addi %add3A_96, %add3A_97 : i32
        %mul3A_99 = arith.constant 128 : i32
        %mul3A_100 = arith.muli %add3A_98, %mul3A_99 : i32
        %add3A_101 = arith.addi %mul3A_11, %mul3A_100 : i32
        %dma_start3A_102 = arith.constant 2 : i32
        %dma_start3A_103 = arith.constant 0 : i32
        %dma_start3A_104 = tpu.memref_slice %arg8[%dma_start3A_102, %dma_start3A_103] : memref<4x128xi32, #tpu.memory_space<vmem>> -> memref<1x128xi32, #tpu.memory_space<vmem>>
        %dma_start3A_105 = tpu.memref_squeeze %dma_start3A_104 : memref<1x128xi32, #tpu.memory_space<vmem>> -> memref<128xi32, #tpu.memory_space<vmem>>
        %dma_start3A_106 = tpu.memref_slice %arg4[%add3A_101] : memref<327680xi32, #tpu.memory_space<hbm>> -> memref<128xi32, #tpu.memory_space<hbm>>
        %dma_start3A_107 = arith.constant 0 : i32
        %dma_start3A_108 = tpu.memref_slice %arg8[%dma_start3A_102, %dma_start3A_107] : memref<4x128xi32, #tpu.memory_space<vmem>> -> memref<1x128xi32, #tpu.memory_space<vmem>>
        %dma_start3A_109 = tpu.memref_squeeze %dma_start3A_108 : memref<1x128xi32, #tpu.memory_space<vmem>> -> memref<128xi32, #tpu.memory_space<vmem>>
        %dma_start3A_110 = tpu.memref_slice %arg4[%add3A_101] : memref<327680xi32, #tpu.memory_space<hbm>> -> memref<128xi32, #tpu.memory_space<hbm>>
        tpu.enqueue_dma source(%dma_start3A_110 : memref<128xi32, #tpu.memory_space<hbm>>) target(%dma_start3A_109 : memref<128xi32, #tpu.memory_space<vmem>>) target_semaphore(%arg19 : memref<!tpu.dma_semaphore, #tpu.memory_space<semaphore_mem>>)
        %dma_start3A_111 = arith.constant 2 : i32
        %dma_start3A_112 = arith.constant 0 : i32
        %dma_start3A_113 = tpu.memref_slice %arg9[%dma_start3A_111, %dma_start3A_112] : memref<4x128xi32, #tpu.memory_space<vmem>> -> memref<1x128xi32, #tpu.memory_space<vmem>>
        %dma_start3A_114 = tpu.memref_squeeze %dma_start3A_113 : memref<1x128xi32, #tpu.memory_space<vmem>> -> memref<128xi32, #tpu.memory_space<vmem>>
        %dma_start3A_115 = tpu.memref_slice %arg5[%add3A_101] : memref<327680xi32, #tpu.memory_space<hbm>> -> memref<128xi32, #tpu.memory_space<hbm>>
        %dma_start3A_116 = arith.constant 0 : i32
        %dma_start3A_117 = tpu.memref_slice %arg9[%dma_start3A_111, %dma_start3A_116] : memref<4x128xi32, #tpu.memory_space<vmem>> -> memref<1x128xi32, #tpu.memory_space<vmem>>
        %dma_start3A_118 = tpu.memref_squeeze %dma_start3A_117 : memref<1x128xi32, #tpu.memory_space<vmem>> -> memref<128xi32, #tpu.memory_space<vmem>>
        %dma_start3A_119 = tpu.memref_slice %arg5[%add3A_101] : memref<327680xi32, #tpu.memory_space<hbm>> -> memref<128xi32, #tpu.memory_space<hbm>>
        tpu.enqueue_dma source(%dma_start3A_119 : memref<128xi32, #tpu.memory_space<hbm>>) target(%dma_start3A_118 : memref<128xi32, #tpu.memory_space<vmem>>) target_semaphore(%arg19 : memref<!tpu.dma_semaphore, #tpu.memory_space<semaphore_mem>>)
        %dma_wait3A_120 = arith.constant 0 : i32
        %dma_wait3A_121 = arith.constant 0 : i32
        %dma_wait3A_122 = tpu.memref_slice %arg8[%dma_wait3A_120, %dma_wait3A_121] : memref<4x128xi32, #tpu.memory_space<vmem>> -> memref<1x128xi32, #tpu.memory_space<vmem>>
        %dma_wait3A_123 = tpu.memref_squeeze %dma_wait3A_122 : memref<1x128xi32, #tpu.memory_space<vmem>> -> memref<128xi32, #tpu.memory_space<vmem>>
        %dma_wait3A_124 = tpu.memref_slice %arg4[%mul3A_11] : memref<327680xi32, #tpu.memory_space<hbm>> -> memref<128xi32, #tpu.memory_space<hbm>>
        %dma_wait3A_125 = arith.constant 0 : i32
        %dma_wait3A_126 = tpu.memref_slice %arg8[%dma_wait3A_120, %dma_wait3A_125] : memref<4x128xi32, #tpu.memory_space<vmem>> -> memref<1x128xi32, #tpu.memory_space<vmem>>
        %dma_wait3A_127 = tpu.memref_squeeze %dma_wait3A_126 : memref<1x128xi32, #tpu.memory_space<vmem>> -> memref<128xi32, #tpu.memory_space<vmem>>
        %dma_wait3A_128 = tpu.memref_slice %arg4[%mul3A_11] : memref<327680xi32, #tpu.memory_space<hbm>> -> memref<128xi32, #tpu.memory_space<hbm>>
        tpu.wait_dma2 semaphore(%arg17 : memref<!tpu.dma_semaphore, #tpu.memory_space<semaphore_mem>>) src(%dma_wait3A_128 : memref<128xi32, #tpu.memory_space<hbm>>) dst(%dma_wait3A_127 : memref<128xi32, #tpu.memory_space<vmem>>)
        %dma_wait3A_129 = arith.constant 0 : i32
        %dma_wait3A_130 = arith.constant 0 : i32
        %dma_wait3A_131 = tpu.memref_slice %arg9[%dma_wait3A_129, %dma_wait3A_130] : memref<4x128xi32, #tpu.memory_space<vmem>> -> memref<1x128xi32, #tpu.memory_space<vmem>>
        %dma_wait3A_132 = tpu.memref_squeeze %dma_wait3A_131 : memref<1x128xi32, #tpu.memory_space<vmem>> -> memref<128xi32, #tpu.memory_space<vmem>>
        %dma_wait3A_133 = tpu.memref_slice %arg5[%mul3A_11] : memref<327680xi32, #tpu.memory_space<hbm>> -> memref<128xi32, #tpu.memory_space<hbm>>
        %dma_wait3A_134 = arith.constant 0 : i32
        %dma_wait3A_135 = tpu.memref_slice %arg9[%dma_wait3A_129, %dma_wait3A_134] : memref<4x128xi32, #tpu.memory_space<vmem>> -> memref<1x128xi32, #tpu.memory_space<vmem>>
        %dma_wait3A_136 = tpu.memref_squeeze %dma_wait3A_135 : memref<1x128xi32, #tpu.memory_space<vmem>> -> memref<128xi32, #tpu.memory_space<vmem>>
        %dma_wait3A_137 = tpu.memref_slice %arg5[%mul3A_11] : memref<327680xi32, #tpu.memory_space<hbm>> -> memref<128xi32, #tpu.memory_space<hbm>>
        tpu.wait_dma2 semaphore(%arg17 : memref<!tpu.dma_semaphore, #tpu.memory_space<semaphore_mem>>) src(%dma_wait3A_137 : memref<128xi32, #tpu.memory_space<hbm>>) dst(%dma_wait3A_136 : memref<128xi32, #tpu.memory_space<vmem>>)
        %dma_start3A_138 = arith.constant 0 : i32
        %dma_start3A_139 = arith.constant 0 : i32
        %dma_start3A_140 = tpu.memref_slice %arg8[%dma_start3A_138, %dma_start3A_139] : memref<4x128xi32, #tpu.memory_space<vmem>> -> memref<1x128xi32, #tpu.memory_space<vmem>>
        %dma_start3A_141 = tpu.memref_squeeze %dma_start3A_140 : memref<1x128xi32, #tpu.memory_space<vmem>> -> memref<128xi32, #tpu.memory_space<vmem>>
        %dma_start3A_142 = arith.constant 0 : i32
        %dma_start3A_143 = arith.constant 0 : i32
        %dma_start3A_144 = tpu.memref_slice %arg3[%dma_start3A_142, %dma_start3A_143] : memref<10112x128xf32, #tpu.memory_space<hbm>> -> memref<10112x128xf32, #tpu.memory_space<hbm>>
        tpu.enqueue_indirect_dma source(%dma_start3A_144 : memref<10112x128xf32, #tpu.memory_space<hbm>>) target(%arg10 : memref<128x128xf32, #tpu.memory_space<vmem>>) offsets(%dma_start3A_141 : memref<128xi32, #tpu.memory_space<vmem>>) semaphore(%arg13 : memref<!tpu.dma_semaphore, #tpu.memory_space<semaphore_mem>>)
        %ge3A_145 = arith.constant 4 : i32
        %ge3A_146 = arith.cmpi sge, %add3A_90, %ge3A_145 : i32
        %convert_element_type3A_147 = arith.extui %ge3A_146 : i1 to i32
        %cond3A_148 = arith.constant 0 : i32
        %cond3A_149 = arith.cmpi ne, %convert_element_type3A_147, %cond3A_148 : i32
        scf.if %cond3A_149 {
          %dma_wait3A_324 = arith.constant 3 : i32
          %dma_wait3A_325 = arith.constant 0 : i32
          %dma_wait3A_326 = tpu.memref_slice %arg8[%dma_wait3A_324, %dma_wait3A_325] : memref<4x128xi32, #tpu.memory_space<vmem>> -> memref<1x128xi32, #tpu.memory_space<vmem>>
          %dma_wait3A_327 = tpu.memref_squeeze %dma_wait3A_326 : memref<1x128xi32, #tpu.memory_space<vmem>> -> memref<128xi32, #tpu.memory_space<vmem>>
          %dma_wait3A_328 = arith.constant 0 : i32
          %dma_wait3A_329 = arith.constant 0 : i32
          %dma_wait3A_330 = tpu.memref_slice %arg3[%dma_wait3A_328, %dma_wait3A_329] : memref<10112x128xf32, #tpu.memory_space<hbm>> -> memref<10112x128xf32, #tpu.memory_space<hbm>>
          tpu.wait_indirect_dma semaphore(%arg14 : memref<!tpu.dma_semaphore, #tpu.memory_space<semaphore_mem>>) src(%dma_wait3A_330 : memref<10112x128xf32, #tpu.memory_space<hbm>>) dst(%arg11 : memref<128x128xf32, #tpu.memory_space<vmem>>)
          %dma_start3A_331 = arith.constant 3 : i32
          %dma_start3A_332 = arith.constant 0 : i32
          %dma_start3A_333 = tpu.memref_slice %arg9[%dma_start3A_331, %dma_start3A_332] : memref<4x128xi32, #tpu.memory_space<vmem>> -> memref<1x128xi32, #tpu.memory_space<vmem>>
          %dma_start3A_334 = tpu.memref_squeeze %dma_start3A_333 : memref<1x128xi32, #tpu.memory_space<vmem>> -> memref<128xi32, #tpu.memory_space<vmem>>
          %dma_start3A_335 = arith.constant 0 : i32
          %dma_start3A_336 = arith.constant 0 : i32
          %dma_start3A_337 = tpu.memref_slice %arg12[%dma_start3A_335, %dma_start3A_336] : memref<10112x128xf32, #tpu.memory_space<vmem_shared>> -> memref<10112x128xf32, #tpu.memory_space<vmem_shared>>
          tpu.enqueue_indirect_dma source(%arg11 : memref<128x128xf32, #tpu.memory_space<vmem>>) target(%dma_start3A_337 : memref<10112x128xf32, #tpu.memory_space<vmem_shared>>) offsets(%dma_start3A_334 : memref<128xi32, #tpu.memory_space<vmem>>) semaphore(%arg16 : memref<!tpu.dma_semaphore, #tpu.memory_space<semaphore_mem>>) {add = true}
        } else {
        }
        %ge3A_150 = arith.constant 4 : i32
        %ge3A_151 = arith.cmpi sge, %add3A_90, %ge3A_150 : i32
        %convert_element_type3A_152 = arith.extui %ge3A_151 : i1 to i32
        %cond3A_153 = arith.constant 0 : i32
        %cond3A_154 = arith.cmpi ne, %convert_element_type3A_152, %cond3A_153 : i32
        scf.if %cond3A_154 {
          %dma_wait3A_324 = arith.constant 0 : i32
          %dma_wait3A_325 = arith.constant 0 : i32
          %dma_wait3A_326 = tpu.memref_slice %arg9[%dma_wait3A_324, %dma_wait3A_325] : memref<4x128xi32, #tpu.memory_space<vmem>> -> memref<1x128xi32, #tpu.memory_space<vmem>>
          %dma_wait3A_327 = tpu.memref_squeeze %dma_wait3A_326 : memref<1x128xi32, #tpu.memory_space<vmem>> -> memref<128xi32, #tpu.memory_space<vmem>>
          %dma_wait3A_328 = arith.constant 0 : i32
          %dma_wait3A_329 = arith.constant 0 : i32
          %dma_wait3A_330 = tpu.memref_slice %arg12[%dma_wait3A_328, %dma_wait3A_329] : memref<10112x128xf32, #tpu.memory_space<vmem_shared>> -> memref<10112x128xf32, #tpu.memory_space<vmem_shared>>
          tpu.wait_indirect_dma semaphore(%arg16 : memref<!tpu.dma_semaphore, #tpu.memory_space<semaphore_mem>>) src(%arg11 : memref<128x128xf32, #tpu.memory_space<vmem>>) dst(%dma_wait3A_330 : memref<10112x128xf32, #tpu.memory_space<vmem_shared>>)
        } else {
        }
        %add3A_155 = arith.constant 1 : i32
        %add3A_156 = arith.addi %add3A_90, %add3A_155 : i32
        %add3A_157 = arith.constant 2 : i32
        %add3A_158 = arith.addi %add3A_156, %add3A_157 : i32
        %mul3A_159 = arith.constant 128 : i32
        %mul3A_160 = arith.muli %add3A_158, %mul3A_159 : i32
        %add3A_161 = arith.addi %mul3A_11, %mul3A_160 : i32
        %dma_start3A_162 = arith.constant 3 : i32
        %dma_start3A_163 = arith.constant 0 : i32
        %dma_start3A_164 = tpu.memref_slice %arg8[%dma_start3A_162, %dma_start3A_163] : memref<4x128xi32, #tpu.memory_space<vmem>> -> memref<1x128xi32, #tpu.memory_space<vmem>>
        %dma_start3A_165 = tpu.memref_squeeze %dma_start3A_164 : memref<1x128xi32, #tpu.memory_space<vmem>> -> memref<128xi32, #tpu.memory_space<vmem>>
        %dma_start3A_166 = tpu.memref_slice %arg4[%add3A_161] : memref<327680xi32, #tpu.memory_space<hbm>> -> memref<128xi32, #tpu.memory_space<hbm>>
        %dma_start3A_167 = arith.constant 0 : i32
        %dma_start3A_168 = tpu.memref_slice %arg8[%dma_start3A_162, %dma_start3A_167] : memref<4x128xi32, #tpu.memory_space<vmem>> -> memref<1x128xi32, #tpu.memory_space<vmem>>
        %dma_start3A_169 = tpu.memref_squeeze %dma_start3A_168 : memref<1x128xi32, #tpu.memory_space<vmem>> -> memref<128xi32, #tpu.memory_space<vmem>>
        %dma_start3A_170 = tpu.memref_slice %arg4[%add3A_161] : memref<327680xi32, #tpu.memory_space<hbm>> -> memref<128xi32, #tpu.memory_space<hbm>>
        tpu.enqueue_dma source(%dma_start3A_170 : memref<128xi32, #tpu.memory_space<hbm>>) target(%dma_start3A_169 : memref<128xi32, #tpu.memory_space<vmem>>) target_semaphore(%arg20 : memref<!tpu.dma_semaphore, #tpu.memory_space<semaphore_mem>>)
        %dma_start3A_171 = arith.constant 3 : i32
        %dma_start3A_172 = arith.constant 0 : i32
        %dma_start3A_173 = tpu.memref_slice %arg9[%dma_start3A_171, %dma_start3A_172] : memref<4x128xi32, #tpu.memory_space<vmem>> -> memref<1x128xi32, #tpu.memory_space<vmem>>
        %dma_start3A_174 = tpu.memref_squeeze %dma_start3A_173 : memref<1x128xi32, #tpu.memory_space<vmem>> -> memref<128xi32, #tpu.memory_space<vmem>>
        %dma_start3A_175 = tpu.memref_slice %arg5[%add3A_161] : memref<327680xi32, #tpu.memory_space<hbm>> -> memref<128xi32, #tpu.memory_space<hbm>>
        %dma_start3A_176 = arith.constant 0 : i32
        %dma_start3A_177 = tpu.memref_slice %arg9[%dma_start3A_171, %dma_start3A_176] : memref<4x128xi32, #tpu.memory_space<vmem>> -> memref<1x128xi32, #tpu.memory_space<vmem>>
        %dma_start3A_178 = tpu.memref_squeeze %dma_start3A_177 : memref<1x128xi32, #tpu.memory_space<vmem>> -> memref<128xi32, #tpu.memory_space<vmem>>
        %dma_start3A_179 = tpu.memref_slice %arg5[%add3A_161] : memref<327680xi32, #tpu.memory_space<hbm>> -> memref<128xi32, #tpu.memory_space<hbm>>
        tpu.enqueue_dma source(%dma_start3A_179 : memref<128xi32, #tpu.memory_space<hbm>>) target(%dma_start3A_178 : memref<128xi32, #tpu.memory_space<vmem>>) target_semaphore(%arg20 : memref<!tpu.dma_semaphore, #tpu.memory_space<semaphore_mem>>)
        %dma_wait3A_180 = arith.constant 1 : i32
        %dma_wait3A_181 = arith.constant 0 : i32
        %dma_wait3A_182 = tpu.memref_slice %arg8[%dma_wait3A_180, %dma_wait3A_181] : memref<4x128xi32, #tpu.memory_space<vmem>> -> memref<1x128xi32, #tpu.memory_space<vmem>>
        %dma_wait3A_183 = tpu.memref_squeeze %dma_wait3A_182 : memref<1x128xi32, #tpu.memory_space<vmem>> -> memref<128xi32, #tpu.memory_space<vmem>>
        %dma_wait3A_184 = tpu.memref_slice %arg4[%mul3A_11] : memref<327680xi32, #tpu.memory_space<hbm>> -> memref<128xi32, #tpu.memory_space<hbm>>
        %dma_wait3A_185 = arith.constant 0 : i32
        %dma_wait3A_186 = tpu.memref_slice %arg8[%dma_wait3A_180, %dma_wait3A_185] : memref<4x128xi32, #tpu.memory_space<vmem>> -> memref<1x128xi32, #tpu.memory_space<vmem>>
        %dma_wait3A_187 = tpu.memref_squeeze %dma_wait3A_186 : memref<1x128xi32, #tpu.memory_space<vmem>> -> memref<128xi32, #tpu.memory_space<vmem>>
        %dma_wait3A_188 = tpu.memref_slice %arg4[%mul3A_11] : memref<327680xi32, #tpu.memory_space<hbm>> -> memref<128xi32, #tpu.memory_space<hbm>>
        tpu.wait_dma2 semaphore(%arg18 : memref<!tpu.dma_semaphore, #tpu.memory_space<semaphore_mem>>) src(%dma_wait3A_188 : memref<128xi32, #tpu.memory_space<hbm>>) dst(%dma_wait3A_187 : memref<128xi32, #tpu.memory_space<vmem>>)
        %dma_wait3A_189 = arith.constant 1 : i32
        %dma_wait3A_190 = arith.constant 0 : i32
        %dma_wait3A_191 = tpu.memref_slice %arg9[%dma_wait3A_189, %dma_wait3A_190] : memref<4x128xi32, #tpu.memory_space<vmem>> -> memref<1x128xi32, #tpu.memory_space<vmem>>
        %dma_wait3A_192 = tpu.memref_squeeze %dma_wait3A_191 : memref<1x128xi32, #tpu.memory_space<vmem>> -> memref<128xi32, #tpu.memory_space<vmem>>
        %dma_wait3A_193 = tpu.memref_slice %arg5[%mul3A_11] : memref<327680xi32, #tpu.memory_space<hbm>> -> memref<128xi32, #tpu.memory_space<hbm>>
        %dma_wait3A_194 = arith.constant 0 : i32
        %dma_wait3A_195 = tpu.memref_slice %arg9[%dma_wait3A_189, %dma_wait3A_194] : memref<4x128xi32, #tpu.memory_space<vmem>> -> memref<1x128xi32, #tpu.memory_space<vmem>>
        %dma_wait3A_196 = tpu.memref_squeeze %dma_wait3A_195 : memref<1x128xi32, #tpu.memory_space<vmem>> -> memref<128xi32, #tpu.memory_space<vmem>>
        %dma_wait3A_197 = tpu.memref_slice %arg5[%mul3A_11] : memref<327680xi32, #tpu.memory_space<hbm>> -> memref<128xi32, #tpu.memory_space<hbm>>
        tpu.wait_dma2 semaphore(%arg18 : memref<!tpu.dma_semaphore, #tpu.memory_space<semaphore_mem>>) src(%dma_wait3A_197 : memref<128xi32, #tpu.memory_space<hbm>>) dst(%dma_wait3A_196 : memref<128xi32, #tpu.memory_space<vmem>>)
        %dma_start3A_198 = arith.constant 1 : i32
        %dma_start3A_199 = arith.constant 0 : i32
        %dma_start3A_200 = tpu.memref_slice %arg8[%dma_start3A_198, %dma_start3A_199] : memref<4x128xi32, #tpu.memory_space<vmem>> -> memref<1x128xi32, #tpu.memory_space<vmem>>
        %dma_start3A_201 = tpu.memref_squeeze %dma_start3A_200 : memref<1x128xi32, #tpu.memory_space<vmem>> -> memref<128xi32, #tpu.memory_space<vmem>>
        %dma_start3A_202 = arith.constant 0 : i32
        %dma_start3A_203 = arith.constant 0 : i32
        %dma_start3A_204 = tpu.memref_slice %arg3[%dma_start3A_202, %dma_start3A_203] : memref<10112x128xf32, #tpu.memory_space<hbm>> -> memref<10112x128xf32, #tpu.memory_space<hbm>>
        tpu.enqueue_indirect_dma source(%dma_start3A_204 : memref<10112x128xf32, #tpu.memory_space<hbm>>) target(%arg11 : memref<128x128xf32, #tpu.memory_space<vmem>>) offsets(%dma_start3A_201 : memref<128xi32, #tpu.memory_space<vmem>>) semaphore(%arg14 : memref<!tpu.dma_semaphore, #tpu.memory_space<semaphore_mem>>)
        %dma_wait3A_205 = arith.constant 0 : i32
        %dma_wait3A_206 = arith.constant 0 : i32
        %dma_wait3A_207 = tpu.memref_slice %arg8[%dma_wait3A_205, %dma_wait3A_206] : memref<4x128xi32, #tpu.memory_space<vmem>> -> memref<1x128xi32, #tpu.memory_space<vmem>>
        %dma_wait3A_208 = tpu.memref_squeeze %dma_wait3A_207 : memref<1x128xi32, #tpu.memory_space<vmem>> -> memref<128xi32, #tpu.memory_space<vmem>>
        %dma_wait3A_209 = arith.constant 0 : i32
        %dma_wait3A_210 = arith.constant 0 : i32
        %dma_wait3A_211 = tpu.memref_slice %arg3[%dma_wait3A_209, %dma_wait3A_210] : memref<10112x128xf32, #tpu.memory_space<hbm>> -> memref<10112x128xf32, #tpu.memory_space<hbm>>
        tpu.wait_indirect_dma semaphore(%arg13 : memref<!tpu.dma_semaphore, #tpu.memory_space<semaphore_mem>>) src(%dma_wait3A_211 : memref<10112x128xf32, #tpu.memory_space<hbm>>) dst(%arg10 : memref<128x128xf32, #tpu.memory_space<vmem>>)
        %dma_start3A_212 = arith.constant 0 : i32
        %dma_start3A_213 = arith.constant 0 : i32
        %dma_start3A_214 = tpu.memref_slice %arg9[%dma_start3A_212, %dma_start3A_213] : memref<4x128xi32, #tpu.memory_space<vmem>> -> memref<1x128xi32, #tpu.memory_space<vmem>>
        %dma_start3A_215 = tpu.memref_squeeze %dma_start3A_214 : memref<1x128xi32, #tpu.memory_space<vmem>> -> memref<128xi32, #tpu.memory_space<vmem>>
        %dma_start3A_216 = arith.constant 0 : i32
        %dma_start3A_217 = arith.constant 0 : i32
        %dma_start3A_218 = tpu.memref_slice %arg12[%dma_start3A_216, %dma_start3A_217] : memref<10112x128xf32, #tpu.memory_space<vmem_shared>> -> memref<10112x128xf32, #tpu.memory_space<vmem_shared>>
        tpu.enqueue_indirect_dma source(%arg10 : memref<128x128xf32, #tpu.memory_space<vmem>>) target(%dma_start3A_218 : memref<10112x128xf32, #tpu.memory_space<vmem_shared>>) offsets(%dma_start3A_215 : memref<128xi32, #tpu.memory_space<vmem>>) semaphore(%arg15 : memref<!tpu.dma_semaphore, #tpu.memory_space<semaphore_mem>>) {add = true}
        %dma_wait3A_219 = arith.constant 0 : i32
        %dma_wait3A_220 = arith.constant 0 : i32
        %dma_wait3A_221 = tpu.memref_slice %arg9[%dma_wait3A_219, %dma_wait3A_220] : memref<4x128xi32, #tpu.memory_space<vmem>> -> memref<1x128xi32, #tpu.memory_space<vmem>>
        %dma_wait3A_222 = tpu.memref_squeeze %dma_wait3A_221 : memref<1x128xi32, #tpu.memory_space<vmem>> -> memref<128xi32, #tpu.memory_space<vmem>>
        %dma_wait3A_223 = arith.constant 0 : i32
        %dma_wait3A_224 = arith.constant 0 : i32
        %dma_wait3A_225 = tpu.memref_slice %arg12[%dma_wait3A_223, %dma_wait3A_224] : memref<10112x128xf32, #tpu.memory_space<vmem_shared>> -> memref<10112x128xf32, #tpu.memory_space<vmem_shared>>
        tpu.wait_indirect_dma semaphore(%arg15 : memref<!tpu.dma_semaphore, #tpu.memory_space<semaphore_mem>>) src(%arg10 : memref<128x128xf32, #tpu.memory_space<vmem>>) dst(%dma_wait3A_225 : memref<10112x128xf32, #tpu.memory_space<vmem_shared>>)
        %add3A_226 = arith.constant 4 : i32
        %add3A_227 = arith.addi %add3A_90, %add3A_226 : i32
        %lt3A = arith.constant 160 : i32
        %lt3A_228 = arith.cmpi slt, %add3A_227, %lt3A : i32
        %convert_element_type3A_229 = arith.extui %lt3A_228 : i1 to i32
        %cond3A_230 = arith.constant 0 : i32
        %cond3A_231 = arith.cmpi ne, %convert_element_type3A_229, %cond3A_230 : i32
        scf.if %cond3A_231 {
          %add3A_324 = arith.constant 2 : i32
          %add3A_325 = arith.addi %add3A_90, %add3A_324 : i32
          %add3A_326 = arith.constant 2 : i32
          %add3A_327 = arith.addi %add3A_325, %add3A_326 : i32
          %mul3A_328 = arith.constant 128 : i32
          %mul3A_329 = arith.muli %add3A_327, %mul3A_328 : i32
          %add3A_330 = arith.addi %mul3A_11, %mul3A_329 : i32
          %dma_start3A_331 = arith.constant 0 : i32
          %dma_start3A_332 = arith.constant 0 : i32
          %dma_start3A_333 = tpu.memref_slice %arg8[%dma_start3A_331, %dma_start3A_332] : memref<4x128xi32, #tpu.memory_space<vmem>> -> memref<1x128xi32, #tpu.memory_space<vmem>>
          %dma_start3A_334 = tpu.memref_squeeze %dma_start3A_333 : memref<1x128xi32, #tpu.memory_space<vmem>> -> memref<128xi32, #tpu.memory_space<vmem>>
          %dma_start3A_335 = tpu.memref_slice %arg4[%add3A_330] : memref<327680xi32, #tpu.memory_space<hbm>> -> memref<128xi32, #tpu.memory_space<hbm>>
          %dma_start3A_336 = arith.constant 0 : i32
          %dma_start3A_337 = tpu.memref_slice %arg8[%dma_start3A_331, %dma_start3A_336] : memref<4x128xi32, #tpu.memory_space<vmem>> -> memref<1x128xi32, #tpu.memory_space<vmem>>
          %dma_start3A_338 = tpu.memref_squeeze %dma_start3A_337 : memref<1x128xi32, #tpu.memory_space<vmem>> -> memref<128xi32, #tpu.memory_space<vmem>>
          %dma_start3A_339 = tpu.memref_slice %arg4[%add3A_330] : memref<327680xi32, #tpu.memory_space<hbm>> -> memref<128xi32, #tpu.memory_space<hbm>>
          tpu.enqueue_dma source(%dma_start3A_339 : memref<128xi32, #tpu.memory_space<hbm>>) target(%dma_start3A_338 : memref<128xi32, #tpu.memory_space<vmem>>) target_semaphore(%arg17 : memref<!tpu.dma_semaphore, #tpu.memory_space<semaphore_mem>>)
          %dma_start3A_340 = arith.constant 0 : i32
          %dma_start3A_341 = arith.constant 0 : i32
          %dma_start3A_342 = tpu.memref_slice %arg9[%dma_start3A_340, %dma_start3A_341] : memref<4x128xi32, #tpu.memory_space<vmem>> -> memref<1x128xi32, #tpu.memory_space<vmem>>
          %dma_start3A_343 = tpu.memref_squeeze %dma_start3A_342 : memref<1x128xi32, #tpu.memory_space<vmem>> -> memref<128xi32, #tpu.memory_space<vmem>>
          %dma_start3A_344 = tpu.memref_slice %arg5[%add3A_330] : memref<327680xi32, #tpu.memory_space<hbm>> -> memref<128xi32, #tpu.memory_space<hbm>>
          %dma_start3A_345 = arith.constant 0 : i32
          %dma_start3A_346 = tpu.memref_slice %arg9[%dma_start3A_340, %dma_start3A_345] : memref<4x128xi32, #tpu.memory_space<vmem>> -> memref<1x128xi32, #tpu.memory_space<vmem>>
          %dma_start3A_347 = tpu.memref_squeeze %dma_start3A_346 : memref<1x128xi32, #tpu.memory_space<vmem>> -> memref<128xi32, #tpu.memory_space<vmem>>
          %dma_start3A_348 = tpu.memref_slice %arg5[%add3A_330] : memref<327680xi32, #tpu.memory_space<hbm>> -> memref<128xi32, #tpu.memory_space<hbm>>
          tpu.enqueue_dma source(%dma_start3A_348 : memref<128xi32, #tpu.memory_space<hbm>>) target(%dma_start3A_347 : memref<128xi32, #tpu.memory_space<vmem>>) target_semaphore(%arg17 : memref<!tpu.dma_semaphore, #tpu.memory_space<semaphore_mem>>)
        } else {
        }
        %dma_wait3A_232 = arith.constant 2 : i32
        %dma_wait3A_233 = arith.constant 0 : i32
        %dma_wait3A_234 = tpu.memref_slice %arg8[%dma_wait3A_232, %dma_wait3A_233] : memref<4x128xi32, #tpu.memory_space<vmem>> -> memref<1x128xi32, #tpu.memory_space<vmem>>
        %dma_wait3A_235 = tpu.memref_squeeze %dma_wait3A_234 : memref<1x128xi32, #tpu.memory_space<vmem>> -> memref<128xi32, #tpu.memory_space<vmem>>
        %dma_wait3A_236 = tpu.memref_slice %arg4[%mul3A_11] : memref<327680xi32, #tpu.memory_space<hbm>> -> memref<128xi32, #tpu.memory_space<hbm>>
        %dma_wait3A_237 = arith.constant 0 : i32
        %dma_wait3A_238 = tpu.memref_slice %arg8[%dma_wait3A_232, %dma_wait3A_237] : memref<4x128xi32, #tpu.memory_space<vmem>> -> memref<1x128xi32, #tpu.memory_space<vmem>>
        %dma_wait3A_239 = tpu.memref_squeeze %dma_wait3A_238 : memref<1x128xi32, #tpu.memory_space<vmem>> -> memref<128xi32, #tpu.memory_space<vmem>>
        %dma_wait3A_240 = tpu.memref_slice %arg4[%mul3A_11] : memref<327680xi32, #tpu.memory_space<hbm>> -> memref<128xi32, #tpu.memory_space<hbm>>
        tpu.wait_dma2 semaphore(%arg19 : memref<!tpu.dma_semaphore, #tpu.memory_space<semaphore_mem>>) src(%dma_wait3A_240 : memref<128xi32, #tpu.memory_space<hbm>>) dst(%dma_wait3A_239 : memref<128xi32, #tpu.memory_space<vmem>>)
        %dma_wait3A_241 = arith.constant 2 : i32
        %dma_wait3A_242 = arith.constant 0 : i32
        %dma_wait3A_243 = tpu.memref_slice %arg9[%dma_wait3A_241, %dma_wait3A_242] : memref<4x128xi32, #tpu.memory_space<vmem>> -> memref<1x128xi32, #tpu.memory_space<vmem>>
        %dma_wait3A_244 = tpu.memref_squeeze %dma_wait3A_243 : memref<1x128xi32, #tpu.memory_space<vmem>> -> memref<128xi32, #tpu.memory_space<vmem>>
        %dma_wait3A_245 = tpu.memref_slice %arg5[%mul3A_11] : memref<327680xi32, #tpu.memory_space<hbm>> -> memref<128xi32, #tpu.memory_space<hbm>>
        %dma_wait3A_246 = arith.constant 0 : i32
        %dma_wait3A_247 = tpu.memref_slice %arg9[%dma_wait3A_241, %dma_wait3A_246] : memref<4x128xi32, #tpu.memory_space<vmem>> -> memref<1x128xi32, #tpu.memory_space<vmem>>
        %dma_wait3A_248 = tpu.memref_squeeze %dma_wait3A_247 : memref<1x128xi32, #tpu.memory_space<vmem>> -> memref<128xi32, #tpu.memory_space<vmem>>
        %dma_wait3A_249 = tpu.memref_slice %arg5[%mul3A_11] : memref<327680xi32, #tpu.memory_space<hbm>> -> memref<128xi32, #tpu.memory_space<hbm>>
        tpu.wait_dma2 semaphore(%arg19 : memref<!tpu.dma_semaphore, #tpu.memory_space<semaphore_mem>>) src(%dma_wait3A_249 : memref<128xi32, #tpu.memory_space<hbm>>) dst(%dma_wait3A_248 : memref<128xi32, #tpu.memory_space<vmem>>)
        %dma_start3A_250 = arith.constant 2 : i32
        %dma_start3A_251 = arith.constant 0 : i32
        %dma_start3A_252 = tpu.memref_slice %arg8[%dma_start3A_250, %dma_start3A_251] : memref<4x128xi32, #tpu.memory_space<vmem>> -> memref<1x128xi32, #tpu.memory_space<vmem>>
        %dma_start3A_253 = tpu.memref_squeeze %dma_start3A_252 : memref<1x128xi32, #tpu.memory_space<vmem>> -> memref<128xi32, #tpu.memory_space<vmem>>
        %dma_start3A_254 = arith.constant 0 : i32
        %dma_start3A_255 = arith.constant 0 : i32
        %dma_start3A_256 = tpu.memref_slice %arg3[%dma_start3A_254, %dma_start3A_255] : memref<10112x128xf32, #tpu.memory_space<hbm>> -> memref<10112x128xf32, #tpu.memory_space<hbm>>
        tpu.enqueue_indirect_dma source(%dma_start3A_256 : memref<10112x128xf32, #tpu.memory_space<hbm>>) target(%arg10 : memref<128x128xf32, #tpu.memory_space<vmem>>) offsets(%dma_start3A_253 : memref<128xi32, #tpu.memory_space<vmem>>) semaphore(%arg13 : memref<!tpu.dma_semaphore, #tpu.memory_space<semaphore_mem>>)
        %dma_wait3A_257 = arith.constant 1 : i32
        %dma_wait3A_258 = arith.constant 0 : i32
        %dma_wait3A_259 = tpu.memref_slice %arg8[%dma_wait3A_257, %dma_wait3A_258] : memref<4x128xi32, #tpu.memory_space<vmem>> -> memref<1x128xi32, #tpu.memory_space<vmem>>
        %dma_wait3A_260 = tpu.memref_squeeze %dma_wait3A_259 : memref<1x128xi32, #tpu.memory_space<vmem>> -> memref<128xi32, #tpu.memory_space<vmem>>
        %dma_wait3A_261 = arith.constant 0 : i32
        %dma_wait3A_262 = arith.constant 0 : i32
        %dma_wait3A_263 = tpu.memref_slice %arg3[%dma_wait3A_261, %dma_wait3A_262] : memref<10112x128xf32, #tpu.memory_space<hbm>> -> memref<10112x128xf32, #tpu.memory_space<hbm>>
        tpu.wait_indirect_dma semaphore(%arg14 : memref<!tpu.dma_semaphore, #tpu.memory_space<semaphore_mem>>) src(%dma_wait3A_263 : memref<10112x128xf32, #tpu.memory_space<hbm>>) dst(%arg11 : memref<128x128xf32, #tpu.memory_space<vmem>>)
        %dma_start3A_264 = arith.constant 1 : i32
        %dma_start3A_265 = arith.constant 0 : i32
        %dma_start3A_266 = tpu.memref_slice %arg9[%dma_start3A_264, %dma_start3A_265] : memref<4x128xi32, #tpu.memory_space<vmem>> -> memref<1x128xi32, #tpu.memory_space<vmem>>
        %dma_start3A_267 = tpu.memref_squeeze %dma_start3A_266 : memref<1x128xi32, #tpu.memory_space<vmem>> -> memref<128xi32, #tpu.memory_space<vmem>>
        %dma_start3A_268 = arith.constant 0 : i32
        %dma_start3A_269 = arith.constant 0 : i32
        %dma_start3A_270 = tpu.memref_slice %arg12[%dma_start3A_268, %dma_start3A_269] : memref<10112x128xf32, #tpu.memory_space<vmem_shared>> -> memref<10112x128xf32, #tpu.memory_space<vmem_shared>>
        tpu.enqueue_indirect_dma source(%arg11 : memref<128x128xf32, #tpu.memory_space<vmem>>) target(%dma_start3A_270 : memref<10112x128xf32, #tpu.memory_space<vmem_shared>>) offsets(%dma_start3A_267 : memref<128xi32, #tpu.memory_space<vmem>>) semaphore(%arg16 : memref<!tpu.dma_semaphore, #tpu.memory_space<semaphore_mem>>) {add = true}
        %dma_wait3A_271 = arith.constant 0 : i32
        %dma_wait3A_272 = arith.constant 0 : i32
        %dma_wait3A_273 = tpu.memref_slice %arg9[%dma_wait3A_271, %dma_wait3A_272] : memref<4x128xi32, #tpu.memory_space<vmem>> -> memref<1x128xi32, #tpu.memory_space<vmem>>
        %dma_wait3A_274 = tpu.memref_squeeze %dma_wait3A_273 : memref<1x128xi32, #tpu.memory_space<vmem>> -> memref<128xi32, #tpu.memory_space<vmem>>
        %dma_wait3A_275 = arith.constant 0 : i32
        %dma_wait3A_276 = arith.constant 0 : i32
        %dma_wait3A_277 = tpu.memref_slice %arg12[%dma_wait3A_275, %dma_wait3A_276] : memref<10112x128xf32, #tpu.memory_space<vmem_shared>> -> memref<10112x128xf32, #tpu.memory_space<vmem_shared>>
        tpu.wait_indirect_dma semaphore(%arg16 : memref<!tpu.dma_semaphore, #tpu.memory_space<semaphore_mem>>) src(%arg11 : memref<128x128xf32, #tpu.memory_space<vmem>>) dst(%dma_wait3A_277 : memref<10112x128xf32, #tpu.memory_space<vmem_shared>>)
        %add3A_278 = arith.constant 4 : i32
        %add3A_279 = arith.addi %add3A_90, %add3A_278 : i32
        %lt3A_280 = arith.constant 160 : i32
        %lt3A_281 = arith.cmpi slt, %add3A_279, %lt3A_280 : i32
        %convert_element_type3A_282 = arith.extui %lt3A_281 : i1 to i32
        %cond3A_283 = arith.constant 0 : i32
        %cond3A_284 = arith.cmpi ne, %convert_element_type3A_282, %cond3A_283 : i32
        scf.if %cond3A_284 {
          %add3A_324 = arith.constant 3 : i32
          %add3A_325 = arith.addi %add3A_90, %add3A_324 : i32
          %add3A_326 = arith.constant 2 : i32
          %add3A_327 = arith.addi %add3A_325, %add3A_326 : i32
          %mul3A_328 = arith.constant 128 : i32
          %mul3A_329 = arith.muli %add3A_327, %mul3A_328 : i32
          %add3A_330 = arith.addi %mul3A_11, %mul3A_329 : i32
          %dma_start3A_331 = arith.constant 1 : i32
          %dma_start3A_332 = arith.constant 0 : i32
          %dma_start3A_333 = tpu.memref_slice %arg8[%dma_start3A_331, %dma_start3A_332] : memref<4x128xi32, #tpu.memory_space<vmem>> -> memref<1x128xi32, #tpu.memory_space<vmem>>
          %dma_start3A_334 = tpu.memref_squeeze %dma_start3A_333 : memref<1x128xi32, #tpu.memory_space<vmem>> -> memref<128xi32, #tpu.memory_space<vmem>>
          %dma_start3A_335 = tpu.memref_slice %arg4[%add3A_330] : memref<327680xi32, #tpu.memory_space<hbm>> -> memref<128xi32, #tpu.memory_space<hbm>>
          %dma_start3A_336 = arith.constant 0 : i32
          %dma_start3A_337 = tpu.memref_slice %arg8[%dma_start3A_331, %dma_start3A_336] : memref<4x128xi32, #tpu.memory_space<vmem>> -> memref<1x128xi32, #tpu.memory_space<vmem>>
          %dma_start3A_338 = tpu.memref_squeeze %dma_start3A_337 : memref<1x128xi32, #tpu.memory_space<vmem>> -> memref<128xi32, #tpu.memory_space<vmem>>
          %dma_start3A_339 = tpu.memref_slice %arg4[%add3A_330] : memref<327680xi32, #tpu.memory_space<hbm>> -> memref<128xi32, #tpu.memory_space<hbm>>
          tpu.enqueue_dma source(%dma_start3A_339 : memref<128xi32, #tpu.memory_space<hbm>>) target(%dma_start3A_338 : memref<128xi32, #tpu.memory_space<vmem>>) target_semaphore(%arg18 : memref<!tpu.dma_semaphore, #tpu.memory_space<semaphore_mem>>)
          %dma_start3A_340 = arith.constant 1 : i32
          %dma_start3A_341 = arith.constant 0 : i32
          %dma_start3A_342 = tpu.memref_slice %arg9[%dma_start3A_340, %dma_start3A_341] : memref<4x128xi32, #tpu.memory_space<vmem>> -> memref<1x128xi32, #tpu.memory_space<vmem>>
          %dma_start3A_343 = tpu.memref_squeeze %dma_start3A_342 : memref<1x128xi32, #tpu.memory_space<vmem>> -> memref<128xi32, #tpu.memory_space<vmem>>
          %dma_start3A_344 = tpu.memref_slice %arg5[%add3A_330] : memref<327680xi32, #tpu.memory_space<hbm>> -> memref<128xi32, #tpu.memory_space<hbm>>
          %dma_start3A_345 = arith.constant 0 : i32
          %dma_start3A_346 = tpu.memref_slice %arg9[%dma_start3A_340, %dma_start3A_345] : memref<4x128xi32, #tpu.memory_space<vmem>> -> memref<1x128xi32, #tpu.memory_space<vmem>>
          %dma_start3A_347 = tpu.memref_squeeze %dma_start3A_346 : memref<1x128xi32, #tpu.memory_space<vmem>> -> memref<128xi32, #tpu.memory_space<vmem>>
          %dma_start3A_348 = tpu.memref_slice %arg5[%add3A_330] : memref<327680xi32, #tpu.memory_space<hbm>> -> memref<128xi32, #tpu.memory_space<hbm>>
          tpu.enqueue_dma source(%dma_start3A_348 : memref<128xi32, #tpu.memory_space<hbm>>) target(%dma_start3A_347 : memref<128xi32, #tpu.memory_space<vmem>>) target_semaphore(%arg18 : memref<!tpu.dma_semaphore, #tpu.memory_space<semaphore_mem>>)
        } else {
        }
        %dma_wait3A_285 = arith.constant 3 : i32
        %dma_wait3A_286 = arith.constant 0 : i32
        %dma_wait3A_287 = tpu.memref_slice %arg8[%dma_wait3A_285, %dma_wait3A_286] : memref<4x128xi32, #tpu.memory_space<vmem>> -> memref<1x128xi32, #tpu.memory_space<vmem>>
        %dma_wait3A_288 = tpu.memref_squeeze %dma_wait3A_287 : memref<1x128xi32, #tpu.memory_space<vmem>> -> memref<128xi32, #tpu.memory_space<vmem>>
        %dma_wait3A_289 = tpu.memref_slice %arg4[%mul3A_11] : memref<327680xi32, #tpu.memory_space<hbm>> -> memref<128xi32, #tpu.memory_space<hbm>>
        %dma_wait3A_290 = arith.constant 0 : i32
        %dma_wait3A_291 = tpu.memref_slice %arg8[%dma_wait3A_285, %dma_wait3A_290] : memref<4x128xi32, #tpu.memory_space<vmem>> -> memref<1x128xi32, #tpu.memory_space<vmem>>
        %dma_wait3A_292 = tpu.memref_squeeze %dma_wait3A_291 : memref<1x128xi32, #tpu.memory_space<vmem>> -> memref<128xi32, #tpu.memory_space<vmem>>
        %dma_wait3A_293 = tpu.memref_slice %arg4[%mul3A_11] : memref<327680xi32, #tpu.memory_space<hbm>> -> memref<128xi32, #tpu.memory_space<hbm>>
        tpu.wait_dma2 semaphore(%arg20 : memref<!tpu.dma_semaphore, #tpu.memory_space<semaphore_mem>>) src(%dma_wait3A_293 : memref<128xi32, #tpu.memory_space<hbm>>) dst(%dma_wait3A_292 : memref<128xi32, #tpu.memory_space<vmem>>)
        %dma_wait3A_294 = arith.constant 3 : i32
        %dma_wait3A_295 = arith.constant 0 : i32
        %dma_wait3A_296 = tpu.memref_slice %arg9[%dma_wait3A_294, %dma_wait3A_295] : memref<4x128xi32, #tpu.memory_space<vmem>> -> memref<1x128xi32, #tpu.memory_space<vmem>>
        %dma_wait3A_297 = tpu.memref_squeeze %dma_wait3A_296 : memref<1x128xi32, #tpu.memory_space<vmem>> -> memref<128xi32, #tpu.memory_space<vmem>>
        %dma_wait3A_298 = tpu.memref_slice %arg5[%mul3A_11] : memref<327680xi32, #tpu.memory_space<hbm>> -> memref<128xi32, #tpu.memory_space<hbm>>
        %dma_wait3A_299 = arith.constant 0 : i32
        %dma_wait3A_300 = tpu.memref_slice %arg9[%dma_wait3A_294, %dma_wait3A_299] : memref<4x128xi32, #tpu.memory_space<vmem>> -> memref<1x128xi32, #tpu.memory_space<vmem>>
        %dma_wait3A_301 = tpu.memref_squeeze %dma_wait3A_300 : memref<1x128xi32, #tpu.memory_space<vmem>> -> memref<128xi32, #tpu.memory_space<vmem>>
        %dma_wait3A_302 = tpu.memref_slice %arg5[%mul3A_11] : memref<327680xi32, #tpu.memory_space<hbm>> -> memref<128xi32, #tpu.memory_space<hbm>>
        tpu.wait_dma2 semaphore(%arg20 : memref<!tpu.dma_semaphore, #tpu.memory_space<semaphore_mem>>) src(%dma_wait3A_302 : memref<128xi32, #tpu.memory_space<hbm>>) dst(%dma_wait3A_301 : memref<128xi32, #tpu.memory_space<vmem>>)
        %dma_start3A_303 = arith.constant 3 : i32
        %dma_start3A_304 = arith.constant 0 : i32
        %dma_start3A_305 = tpu.memref_slice %arg8[%dma_start3A_303, %dma_start3A_304] : memref<4x128xi32, #tpu.memory_space<vmem>> -> memref<1x128xi32, #tpu.memory_space<vmem>>
        %dma_start3A_306 = tpu.memref_squeeze %dma_start3A_305 : memref<1x128xi32, #tpu.memory_space<vmem>> -> memref<128xi32, #tpu.memory_space<vmem>>
        %dma_start3A_307 = arith.constant 0 : i32
        %dma_start3A_308 = arith.constant 0 : i32
        %dma_start3A_309 = tpu.memref_slice %arg3[%dma_start3A_307, %dma_start3A_308] : memref<10112x128xf32, #tpu.memory_space<hbm>> -> memref<10112x128xf32, #tpu.memory_space<hbm>>
        tpu.enqueue_indirect_dma source(%dma_start3A_309 : memref<10112x128xf32, #tpu.memory_space<hbm>>) target(%arg11 : memref<128x128xf32, #tpu.memory_space<vmem>>) offsets(%dma_start3A_306 : memref<128xi32, #tpu.memory_space<vmem>>) semaphore(%arg14 : memref<!tpu.dma_semaphore, #tpu.memory_space<semaphore_mem>>)
        %dma_wait3A_310 = arith.constant 2 : i32
        %dma_wait3A_311 = arith.constant 0 : i32
        %dma_wait3A_312 = tpu.memref_slice %arg8[%dma_wait3A_310, %dma_wait3A_311] : memref<4x128xi32, #tpu.memory_space<vmem>> -> memref<1x128xi32, #tpu.memory_space<vmem>>
        %dma_wait3A_313 = tpu.memref_squeeze %dma_wait3A_312 : memref<1x128xi32, #tpu.memory_space<vmem>> -> memref<128xi32, #tpu.memory_space<vmem>>
        %dma_wait3A_314 = arith.constant 0 : i32
        %dma_wait3A_315 = arith.constant 0 : i32
        %dma_wait3A_316 = tpu.memref_slice %arg3[%dma_wait3A_314, %dma_wait3A_315] : memref<10112x128xf32, #tpu.memory_space<hbm>> -> memref<10112x128xf32, #tpu.memory_space<hbm>>
        tpu.wait_indirect_dma semaphore(%arg13 : memref<!tpu.dma_semaphore, #tpu.memory_space<semaphore_mem>>) src(%dma_wait3A_316 : memref<10112x128xf32, #tpu.memory_space<hbm>>) dst(%arg10 : memref<128x128xf32, #tpu.memory_space<vmem>>)
        %dma_start3A_317 = arith.constant 2 : i32
        %dma_start3A_318 = arith.constant 0 : i32
        %dma_start3A_319 = tpu.memref_slice %arg9[%dma_start3A_317, %dma_start3A_318] : memref<4x128xi32, #tpu.memory_space<vmem>> -> memref<1x128xi32, #tpu.memory_space<vmem>>
        %dma_start3A_320 = tpu.memref_squeeze %dma_start3A_319 : memref<1x128xi32, #tpu.memory_space<vmem>> -> memref<128xi32, #tpu.memory_space<vmem>>
        %dma_start3A_321 = arith.constant 0 : i32
        %dma_start3A_322 = arith.constant 0 : i32
        %dma_start3A_323 = tpu.memref_slice %arg12[%dma_start3A_321, %dma_start3A_322] : memref<10112x128xf32, #tpu.memory_space<vmem_shared>> -> memref<10112x128xf32, #tpu.memory_space<vmem_shared>>
        tpu.enqueue_indirect_dma source(%arg10 : memref<128x128xf32, #tpu.memory_space<vmem>>) target(%dma_start3A_323 : memref<10112x128xf32, #tpu.memory_space<vmem_shared>>) offsets(%dma_start3A_320 : memref<128xi32, #tpu.memory_space<vmem>>) semaphore(%arg15 : memref<!tpu.dma_semaphore, #tpu.memory_space<semaphore_mem>>) {add = true}
      }
      %scan3A_53 = arith.constant 40 : i32
      %dma_wait3A = arith.constant 3 : i32
      %dma_wait3A_54 = arith.constant 0 : i32
      %dma_wait3A_55 = tpu.memref_slice %arg8[%dma_wait3A, %dma_wait3A_54] : memref<4x128xi32, #tpu.memory_space<vmem>> -> memref<1x128xi32, #tpu.memory_space<vmem>>
      %dma_wait3A_56 = tpu.memref_squeeze %dma_wait3A_55 : memref<1x128xi32, #tpu.memory_space<vmem>> -> memref<128xi32, #tpu.memory_space<vmem>>
      %dma_wait3A_57 = arith.constant 0 : i32
      %dma_wait3A_58 = arith.constant 0 : i32
      %dma_wait3A_59 = tpu.memref_slice %arg3[%dma_wait3A_57, %dma_wait3A_58] : memref<10112x128xf32, #tpu.memory_space<hbm>> -> memref<10112x128xf32, #tpu.memory_space<hbm>>
      tpu.wait_indirect_dma semaphore(%arg14 : memref<!tpu.dma_semaphore, #tpu.memory_space<semaphore_mem>>) src(%dma_wait3A_59 : memref<10112x128xf32, #tpu.memory_space<hbm>>) dst(%arg11 : memref<128x128xf32, #tpu.memory_space<vmem>>)
      %dma_start3A_60 = arith.constant 3 : i32
      %dma_start3A_61 = arith.constant 0 : i32
      %dma_start3A_62 = tpu.memref_slice %arg9[%dma_start3A_60, %dma_start3A_61] : memref<4x128xi32, #tpu.memory_space<vmem>> -> memref<1x128xi32, #tpu.memory_space<vmem>>
      %dma_start3A_63 = tpu.memref_squeeze %dma_start3A_62 : memref<1x128xi32, #tpu.memory_space<vmem>> -> memref<128xi32, #tpu.memory_space<vmem>>
      %dma_start3A_64 = arith.constant 0 : i32
      %dma_start3A_65 = arith.constant 0 : i32
      %dma_start3A_66 = tpu.memref_slice %arg12[%dma_start3A_64, %dma_start3A_65] : memref<10112x128xf32, #tpu.memory_space<vmem_shared>> -> memref<10112x128xf32, #tpu.memory_space<vmem_shared>>
      tpu.enqueue_indirect_dma source(%arg11 : memref<128x128xf32, #tpu.memory_space<vmem>>) target(%dma_start3A_66 : memref<10112x128xf32, #tpu.memory_space<vmem_shared>>) offsets(%dma_start3A_63 : memref<128xi32, #tpu.memory_space<vmem>>) semaphore(%arg16 : memref<!tpu.dma_semaphore, #tpu.memory_space<semaphore_mem>>) {add = true}
      %dma_wait3A_67 = arith.constant 0 : i32
      %dma_wait3A_68 = arith.constant 0 : i32
      %dma_wait3A_69 = tpu.memref_slice %arg9[%dma_wait3A_67, %dma_wait3A_68] : memref<4x128xi32, #tpu.memory_space<vmem>> -> memref<1x128xi32, #tpu.memory_space<vmem>>
      %dma_wait3A_70 = tpu.memref_squeeze %dma_wait3A_69 : memref<1x128xi32, #tpu.memory_space<vmem>> -> memref<128xi32, #tpu.memory_space<vmem>>
      %dma_wait3A_71 = arith.constant 0 : i32
      %dma_wait3A_72 = arith.constant 0 : i32
      %dma_wait3A_73 = tpu.memref_slice %arg12[%dma_wait3A_71, %dma_wait3A_72] : memref<10112x128xf32, #tpu.memory_space<vmem_shared>> -> memref<10112x128xf32, #tpu.memory_space<vmem_shared>>
      tpu.wait_indirect_dma semaphore(%arg15 : memref<!tpu.dma_semaphore, #tpu.memory_space<semaphore_mem>>) src(%arg10 : memref<128x128xf32, #tpu.memory_space<vmem>>) dst(%dma_wait3A_73 : memref<10112x128xf32, #tpu.memory_space<vmem_shared>>)
      %dma_wait3A_74 = arith.constant 0 : i32
      %dma_wait3A_75 = arith.constant 0 : i32
      %dma_wait3A_76 = tpu.memref_slice %arg9[%dma_wait3A_74, %dma_wait3A_75] : memref<4x128xi32, #tpu.memory_space<vmem>> -> memref<1x128xi32, #tpu.memory_space<vmem>>
      %dma_wait3A_77 = tpu.memref_squeeze %dma_wait3A_76 : memref<1x128xi32, #tpu.memory_space<vmem>> -> memref<128xi32, #tpu.memory_space<vmem>>
      %dma_wait3A_78 = arith.constant 0 : i32
      %dma_wait3A_79 = arith.constant 0 : i32
      %dma_wait3A_80 = tpu.memref_slice %arg12[%dma_wait3A_78, %dma_wait3A_79] : memref<10112x128xf32, #tpu.memory_space<vmem_shared>> -> memref<10112x128xf32, #tpu.memory_space<vmem_shared>>
      tpu.wait_indirect_dma semaphore(%arg16 : memref<!tpu.dma_semaphore, #tpu.memory_space<semaphore_mem>>) src(%arg11 : memref<128x128xf32, #tpu.memory_space<vmem>>) dst(%dma_wait3A_80 : memref<10112x128xf32, #tpu.memory_space<vmem_shared>>)
      %barrier3A_81 = arith.constant 0 : index
      tpu.barrier barrier_id(%barrier3A_81)
      %mul3A_82 = arith.constant 632 : i32
      %mul3A_83 = arith.muli %arg1, %mul3A_82 : i32
      %mul3A_84 = arith.constant 632 : i32
      %mul3A_85 = arith.muli %arg1, %mul3A_84 : i32
      "tpu.region"() ({
        %run_scoped3A = tpu.sem_alloc : memref<!tpu.dma_semaphore, #tpu.memory_space<semaphore_mem>>
        %dma_start3A_86 = arith.constant 0 : i32
        %dma_start3A_87 = tpu.memref_slice %arg7[%mul3A_85, %dma_start3A_86] : memref<10112x128xf32, #tpu.memory_space<hbm>> -> memref<632x128xf32, #tpu.memory_space<hbm>>
        %dma_start3A_88 = arith.constant 0 : i32
        %dma_start3A_89 = tpu.memref_slice %arg12[%mul3A_83, %dma_start3A_88] : memref<10112x128xf32, #tpu.memory_space<vmem_shared>> -> memref<632x128xf32, #tpu.memory_space<vmem_shared>>
        tpu.enqueue_dma source(%dma_start3A_89 : memref<632x128xf32, #tpu.memory_space<vmem_shared>>) target(%dma_start3A_87 : memref<632x128xf32, #tpu.memory_space<hbm>>) target_semaphore(%run_scoped3A : memref<!tpu.dma_semaphore, #tpu.memory_space<semaphore_mem>>)
        %dma_wait3A_90 = arith.constant 0 : i32
        %dma_wait3A_91 = tpu.memref_slice %arg7[%mul3A_85, %dma_wait3A_90] : memref<10112x128xf32, #tpu.memory_space<hbm>> -> memref<632x128xf32, #tpu.memory_space<hbm>>
        %dma_wait3A_92 = arith.constant 0 : i32
        %dma_wait3A_93 = tpu.memref_slice %arg12[%mul3A_83, %dma_wait3A_92] : memref<10112x128xf32, #tpu.memory_space<vmem_shared>> -> memref<632x128xf32, #tpu.memory_space<vmem_shared>>
        tpu.wait_dma2 semaphore(%run_scoped3A : memref<!tpu.dma_semaphore, #tpu.memory_space<semaphore_mem>>) src(%dma_wait3A_93 : memref<632x128xf32, #tpu.memory_space<vmem_shared>>) dst(%dma_wait3A_91 : memref<632x128xf32, #tpu.memory_space<hbm>>)
        tpu.yield
      }) : () -> ()
    } else {
    }
    return
  }
}

module attributes {stable_mosaic.version = 14 : i64} {
  func.func @body(%arg0: i32, %arg1: memref<1264x128xf32, #tpu.memory_space<vmem>>, %arg2: memref<1264x128xf32, #tpu.memory_space<vmem>>, %arg3: memref<128x256xf32, #tpu.memory_space<vmem>>, %arg4: memref<128x256xf32, #tpu.memory_space<vmem>>, %arg5: memref<1x256xf32, #tpu.memory_space<vmem>>, %arg6: memref<256x256xf32, #tpu.memory_space<vmem>>, %arg7: memref<1x256xf32, #tpu.memory_space<vmem>>, %arg8: memref<1264x128xf32, #tpu.memory_space<vmem>>, %arg9: memref<1264x128xf32, #tpu.memory_space<vmem>>) attributes {dimension_semantics = [#tpu.dimension_semantics<arbitrary>], iteration_bounds = array<i64: 8>, scalar_prefetch = 0 : i64, scratch_operands = 0 : i64, tpu.core_type = #tpu.core_type<tc>, window_params = [{transform_indices = @transform_0, window_bounds = array<i64: 1264, 128>}, {transform_indices = @transform_1, window_bounds = array<i64: 1264, 128>}, {pipeline_mode = #tpu.pipeline_mode<synchronous>, transform_indices = @transform_2, window_bounds = array<i64: 128, 256>}, {pipeline_mode = #tpu.pipeline_mode<synchronous>, transform_indices = @transform_3, window_bounds = array<i64: 128, 256>}, {pipeline_mode = #tpu.pipeline_mode<synchronous>, transform_indices = @transform_4, window_bounds = array<i64: 1, 256>}, {pipeline_mode = #tpu.pipeline_mode<synchronous>, transform_indices = @transform_5, window_bounds = array<i64: 256, 256>}, {pipeline_mode = #tpu.pipeline_mode<synchronous>, transform_indices = @transform_6, window_bounds = array<i64: 1, 256>}, {transform_indices = @transform_7, window_bounds = array<i64: 1264, 128>}, {transform_indices = @transform_8, window_bounds = array<i64: 1264, 128>}]} {
    %get3A = arith.constant 0 : index
    %get3A_0 = arith.constant 0 : index
    %get3A_1 = vector.load %arg1[%get3A, %get3A_0] : memref<1264x128xf32, #tpu.memory_space<vmem>>, vector<1264x128xf32>
    %get3A_2 = arith.constant 0 : index
    %get3A_3 = arith.constant 0 : index
    %get3A_4 = vector.load %arg2[%get3A_2, %get3A_3] : memref<1264x128xf32, #tpu.memory_space<vmem>>, vector<1264x128xf32>
    %add3A = arith.addf %get3A_1, %get3A_4 : vector<1264x128xf32>
    %get3A_5 = arith.constant 0 : index
    %get3A_6 = arith.constant 0 : index
    %get3A_7 = vector.load %arg3[%get3A_5, %get3A_6] : memref<128x256xf32, #tpu.memory_space<vmem>>, vector<128x256xf32>
    %dot_general3A = arith.constant dense<0.000000e+00> : vector<1264x256xf32>
    %dot_general3A_8 = tpu.matmul %add3A, %get3A_7, %dot_general3A {dimension_numbers = #tpu.dot_dimension_numbers<[1], [0], [0], [1], [0, 0, 1, 1], [], []>, precision = #tpu.contract_precision<fp32>, transpose_lhs_hint = false} : vector<1264x128xf32>, vector<128x256xf32>, vector<1264x256xf32> -> vector<1264x256xf32>
    %get3A_9 = arith.constant 0 : index
    %get3A_10 = arith.constant 0 : index
    %get3A_11 = vector.load %arg5[%get3A_9, %get3A_10] : memref<1x256xf32, #tpu.memory_space<vmem>>, vector<1x256xf32>
    %add3A_12 = vector.broadcast %get3A_11 : vector<1x256xf32> to vector<1264x256xf32>
    %add3A_13 = arith.addf %dot_general3A_8, %add3A_12 : vector<1264x256xf32>
    %max3A = arith.constant 0.000000e+00 : f32
    %max3A_14 = vector.broadcast %max3A : f32 to vector<1264x256xf32>
    %max3A_15 = arith.maximumf %add3A_13, %max3A_14 : vector<1264x256xf32>
    %get3A_16 = arith.constant 0 : index
    %get3A_17 = arith.constant 0 : index
    %get3A_18 = vector.load %arg6[%get3A_16, %get3A_17] : memref<256x256xf32, #tpu.memory_space<vmem>>, vector<256x256xf32>
    %dot_general3A_19 = arith.constant dense<0.000000e+00> : vector<1264x256xf32>
    %dot_general3A_20 = tpu.matmul %max3A_15, %get3A_18, %dot_general3A_19 {dimension_numbers = #tpu.dot_dimension_numbers<[1], [0], [0], [1], [0, 0, 1, 1], [], []>, precision = #tpu.contract_precision<fp32>, transpose_lhs_hint = false} : vector<1264x256xf32>, vector<256x256xf32>, vector<1264x256xf32> -> vector<1264x256xf32>
    %get3A_21 = arith.constant 0 : index
    %get3A_22 = arith.constant 0 : index
    %get3A_23 = vector.load %arg7[%get3A_21, %get3A_22] : memref<1x256xf32, #tpu.memory_space<vmem>>, vector<1x256xf32>
    %add3A_24 = vector.broadcast %get3A_23 : vector<1x256xf32> to vector<1264x256xf32>
    %add3A_25 = arith.addf %dot_general3A_20, %add3A_24 : vector<1264x256xf32>
    %max3A_26 = arith.constant 0.000000e+00 : f32
    %max3A_27 = vector.broadcast %max3A_26 : f32 to vector<1264x256xf32>
    %max3A_28 = arith.maximumf %add3A_25, %max3A_27 : vector<1264x256xf32>
    %slice3A = vector.extract_strided_slice %max3A_28 {offsets = [0, 0], sizes = [1264, 128], strides = [1, 1]} : vector<1264x256xf32> to vector<1264x128xf32>
    %swap3A = arith.constant 0 : index
    %swap3A_29 = arith.constant 0 : index
    %swap3A_30 = vector.load %arg8[%swap3A, %swap3A_29] : memref<1264x128xf32, #tpu.memory_space<vmem>>, vector<1264x128xf32>
    tpu.vector_store %arg8[%swap3A, %swap3A_29], %slice3A {strides = array<i32>} : memref<1264x128xf32, #tpu.memory_space<vmem>>, vector<1264x128xf32>,
    %slice3A_31 = vector.extract_strided_slice %max3A_28 {offsets = [0, 128], sizes = [1264, 128], strides = [1, 1]} : vector<1264x256xf32> to vector<1264x128xf32>
    %swap3A_32 = arith.constant 0 : index
    %swap3A_33 = arith.constant 0 : index
    %swap3A_34 = vector.load %arg9[%swap3A_32, %swap3A_33] : memref<1264x128xf32, #tpu.memory_space<vmem>>, vector<1264x128xf32>
    tpu.vector_store %arg9[%swap3A_32, %swap3A_33], %slice3A_31 {strides = array<i32>} : memref<1264x128xf32, #tpu.memory_space<vmem>>, vector<1264x128xf32>,
    return
  }
  func.func @transform_0(%arg0: i32) -> (i32, i32) {
    %c0_i32 = arith.constant 0 : i32
    %c0_i32_0 = arith.constant 0 : i32
    return %arg0, %c0_i32 : i32, i32
  }
  func.func @transform_1(%arg0: i32) -> (i32, i32) {
    %c0_i32 = arith.constant 0 : i32
    %c0_i32_0 = arith.constant 0 : i32
    return %arg0, %c0_i32 : i32, i32
  }
  func.func @transform_2(%arg0: i32) -> (i32, i32) {
    %c0_i32 = arith.constant 0 : i32
    %c0_i32_0 = arith.constant 0 : i32
    %c0_i32_1 = arith.constant 0 : i32
    return %c0_i32, %c0_i32_0 : i32, i32
  }
  func.func @transform_3(%arg0: i32) -> (i32, i32) {
    %c0_i32 = arith.constant 0 : i32
    %c0_i32_0 = arith.constant 0 : i32
    %c0_i32_1 = arith.constant 0 : i32
    return %c0_i32, %c0_i32_0 : i32, i32
  }
  func.func @transform_4(%arg0: i32) -> (i32, i32) {
    %c0_i32 = arith.constant 0 : i32
    %c0_i32_0 = arith.constant 0 : i32
    %c0_i32_1 = arith.constant 0 : i32
    return %c0_i32, %c0_i32_0 : i32, i32
  }
  func.func @transform_5(%arg0: i32) -> (i32, i32) {
    %c0_i32 = arith.constant 0 : i32
    %c0_i32_0 = arith.constant 0 : i32
    %c0_i32_1 = arith.constant 0 : i32
    return %c0_i32, %c0_i32_0 : i32, i32
  }
  func.func @transform_6(%arg0: i32) -> (i32, i32) {
    %c0_i32 = arith.constant 0 : i32
    %c0_i32_0 = arith.constant 0 : i32
    %c0_i32_1 = arith.constant 0 : i32
    return %c0_i32, %c0_i32_0 : i32, i32
  }
  func.func @transform_7(%arg0: i32) -> (i32, i32) {
    %c0_i32 = arith.constant 0 : i32
    %c0_i32_0 = arith.constant 0 : i32
    return %arg0, %c0_i32 : i32, i32
  }
  func.func @transform_8(%arg0: i32) -> (i32, i32) {
    %c0_i32 = arith.constant 0 : i32
    %c0_i32_0 = arith.constant 0 : i32
    return %arg0, %c0_i32 : i32, i32
  }
}

module attributes {stable_mosaic.version = 14 : i64} {
  func.func @body(%arg0: i32, %arg1: memref<1264x128xf32, #tpu.memory_space<vmem>>, %arg2: memref<1264x128xf32, #tpu.memory_space<vmem>>, %arg3: memref<128x256xf32, #tpu.memory_space<vmem>>, %arg4: memref<128x256xf32, #tpu.memory_space<vmem>>, %arg5: memref<1x256xf32, #tpu.memory_space<vmem>>, %arg6: memref<256x256xf32, #tpu.memory_space<vmem>>, %arg7: memref<1x256xf32, #tpu.memory_space<vmem>>, %arg8: memref<1264x256xf32, #tpu.memory_space<vmem>>) attributes {dimension_semantics = [#tpu.dimension_semantics<arbitrary>], iteration_bounds = array<i64: 8>, scalar_prefetch = 0 : i64, scratch_operands = 0 : i64, tpu.core_type = #tpu.core_type<tc>, window_params = [{transform_indices = @transform_0, window_bounds = array<i64: 1264, 128>}, {transform_indices = @transform_1, window_bounds = array<i64: 1264, 128>}, {pipeline_mode = #tpu.pipeline_mode<synchronous>, transform_indices = @transform_2, window_bounds = array<i64: 128, 256>}, {pipeline_mode = #tpu.pipeline_mode<synchronous>, transform_indices = @transform_3, window_bounds = array<i64: 128, 256>}, {pipeline_mode = #tpu.pipeline_mode<synchronous>, transform_indices = @transform_4, window_bounds = array<i64: 1, 256>}, {pipeline_mode = #tpu.pipeline_mode<synchronous>, transform_indices = @transform_5, window_bounds = array<i64: 256, 256>}, {pipeline_mode = #tpu.pipeline_mode<synchronous>, transform_indices = @transform_6, window_bounds = array<i64: 1, 256>}, {transform_indices = @transform_7, window_bounds = array<i64: 1264, 256>}]} {
    %get3A = arith.constant 0 : index
    %get3A_0 = arith.constant 0 : index
    %get3A_1 = vector.load %arg1[%get3A, %get3A_0] : memref<1264x128xf32, #tpu.memory_space<vmem>>, vector<1264x128xf32>
    %get3A_2 = arith.constant 0 : index
    %get3A_3 = arith.constant 0 : index
    %get3A_4 = vector.load %arg3[%get3A_2, %get3A_3] : memref<128x256xf32, #tpu.memory_space<vmem>>, vector<128x256xf32>
    %dot_general3A = arith.constant dense<0.000000e+00> : vector<1264x256xf32>
    %dot_general3A_5 = tpu.matmul %get3A_1, %get3A_4, %dot_general3A {dimension_numbers = #tpu.dot_dimension_numbers<[1], [0], [0], [1], [0, 0, 1, 1], [], []>, precision = #tpu.contract_precision<fp32>, transpose_lhs_hint = false} : vector<1264x128xf32>, vector<128x256xf32>, vector<1264x256xf32> -> vector<1264x256xf32>
    %get3A_6 = arith.constant 0 : index
    %get3A_7 = arith.constant 0 : index
    %get3A_8 = vector.load %arg2[%get3A_6, %get3A_7] : memref<1264x128xf32, #tpu.memory_space<vmem>>, vector<1264x128xf32>
    %get3A_9 = arith.constant 0 : index
    %get3A_10 = arith.constant 0 : index
    %get3A_11 = vector.load %arg4[%get3A_9, %get3A_10] : memref<128x256xf32, #tpu.memory_space<vmem>>, vector<128x256xf32>
    %dot_general3A_12 = arith.constant dense<0.000000e+00> : vector<1264x256xf32>
    %dot_general3A_13 = tpu.matmul %get3A_8, %get3A_11, %dot_general3A_12 {dimension_numbers = #tpu.dot_dimension_numbers<[1], [0], [0], [1], [0, 0, 1, 1], [], []>, precision = #tpu.contract_precision<fp32>, transpose_lhs_hint = false} : vector<1264x128xf32>, vector<128x256xf32>, vector<1264x256xf32> -> vector<1264x256xf32>
    %add3A = arith.addf %dot_general3A_5, %dot_general3A_13 : vector<1264x256xf32>
    %get3A_14 = arith.constant 0 : index
    %get3A_15 = arith.constant 0 : index
    %get3A_16 = vector.load %arg5[%get3A_14, %get3A_15] : memref<1x256xf32, #tpu.memory_space<vmem>>, vector<1x256xf32>
    %add3A_17 = vector.broadcast %get3A_16 : vector<1x256xf32> to vector<1264x256xf32>
    %add3A_18 = arith.addf %add3A, %add3A_17 : vector<1264x256xf32>
    %max3A = arith.constant 0.000000e+00 : f32
    %max3A_19 = vector.broadcast %max3A : f32 to vector<1264x256xf32>
    %max3A_20 = arith.maximumf %add3A_18, %max3A_19 : vector<1264x256xf32>
    %get3A_21 = arith.constant 0 : index
    %get3A_22 = arith.constant 0 : index
    %get3A_23 = vector.load %arg6[%get3A_21, %get3A_22] : memref<256x256xf32, #tpu.memory_space<vmem>>, vector<256x256xf32>
    %dot_general3A_24 = arith.constant dense<0.000000e+00> : vector<1264x256xf32>
    %dot_general3A_25 = tpu.matmul %max3A_20, %get3A_23, %dot_general3A_24 {dimension_numbers = #tpu.dot_dimension_numbers<[1], [0], [0], [1], [0, 0, 1, 1], [], []>, precision = #tpu.contract_precision<fp32>, transpose_lhs_hint = false} : vector<1264x256xf32>, vector<256x256xf32>, vector<1264x256xf32> -> vector<1264x256xf32>
    %get3A_26 = arith.constant 0 : index
    %get3A_27 = arith.constant 0 : index
    %get3A_28 = vector.load %arg7[%get3A_26, %get3A_27] : memref<1x256xf32, #tpu.memory_space<vmem>>, vector<1x256xf32>
    %add3A_29 = vector.broadcast %get3A_28 : vector<1x256xf32> to vector<1264x256xf32>
    %add3A_30 = arith.addf %dot_general3A_25, %add3A_29 : vector<1264x256xf32>
    %max3A_31 = arith.constant 0.000000e+00 : f32
    %max3A_32 = vector.broadcast %max3A_31 : f32 to vector<1264x256xf32>
    %max3A_33 = arith.maximumf %add3A_30, %max3A_32 : vector<1264x256xf32>
    %swap3A = arith.constant 0 : index
    %swap3A_34 = arith.constant 0 : index
    %swap3A_35 = vector.load %arg8[%swap3A, %swap3A_34] : memref<1264x256xf32, #tpu.memory_space<vmem>>, vector<1264x256xf32>
    tpu.vector_store %arg8[%swap3A, %swap3A_34], %max3A_33 {strides = array<i32>} : memref<1264x256xf32, #tpu.memory_space<vmem>>, vector<1264x256xf32>,
    return
  }
  func.func @transform_0(%arg0: i32) -> (i32, i32) {
    %c0_i32 = arith.constant 0 : i32
    %c0_i32_0 = arith.constant 0 : i32
    return %arg0, %c0_i32 : i32, i32
  }
  func.func @transform_1(%arg0: i32) -> (i32, i32) {
    %c0_i32 = arith.constant 0 : i32
    %c0_i32_0 = arith.constant 0 : i32
    return %arg0, %c0_i32 : i32, i32
  }
  func.func @transform_2(%arg0: i32) -> (i32, i32) {
    %c0_i32 = arith.constant 0 : i32
    %c0_i32_0 = arith.constant 0 : i32
    %c0_i32_1 = arith.constant 0 : i32
    return %c0_i32, %c0_i32_0 : i32, i32
  }
  func.func @transform_3(%arg0: i32) -> (i32, i32) {
    %c0_i32 = arith.constant 0 : i32
    %c0_i32_0 = arith.constant 0 : i32
    %c0_i32_1 = arith.constant 0 : i32
    return %c0_i32, %c0_i32_0 : i32, i32
  }
  func.func @transform_4(%arg0: i32) -> (i32, i32) {
    %c0_i32 = arith.constant 0 : i32
    %c0_i32_0 = arith.constant 0 : i32
    %c0_i32_1 = arith.constant 0 : i32
    return %c0_i32, %c0_i32_0 : i32, i32
  }
  func.func @transform_5(%arg0: i32) -> (i32, i32) {
    %c0_i32 = arith.constant 0 : i32
    %c0_i32_0 = arith.constant 0 : i32
    %c0_i32_1 = arith.constant 0 : i32
    return %c0_i32, %c0_i32_0 : i32, i32
  }
  func.func @transform_6(%arg0: i32) -> (i32, i32) {
    %c0_i32 = arith.constant 0 : i32
    %c0_i32_0 = arith.constant 0 : i32
    %c0_i32_1 = arith.constant 0 : i32
    return %c0_i32, %c0_i32_0 : i32, i32
  }
  func.func @transform_7(%arg0: i32) -> (i32, i32) {
    %c0_i32 = arith.constant 0 : i32
    %c0_i32_0 = arith.constant 0 : i32
    return %arg0, %c0_i32 : i32, i32
  }
}

</mosaic_0001>

<sc_bundles>
// kernel: kernel.6.cloned.1.call-start
scs
__scs_entry_jumppad:
0x0: {  	(pc) =	sbr.rel $0x88, $3  }
0x1: {  	(tag) =	ssettag $0x0;
	lr =	simm.s32 $0x1  }
0x2: {  	[smem:$0x3F93] =	sst lr;
	_ =	strace $0xD0000000  }
0x3: {  	_ = 	snop  }
0x4: {  	_ = 	snop  }
0x5: {  	_ = 	snop  }
0x6: {  	_ = 	snop  }
0x7: {  	_ = 	snop  }
__scs_overlays_trampoline_lowered:
0x8: {  	[smem:$0x3FA2] =	sst s0  }
0x9: {  	[smem:$0x3FA3] =	sst s1  }
0xa: {  	[smem:$0x3FA4] =	sst s2  }
0xb: {  	[smem:$0x3FA5] =	sst s3  }
0xc: {  	[smem:$0x3FA6] =	sst s4  }
0xd: {  	[smem:$0x3FA7] =	sst s5  }
0xe: {  	[smem:$0x3FA8] =	sst s6  }
0xf: {  	[smem:$0x3FA9] =	sst s7  }
0x10: {  	[smem:$0x3FAA] =	sst s8  }
0x11: {  	[smem:$0x3FAB] =	sst s9;
	s0 =	simm.s32 @!p0 $0x0  }
0x12: {  	s1 =	sld [smem:$0x3F91];
	s0 =	simm.s32 @p0 $0x1  }
0x13: {  	[smem:$0x3FAC] =	sst s0;
	s0 =	simm.s32 @!p1 $0x0  }
0x14: {  	s2 =	sld [smem:$0x3F90];
	s0 =	simm.s32 @p1 $0x1  }
0x15: {  	[smem:$0x3FAD] =	sst s0;
	s0 =	simm.s32 @!p2 $0x0  }
0x16: {  	s3 =	sld [smem:$0x3FDB];
	s0 =	simm.s32 @p2 $0x1  }
0x17: {  	s4 =	simm.s32 $0x1BF5;
	[smem:$0x3FAF] =	sst s0  }
0x18: {  	s0 =	sld [smem:$0x3F92];
	_ =	swait.ge [sflag:s4], $0x0  }
0x19: {  	s7 =	sld [smem:$0x3F93]  }
0x1a: {  	s8 =	sadd.s32 $0xFFFFE003, lr  }
0x1b: {  	s9 =	sadd.s32 $0xFFFFFEF7, lr;
	s5 =	simm.s32 $0xFFFFFFFF;
	p2 =	slt.u32 s8, $0xFFFFF086  }
0x1c: {  	p1 =	slt.u32 s9, $0xF7A;
	s5 =	simm.s32 @!p2 $0x0  }
0x1d: {  	s5 =	simm.s32 @p1 $0x1;
	p0 =	seq.s32 s7, s2  }
0x1e: {  	s7 =	smul.u32 @!p0 $0xF7A, s2;
	p2 =	seq.s32 @!p0 s5, $0x0  }
0x1f: {  	s9 =	smul.u32 $0xF7A, s1;
	s8 =	simm.s32 @!p0 $0x1BF5;
	p2 =	por !p2, p0  }
0x20: {  	[sflag:s8] =	ssyncset.s32 @!p0 $0xFFFFF086;
	s6 =	sadd.s32 @!p0 s3, s7;
	s7 =	simm.s32 @!p0 $0x108  }
0x21: {  	s3 =	sadd.s32 s3, s9;
	s6 =	sadd.s32 @!p0 $0x88, s6;
	s7 =	simm.s32 @p2 $0x1082  }
0x22: {  	[simem:s7], [sflag:s8] =	dma.local @!p0 [hbm:s6], $0xF7A  }
0x23: {  	s9 =	sor.u32 $0xD0000000, s2;
	s6 =	simm.s32 $0x108;
	_ =	swait.ge @!p0 [sflag:s8], $0x0  }
0x24: {  	s3 =	sadd.s32 $0x88, s3;
	s6 =	simm.s32 @!p1 $0x1082;
	[sflag:s4] =	ssyncset.s32 $0xFFFFF086  }
0x25: {  	[simem:s6], [sflag:s4] =	dma.local [hbm:s3], $0xF7A  }
0x26: {  	[smem:$0x3F93] =	sst s1;
	(tag) =	ssettag s2;
	_ =	strace s9  }
0x27: {  	s1 =	sld [smem:$0x3FA3]  }
0x28: {  	s2 =	sld [smem:$0x3FA4]  }
0x29: {  	s4 =	sld [smem:$0x3FA6]  }
0x2a: {  	p0 =	seq.s32 s5, $0x0;
	s5 =	sld [smem:$0x3FA7]  }
0x2b: {  	s6 =	sld [smem:$0x3FA8]  }
0x2c: {  	s7 =	sld [smem:$0x3FA9]  }
0x2d: {  	s3 =	simm.s32 $0x108;
	s8 =	sld [smem:$0x3FAA]  }
0x2e: {  	s3 =	simm.s32 @!p0 $0x1082;
	s9 =	sld [smem:$0x3FAB]  }
0x2f: {  	lr =	sadd.s32 s0, s3;
	s0 =	sld [smem:$0x3FA2]  }
0x30: {  	s3 =	sld [smem:$0x3FA5]  }
0x31: {  	[smem:$0x3FAE] =	sst s10  }
0x32: {  	s10 =	sld [smem:$0x3FAC];
	_ =	sdelay $0x3  }
0x33: {  	p0 =	seq.s32 s10, $0x1;
	s10 =	sld [smem:$0x3FAE];
	_ =	sdelay $0x3  }
0x34: {  	[smem:$0x3FAE] =	sst s10  }
0x35: {  	s10 =	sld [smem:$0x3FAD];
	_ =	sdelay $0x3  }
0x36: {  	p1 =	seq.s32 s10, $0x1;
	s10 =	sld [smem:$0x3FAE];
	_ =	sdelay $0x3  }
0x37: {  	[smem:$0x3FAE] =	sst s10  }
0x38: {  	s10 =	sld [smem:$0x3FAF]  }
0x39: {  	_ = 	snop;
	(pc) =	sbr.ind lr, $3  }
0x3a: {  	_ = 	snop  }
0x3b: {  	_ = 	snop  }
0x3c: {  	p2 =	seq.s32 s10, $0x1;
	s10 =	sld [smem:$0x3FAE]  }
0x3d: {  	_ =	shalt  }
0x3e: {  	_ =	shalt  }
0x3f: {  	_ =	shalt  }
0x40: {  	_ =	shalt  }
0x41: {  	_ =	shalt  }
0x42: {  	_ =	shalt  }
0x43: {  	_ =	shalt  }
0x44: {  	_ =	shalt  }
0x45: {  	_ =	shalt  }
0x46: {  	_ =	shalt  }
0x47: {  	_ =	shalt  }
0x48: {  	_ =	shalt  }
0x49: {  	_ =	shalt  }
0x4a: {  	_ =	shalt  }
0x4b: {  	_ =	shalt  }
0x4c: {  	_ =	shalt  }
0x4d: {  	_ =	shalt  }
0x4e: {  	_ =	shalt  }
0x4f: {  	_ =	shalt  }
0x50: {  	_ =	shalt  }
0x51: {  	_ =	shalt  }
0x52: {  	_ =	shalt  }
0x53: {  	_ =	shalt  }
0x54: {  	_ =	shalt  }
0x55: {  	_ =	shalt  }
0x56: {  	_ =	shalt  }
0x57: {  	_ =	shalt  }
0x58: {  	_ =	shalt  }
0x59: {  	_ =	shalt  }
0x5a: {  	_ =	shalt  }
0x5b: {  	_ =	shalt  }
0x5c: {  	_ =	shalt  }
0x5d: {  	_ =	shalt  }
0x5e: {  	_ =	shalt  }
0x5f: {  	_ =	shalt  }
0x60: {  	_ =	shalt  }
0x61: {  	_ =	shalt  }
0x62: {  	_ =	shalt  }
0x63: {  	_ =	shalt  }
0x64: {  	_ =	shalt  }
0x65: {  	_ =	shalt  }
0x66: {  	_ =	shalt  }
0x67: {  	_ =	shalt  }
0x68: {  	_ =	shalt  }
0x69: {  	_ =	shalt  }
0x6a: {  	_ =	shalt  }
0x6b: {  	_ =	shalt  }
0x6c: {  	_ =	shalt  }
0x6d: {  	_ =	shalt  }
0x6e: {  	_ =	shalt  }
0x6f: {  	_ =	shalt  }
0x70: {  	_ =	shalt  }
0x71: {  	_ =	shalt  }
0x72: {  	_ =	shalt  }
0x73: {  	_ =	shalt  }
0x74: {  	_ =	shalt  }
0x75: {  	_ =	shalt  }
0x76: {  	_ =	shalt  }
0x77: {  	_ =	shalt  }
0x78: {  	_ =	shalt  }
0x79: {  	_ =	shalt  }
0x7a: {  	_ =	shalt  }
0x7b: {  	_ =	shalt  }
0x7c: {  	_ =	shalt  }
0x7d: {  	_ =	shalt  }
0x7e: {  	_ =	shalt  }
0x7f: {  	_ =	shalt  }
0x80: {  	_ =	shalt  }
0x81: {  	_ =	shalt  }
0x82: {  	_ =	shalt  }
0x83: {  	_ =	shalt  }
0x84: {  	_ =	shalt  }
0x85: {  	_ =	shalt  }
0x86: {  	_ =	shalt  }
0x87: {  	_ =	shalt  }
.Lfunc_end0:
.L_simem_size_0:
called_computation_lowered:
.L_overlay_start_0:
0x88: {  	s2 =	sld [smem:$0x3FD9]  }
0x89: {  	s3 =	sld [smem:$0x3FFE];
	_ =	sdelay $0x1  }
0x8a: {  	s1 =	srdreg.scid  }
0x8b: {  	s0 =	sand.u32 $0x1, s1  }
0x8c: {  	s17 =	sshll.u32 s0, $0xA;
	s2 =	sadd.s32 s3, s2  }
0x8d: {  	s2 =	sadd.s32 s2, s17  }
0x8e: {  	[smem:$0x3FBA] =	sst s2  }
0x8f: {  	_ = 	snop  }
0x90: {  	s2 =	sld [smem:$0x3FD0];
	(tm) =	ssettm $0x1  }
0x91: {  	s18 =	sld [smem:$0x3FFB];
	_ =	sdelay $0x3  }
0x92: {  	_ =	strace s18  }
0x93: {  	s3 =	sld [smem:$0x3FFC];
	_ =	sdelay $0x3  }
0x94: {  	_ =	strace s3  }
0x95: {  	s3 =	sld [smem:$0x3FFD];
	_ =	sdelay $0x3  }
0x96: {  	_ =	strace s3  }
0x97: {  	_ =	strace $0x8FFFFFFF  }
0x98: {  	s19 =	sld [smem:$0x3FDB];
	_ =	sdelay $0x1  }
0x99: {  	s4 =	simm.s32 $_scs_section_size  }
0x9a: {  	s5 =	simm.s32 $_size__tile_overlayer_lowered;
	s6 =	simm.s32 $_tile_overlayer_lowered  }
0x9b: {  	s22 =	simm.s32 $0x1BFF;
	s21 =	sshll.u32 s6, $0x1;
	s3 =	sadd.s32 s4, s19  }
0x9c: {  	s7 =	simm.s32 $0x0;
	s20 =	sshll.u32 s5, $0x1;
	s5 =	sadd.s32 s21, s3  }
0x9d: {  	[timem:s7], [sflag:s22] =	dma.local [hbm:s5], s20  }
0x9e: {  	_ =	swait.ge [sflag:s22], s20  }
0x9f: {  	s4 =	ssub.s32 $0x0, s20;
	[sflag:s22] =	ssyncset.done $0x0  }
0xa0: {  	[sflag:s22] =	ssyncadd.s32 s4;
	_ =	sdelay $0x1  }
0xa1: {  	s23 =	simm.s32 $0x1B8B  }
0xa2: {  	_ =	swait.ge [sflag:s23], $0x1  }
0xa3: {  	[sflag:s23] =	ssyncset.done $0x0  }
0xa4: {  	s25 =	simm.s32 $0x1B8E;
	s24 =	sld [smem:$0x3FFE];
	[sflag:s23] =	ssyncadd.s32 $0xFFFFFFFF  }
0xa5: {  	s26 =	simm.s32 $execute0_lowered;
	[smem:$0x3FD2] =	sst s25  }
0xa6: {  	s5 =	sshll.u32 s26, $0x1;
	_ =	strace $0x80000046;
	[dreg:$0x1] =	wrdreg $0xFFFFFFFF  }
0xa7: {  	s28 =	simm.s32 $_size_execute0_lowered;
	s3 =	sadd.s32 s3, s5;
	[dreg:$0x0] =	wrdreg $0x0  }
0xa8: {  	s5 =	sshll.u32 s28, $0x1;
	[dreg:$0x2] =	wrdreg s3  }
0xa9: {  	[dreg:$0x3] =	wrdreg s5  }
0xaa: {  	[dreg:$0x4] =	wrdreg $0xC0  }
0xab: {  	_ =	task [dreg:s7], $0x5FFFF  }
0xac: {  	[dreg:$0x1] =	wrdreg $0xFFFFFFFF  }
0xad: {  	[dreg:$0x0] =	wrdreg $0x60  }
0xae: {  	[dreg:$0x2] =	wrdreg s2  }
0xaf: {  	[dreg:$0x3] =	wrdreg s24  }
0xb0: {  	[dreg:$0x4] =	wrdreg $0x84000  }
0xb1: {  	[dreg:$0x5] =	wrdreg $0x9  }
0xb2: {  	_ =	task.clear_ibuf [dreg:s7], $0x6FFFF;
	_ =	strace $0x90000046  }
0xb3: {  	s29 =	simm.s32 $0x9;
	_ =	strace $0x80000048  }
0xb4: {  	_ =	swait.ge [sflag:s29], $0x1  }
0xb5: {  	[sflag:s29] =	ssyncadd.s32 $0xFFFFFFFF  }
0xb6: {  	_ =	strace $0x90000048  }
0xb7: {  	_ =	sfence  }
0xb8: {  	s30 =	sld [smem:$0x0];
	_ =	sdelay $0x2  }
0xb9: {  	s31 =	sshll.u32 s1, $0xD;
	s1 =	sshrl.u32 s1, $0x2  }
0xba: {  	s3 =	sand.u32 $0x4000, s31;
	s1 =	sadd.s32 s1, s30  }
0xbb: {  	s0 =	sor.u32 s3, s0;
	s1 =	sshll.u32 s1, $0x11  }
0xbc: {  	s0 =	sor.u32 s1, s0  }
0xbd: {  	s0 =	sadd.s32 $0x8F2B, s0  }
0xbe: {  	[sflag:s0] =	ssyncadd.remote.s32 $0x1  }
0xbf: {  	_ =	sfence.sel $0xFFFF  }
0xc0: {  	[dreg:$0x0] =	wrdreg $0xFFFFFFFF;
	(pc) =	sbr.abs _section_cstart, $3  }
0xc1: {  	[dreg:$0x1] =	wrdreg $0xFFFFFFFF  }
0xc2: {  	_ =	task.clear_ibuf [dreg:s7], $0x2FFFF;
	_ =	strace $0x9FFFFFFF  }
0xc3: {  	(tm) =	ssettm $0x7FFFFFFF  }
tec
execute0_lowered:
.L_overlay_start_1:
0x0: {  	(tag) =	ssettag $0x1  }
0x1: {  	s1 =	rddreg [dreg:$0x0]  }
0x2: {  	s0 =	rddreg [dreg:$0x1]  }
0x3: {  	s3 =	rddreg [dreg:$0x2];
	s4 =	simm.s32 $0x0  }
0x4: {  	s5 =	stileid.u32;
	s2 =	srdreg.scid;
	s28 =	simm.s32 $0x300  }
0x5: {  	s29 =	simm.s32 $0x5;
	s30 =	simm.s32 $0x400;
	s13 =	smul.u32 $0x2780, s5  }
0x6: {  	s31 =	simm.s32 $0x180;
	[smem:$0x7FF] =	sst s4;
	s10 =	smul.u32 $0x4F000, s5  }
0x7: {  	s7 =	sadd.s32 $0x3800, s0;
	s2 =	sand.u32 $0x1, s2;
	s12 =	smul.u32 $0x2800, s5  }
0x8: {  	s8 =	sadd.s32 $0xD800, s0;
	s11 =	sadd.s32 $0x3F000, s0;
	s25 =	smul.u32 $0x500, s5  }
0x9: {  	_ =	strace $0x80000047;
	s9 =	ssub.s32 $0x2, s2;
	[dreg:$0x5] =	wrdreg s11  }
0xa: {  	p0 =	seq.s32 s2, $0x1;
	s6 =	sadd.s32 s13, s0;
	s26 =	sshrl.u32 s9, $0x1  }
0xb: {  	s0 =	sadd.s32 $0x66800, s0;
	s14 =	sshrl.u32 s10, $0x2;
	s16 =	sshrl.u32 s12, $0x3  }
0xc: {  	[dreg:$0x4] =	wrdreg s13;
	s17 =	sadd.s32 s1, s13;
	s10 =	simm.s32 $0x1  }
0xd: {  	s12 =	simm.s32 $0x2;
	s13 =	simm.s32 $0x4;
	[dreg:$0x6] =	wrdreg s0  }
0xe: {  	s11 =	ssub.s32 s9, s26;
	s15 =	sadd.s32 s14, s3;
	[dreg:$0x8] =	wrdreg s17  }
0xf: {  	s18 =	sadd.s32 s7, s16;
	s19 =	sor.u32 $0x10, s16;
	[dreg:$0x7] =	wrdreg s15  }
0x10: {  	s20 =	sadd.s32 s8, s16;
	s22 =	sadd.s32 $0x5000, s16;
	[dreg:$0x9] =	wrdreg s18  }
0x11: {  	s6 =	sadd.s32 $0x17800, s6;
	s2 =	sadd.s32 $0x5010, s16;
	[dreg:$0xa] =	wrdreg s20  }
0x12: {  	s14 =	simm.s32 $0x8;
	s21 =	sadd.s32 s7, s19;
	[dreg:$0xd] =	wrdreg s6  }
0x13: {  	s9 =	sadd.s32 s8, s19;
	s23 =	sadd.s32 s7, s22;
	[dreg:$0xb] =	wrdreg s21  }
0x14: {  	s24 =	sadd.s32 s8, s22;
	s26 =	sadd.s32 s7, s2;
	[dreg:$0xc] =	wrdreg s9  }
0x15: {  	s2 =	sadd.s32 s8, s2;
	s0 =	smax.u32 s11, $0x1;
	[dreg:$0xe] =	wrdreg s23  }
0x16: {  	s20 =	sadd.s32 s25, s8;
	s8 =	simm.s32 $0x9;
	[dreg:$0xf] =	wrdreg s24  }
.Ltmp0:
0x17: {  	s6 =	simm.s32 $0x6;
	[dreg:$0x10] =	wrdreg s26;
	(pc) =	sbr.rel .LBB2_1-.Ltmp0, $4  }
0x18: {  	s11 =	simm.s32 $0x7;
	s15 =	simm.s32 $0x0;
	[dreg:$0x11] =	wrdreg s2  }
0x19: {  	[dreg:$0x12] =	wrdreg s0;
	s21 =	sadd.s32 s25, s7;
	s23 =	simm.s32 $0x200  }
0x1a: {  	s24 =	simm.s32 $0x80;
	s25 =	simm.s32 $0x280;
	s26 =	simm.s32 $0x100  }
0x1b: {  	s0 =	simm.s32 $0x380;
	s9 =	simm.s32 $0x4400;
	s7 =	simm.s32 $0x3  }
.LBB2_7:
0x1c: {  	s2 =	simm.s32 @!p2 $0x3;
	[sflag:s10] =	ssyncadd.s32 $0xFFFFC000  }
0x1d: {  	[spmem:s3] =	stream.indirect.scatter.add.f32 [tilespmem:s30], [sflag:$0x3], $0x80, s28, s24, $0xb8;
	[tilespmem:$0x1C000] =	vst v63  }
0x1e: {  	_ =	swait.ge @!p2 [sflag:s2], $0x4000  }
0x1f: {  	s5 =	sadd.s32 s18, s21;
	[sflag:s2] =	ssyncset.done @!p2 $0x0  }
0x20: {  	s8 =	sadd.s32 s18, s20;
	s16 =	sadd.s32 $0x5020, s5;
	[sflag:s2] =	ssyncadd.s32 @!p2 $0xFFFFC000  }
0x21: {  	[tilespmem:s26], [sflag:$0x7] =	stream.linear.gather [hbm4b:s16+s4], $0x80, $0x38;
	[tilespmem:$0x1C000] =	vst v63  }
0x22: {  	s17 =	sadd.s32 $0x5020, s8  }
0x23: {  	[tilespmem:s28], [sflag:$0x7] =	stream.linear.gather [hbm4b:s17+s4], $0x80, $0x38;
	[tilespmem:$0x1C000] =	vst v63  }
0x24: {  	_ =	swait.ge [sflag:s29], $0x80  }
0x25: {  	[sflag:s29] =	ssyncset.done $0x0  }
0x26: {  	[sflag:s29] =	ssyncadd.s32 $0xFFFFFF80  }
0x27: {  	_ =	swait.ge [sflag:s29], $0x80  }
0x28: {  	[sflag:s29] =	ssyncset.done $0x0  }
0x29: {  	s2 =	simm.s32 @!p2 $0x2;
	[sflag:s29] =	ssyncadd.s32 $0xFFFFFF80  }
0x2a: {  	[tilespmem:s30], [sflag:$0x1] =	stream.indirect.gather [hbm4b:s1+s24], $0x80, s4, s24, $0xb8;
	[tilespmem:$0x1C000] =	vst v63  }
0x2b: {  	_ =	swait.ge @!p2 [sflag:s2], $0x4000  }
0x2c: {  	s15 =	simm.s32 @!p2 $0x4400;
	[sflag:s2] =	ssyncset.done @!p2 $0x0  }
0x2d: {  	s16 =	simm.s32 @!p2 $0x380;
	[sflag:s2] =	ssyncadd.s32 @!p2 $0xFFFFC000;
	s2 =	simm.s32 @!p2 $0x80  }
0x2e: {  	[spmem:s3] =	stream.indirect.scatter.add.f32 @!p2 [tilespmem:s15], [sflag:$0x4], $0x80, s16, s2, $0xb8;
	[tilespmem:$0x1C000] =	vst v63  }
0x2f: {  	s2 =	simm.s32 @!p2 $0x4  }
0x30: {  	_ =	swait.ge @!p2 [sflag:s2], $0x4000  }
0x31: {  	[sflag:s2] =	ssyncset.done @!p2 $0x0  }
0x32: {  	s19 =	sadd.s32 $0x5030, s5;
	[sflag:s2] =	ssyncadd.s32 @!p2 $0xFFFFC000  }
0x33: {  	[tilespmem:s31], [sflag:$0x8] =	stream.linear.gather [hbm4b:s19+s4], $0x80, $0x38;
	[tilespmem:$0x1C000] =	vst v63  }
0x34: {  	s22 =	sadd.s32 $0x5030, s8  }
0x35: {  	[tilespmem:s0], [sflag:$0x8] =	stream.linear.gather [hbm4b:s22+s4], $0x80, $0x38;
	[tilespmem:$0x1C000] =	vst v63  }
0x36: {  	_ =	swait.ge [sflag:s6], $0x80  }
0x37: {  	[sflag:s6] =	ssyncset.done $0x0  }
0x38: {  	[sflag:s6] =	ssyncadd.s32 $0xFFFFFF80  }
0x39: {  	_ =	swait.ge [sflag:s6], $0x80  }
0x3a: {  	[sflag:s6] =	ssyncset.done $0x0  }
0x3b: {  	[sflag:s6] =	ssyncadd.s32 $0xFFFFFF80  }
0x3c: {  	[tilespmem:s9], [sflag:$0x2] =	stream.indirect.gather [hbm4b:s1+s24], $0x80, s24, s24, $0xb8;
	[tilespmem:$0x1C000] =	vst v63  }
0x3d: {  	_ =	swait.ge [sflag:s10], $0x4000  }
0x3e: {  	[sflag:s10] =	ssyncset.done $0x0  }
0x3f: {  	[sflag:s10] =	ssyncadd.s32 $0xFFFFC000  }
0x40: {  	[spmem:s3] =	stream.indirect.scatter.add.f32 [tilespmem:s30], [sflag:$0x3], $0x80, s23, s24, $0xb8;
	[tilespmem:$0x1C000] =	vst v63  }
0x41: {  	p1 =	seq.s32 s18, $0x4C0;
	_ =	swait.ge [sflag:s7], $0x4000  }
0x42: {  	s5 =	sadd.s32 @!p1 s18, s20;
	s2 =	sadd.s32 @!p1 s18, s21;
	[sflag:s7] =	ssyncset.done $0x0  }
0x43: {  	s15 =	simm.s32 @!p1 $0x0;
	s8 =	sadd.s32 @!p1 $0x5040, s2;
	[sflag:s7] =	ssyncadd.s32 $0xFFFFC000  }
0x44: {  	[tilespmem:s15], [sflag:$0x5] =	stream.linear.gather @!p1 [hbm4b:s8+s15], $0x80, $0x38;
	[tilespmem:$0x1C000] =	vst v63  }
0x45: {  	s16 =	simm.s32 @!p1 $0x200;
	s8 =	sadd.s32 @!p1 $0x5040, s5  }
0x46: {  	[tilespmem:s16], [sflag:$0x5] =	stream.linear.gather @!p1 [hbm4b:s8+s15], $0x80, $0x38;
	[tilespmem:$0x1C000] =	vst v63  }
0x47: {  	_ =	swait.ge [sflag:s11], $0x80  }
0x48: {  	[sflag:s11] =	ssyncset.done $0x0  }
0x49: {  	[sflag:s11] =	ssyncadd.s32 $0xFFFFFF80  }
0x4a: {  	_ =	swait.ge [sflag:s11], $0x80  }
0x4b: {  	[sflag:s11] =	ssyncset.done $0x0  }
0x4c: {  	[sflag:s11] =	ssyncadd.s32 $0xFFFFFF80  }
0x4d: {  	[tilespmem:s30], [sflag:$0x1] =	stream.indirect.gather [hbm4b:s1+s24], $0x80, s26, s24, $0xb8;
	[tilespmem:$0x1C000] =	vst v63  }
0x4e: {  	_ =	swait.ge [sflag:s12], $0x4000  }
0x4f: {  	[sflag:s12] =	ssyncset.done $0x0  }
0x50: {  	[sflag:s12] =	ssyncadd.s32 $0xFFFFC000  }
0x51: {  	[spmem:s3] =	stream.indirect.scatter.add.f32 [tilespmem:s9], [sflag:$0x4], $0x80, s25, s24, $0xb8;
	[tilespmem:$0x1C000] =	vst v63  }
0x52: {  	_ =	swait.ge [sflag:s13], $0x4000  }
0x53: {  	[sflag:s13] =	ssyncset.done $0x0  }
0x54: {  	s2 =	sadd.s32 @!p1 $0x5050, s2;
	s8 =	simm.s32 @!p1 $0x80;
	[sflag:s13] =	ssyncadd.s32 $0xFFFFC000  }
0x55: {  	[tilespmem:s8], [sflag:$0x6] =	stream.linear.gather @!p1 [hbm4b:s2+s15], $0x80, $0x38;
	[tilespmem:$0x1C000] =	vst v63  }
0x56: {  	s2 =	sadd.s32 @!p1 $0x5050, s5;
	s5 =	simm.s32 @!p1 $0x280  }
0x57: {  	[tilespmem:s5], [sflag:$0x6] =	stream.linear.gather @!p1 [hbm4b:s2+s15], $0x80, $0x38;
	[tilespmem:$0x1C000] =	vst v63  }
0x58: {  	_ =	swait.ge [sflag:s14], $0x80  }
0x59: {  	[sflag:s14] =	ssyncset.done $0x0  }
0x5a: {  	[sflag:s14] =	ssyncadd.s32 $0xFFFFFF80  }
0x5b: {  	_ =	swait.ge [sflag:s14], $0x80  }
0x5c: {  	[sflag:s14] =	ssyncset.done $0x0  }
0x5d: {  	[sflag:s14] =	ssyncadd.s32 $0xFFFFFF80  }
0x5e: {  	[tilespmem:s9], [sflag:$0x2] =	stream.indirect.gather [hbm4b:s1+s24], $0x80, s31, s24, $0xb8;
	[tilespmem:$0x1C000] =	vst v63  }
0x5f: {  	_ =	swait.ge [sflag:s10], $0x4000  }
0x60: {  	[sflag:s10] =	ssyncset.done $0x0;
	s2 =	rddreg [dreg:$0x6]  }
0x61: {  	s15 =	rddreg [dreg:$0x13];
	[sflag:s10] =	ssyncadd.s32 $0xFFFFC000  }
0x62: {  	[spmem:s3] =	stream.indirect.scatter.add.f32 [tilespmem:s30], [sflag:$0x3], $0x80, s28, s24, $0xb8;
	[tilespmem:$0x1C000] =	vst v63  }
.LBB2_8:
0x63: {  	_ =	swait.ge [sflag:s12], $0x4000  }
0x64: {  	[sflag:s12] =	ssyncset.done $0x0  }
0x65: {  	[sflag:s12] =	ssyncadd.s32 $0xFFFFC000  }
0x66: {  	[spmem:s3] =	stream.indirect.scatter.add.f32 [tilespmem:s9], [sflag:$0x4], $0x80, s0, s24, $0xb8;
	[tilespmem:$0x1C000] =	vst v63  }
0x67: {  	_ =	swait.ge [sflag:s7], $0x4000  }
0x68: {  	[sflag:s7] =	ssyncset.done $0x0  }
0x69: {  	[sflag:s7] =	ssyncadd.s32 $0xFFFFC000  }
0x6a: {  	_ =	swait.ge [sflag:s13], $0x4000  }
0x6b: {  	[sflag:s13] =	ssyncset.done $0x0  }
0x6c: {  	[sflag:s13] =	ssyncadd.s32 $0xFFFFC000  }
0x6d: {  	s5 =	rddreg [dreg:$0x4];
	[bflag:$0x0] =	sbarrier.arrive $0xFFFF  }
0x6e: {  	s19 =	rddreg [dreg:$0x14]  }
0x6f: {  	s2 =	sadd.s32 s2, s5;
	s8 =	rddreg [dreg:$0x15]  }
0x70: {  	[hbm:s2], [sflag:s8] =	dma.local [spmem:s19], $0x2780  }
0x71: {  	s8 =	simm.s32 $0x9  }
0x72: {  	_ =	swait.ge [sflag:s8], $0x2780  }
0x73: {  	s15 =	sadd.s32 $0x1, s15;
	s22 =	rddreg [dreg:$0x12]  }
0x74: {  	p1 =	sne.s32 s15, s22  }
.Ltmp1:
0x75: {  	_ = 	snop;
	(pc) =	sbr.rel @!p1 .LBB2_9-.Ltmp1, $3  }
0x76: {  	_ =	sdelay $0x1  }
0x77: {  	[sflag:s8] =	ssyncset.done $0x0  }
0x78: {  	[sflag:s8] =	ssyncadd.s32 $0xFFFFD880  }
.LBB2_1:
.Ltmp2:
0x79: {  	(pc) =	sbr.rel @!p0 .LBB2_2-.Ltmp2, $4  }
0x7a: {  	_ = 	snop  }
0x7b: {  	s2 =	stileid.u32;
	s5 =	rddreg [dreg:$0x7]  }
0x7c: {  	[dreg:$0x13] =	wrdreg s15;
	s2 =	sshll.u32 s2, $0x6;
	s5 =	sshrl.u32 s5, $0x3  }
0x7d: {  	s15 =	sor.u32 $0x1C09, s2;
	[dreg:$0x14] =	wrdreg s5  }
0x7e: {  	s15 =	sor.u32 $0x1C09, s2;
	s22 =	rddreg [dreg:$0xd]  }
0x7f: {  	[dreg:$0x15] =	wrdreg s15  }
0x80: {  	[spmem:s5], [sflag:s15] =	dma.local [hbm:s22], $0x2780  }
0x81: {  	_ =	swait.ge [sflag:s8], $0x2780  }
0x82: {  	[sflag:s8] =	ssyncset.done $0x0  }
0x83: {  	[sflag:s8] =	ssyncadd.s32 $0xFFFFD880  }
0x84: {  	[bflag:$0x0] =	sbarrier.arrive $0xFFFF  }
0x85: {  	s16 =	simm.s32 $0x0;
	s17 =	rddreg [dreg:$0xe]  }
0x86: {  	[tilespmem:s16], [sflag:$0x5] =	stream.linear.gather [hbm4b:s17+s16], $0x80, $0x38;
	[tilespmem:$0x1C000] =	vst v63  }
0x87: {  	s18 =	rddreg [dreg:$0xf]  }
0x88: {  	[tilespmem:s23], [sflag:$0x5] =	stream.linear.gather [hbm4b:s18+s16], $0x80, $0x38;
	[tilespmem:$0x1C000] =	vst v63  }
0x89: {  	p1 =	por $0x1, $0x1;
	s19 =	rddreg [dreg:$0x10]  }
0x8a: {  	[tilespmem:s24], [sflag:$0x6] =	stream.linear.gather [hbm4b:s19+s16], $0x80, $0x38;
	[tilespmem:$0x1C000] =	vst v63  }
0x8b: {  	s2 =	simm.s32 @!p1 $0x3;
	s22 =	rddreg [dreg:$0x11]  }
0x8c: {  	[tilespmem:s25], [sflag:$0x6] =	stream.linear.gather [hbm4b:s22+s16], $0x80, $0x38;
	[tilespmem:$0x1C000] =	vst v63  }
0x8d: {  	_ =	swait.ge @!p1 [sflag:s2], $0x4000  }
0x8e: {  	s8 =	sadd.s32 $0x0, s21;
	[sflag:s2] =	ssyncset.done @!p1 $0x0  }
0x8f: {  	s17 =	sadd.s32 $0x0, s20;
	s16 =	sadd.s32 $0x5020, s8;
	[sflag:s2] =	ssyncadd.s32 @!p1 $0xFFFFC000  }
0x90: {  	[tilespmem:s26], [sflag:$0x7] =	stream.linear.gather [hbm4b:s16+s4], $0x80, $0x38;
	[tilespmem:$0x1C000] =	vst v63  }
0x91: {  	s18 =	sadd.s32 $0x5020, s17  }
0x92: {  	[tilespmem:s28], [sflag:$0x7] =	stream.linear.gather [hbm4b:s18+s4], $0x80, $0x38;
	[tilespmem:$0x1C000] =	vst v63  }
0x93: {  	_ =	swait.ge [sflag:s29], $0x80  }
0x94: {  	[sflag:s29] =	ssyncset.done $0x0  }
0x95: {  	[sflag:s29] =	ssyncadd.s32 $0xFFFFFF80  }
0x96: {  	_ =	swait.ge [sflag:s29], $0x80  }
0x97: {  	[sflag:s29] =	ssyncset.done $0x0  }
0x98: {  	s2 =	simm.s32 @!p1 $0x2;
	[sflag:s29] =	ssyncadd.s32 $0xFFFFFF80  }
0x99: {  	[tilespmem:s30], [sflag:$0x1] =	stream.indirect.gather [hbm4b:s1+s24], $0x80, s4, s24, $0xb8;
	[tilespmem:$0x1C000] =	vst v63  }
0x9a: {  	_ =	swait.ge @!p1 [sflag:s2], $0x4000  }
0x9b: {  	s15 =	simm.s32 @!p1 $0x4400;
	[sflag:s2] =	ssyncset.done @!p1 $0x0  }
0x9c: {  	s16 =	simm.s32 @!p1 $0x380;
	[sflag:s2] =	ssyncadd.s32 @!p1 $0xFFFFC000;
	s2 =	simm.s32 @!p1 $0x80  }
0x9d: {  	[spmem:s3] =	stream.indirect.scatter.add.f32 @!p1 [tilespmem:s15], [sflag:$0x4], $0x80, s16, s2, $0xb8;
	[tilespmem:$0x1C000] =	vst v63  }
0x9e: {  	s2 =	simm.s32 @!p1 $0x4  }
0x9f: {  	_ =	swait.ge @!p1 [sflag:s2], $0x4000  }
0xa0: {  	[sflag:s2] =	ssyncset.done @!p1 $0x0  }
0xa1: {  	s19 =	sadd.s32 $0x5030, s8;
	[sflag:s2] =	ssyncadd.s32 @!p1 $0xFFFFC000  }
0xa2: {  	[tilespmem:s31], [sflag:$0x8] =	stream.linear.gather [hbm4b:s19+s4], $0x80, $0x38;
	[tilespmem:$0x1C000] =	vst v63  }
0xa3: {  	s22 =	sadd.s32 $0x5030, s17  }
0xa4: {  	[tilespmem:s0], [sflag:$0x8] =	stream.linear.gather [hbm4b:s22+s4], $0x80, $0x38;
	[tilespmem:$0x1C000] =	vst v63  }
0xa5: {  	_ =	swait.ge [sflag:s6], $0x80  }
0xa6: {  	[sflag:s6] =	ssyncset.done $0x0  }
0xa7: {  	[sflag:s6] =	ssyncadd.s32 $0xFFFFFF80  }
0xa8: {  	_ =	swait.ge [sflag:s6], $0x80  }
0xa9: {  	[sflag:s6] =	ssyncset.done $0x0  }
0xaa: {  	[sflag:s6] =	ssyncadd.s32 $0xFFFFFF80  }
0xab: {  	[tilespmem:s9], [sflag:$0x2] =	stream.indirect.gather [hbm4b:s1+s24], $0x80, s24, s24, $0xb8;
	[tilespmem:$0x1C000] =	vst v63  }
0xac: {  	_ =	swait.ge [sflag:s10], $0x4000  }
0xad: {  	[sflag:s10] =	ssyncset.done $0x0  }
0xae: {  	[sflag:s10] =	ssyncadd.s32 $0xFFFFC000  }
0xaf: {  	[spmem:s3] =	stream.indirect.scatter.add.f32 [tilespmem:s30], [sflag:$0x3], $0x80, s23, s24, $0xb8;
	[tilespmem:$0x1C000] =	vst v63  }
0xb0: {  	p1 =	por $0x0, $0x0;
	_ =	swait.ge [sflag:s7], $0x4000  }
0xb1: {  	s2 =	sadd.s32 @!p1 $0x0, s21;
	s5 =	sadd.s32 @!p1 $0x0, s20;
	[sflag:s7] =	ssyncset.done $0x0  }
0xb2: {  	s15 =	simm.s32 @!p1 $0x0;
	s8 =	sadd.s32 @!p1 $0x5040, s2;
	[sflag:s7] =	ssyncadd.s32 $0xFFFFC000  }
0xb3: {  	[tilespmem:s15], [sflag:$0x5] =	stream.linear.gather @!p1 [hbm4b:s8+s15], $0x80, $0x38;
	[tilespmem:$0x1C000] =	vst v63  }
0xb4: {  	s16 =	simm.s32 @!p1 $0x200;
	s8 =	sadd.s32 @!p1 $0x5040, s5  }
0xb5: {  	[tilespmem:s16], [sflag:$0x5] =	stream.linear.gather @!p1 [hbm4b:s8+s15], $0x80, $0x38;
	[tilespmem:$0x1C000] =	vst v63  }
0xb6: {  	_ =	swait.ge [sflag:s11], $0x80  }
0xb7: {  	[sflag:s11] =	ssyncset.done $0x0  }
0xb8: {  	[sflag:s11] =	ssyncadd.s32 $0xFFFFFF80  }
0xb9: {  	_ =	swait.ge [sflag:s11], $0x80  }
0xba: {  	[sflag:s11] =	ssyncset.done $0x0  }
0xbb: {  	[sflag:s11] =	ssyncadd.s32 $0xFFFFFF80  }
0xbc: {  	[tilespmem:s30], [sflag:$0x1] =	stream.indirect.gather [hbm4b:s1+s24], $0x80, s26, s24, $0xb8;
	[tilespmem:$0x1C000] =	vst v63  }
0xbd: {  	_ =	swait.ge [sflag:s12], $0x4000  }
0xbe: {  	[sflag:s12] =	ssyncset.done $0x0  }
0xbf: {  	[sflag:s12] =	ssyncadd.s32 $0xFFFFC000  }
0xc0: {  	[spmem:s3] =	stream.indirect.scatter.add.f32 [tilespmem:s9], [sflag:$0x4], $0x80, s25, s24, $0xb8;
	[tilespmem:$0x1C000] =	vst v63  }
0xc1: {  	_ =	swait.ge [sflag:s13], $0x4000  }
0xc2: {  	[sflag:s13] =	ssyncset.done $0x0  }
0xc3: {  	s2 =	sadd.s32 @!p1 $0x5050, s2;
	s8 =	simm.s32 @!p1 $0x80;
	[sflag:s13] =	ssyncadd.s32 $0xFFFFC000  }
0xc4: {  	[tilespmem:s8], [sflag:$0x6] =	stream.linear.gather @!p1 [hbm4b:s2+s15], $0x80, $0x38;
	[tilespmem:$0x1C000] =	vst v63  }
0xc5: {  	s2 =	sadd.s32 @!p1 $0x5050, s5;
	s5 =	simm.s32 @!p1 $0x280  }
0xc6: {  	[tilespmem:s5], [sflag:$0x6] =	stream.linear.gather @!p1 [hbm4b:s2+s15], $0x80, $0x38;
	[tilespmem:$0x1C000] =	vst v63  }
0xc7: {  	_ =	swait.ge [sflag:s14], $0x80  }
0xc8: {  	[sflag:s14] =	ssyncset.done $0x0  }
0xc9: {  	[sflag:s14] =	ssyncadd.s32 $0xFFFFFF80  }
0xca: {  	_ =	swait.ge [sflag:s14], $0x80  }
0xcb: {  	[sflag:s14] =	ssyncset.done $0x0  }
0xcc: {  	[sflag:s14] =	ssyncadd.s32 $0xFFFFFF80  }
0xcd: {  	[tilespmem:s9], [sflag:$0x2] =	stream.indirect.gather [hbm4b:s1+s24], $0x80, s31, s24, $0xb8;
	[tilespmem:$0x1C000] =	vst v63  }
0xce: {  	p2 =	por $0x0, $0x0;
	_ =	swait.ge [sflag:s10], $0x4000  }
0xcf: {  	s18 =	simm.s32 $0x40;
	s2 =	simm.s32 $0x80;
	[sflag:s10] =	ssyncset.done $0x0  }
.LBB2_6:
0xd0: {  	s5 =	simm.s32 @!p2 $0x3  }
0xd1: {  	[sflag:s10] =	ssyncadd.s32 $0xFFFFC000;
	s8 =	smov.u32 s2;
	s2 =	sadd.s32 $0x40, s2  }
0xd2: {  	[spmem:s3] =	stream.indirect.scatter.add.f32 [tilespmem:s30], [sflag:$0x3], $0x80, s28, s24, $0xb8;
	[tilespmem:$0x1C000] =	vst v63  }
0xd3: {  	p1 =	sne.s32 s2, $0x500;
	_ =	swait.ge @!p2 [sflag:s5], $0x4000  }
0xd4: {  	s15 =	sadd.s32 s18, s21;
	[sflag:s5] =	ssyncset.done @!p2 $0x0  }
0xd5: {  	s16 =	sadd.s32 s18, s20;
	[sflag:s5] =	ssyncadd.s32 @!p2 $0xFFFFC000;
	s5 =	sadd.s32 $0x5020, s15  }
0xd6: {  	[tilespmem:s26], [sflag:$0x7] =	stream.linear.gather [hbm4b:s5+s4], $0x80, $0x38;
	[tilespmem:$0x1C000] =	vst v63  }
0xd7: {  	s5 =	sadd.s32 $0x5020, s16  }
0xd8: {  	[tilespmem:s28], [sflag:$0x7] =	stream.linear.gather [hbm4b:s5+s4], $0x80, $0x38;
	[tilespmem:$0x1C000] =	vst v63  }
0xd9: {  	_ =	swait.ge [sflag:s29], $0x80  }
0xda: {  	[sflag:s29] =	ssyncset.done $0x0  }
0xdb: {  	[sflag:s29] =	ssyncadd.s32 $0xFFFFFF80  }
0xdc: {  	_ =	swait.ge [sflag:s29], $0x80  }
0xdd: {  	[sflag:s29] =	ssyncset.done $0x0  }
0xde: {  	s5 =	simm.s32 @!p2 $0x2;
	[sflag:s29] =	ssyncadd.s32 $0xFFFFFF80  }
0xdf: {  	[tilespmem:s30], [sflag:$0x1] =	stream.indirect.gather [hbm4b:s1+s24], $0x80, s4, s24, $0xb8;
	[tilespmem:$0x1C000] =	vst v63  }
0xe0: {  	_ =	swait.ge @!p2 [sflag:s5], $0x4000  }
0xe1: {  	s17 =	simm.s32 @!p2 $0x4400;
	s19 =	simm.s32 @!p2 $0x4;
	[sflag:s5] =	ssyncset.done @!p2 $0x0  }
0xe2: {  	s22 =	simm.s32 @!p2 $0x380;
	[sflag:s5] =	ssyncadd.s32 @!p2 $0xFFFFC000;
	s5 =	simm.s32 @!p2 $0x80  }
0xe3: {  	[spmem:s3] =	stream.indirect.scatter.add.f32 @!p2 [tilespmem:s17], [sflag:$0x4], $0x80, s22, s5, $0xb8;
	[tilespmem:$0x1C000] =	vst v63  }
0xe4: {  	_ =	swait.ge @!p2 [sflag:s19], $0x4000  }
0xe5: {  	[sflag:s19] =	ssyncset.done @!p2 $0x0  }
0xe6: {  	s5 =	sadd.s32 $0x5030, s15;
	[sflag:s19] =	ssyncadd.s32 @!p2 $0xFFFFC000  }
0xe7: {  	[tilespmem:s31], [sflag:$0x8] =	stream.linear.gather [hbm4b:s5+s4], $0x80, $0x38;
	[tilespmem:$0x1C000] =	vst v63  }
0xe8: {  	s5 =	sadd.s32 $0x5030, s16  }
0xe9: {  	[tilespmem:s0], [sflag:$0x8] =	stream.linear.gather [hbm4b:s5+s4], $0x80, $0x38;
	[tilespmem:$0x1C000] =	vst v63  }
0xea: {  	_ =	swait.ge [sflag:s6], $0x80  }
0xeb: {  	[sflag:s6] =	ssyncset.done $0x0  }
0xec: {  	[sflag:s6] =	ssyncadd.s32 $0xFFFFFF80  }
0xed: {  	_ =	swait.ge [sflag:s6], $0x80  }
0xee: {  	[sflag:s6] =	ssyncset.done $0x0  }
0xef: {  	[sflag:s6] =	ssyncadd.s32 $0xFFFFFF80  }
0xf0: {  	[tilespmem:s9], [sflag:$0x2] =	stream.indirect.gather [hbm4b:s1+s24], $0x80, s24, s24, $0xb8;
	[tilespmem:$0x1C000] =	vst v63  }
0xf1: {  	_ =	swait.ge [sflag:s10], $0x4000  }
0xf2: {  	[sflag:s10] =	ssyncset.done $0x0  }
0xf3: {  	[sflag:s10] =	ssyncadd.s32 $0xFFFFC000  }
0xf4: {  	[spmem:s3] =	stream.indirect.scatter.add.f32 [tilespmem:s30], [sflag:$0x3], $0x80, s23, s24, $0xb8;
	[tilespmem:$0x1C000] =	vst v63  }
0xf5: {  	p2 =	seq.s32 s18, $0x4C0;
	_ =	swait.ge [sflag:s7], $0x4000  }
0xf6: {  	s15 =	sadd.s32 @!p2 s18, s20;
	s5 =	sadd.s32 @!p2 s18, s21;
	[sflag:s7] =	ssyncset.done $0x0  }
0xf7: {  	s17 =	simm.s32 @!p2 $0x0;
	s16 =	sadd.s32 @!p2 $0x5040, s5;
	[sflag:s7] =	ssyncadd.s32 $0xFFFFC000  }
0xf8: {  	[tilespmem:s17], [sflag:$0x5] =	stream.linear.gather @!p2 [hbm4b:s16+s17], $0x80, $0x38;
	[tilespmem:$0x1C000] =	vst v63  }
0xf9: {  	s18 =	simm.s32 @!p2 $0x200;
	s5 =	sadd.s32 @!p2 $0x5050, s5;
	s16 =	sadd.s32 @!p2 $0x5040, s15  }
0xfa: {  	[tilespmem:s18], [sflag:$0x5] =	stream.linear.gather @!p2 [hbm4b:s16+s17], $0x80, $0x38;
	[tilespmem:$0x1C000] =	vst v63  }
0xfb: {  	s15 =	sadd.s32 @!p2 $0x5050, s15;
	s18 =	smov.u32 s8;
	_ =	swait.ge [sflag:s11], $0x80  }
0xfc: {  	[sflag:s11] =	ssyncset.done $0x0  }
0xfd: {  	[sflag:s11] =	ssyncadd.s32 $0xFFFFFF80  }
0xfe: {  	_ =	swait.ge [sflag:s11], $0x80  }
0xff: {  	[sflag:s11] =	ssyncset.done $0x0  }
0x100: {  	[sflag:s11] =	ssyncadd.s32 $0xFFFFFF80  }
0x101: {  	[tilespmem:s30], [sflag:$0x1] =	stream.indirect.gather [hbm4b:s1+s24], $0x80, s26, s24, $0xb8;
	[tilespmem:$0x1C000] =	vst v63  }
0x102: {  	_ =	swait.ge [sflag:s12], $0x4000  }
0x103: {  	[sflag:s12] =	ssyncset.done $0x0  }
0x104: {  	[sflag:s12] =	ssyncadd.s32 $0xFFFFC000  }
0x105: {  	[spmem:s3] =	stream.indirect.scatter.add.f32 [tilespmem:s9], [sflag:$0x4], $0x80, s25, s24, $0xb8;
	[tilespmem:$0x1C000] =	vst v63  }
0x106: {  	_ =	swait.ge [sflag:s13], $0x4000  }
0x107: {  	[sflag:s13] =	ssyncset.done $0x0  }
0x108: {  	s8 =	simm.s32 @!p2 $0x80;
	[sflag:s13] =	ssyncadd.s32 $0xFFFFC000  }
0x109: {  	[tilespmem:s8], [sflag:$0x6] =	stream.linear.gather @!p2 [hbm4b:s5+s17], $0x80, $0x38;
	[tilespmem:$0x1C000] =	vst v63  }
0x10a: {  	s5 =	simm.s32 @!p2 $0x280  }
0x10b: {  	[tilespmem:s5], [sflag:$0x6] =	stream.linear.gather @!p2 [hbm4b:s15+s17], $0x80, $0x38;
	[tilespmem:$0x1C000] =	vst v63  }
0x10c: {  	_ =	swait.ge [sflag:s14], $0x80  }
0x10d: {  	[sflag:s14] =	ssyncset.done $0x0  }
0x10e: {  	[sflag:s14] =	ssyncadd.s32 $0xFFFFFF80  }
0x10f: {  	_ =	swait.ge [sflag:s14], $0x80  }
.Ltmp3:
0x110: {  	[sflag:s14] =	ssyncset.done $0x0;
	(pc) =	sbr.rel @p1 .LBB2_6-.Ltmp3, $4  }
0x111: {  	[sflag:s14] =	ssyncadd.s32 $0xFFFFFF80  }
0x112: {  	[tilespmem:s9], [sflag:$0x2] =	stream.indirect.gather [hbm4b:s1+s24], $0x80, s31, s24, $0xb8;
	[tilespmem:$0x1C000] =	vst v63  }
0x113: {  	_ =	swait.ge [sflag:s10], $0x4000  }
0x114: {  	p2 =	seq.s32 s18, $0x0;
	[sflag:s10] =	ssyncset.done $0x0  }
.Ltmp4:
0x115: {  	_ = 	snop;
	(pc) =	sbr.rel .LBB2_7-.Ltmp4, $1  }
0x116: {  	_ =	sdelay $0x3  }
.LBB2_2:
0x117: {  	s2 =	rddreg [dreg:$0x8]  }
0x118: {  	[dreg:$0x15] =	wrdreg s15  }
0x119: {  	[spmem:s5], [sflag:s15] =	dma.local [hbm:s2], $0x2780  }
0x11a: {  	_ =	swait.ge [sflag:s8], $0x2780  }
0x11b: {  	[sflag:s8] =	ssyncset.done $0x0  }
0x11c: {  	[sflag:s8] =	ssyncadd.s32 $0xFFFFD880  }
0x11d: {  	[bflag:$0x0] =	sbarrier.arrive $0xFFFF  }
0x11e: {  	s17 =	simm.s32 $0x0;
	s18 =	rddreg [dreg:$0x9]  }
0x11f: {  	[tilespmem:s17], [sflag:$0x5] =	stream.linear.gather [hbm4b:s18+s17], $0x80, $0x38;
	[tilespmem:$0x1C000] =	vst v63  }
0x120: {  	s19 =	rddreg [dreg:$0xa]  }
0x121: {  	[tilespmem:s23], [sflag:$0x5] =	stream.linear.gather [hbm4b:s19+s17], $0x80, $0x38;
	[tilespmem:$0x1C000] =	vst v63  }
0x122: {  	p1 =	por $0x1, $0x1;
	s22 =	rddreg [dreg:$0xb]  }
0x123: {  	[tilespmem:s24], [sflag:$0x6] =	stream.linear.gather [hbm4b:s22+s17], $0x80, $0x38;
	[tilespmem:$0x1C000] =	vst v63  }
0x124: {  	s2 =	simm.s32 @!p1 $0x3;
	s8 =	rddreg [dreg:$0xc]  }
0x125: {  	[tilespmem:s25], [sflag:$0x6] =	stream.linear.gather [hbm4b:s8+s17], $0x80, $0x38;
	[tilespmem:$0x1C000] =	vst v63  }
0x126: {  	_ =	swait.ge @!p1 [sflag:s2], $0x4000  }
0x127: {  	s15 =	sadd.s32 $0x0, s21;
	[sflag:s2] =	ssyncset.done @!p1 $0x0  }
0x128: {  	s16 =	sadd.s32 $0x20, s15;
	s18 =	sadd.s32 $0x0, s20;
	[sflag:s2] =	ssyncadd.s32 @!p1 $0xFFFFC000  }
0x129: {  	[tilespmem:s26], [sflag:$0x7] =	stream.linear.gather [hbm4b:s16+s4], $0x80, $0x38;
	[tilespmem:$0x1C000] =	vst v63  }
0x12a: {  	s17 =	sadd.s32 $0x20, s18  }
0x12b: {  	[tilespmem:s28], [sflag:$0x7] =	stream.linear.gather [hbm4b:s17+s4], $0x80, $0x38;
	[tilespmem:$0x1C000] =	vst v63  }
0x12c: {  	_ =	swait.ge [sflag:s29], $0x80  }
0x12d: {  	[sflag:s29] =	ssyncset.done $0x0  }
0x12e: {  	[sflag:s29] =	ssyncadd.s32 $0xFFFFFF80  }
0x12f: {  	_ =	swait.ge [sflag:s29], $0x80  }
0x130: {  	[sflag:s29] =	ssyncset.done $0x0  }
0x131: {  	s2 =	simm.s32 @!p1 $0x2;
	[sflag:s29] =	ssyncadd.s32 $0xFFFFFF80  }
0x132: {  	[tilespmem:s30], [sflag:$0x1] =	stream.indirect.gather [hbm4b:s1+s24], $0x80, s4, s24, $0xb8;
	[tilespmem:$0x1C000] =	vst v63  }
0x133: {  	_ =	swait.ge @!p1 [sflag:s2], $0x4000  }
0x134: {  	s5 =	simm.s32 @!p1 $0x380;
	[sflag:s2] =	ssyncset.done @!p1 $0x0  }
0x135: {  	s19 =	simm.s32 @!p1 $0x4400;
	[sflag:s2] =	ssyncadd.s32 @!p1 $0xFFFFC000;
	s2 =	simm.s32 @!p1 $0x80  }
0x136: {  	[spmem:s3] =	stream.indirect.scatter.add.f32 @!p1 [tilespmem:s19], [sflag:$0x4], $0x80, s5, s2, $0xb8;
	[tilespmem:$0x1C000] =	vst v63  }
0x137: {  	s2 =	simm.s32 @!p1 $0x4  }
0x138: {  	_ =	swait.ge @!p1 [sflag:s2], $0x4000  }
0x139: {  	[sflag:s2] =	ssyncset.done @!p1 $0x0  }
0x13a: {  	s19 =	sadd.s32 $0x30, s15;
	[sflag:s2] =	ssyncadd.s32 @!p1 $0xFFFFC000  }
0x13b: {  	[tilespmem:s31], [sflag:$0x8] =	stream.linear.gather [hbm4b:s19+s4], $0x80, $0x38;
	[tilespmem:$0x1C000] =	vst v63  }
0x13c: {  	s22 =	sadd.s32 $0x30, s18  }
0x13d: {  	[tilespmem:s0], [sflag:$0x8] =	stream.linear.gather [hbm4b:s22+s4], $0x80, $0x38;
	[tilespmem:$0x1C000] =	vst v63  }
0x13e: {  	_ =	swait.ge [sflag:s6], $0x80  }
0x13f: {  	[sflag:s6] =	ssyncset.done $0x0  }
0x140: {  	[sflag:s6] =	ssyncadd.s32 $0xFFFFFF80  }
0x141: {  	_ =	swait.ge [sflag:s6], $0x80  }
0x142: {  	[sflag:s6] =	ssyncset.done $0x0  }
0x143: {  	[sflag:s6] =	ssyncadd.s32 $0xFFFFFF80  }
0x144: {  	[tilespmem:s9], [sflag:$0x2] =	stream.indirect.gather [hbm4b:s1+s24], $0x80, s24, s24, $0xb8;
	[tilespmem:$0x1C000] =	vst v63  }
0x145: {  	_ =	swait.ge [sflag:s10], $0x4000  }
0x146: {  	[sflag:s10] =	ssyncset.done $0x0  }
0x147: {  	[sflag:s10] =	ssyncadd.s32 $0xFFFFC000  }
0x148: {  	[spmem:s3] =	stream.indirect.scatter.add.f32 [tilespmem:s30], [sflag:$0x3], $0x80, s23, s24, $0xb8;
	[tilespmem:$0x1C000] =	vst v63  }
0x149: {  	p1 =	por $0x0, $0x0;
	_ =	swait.ge [sflag:s7], $0x4000  }
0x14a: {  	s2 =	sadd.s32 @!p1 $0x0, s21;
	s5 =	sadd.s32 @!p1 $0x0, s20;
	[sflag:s7] =	ssyncset.done $0x0  }
0x14b: {  	s18 =	simm.s32 @!p1 $0x0;
	s8 =	sadd.s32 @!p1 $0x40, s2;
	[sflag:s7] =	ssyncadd.s32 $0xFFFFC000  }
0x14c: {  	[tilespmem:s18], [sflag:$0x5] =	stream.linear.gather @!p1 [hbm4b:s8+s18], $0x80, $0x38;
	[tilespmem:$0x1C000] =	vst v63  }
0x14d: {  	s19 =	simm.s32 @!p1 $0x200;
	s8 =	sadd.s32 @!p1 $0x40, s5  }
0x14e: {  	[tilespmem:s19], [sflag:$0x5] =	stream.linear.gather @!p1 [hbm4b:s8+s18], $0x80, $0x38;
	[tilespmem:$0x1C000] =	vst v63  }
0x14f: {  	_ =	swait.ge [sflag:s11], $0x80  }
0x150: {  	[sflag:s11] =	ssyncset.done $0x0  }
0x151: {  	[sflag:s11] =	ssyncadd.s32 $0xFFFFFF80  }
0x152: {  	_ =	swait.ge [sflag:s11], $0x80  }
0x153: {  	[sflag:s11] =	ssyncset.done $0x0  }
0x154: {  	[sflag:s11] =	ssyncadd.s32 $0xFFFFFF80  }
0x155: {  	[tilespmem:s30], [sflag:$0x1] =	stream.indirect.gather [hbm4b:s1+s24], $0x80, s26, s24, $0xb8;
	[tilespmem:$0x1C000] =	vst v63  }
0x156: {  	_ =	swait.ge [sflag:s12], $0x4000  }
0x157: {  	[sflag:s12] =	ssyncset.done $0x0  }
0x158: {  	[sflag:s12] =	ssyncadd.s32 $0xFFFFC000  }
0x159: {  	[spmem:s3] =	stream.indirect.scatter.add.f32 [tilespmem:s9], [sflag:$0x4], $0x80, s25, s24, $0xb8;
	[tilespmem:$0x1C000] =	vst v63  }
0x15a: {  	_ =	swait.ge [sflag:s13], $0x4000  }
0x15b: {  	[sflag:s13] =	ssyncset.done $0x0  }
0x15c: {  	s2 =	sadd.s32 @!p1 $0x50, s2;
	s8 =	simm.s32 @!p1 $0x80;
	[sflag:s13] =	ssyncadd.s32 $0xFFFFC000  }
0x15d: {  	[tilespmem:s8], [sflag:$0x6] =	stream.linear.gather @!p1 [hbm4b:s2+s18], $0x80, $0x38;
	[tilespmem:$0x1C000] =	vst v63  }
0x15e: {  	s2 =	sadd.s32 @!p1 $0x50, s5;
	s5 =	simm.s32 @!p1 $0x280  }
0x15f: {  	[tilespmem:s5], [sflag:$0x6] =	stream.linear.gather @!p1 [hbm4b:s2+s18], $0x80, $0x38;
	[tilespmem:$0x1C000] =	vst v63  }
0x160: {  	_ =	swait.ge [sflag:s14], $0x80  }
0x161: {  	[sflag:s14] =	ssyncset.done $0x0  }
0x162: {  	[sflag:s14] =	ssyncadd.s32 $0xFFFFFF80  }
0x163: {  	_ =	swait.ge [sflag:s14], $0x80  }
0x164: {  	[sflag:s14] =	ssyncset.done $0x0  }
0x165: {  	[sflag:s14] =	ssyncadd.s32 $0xFFFFFF80  }
0x166: {  	[tilespmem:s9], [sflag:$0x2] =	stream.indirect.gather [hbm4b:s1+s24], $0x80, s31, s24, $0xb8;
	[tilespmem:$0x1C000] =	vst v63  }
0x167: {  	p2 =	por $0x0, $0x0;
	_ =	swait.ge [sflag:s10], $0x4000  }
0x168: {  	s18 =	simm.s32 $0x40;
	s2 =	simm.s32 $0x80;
	[sflag:s10] =	ssyncset.done $0x0  }
.LBB2_3:
0x169: {  	s5 =	simm.s32 @!p2 $0x3  }
0x16a: {  	[sflag:s10] =	ssyncadd.s32 $0xFFFFC000;
	s8 =	smov.u32 s2;
	s2 =	sadd.s32 $0x40, s2  }
0x16b: {  	[spmem:s3] =	stream.indirect.scatter.add.f32 [tilespmem:s30], [sflag:$0x3], $0x80, s28, s24, $0xb8;
	[tilespmem:$0x1C000] =	vst v63  }
0x16c: {  	p1 =	seq.s32 s2, $0x500;
	_ =	swait.ge @!p2 [sflag:s5], $0x4000  }
0x16d: {  	s19 =	sadd.s32 s18, s21;
	[sflag:s5] =	ssyncset.done @!p2 $0x0  }
0x16e: {  	s22 =	sadd.s32 s18, s20;
	[sflag:s5] =	ssyncadd.s32 @!p2 $0xFFFFC000;
	s5 =	sadd.s32 $0x20, s19  }
0x16f: {  	[tilespmem:s26], [sflag:$0x7] =	stream.linear.gather [hbm4b:s5+s4], $0x80, $0x38;
	[tilespmem:$0x1C000] =	vst v63  }
0x170: {  	s5 =	sadd.s32 $0x20, s22  }
0x171: {  	[tilespmem:s28], [sflag:$0x7] =	stream.linear.gather [hbm4b:s5+s4], $0x80, $0x38;
	[tilespmem:$0x1C000] =	vst v63  }
0x172: {  	_ =	swait.ge [sflag:s29], $0x80  }
0x173: {  	[sflag:s29] =	ssyncset.done $0x0  }
0x174: {  	[sflag:s29] =	ssyncadd.s32 $0xFFFFFF80  }
0x175: {  	_ =	swait.ge [sflag:s29], $0x80  }
0x176: {  	[sflag:s29] =	ssyncset.done $0x0  }
0x177: {  	s5 =	simm.s32 @!p2 $0x2;
	[sflag:s29] =	ssyncadd.s32 $0xFFFFFF80  }
0x178: {  	[tilespmem:s30], [sflag:$0x1] =	stream.indirect.gather [hbm4b:s1+s24], $0x80, s4, s24, $0xb8;
	[tilespmem:$0x1C000] =	vst v63  }
0x179: {  	_ =	swait.ge @!p2 [sflag:s5], $0x4000  }
0x17a: {  	s16 =	simm.s32 @!p2 $0x4400;
	s17 =	simm.s32 @!p2 $0x4;
	[sflag:s5] =	ssyncset.done @!p2 $0x0  }
0x17b: {  	s15 =	simm.s32 @!p2 $0x380;
	[sflag:s5] =	ssyncadd.s32 @!p2 $0xFFFFC000;
	s5 =	simm.s32 @!p2 $0x80  }
0x17c: {  	[spmem:s3] =	stream.indirect.scatter.add.f32 @!p2 [tilespmem:s16], [sflag:$0x4], $0x80, s15, s5, $0xb8;
	[tilespmem:$0x1C000] =	vst v63  }
0x17d: {  	_ =	swait.ge @!p2 [sflag:s17], $0x4000  }
0x17e: {  	[sflag:s17] =	ssyncset.done @!p2 $0x0  }
0x17f: {  	s5 =	sadd.s32 $0x30, s19;
	[sflag:s17] =	ssyncadd.s32 @!p2 $0xFFFFC000  }
0x180: {  	[tilespmem:s31], [sflag:$0x8] =	stream.linear.gather [hbm4b:s5+s4], $0x80, $0x38;
	[tilespmem:$0x1C000] =	vst v63  }
0x181: {  	s5 =	sadd.s32 $0x30, s22  }
0x182: {  	[tilespmem:s0], [sflag:$0x8] =	stream.linear.gather [hbm4b:s5+s4], $0x80, $0x38;
	[tilespmem:$0x1C000] =	vst v63  }
0x183: {  	_ =	swait.ge [sflag:s6], $0x80  }
0x184: {  	[sflag:s6] =	ssyncset.done $0x0  }
0x185: {  	[sflag:s6] =	ssyncadd.s32 $0xFFFFFF80  }
0x186: {  	_ =	swait.ge [sflag:s6], $0x80  }
0x187: {  	[sflag:s6] =	ssyncset.done $0x0  }
0x188: {  	[sflag:s6] =	ssyncadd.s32 $0xFFFFFF80  }
0x189: {  	[tilespmem:s9], [sflag:$0x2] =	stream.indirect.gather [hbm4b:s1+s24], $0x80, s24, s24, $0xb8;
	[tilespmem:$0x1C000] =	vst v63  }
0x18a: {  	_ =	swait.ge [sflag:s10], $0x4000  }
0x18b: {  	[sflag:s10] =	ssyncset.done $0x0  }
0x18c: {  	[sflag:s10] =	ssyncadd.s32 $0xFFFFC000  }
0x18d: {  	[spmem:s3] =	stream.indirect.scatter.add.f32 [tilespmem:s30], [sflag:$0x3], $0x80, s23, s24, $0xb8;
	[tilespmem:$0x1C000] =	vst v63  }
0x18e: {  	p2 =	seq.s32 s18, $0x4C0;
	_ =	swait.ge [sflag:s7], $0x4000  }
0x18f: {  	s15 =	sadd.s32 @!p2 s18, s20;
	s5 =	sadd.s32 @!p2 s18, s21;
	[sflag:s7] =	ssyncset.done $0x0  }
0x190: {  	s17 =	simm.s32 @!p2 $0x0;
	s16 =	sadd.s32 @!p2 $0x40, s5;
	[sflag:s7] =	ssyncadd.s32 $0xFFFFC000  }
0x191: {  	[tilespmem:s17], [sflag:$0x5] =	stream.linear.gather @!p2 [hbm4b:s16+s17], $0x80, $0x38;
	[tilespmem:$0x1C000] =	vst v63  }
0x192: {  	s18 =	simm.s32 @!p2 $0x200;
	s5 =	sadd.s32 @!p2 $0x50, s5;
	s16 =	sadd.s32 @!p2 $0x40, s15  }
0x193: {  	[tilespmem:s18], [sflag:$0x5] =	stream.linear.gather @!p2 [hbm4b:s16+s17], $0x80, $0x38;
	[tilespmem:$0x1C000] =	vst v63  }
0x194: {  	s15 =	sadd.s32 @!p2 $0x50, s15;
	s18 =	smov.u32 s8;
	_ =	swait.ge [sflag:s11], $0x80  }
0x195: {  	[sflag:s11] =	ssyncset.done $0x0  }
0x196: {  	[sflag:s11] =	ssyncadd.s32 $0xFFFFFF80  }
0x197: {  	_ =	swait.ge [sflag:s11], $0x80  }
0x198: {  	[sflag:s11] =	ssyncset.done $0x0  }
0x199: {  	[sflag:s11] =	ssyncadd.s32 $0xFFFFFF80  }
0x19a: {  	[tilespmem:s30], [sflag:$0x1] =	stream.indirect.gather [hbm4b:s1+s24], $0x80, s26, s24, $0xb8;
	[tilespmem:$0x1C000] =	vst v63  }
0x19b: {  	_ =	swait.ge [sflag:s12], $0x4000  }
0x19c: {  	[sflag:s12] =	ssyncset.done $0x0  }
0x19d: {  	[sflag:s12] =	ssyncadd.s32 $0xFFFFC000  }
0x19e: {  	[spmem:s3] =	stream.indirect.scatter.add.f32 [tilespmem:s9], [sflag:$0x4], $0x80, s25, s24, $0xb8;
	[tilespmem:$0x1C000] =	vst v63  }
0x19f: {  	_ =	swait.ge [sflag:s13], $0x4000  }
0x1a0: {  	[sflag:s13] =	ssyncset.done $0x0  }
0x1a1: {  	s8 =	simm.s32 @!p2 $0x80;
	[sflag:s13] =	ssyncadd.s32 $0xFFFFC000  }
0x1a2: {  	[tilespmem:s8], [sflag:$0x6] =	stream.linear.gather @!p2 [hbm4b:s5+s17], $0x80, $0x38;
	[tilespmem:$0x1C000] =	vst v63  }
0x1a3: {  	s5 =	simm.s32 @!p2 $0x280  }
0x1a4: {  	[tilespmem:s5], [sflag:$0x6] =	stream.linear.gather @!p2 [hbm4b:s15+s17], $0x80, $0x38;
	[tilespmem:$0x1C000] =	vst v63  }
0x1a5: {  	_ =	swait.ge [sflag:s14], $0x80  }
0x1a6: {  	[sflag:s14] =	ssyncset.done $0x0  }
0x1a7: {  	[sflag:s14] =	ssyncadd.s32 $0xFFFFFF80  }
0x1a8: {  	_ =	swait.ge [sflag:s14], $0x80  }
.Ltmp5:
0x1a9: {  	[sflag:s14] =	ssyncset.done $0x0;
	(pc) =	sbr.rel @!p1 .LBB2_3-.Ltmp5, $4  }
0x1aa: {  	[sflag:s14] =	ssyncadd.s32 $0xFFFFFF80  }
0x1ab: {  	[tilespmem:s9], [sflag:$0x2] =	stream.indirect.gather [hbm4b:s1+s24], $0x80, s31, s24, $0xb8;
	[tilespmem:$0x1C000] =	vst v63  }
0x1ac: {  	_ =	swait.ge [sflag:s10], $0x4000  }
0x1ad: {  	p2 =	seq.s32 s18, $0x0;
	[sflag:s10] =	ssyncset.done $0x0  }
0x1ae: {  	s2 =	simm.s32 @!p2 $0x3;
	[sflag:s10] =	ssyncadd.s32 $0xFFFFC000  }
0x1af: {  	[spmem:s3] =	stream.indirect.scatter.add.f32 [tilespmem:s30], [sflag:$0x3], $0x80, s28, s24, $0xb8;
	[tilespmem:$0x1C000] =	vst v63  }
0x1b0: {  	_ =	swait.ge @!p2 [sflag:s2], $0x4000  }
0x1b1: {  	s5 =	sadd.s32 s18, s21;
	[sflag:s2] =	ssyncset.done @!p2 $0x0  }
0x1b2: {  	s8 =	sadd.s32 s18, s20;
	s16 =	sadd.s32 $0x20, s5;
	[sflag:s2] =	ssyncadd.s32 @!p2 $0xFFFFC000  }
0x1b3: {  	[tilespmem:s26], [sflag:$0x7] =	stream.linear.gather [hbm4b:s16+s4], $0x80, $0x38;
	[tilespmem:$0x1C000] =	vst v63  }
0x1b4: {  	s17 =	sadd.s32 $0x20, s8  }
0x1b5: {  	[tilespmem:s28], [sflag:$0x7] =	stream.linear.gather [hbm4b:s17+s4], $0x80, $0x38;
	[tilespmem:$0x1C000] =	vst v63  }
0x1b6: {  	_ =	swait.ge [sflag:s29], $0x80  }
0x1b7: {  	[sflag:s29] =	ssyncset.done $0x0  }
0x1b8: {  	[sflag:s29] =	ssyncadd.s32 $0xFFFFFF80  }
0x1b9: {  	_ =	swait.ge [sflag:s29], $0x80  }
0x1ba: {  	[sflag:s29] =	ssyncset.done $0x0  }
0x1bb: {  	s2 =	simm.s32 @!p2 $0x2;
	[sflag:s29] =	ssyncadd.s32 $0xFFFFFF80  }
0x1bc: {  	[tilespmem:s30], [sflag:$0x1] =	stream.indirect.gather [hbm4b:s1+s24], $0x80, s4, s24, $0xb8;
	[tilespmem:$0x1C000] =	vst v63  }
0x1bd: {  	_ =	swait.ge @!p2 [sflag:s2], $0x4000  }
0x1be: {  	s15 =	simm.s32 @!p2 $0x4400;
	[sflag:s2] =	ssyncset.done @!p2 $0x0  }
0x1bf: {  	s16 =	simm.s32 @!p2 $0x380;
	[sflag:s2] =	ssyncadd.s32 @!p2 $0xFFFFC000;
	s2 =	simm.s32 @!p2 $0x80  }
0x1c0: {  	[spmem:s3] =	stream.indirect.scatter.add.f32 @!p2 [tilespmem:s15], [sflag:$0x4], $0x80, s16, s2, $0xb8;
	[tilespmem:$0x1C000] =	vst v63  }
0x1c1: {  	s2 =	simm.s32 @!p2 $0x4  }
0x1c2: {  	_ =	swait.ge @!p2 [sflag:s2], $0x4000  }
0x1c3: {  	[sflag:s2] =	ssyncset.done @!p2 $0x0  }
0x1c4: {  	s19 =	sadd.s32 $0x30, s5;
	[sflag:s2] =	ssyncadd.s32 @!p2 $0xFFFFC000  }
0x1c5: {  	[tilespmem:s31], [sflag:$0x8] =	stream.linear.gather [hbm4b:s19+s4], $0x80, $0x38;
	[tilespmem:$0x1C000] =	vst v63  }
0x1c6: {  	s22 =	sadd.s32 $0x30, s8  }
0x1c7: {  	[tilespmem:s0], [sflag:$0x8] =	stream.linear.gather [hbm4b:s22+s4], $0x80, $0x38;
	[tilespmem:$0x1C000] =	vst v63  }
0x1c8: {  	_ =	swait.ge [sflag:s6], $0x80  }
0x1c9: {  	[sflag:s6] =	ssyncset.done $0x0  }
0x1ca: {  	[sflag:s6] =	ssyncadd.s32 $0xFFFFFF80  }
0x1cb: {  	_ =	swait.ge [sflag:s6], $0x80  }
0x1cc: {  	[sflag:s6] =	ssyncset.done $0x0  }
0x1cd: {  	[sflag:s6] =	ssyncadd.s32 $0xFFFFFF80  }
0x1ce: {  	[tilespmem:s9], [sflag:$0x2] =	stream.indirect.gather [hbm4b:s1+s24], $0x80, s24, s24, $0xb8;
	[tilespmem:$0x1C000] =	vst v63  }
0x1cf: {  	_ =	swait.ge [sflag:s10], $0x4000  }
0x1d0: {  	[sflag:s10] =	ssyncset.done $0x0  }
0x1d1: {  	[sflag:s10] =	ssyncadd.s32 $0xFFFFC000  }
0x1d2: {  	[spmem:s3] =	stream.indirect.scatter.add.f32 [tilespmem:s30], [sflag:$0x3], $0x80, s23, s24, $0xb8;
	[tilespmem:$0x1C000] =	vst v63  }
0x1d3: {  	p1 =	seq.s32 s18, $0x4C0;
	_ =	swait.ge [sflag:s7], $0x4000  }
0x1d4: {  	s5 =	sadd.s32 @!p1 s18, s20;
	s2 =	sadd.s32 @!p1 s18, s21;
	[sflag:s7] =	ssyncset.done $0x0  }
0x1d5: {  	s15 =	simm.s32 @!p1 $0x0;
	s8 =	sadd.s32 @!p1 $0x40, s2;
	[sflag:s7] =	ssyncadd.s32 $0xFFFFC000  }
0x1d6: {  	[tilespmem:s15], [sflag:$0x5] =	stream.linear.gather @!p1 [hbm4b:s8+s15], $0x80, $0x38;
	[tilespmem:$0x1C000] =	vst v63  }
0x1d7: {  	s16 =	simm.s32 @!p1 $0x200;
	s8 =	sadd.s32 @!p1 $0x40, s5  }
0x1d8: {  	[tilespmem:s16], [sflag:$0x5] =	stream.linear.gather @!p1 [hbm4b:s8+s15], $0x80, $0x38;
	[tilespmem:$0x1C000] =	vst v63  }
0x1d9: {  	_ =	swait.ge [sflag:s11], $0x80  }
0x1da: {  	[sflag:s11] =	ssyncset.done $0x0  }
0x1db: {  	[sflag:s11] =	ssyncadd.s32 $0xFFFFFF80  }
0x1dc: {  	_ =	swait.ge [sflag:s11], $0x80  }
0x1dd: {  	[sflag:s11] =	ssyncset.done $0x0  }
0x1de: {  	[sflag:s11] =	ssyncadd.s32 $0xFFFFFF80  }
0x1df: {  	[tilespmem:s30], [sflag:$0x1] =	stream.indirect.gather [hbm4b:s1+s24], $0x80, s26, s24, $0xb8;
	[tilespmem:$0x1C000] =	vst v63  }
0x1e0: {  	_ =	swait.ge [sflag:s12], $0x4000  }
0x1e1: {  	[sflag:s12] =	ssyncset.done $0x0  }
0x1e2: {  	[sflag:s12] =	ssyncadd.s32 $0xFFFFC000  }
0x1e3: {  	[spmem:s3] =	stream.indirect.scatter.add.f32 [tilespmem:s9], [sflag:$0x4], $0x80, s25, s24, $0xb8;
	[tilespmem:$0x1C000] =	vst v63  }
0x1e4: {  	_ =	swait.ge [sflag:s13], $0x4000  }
0x1e5: {  	[sflag:s13] =	ssyncset.done $0x0  }
0x1e6: {  	s2 =	sadd.s32 @!p1 $0x50, s2;
	s8 =	simm.s32 @!p1 $0x80;
	[sflag:s13] =	ssyncadd.s32 $0xFFFFC000  }
0x1e7: {  	[tilespmem:s8], [sflag:$0x6] =	stream.linear.gather @!p1 [hbm4b:s2+s15], $0x80, $0x38;
	[tilespmem:$0x1C000] =	vst v63  }
0x1e8: {  	s2 =	sadd.s32 @!p1 $0x50, s5;
	s5 =	simm.s32 @!p1 $0x280  }
0x1e9: {  	[tilespmem:s5], [sflag:$0x6] =	stream.linear.gather @!p1 [hbm4b:s2+s15], $0x80, $0x38;
	[tilespmem:$0x1C000] =	vst v63  }
0x1ea: {  	_ =	swait.ge [sflag:s14], $0x80  }
0x1eb: {  	[sflag:s14] =	ssyncset.done $0x0  }
0x1ec: {  	[sflag:s14] =	ssyncadd.s32 $0xFFFFFF80  }
0x1ed: {  	_ =	swait.ge [sflag:s14], $0x80  }
0x1ee: {  	[sflag:s14] =	ssyncset.done $0x0  }
0x1ef: {  	[sflag:s14] =	ssyncadd.s32 $0xFFFFFF80  }
0x1f0: {  	[tilespmem:s9], [sflag:$0x2] =	stream.indirect.gather [hbm4b:s1+s24], $0x80, s31, s24, $0xb8;
	[tilespmem:$0x1C000] =	vst v63  }
.Ltmp6:
0x1f1: {  	_ = 	snop;
	(pc) =	sbr.rel .LBB2_8-.Ltmp6, $4  }
0x1f2: {  	_ =	swait.ge [sflag:s10], $0x4000  }
0x1f3: {  	[sflag:s10] =	ssyncset.done $0x0;
	s2 =	rddreg [dreg:$0x5]  }
0x1f4: {  	s15 =	rddreg [dreg:$0x13];
	[sflag:s10] =	ssyncadd.s32 $0xFFFFC000  }
0x1f5: {  	[spmem:s3] =	stream.indirect.scatter.add.f32 [tilespmem:s30], [sflag:$0x3], $0x80, s28, s24, $0xb8;
	[tilespmem:$0x1C000] =	vst v63  }
.LBB2_9:
0x1f6: {  	_ =	sfence.sel $0x180000  }
0x1f7: {  	[bflag:$0x0] =	sbarrier.arrive $0xFFFF  }
0x1f8: {  	_ =	strace $0x90000047  }
0x1f9: {  	s0 =	stileid.u32;
	[bflag:$0x2] =	sbarrier.arrive $0xFFFF  }
0x1fa: {  	p0 =	sne.s32 s0, $0x0;
	s0 =	rddreg [dreg:$0x3]  }
0x1fb: {  	s0 =	sadd.s32 @!p0 $0x100000, s0  }
0x1fc: {  	[sflag:s0] =	ssyncadd.tile.s32 @!p0 $0x1;
	_ =	shalt  }
.Lfunc_end2:
_tile_overlayer_lowered:
.L_overlay_start_2:
0x1fd: {  	(tag) =	ssettag $0x2  }
0x1fe: {  	s0 =	rddreg [dreg:$0x0];
	s2 =	stileid.u32  }
0x1ff: {  	s1 =	rddreg [dreg:$0x1];
	p0 =	sne.s32 s2, $0x0  }
0x200: {  	s3 =	rddreg [dreg:$0x2];
	[bflag:$0x3] =	sbarrier.arrive $0xFFFF;
	s2 =	simm.s32 @!p0 $0x1C09  }
0x201: {  	[timem:s3], [sflag:s2] =	dma.local @!p0 [hbm:s0], s1  }
0x202: {  	s0 =	simm.s32 @!p0 $0x9  }
0x203: {  	_ =	swait.ge @!p0 [sflag:s0], s1  }
0x204: {  	s1 =	ssub.s32 @!p0 $0x0, s1;
	[sflag:s0] =	ssyncset.done @!p0 $0x0  }
0x205: {  	[sflag:s0] =	ssyncadd.s32 @!p0 s1  }
0x206: {  	[bflag:$0x3] =	sbarrier.arrive $0xFFFF  }
0x207: {  	_ =	shalt  }

// kernel: kernel.9.cloned.1.call-start
scs
__scs_entry_jumppad:
0x0: {  	(pc) =	sbr.rel $0x88, $3  }
0x1: {  	(tag) =	ssettag $0x0;
	lr =	simm.s32 $0x1  }
0x2: {  	[smem:$0x3F93] =	sst lr;
	_ =	strace $0xD0000000  }
0x3: {  	_ = 	snop  }
0x4: {  	_ = 	snop  }
0x5: {  	_ = 	snop  }
0x6: {  	_ = 	snop  }
0x7: {  	_ = 	snop  }
__scs_overlays_trampoline_lowered:
0x8: {  	[smem:$0x3FA2] =	sst s0  }
0x9: {  	[smem:$0x3FA3] =	sst s1  }
0xa: {  	[smem:$0x3FA4] =	sst s2  }
0xb: {  	[smem:$0x3FA5] =	sst s3  }
0xc: {  	[smem:$0x3FA6] =	sst s4  }
0xd: {  	[smem:$0x3FA7] =	sst s5  }
0xe: {  	[smem:$0x3FA8] =	sst s6  }
0xf: {  	[smem:$0x3FA9] =	sst s7  }
0x10: {  	[smem:$0x3FAA] =	sst s8  }
0x11: {  	[smem:$0x3FAB] =	sst s9;
	s0 =	simm.s32 @!p0 $0x0  }
0x12: {  	s1 =	sld [smem:$0x3F91];
	s0 =	simm.s32 @p0 $0x1  }
0x13: {  	[smem:$0x3FAC] =	sst s0;
	s0 =	simm.s32 @!p1 $0x0  }
0x14: {  	s2 =	sld [smem:$0x3F90];
	s0 =	simm.s32 @p1 $0x1  }
0x15: {  	[smem:$0x3FAD] =	sst s0;
	s0 =	simm.s32 @!p2 $0x0  }
0x16: {  	s3 =	sld [smem:$0x3FDB];
	s0 =	simm.s32 @p2 $0x1  }
0x17: {  	s4 =	simm.s32 $0x1BF5;
	[smem:$0x3FAF] =	sst s0  }
0x18: {  	s0 =	sld [smem:$0x3F92];
	_ =	swait.ge [sflag:s4], $0x0  }
0x19: {  	s7 =	sld [smem:$0x3F93]  }
0x1a: {  	s8 =	sadd.s32 $0xFFFFE003, lr  }
0x1b: {  	s9 =	sadd.s32 $0xFFFFFEF7, lr;
	s5 =	simm.s32 $0xFFFFFFFF;
	p2 =	slt.u32 s8, $0xFFFFF086  }
0x1c: {  	p1 =	slt.u32 s9, $0xF7A;
	s5 =	simm.s32 @!p2 $0x0  }
0x1d: {  	s5 =	simm.s32 @p1 $0x1;
	p0 =	seq.s32 s7, s2  }
0x1e: {  	s7 =	smul.u32 @!p0 $0xF7A, s2;
	p2 =	seq.s32 @!p0 s5, $0x0  }
0x1f: {  	s9 =	smul.u32 $0xF7A, s1;
	s8 =	simm.s32 @!p0 $0x1BF5;
	p2 =	por !p2, p0  }
0x20: {  	[sflag:s8] =	ssyncset.s32 @!p0 $0xFFFFF086;
	s6 =	sadd.s32 @!p0 s3, s7;
	s7 =	simm.s32 @!p0 $0x108  }
0x21: {  	s3 =	sadd.s32 s3, s9;
	s6 =	sadd.s32 @!p0 $0x88, s6;
	s7 =	simm.s32 @p2 $0x1082  }
0x22: {  	[simem:s7], [sflag:s8] =	dma.local @!p0 [hbm:s6], $0xF7A  }
0x23: {  	s9 =	sor.u32 $0xD0000000, s2;
	s6 =	simm.s32 $0x108;
	_ =	swait.ge @!p0 [sflag:s8], $0x0  }
0x24: {  	s3 =	sadd.s32 $0x88, s3;
	s6 =	simm.s32 @!p1 $0x1082;
	[sflag:s4] =	ssyncset.s32 $0xFFFFF086  }
0x25: {  	[simem:s6], [sflag:s4] =	dma.local [hbm:s3], $0xF7A  }
0x26: {  	[smem:$0x3F93] =	sst s1;
	(tag) =	ssettag s2;
	_ =	strace s9  }
0x27: {  	s1 =	sld [smem:$0x3FA3]  }
0x28: {  	s2 =	sld [smem:$0x3FA4]  }
0x29: {  	s4 =	sld [smem:$0x3FA6]  }
0x2a: {  	p0 =	seq.s32 s5, $0x0;
	s5 =	sld [smem:$0x3FA7]  }
0x2b: {  	s6 =	sld [smem:$0x3FA8]  }
0x2c: {  	s7 =	sld [smem:$0x3FA9]  }
0x2d: {  	s3 =	simm.s32 $0x108;
	s8 =	sld [smem:$0x3FAA]  }
0x2e: {  	s3 =	simm.s32 @!p0 $0x1082;
	s9 =	sld [smem:$0x3FAB]  }
0x2f: {  	lr =	sadd.s32 s0, s3;
	s0 =	sld [smem:$0x3FA2]  }
0x30: {  	s3 =	sld [smem:$0x3FA5]  }
0x31: {  	[smem:$0x3FAE] =	sst s10  }
0x32: {  	s10 =	sld [smem:$0x3FAC];
	_ =	sdelay $0x3  }
0x33: {  	p0 =	seq.s32 s10, $0x1;
	s10 =	sld [smem:$0x3FAE];
	_ =	sdelay $0x3  }
0x34: {  	[smem:$0x3FAE] =	sst s10  }
0x35: {  	s10 =	sld [smem:$0x3FAD];
	_ =	sdelay $0x3  }
0x36: {  	p1 =	seq.s32 s10, $0x1;
	s10 =	sld [smem:$0x3FAE];
	_ =	sdelay $0x3  }
0x37: {  	[smem:$0x3FAE] =	sst s10  }
0x38: {  	s10 =	sld [smem:$0x3FAF]  }
0x39: {  	_ = 	snop;
	(pc) =	sbr.ind lr, $3  }
0x3a: {  	_ = 	snop  }
0x3b: {  	_ = 	snop  }
0x3c: {  	p2 =	seq.s32 s10, $0x1;
	s10 =	sld [smem:$0x3FAE]  }
0x3d: {  	_ =	shalt  }
0x3e: {  	_ =	shalt  }
0x3f: {  	_ =	shalt  }
0x40: {  	_ =	shalt  }
0x41: {  	_ =	shalt  }
0x42: {  	_ =	shalt  }
0x43: {  	_ =	shalt  }
0x44: {  	_ =	shalt  }
0x45: {  	_ =	shalt  }
0x46: {  	_ =	shalt  }
0x47: {  	_ =	shalt  }
0x48: {  	_ =	shalt  }
0x49: {  	_ =	shalt  }
0x4a: {  	_ =	shalt  }
0x4b: {  	_ =	shalt  }
0x4c: {  	_ =	shalt  }
0x4d: {  	_ =	shalt  }
0x4e: {  	_ =	shalt  }
0x4f: {  	_ =	shalt  }
0x50: {  	_ =	shalt  }
0x51: {  	_ =	shalt  }
0x52: {  	_ =	shalt  }
0x53: {  	_ =	shalt  }
0x54: {  	_ =	shalt  }
0x55: {  	_ =	shalt  }
0x56: {  	_ =	shalt  }
0x57: {  	_ =	shalt  }
0x58: {  	_ =	shalt  }
0x59: {  	_ =	shalt  }
0x5a: {  	_ =	shalt  }
0x5b: {  	_ =	shalt  }
0x5c: {  	_ =	shalt  }
0x5d: {  	_ =	shalt  }
0x5e: {  	_ =	shalt  }
0x5f: {  	_ =	shalt  }
0x60: {  	_ =	shalt  }
0x61: {  	_ =	shalt  }
0x62: {  	_ =	shalt  }
0x63: {  	_ =	shalt  }
0x64: {  	_ =	shalt  }
0x65: {  	_ =	shalt  }
0x66: {  	_ =	shalt  }
0x67: {  	_ =	shalt  }
0x68: {  	_ =	shalt  }
0x69: {  	_ =	shalt  }
0x6a: {  	_ =	shalt  }
0x6b: {  	_ =	shalt  }
0x6c: {  	_ =	shalt  }
0x6d: {  	_ =	shalt  }
0x6e: {  	_ =	shalt  }
0x6f: {  	_ =	shalt  }
0x70: {  	_ =	shalt  }
0x71: {  	_ =	shalt  }
0x72: {  	_ =	shalt  }
0x73: {  	_ =	shalt  }
0x74: {  	_ =	shalt  }
0x75: {  	_ =	shalt  }
0x76: {  	_ =	shalt  }
0x77: {  	_ =	shalt  }
0x78: {  	_ =	shalt  }
0x79: {  	_ =	shalt  }
0x7a: {  	_ =	shalt  }
0x7b: {  	_ =	shalt  }
0x7c: {  	_ =	shalt  }
0x7d: {  	_ =	shalt  }
0x7e: {  	_ =	shalt  }
0x7f: {  	_ =	shalt  }
0x80: {  	_ =	shalt  }
0x81: {  	_ =	shalt  }
0x82: {  	_ =	shalt  }
0x83: {  	_ =	shalt  }
0x84: {  	_ =	shalt  }
0x85: {  	_ =	shalt  }
0x86: {  	_ =	shalt  }
0x87: {  	_ =	shalt  }
.Lfunc_end0:
.L_simem_size_0:
called_computation.1_lowered:
.L_overlay_start_0:
0x88: {  	s2 =	sld [smem:$0x3FD9]  }
0x89: {  	s3 =	sld [smem:$0x3FFE];
	_ =	sdelay $0x1  }
0x8a: {  	s1 =	srdreg.scid  }
0x8b: {  	s0 =	sand.u32 $0x1, s1  }
0x8c: {  	s17 =	sshll.u32 s0, $0xA;
	s2 =	sadd.s32 s3, s2  }
0x8d: {  	s2 =	sadd.s32 s2, s17  }
0x8e: {  	[smem:$0x3FBA] =	sst s2  }
0x8f: {  	_ = 	snop  }
0x90: {  	s2 =	sld [smem:$0x3FD0];
	(tm) =	ssettm $0x1  }
0x91: {  	s18 =	sld [smem:$0x3FFB];
	_ =	sdelay $0x3  }
0x92: {  	_ =	strace s18  }
0x93: {  	s3 =	sld [smem:$0x3FFC];
	_ =	sdelay $0x3  }
0x94: {  	_ =	strace s3  }
0x95: {  	s3 =	sld [smem:$0x3FFD];
	_ =	sdelay $0x3  }
0x96: {  	_ =	strace s3  }
0x97: {  	_ =	strace $0x8FFFFFFF  }
0x98: {  	s19 =	sld [smem:$0x3FDB];
	_ =	sdelay $0x1  }
0x99: {  	s4 =	simm.s32 $_scs_section_size  }
0x9a: {  	s5 =	simm.s32 $_size__tile_overlayer_lowered;
	s6 =	simm.s32 $_tile_overlayer_lowered  }
0x9b: {  	s22 =	simm.s32 $0x1BFF;
	s21 =	sshll.u32 s6, $0x1;
	s3 =	sadd.s32 s4, s19  }
0x9c: {  	s7 =	simm.s32 $0x0;
	s20 =	sshll.u32 s5, $0x1;
	s5 =	sadd.s32 s21, s3  }
0x9d: {  	[timem:s7], [sflag:s22] =	dma.local [hbm:s5], s20  }
0x9e: {  	_ =	swait.ge [sflag:s22], s20  }
0x9f: {  	s4 =	ssub.s32 $0x0, s20;
	[sflag:s22] =	ssyncset.done $0x0  }
0xa0: {  	[sflag:s22] =	ssyncadd.s32 s4;
	_ =	sdelay $0x1  }
0xa1: {  	s23 =	simm.s32 $0x1B8B  }
0xa2: {  	_ =	swait.ge [sflag:s23], $0x1  }
0xa3: {  	[sflag:s23] =	ssyncset.done $0x0  }
0xa4: {  	s25 =	simm.s32 $0x1B8E;
	s24 =	sld [smem:$0x3FFE];
	[sflag:s23] =	ssyncadd.s32 $0xFFFFFFFF  }
0xa5: {  	s26 =	simm.s32 $execute0_lowered;
	[smem:$0x3FD2] =	sst s25  }
0xa6: {  	s5 =	sshll.u32 s26, $0x1;
	_ =	strace $0x80000049;
	[dreg:$0x1] =	wrdreg $0xFFFFFFFF  }
0xa7: {  	s28 =	simm.s32 $_size_execute0_lowered;
	s3 =	sadd.s32 s3, s5;
	[dreg:$0x0] =	wrdreg $0x0  }
0xa8: {  	s5 =	sshll.u32 s28, $0x1;
	[dreg:$0x2] =	wrdreg s3  }
0xa9: {  	[dreg:$0x3] =	wrdreg s5  }
0xaa: {  	[dreg:$0x4] =	wrdreg $0xC0  }
0xab: {  	_ =	task [dreg:s7], $0x5FFFF  }
0xac: {  	[dreg:$0x1] =	wrdreg $0xFFFFFFFF  }
0xad: {  	[dreg:$0x0] =	wrdreg $0x60  }
0xae: {  	[dreg:$0x2] =	wrdreg s2  }
0xaf: {  	[dreg:$0x3] =	wrdreg s24  }
0xb0: {  	[dreg:$0x4] =	wrdreg $0x84000  }
0xb1: {  	[dreg:$0x5] =	wrdreg $0x9  }
0xb2: {  	_ =	task.clear_ibuf [dreg:s7], $0x6FFFF;
	_ =	strace $0x90000049  }
0xb3: {  	s29 =	simm.s32 $0x9;
	_ =	strace $0x8000004B  }
0xb4: {  	_ =	swait.ge [sflag:s29], $0x1  }
0xb5: {  	[sflag:s29] =	ssyncadd.s32 $0xFFFFFFFF  }
0xb6: {  	_ =	strace $0x9000004B  }
0xb7: {  	_ =	sfence  }
0xb8: {  	s30 =	sld [smem:$0x0];
	_ =	sdelay $0x2  }
0xb9: {  	s31 =	sshll.u32 s1, $0xD;
	s1 =	sshrl.u32 s1, $0x2  }
0xba: {  	s3 =	sand.u32 $0x4000, s31;
	s1 =	sadd.s32 s1, s30  }
0xbb: {  	s0 =	sor.u32 s3, s0;
	s1 =	sshll.u32 s1, $0x11  }
0xbc: {  	s0 =	sor.u32 s1, s0  }
0xbd: {  	s0 =	sadd.s32 $0x8F2B, s0  }
0xbe: {  	[sflag:s0] =	ssyncadd.remote.s32 $0x1  }
0xbf: {  	_ =	sfence.sel $0xFFFF  }
0xc0: {  	[dreg:$0x0] =	wrdreg $0xFFFFFFFF;
	(pc) =	sbr.abs _section_cstart, $3  }
0xc1: {  	[dreg:$0x1] =	wrdreg $0xFFFFFFFF  }
0xc2: {  	_ =	task.clear_ibuf [dreg:s7], $0x2FFFF;
	_ =	strace $0x9FFFFFFF  }
0xc3: {  	(tm) =	ssettm $0x7FFFFFFF  }
tec
execute0_lowered:
.L_overlay_start_1:
0x0: {  	(tag) =	ssettag $0x1  }
0x1: {  	s1 =	rddreg [dreg:$0x0]  }
0x2: {  	s0 =	rddreg [dreg:$0x1]  }
0x3: {  	s2 =	rddreg [dreg:$0x2];
	s3 =	simm.s32 $0x0;
	s6 =	srdreg.scid  }
0x4: {  	s11 =	stileid.u32;
	s13 =	simm.s32 $0x9;
	s28 =	simm.s32 $0x5  }
0x5: {  	s29 =	simm.s32 $0x400;
	s30 =	simm.s32 $0x180;
	s31 =	simm.s32 $0x380  }
0x6: {  	s14 =	simm.s32 $0x2;
	[smem:$0x7FF] =	sst s3;
	s9 =	smul.u32 $0x4F000, s11  }
0x7: {  	s5 =	sadd.s32 $0x17800, s0;
	s4 =	sadd.s32 $0x3800, s0;
	s10 =	smul.u32 $0x5000, s11  }
0x8: {  	s7 =	sadd.s32 $0xD800, s0;
	s6 =	sand.u32 $0x1, s6;
	s18 =	smul.u32 $0x2780, s11  }
0x9: {  	s8 =	sadd.s32 $0x3F000, s0;
	s0 =	sadd.s32 $0x66800, s0;
	s25 =	smul.u32 $0xA00, s11  }
0xa: {  	s26 =	sshll.u32 s11, $0x6;
	_ =	strace $0x8000004A;
	[dreg:$0x4] =	wrdreg s8  }
0xb: {  	s11 =	simm.s32 $0x0;
	s16 =	ssub.s32 $0x2, s6;
	[dreg:$0x5] =	wrdreg s0  }
0xc: {  	p0 =	seq.s32 s6, $0x1;
	[dreg:$0xe] =	wrdreg s26;
	s6 =	simm.s32 $0x1  }
0xd: {  	s17 =	sshrl.u32 s16, $0x1;
	s9 =	sshrl.u32 s9, $0x2;
	s20 =	sshrl.u32 s10, $0x3  }
0xe: {  	s21 =	sadd.s32 s1, s18;
	[dreg:$0x6] =	wrdreg s18;
	s8 =	sadd.s32 s5, s18  }
0xf: {  	s18 =	simm.s32 $0x4;
	s0 =	ssub.s32 s16, s17;
	s19 =	sadd.s32 s9, s2  }
0x10: {  	[dreg:$0x7] =	wrdreg s21;
	s22 =	sadd.s32 s4, s20;
	s23 =	sor.u32 $0x10, s20  }
0x11: {  	s9 =	sadd.s32 s7, s20;
	[dreg:$0xc] =	wrdreg s8;
	s16 =	sadd.s32 s25, s7  }
0x12: {  	s17 =	sadd.s32 s25, s4;
	s21 =	simm.s32 $0x200;
	[dreg:$0x8] =	wrdreg s22  }
0x13: {  	s25 =	simm.s32 $0x100;
	[dreg:$0x9] =	wrdreg s9;
	s24 =	sadd.s32 s4, s23  }
0x14: {  	s10 =	sadd.s32 s7, s23;
	s0 =	smax.u32 s0, $0x1;
	s12 =	sshrl.u32 s19, $0x3  }
.Ltmp0:
0x15: {  	s23 =	simm.s32 $0x80;
	[dreg:$0xa] =	wrdreg s24;
	(pc) =	sbr.rel .LBB2_1-.Ltmp0, $4  }
0x16: {  	s4 =	simm.s32 $0x4400;
	s7 =	simm.s32 $0x3;
	[dreg:$0xb] =	wrdreg s10  }
0x17: {  	s9 =	simm.s32 $0x7;
	[dreg:$0xd] =	wrdreg s0;
	s0 =	sor.u32 $0x1C09, s26  }
0x18: {  	s24 =	simm.s32 $0x280;
	s26 =	simm.s32 $0x300;
	[dreg:$0x10] =	wrdreg s12  }
0x19: {  	s10 =	simm.s32 $0x8;
	[dreg:$0xf] =	wrdreg s0;
	s0 =	simm.s32 $0x6  }
.LBB2_7:
0x1a: {  	s8 =	simm.s32 @!p2 $0x3;
	[sflag:s6] =	ssyncadd.s32 $0xFFFFC000  }
0x1b: {  	[spmem:s2] =	stream.indirect.scatter.add.f32 [tilespmem:s29], [sflag:$0x3], $0x80, s26, s23, $0xb8;
	[tilespmem:$0x1C000] =	vst v63  }
0x1c: {  	_ =	swait.ge @!p2 [sflag:s8], $0x4000  }
0x1d: {  	s11 =	sadd.s32 s13, s17;
	[sflag:s8] =	ssyncset.done @!p2 $0x0  }
0x1e: {  	s12 =	sadd.s32 s13, s16;
	s15 =	sadd.s32 $0x20, s11;
	[sflag:s8] =	ssyncadd.s32 @!p2 $0xFFFFC000  }
0x1f: {  	[tilespmem:s25], [sflag:$0x7] =	stream.linear.gather [hbm4b:s15+s3], $0x80, $0x38;
	[tilespmem:$0x1C000] =	vst v63  }
0x20: {  	s19 =	sadd.s32 $0x20, s12  }
0x21: {  	[tilespmem:s26], [sflag:$0x7] =	stream.linear.gather [hbm4b:s19+s3], $0x80, $0x38;
	[tilespmem:$0x1C000] =	vst v63  }
0x22: {  	_ =	swait.ge [sflag:s28], $0x80  }
0x23: {  	[sflag:s28] =	ssyncset.done $0x0  }
0x24: {  	[sflag:s28] =	ssyncadd.s32 $0xFFFFFF80  }
0x25: {  	_ =	swait.ge [sflag:s28], $0x80  }
0x26: {  	[sflag:s28] =	ssyncset.done $0x0  }
0x27: {  	s8 =	simm.s32 @!p2 $0x2;
	[sflag:s28] =	ssyncadd.s32 $0xFFFFFF80  }
0x28: {  	[tilespmem:s29], [sflag:$0x1] =	stream.indirect.gather [hbm4b:s5+s23], $0x80, s3, s23, $0xb8;
	[tilespmem:$0x1C000] =	vst v63  }
0x29: {  	_ =	swait.ge @!p2 [sflag:s8], $0x4000  }
0x2a: {  	s15 =	simm.s32 @!p2 $0x4400;
	[sflag:s8] =	ssyncset.done @!p2 $0x0  }
0x2b: {  	s19 =	simm.s32 @!p2 $0x380;
	[sflag:s8] =	ssyncadd.s32 @!p2 $0xFFFFC000;
	s8 =	simm.s32 @!p2 $0x80  }
0x2c: {  	[spmem:s2] =	stream.indirect.scatter.add.f32 @!p2 [tilespmem:s15], [sflag:$0x4], $0x80, s19, s8, $0xb8;
	[tilespmem:$0x1C000] =	vst v63  }
0x2d: {  	s8 =	simm.s32 @!p2 $0x4  }
0x2e: {  	_ =	swait.ge @!p2 [sflag:s8], $0x4000  }
0x2f: {  	[sflag:s8] =	ssyncset.done @!p2 $0x0  }
0x30: {  	s20 =	sadd.s32 $0x30, s11;
	[sflag:s8] =	ssyncadd.s32 @!p2 $0xFFFFC000  }
0x31: {  	[tilespmem:s30], [sflag:$0x8] =	stream.linear.gather [hbm4b:s20+s3], $0x80, $0x38;
	[tilespmem:$0x1C000] =	vst v63  }
0x32: {  	s22 =	sadd.s32 $0x30, s12  }
0x33: {  	[tilespmem:s31], [sflag:$0x8] =	stream.linear.gather [hbm4b:s22+s3], $0x80, $0x38;
	[tilespmem:$0x1C000] =	vst v63  }
0x34: {  	_ =	swait.ge [sflag:s0], $0x80  }
0x35: {  	[sflag:s0] =	ssyncset.done $0x0  }
0x36: {  	[sflag:s0] =	ssyncadd.s32 $0xFFFFFF80  }
0x37: {  	_ =	swait.ge [sflag:s0], $0x80  }
0x38: {  	[sflag:s0] =	ssyncset.done $0x0  }
0x39: {  	[sflag:s0] =	ssyncadd.s32 $0xFFFFFF80  }
0x3a: {  	[tilespmem:s4], [sflag:$0x2] =	stream.indirect.gather [hbm4b:s5+s23], $0x80, s23, s23, $0xb8;
	[tilespmem:$0x1C000] =	vst v63  }
0x3b: {  	_ =	swait.ge [sflag:s6], $0x4000  }
0x3c: {  	[sflag:s6] =	ssyncset.done $0x0  }
0x3d: {  	[sflag:s6] =	ssyncadd.s32 $0xFFFFC000  }
0x3e: {  	[spmem:s2] =	stream.indirect.scatter.add.f32 [tilespmem:s29], [sflag:$0x3], $0x80, s21, s23, $0xb8;
	[tilespmem:$0x1C000] =	vst v63  }
0x3f: {  	p1 =	seq.s32 s13, $0x9C0;
	_ =	swait.ge [sflag:s7], $0x4000  }
0x40: {  	s11 =	sadd.s32 @!p1 s13, s16;
	s8 =	sadd.s32 @!p1 s13, s17;
	[sflag:s7] =	ssyncset.done $0x0  }
0x41: {  	s13 =	simm.s32 @!p1 $0x0;
	s12 =	sadd.s32 @!p1 $0x40, s8;
	[sflag:s7] =	ssyncadd.s32 $0xFFFFC000  }
0x42: {  	[tilespmem:s13], [sflag:$0x5] =	stream.linear.gather @!p1 [hbm4b:s12+s13], $0x80, $0x38;
	[tilespmem:$0x1C000] =	vst v63  }
0x43: {  	s15 =	simm.s32 @!p1 $0x200;
	s12 =	sadd.s32 @!p1 $0x40, s11  }
0x44: {  	[tilespmem:s15], [sflag:$0x5] =	stream.linear.gather @!p1 [hbm4b:s12+s13], $0x80, $0x38;
	[tilespmem:$0x1C000] =	vst v63  }
0x45: {  	_ =	swait.ge [sflag:s9], $0x80  }
0x46: {  	[sflag:s9] =	ssyncset.done $0x0  }
0x47: {  	[sflag:s9] =	ssyncadd.s32 $0xFFFFFF80  }
0x48: {  	_ =	swait.ge [sflag:s9], $0x80  }
0x49: {  	[sflag:s9] =	ssyncset.done $0x0  }
0x4a: {  	[sflag:s9] =	ssyncadd.s32 $0xFFFFFF80  }
0x4b: {  	[tilespmem:s29], [sflag:$0x1] =	stream.indirect.gather [hbm4b:s5+s23], $0x80, s25, s23, $0xb8;
	[tilespmem:$0x1C000] =	vst v63  }
0x4c: {  	_ =	swait.ge [sflag:s14], $0x4000  }
0x4d: {  	[sflag:s14] =	ssyncset.done $0x0  }
0x4e: {  	[sflag:s14] =	ssyncadd.s32 $0xFFFFC000  }
0x4f: {  	[spmem:s2] =	stream.indirect.scatter.add.f32 [tilespmem:s4], [sflag:$0x4], $0x80, s24, s23, $0xb8;
	[tilespmem:$0x1C000] =	vst v63  }
0x50: {  	_ =	swait.ge [sflag:s18], $0x4000  }
0x51: {  	[sflag:s18] =	ssyncset.done $0x0  }
0x52: {  	s8 =	sadd.s32 @!p1 $0x50, s8;
	s12 =	simm.s32 @!p1 $0x80;
	[sflag:s18] =	ssyncadd.s32 $0xFFFFC000  }
0x53: {  	[tilespmem:s12], [sflag:$0x6] =	stream.linear.gather @!p1 [hbm4b:s8+s13], $0x80, $0x38;
	[tilespmem:$0x1C000] =	vst v63  }
0x54: {  	s8 =	sadd.s32 @!p1 $0x50, s11;
	s11 =	simm.s32 @!p1 $0x280  }
0x55: {  	[tilespmem:s11], [sflag:$0x6] =	stream.linear.gather @!p1 [hbm4b:s8+s13], $0x80, $0x38;
	[tilespmem:$0x1C000] =	vst v63  }
0x56: {  	_ =	swait.ge [sflag:s10], $0x80  }
0x57: {  	[sflag:s10] =	ssyncset.done $0x0  }
0x58: {  	[sflag:s10] =	ssyncadd.s32 $0xFFFFFF80  }
0x59: {  	_ =	swait.ge [sflag:s10], $0x80  }
0x5a: {  	[sflag:s10] =	ssyncset.done $0x0  }
0x5b: {  	[sflag:s10] =	ssyncadd.s32 $0xFFFFFF80  }
0x5c: {  	[tilespmem:s4], [sflag:$0x2] =	stream.indirect.gather [hbm4b:s5+s23], $0x80, s30, s23, $0xb8;
	[tilespmem:$0x1C000] =	vst v63  }
0x5d: {  	_ =	swait.ge [sflag:s6], $0x4000  }
0x5e: {  	s12 =	rddreg [dreg:$0x5]  }
0x5f: {  	[sflag:s6] =	ssyncset.done $0x0;
	s13 =	rddreg [dreg:$0xf]  }
0x60: {  	s11 =	rddreg [dreg:$0x11];
	[sflag:s6] =	ssyncadd.s32 $0xFFFFC000  }
0x61: {  	[spmem:s2] =	stream.indirect.scatter.add.f32 [tilespmem:s29], [sflag:$0x3], $0x80, s26, s23, $0xb8;
	[tilespmem:$0x1C000] =	vst v63  }
.LBB2_8:
0x62: {  	_ =	swait.ge [sflag:s14], $0x4000  }
0x63: {  	[sflag:s14] =	ssyncset.done $0x0  }
0x64: {  	[sflag:s14] =	ssyncadd.s32 $0xFFFFC000  }
0x65: {  	[spmem:s2] =	stream.indirect.scatter.add.f32 [tilespmem:s4], [sflag:$0x4], $0x80, s31, s23, $0xb8;
	[tilespmem:$0x1C000] =	vst v63  }
0x66: {  	_ =	swait.ge [sflag:s7], $0x4000  }
0x67: {  	[sflag:s7] =	ssyncset.done $0x0  }
0x68: {  	[sflag:s7] =	ssyncadd.s32 $0xFFFFC000  }
0x69: {  	_ =	swait.ge [sflag:s18], $0x4000  }
0x6a: {  	[sflag:s18] =	ssyncset.done $0x0  }
0x6b: {  	[sflag:s18] =	ssyncadd.s32 $0xFFFFC000  }
0x6c: {  	s8 =	rddreg [dreg:$0x6];
	[bflag:$0x0] =	sbarrier.arrive $0xFFFF  }
0x6d: {  	s8 =	sadd.s32 s12, s8;
	s12 =	rddreg [dreg:$0x10]  }
0x6e: {  	[hbm:s8], [sflag:s13] =	dma.local [spmem:s12], $0x2780  }
0x6f: {  	s13 =	simm.s32 $0x9  }
0x70: {  	_ =	swait.ge [sflag:s13], $0x2780  }
0x71: {  	s11 =	sadd.s32 $0x1, s11;
	s22 =	rddreg [dreg:$0xd]  }
0x72: {  	p1 =	sne.s32 s11, s22  }
.Ltmp1:
0x73: {  	_ = 	snop;
	(pc) =	sbr.rel @!p1 .LBB2_9-.Ltmp1, $3  }
0x74: {  	_ =	sdelay $0x1  }
0x75: {  	[sflag:s13] =	ssyncset.done $0x0  }
0x76: {  	[sflag:s13] =	ssyncadd.s32 $0xFFFFD880  }
.LBB2_1:
.Ltmp2:
0x77: {  	(pc) =	sbr.rel @!p0 .LBB2_2-.Ltmp2, $2  }
0x78: {  	_ =	sdelay $0x2  }
0x79: {  	[dreg:$0x11] =	wrdreg s11  }
0x7a: {  	s8 =	rddreg [dreg:$0xc]  }
0x7b: {  	s11 =	rddreg [dreg:$0xf]  }
0x7c: {  	[spmem:s12], [sflag:s11] =	dma.local [hbm:s8], $0x2780  }
0x7d: {  	_ =	swait.ge [sflag:s13], $0x2780  }
0x7e: {  	[sflag:s13] =	ssyncset.done $0x0  }
0x7f: {  	[sflag:s13] =	ssyncadd.s32 $0xFFFFD880  }
0x80: {  	[bflag:$0x0] =	sbarrier.arrive $0xFFFF  }
0x81: {  	s13 =	simm.s32 $0x0;
	s15 =	rddreg [dreg:$0x8]  }
0x82: {  	[tilespmem:s13], [sflag:$0x5] =	stream.linear.gather [hbm4b:s15+s13], $0x80, $0x38;
	[tilespmem:$0x1C000] =	vst v63  }
0x83: {  	s19 =	rddreg [dreg:$0x9]  }
0x84: {  	[tilespmem:s21], [sflag:$0x5] =	stream.linear.gather [hbm4b:s19+s13], $0x80, $0x38;
	[tilespmem:$0x1C000] =	vst v63  }
0x85: {  	p1 =	por $0x1, $0x1;
	s20 =	rddreg [dreg:$0xa]  }
0x86: {  	[tilespmem:s23], [sflag:$0x6] =	stream.linear.gather [hbm4b:s20+s13], $0x80, $0x38;
	[tilespmem:$0x1C000] =	vst v63  }
0x87: {  	s8 =	simm.s32 @!p1 $0x3;
	s22 =	rddreg [dreg:$0xb]  }
0x88: {  	[tilespmem:s24], [sflag:$0x6] =	stream.linear.gather [hbm4b:s22+s13], $0x80, $0x38;
	[tilespmem:$0x1C000] =	vst v63  }
0x89: {  	_ =	swait.ge @!p1 [sflag:s8], $0x4000  }
0x8a: {  	s12 =	sadd.s32 $0x0, s17;
	[sflag:s8] =	ssyncset.done @!p1 $0x0  }
0x8b: {  	s20 =	sadd.s32 $0x20, s12;
	s22 =	sadd.s32 $0x0, s16;
	[sflag:s8] =	ssyncadd.s32 @!p1 $0xFFFFC000  }
0x8c: {  	[tilespmem:s25], [sflag:$0x7] =	stream.linear.gather [hbm4b:s20+s3], $0x80, $0x38;
	[tilespmem:$0x1C000] =	vst v63  }
0x8d: {  	s19 =	sadd.s32 $0x20, s22  }
0x8e: {  	[tilespmem:s26], [sflag:$0x7] =	stream.linear.gather [hbm4b:s19+s3], $0x80, $0x38;
	[tilespmem:$0x1C000] =	vst v63  }
0x8f: {  	_ =	swait.ge [sflag:s28], $0x80  }
0x90: {  	[sflag:s28] =	ssyncset.done $0x0  }
0x91: {  	[sflag:s28] =	ssyncadd.s32 $0xFFFFFF80  }
0x92: {  	_ =	swait.ge [sflag:s28], $0x80  }
0x93: {  	[sflag:s28] =	ssyncset.done $0x0  }
0x94: {  	s8 =	simm.s32 @!p1 $0x2;
	[sflag:s28] =	ssyncadd.s32 $0xFFFFFF80  }
0x95: {  	[tilespmem:s29], [sflag:$0x1] =	stream.indirect.gather [hbm4b:s5+s23], $0x80, s3, s23, $0xb8;
	[tilespmem:$0x1C000] =	vst v63  }
0x96: {  	_ =	swait.ge @!p1 [sflag:s8], $0x4000  }
0x97: {  	s15 =	simm.s32 @!p1 $0x380;
	[sflag:s8] =	ssyncset.done @!p1 $0x0  }
0x98: {  	s13 =	simm.s32 @!p1 $0x4400;
	[sflag:s8] =	ssyncadd.s32 @!p1 $0xFFFFC000;
	s8 =	simm.s32 @!p1 $0x80  }
0x99: {  	[spmem:s2] =	stream.indirect.scatter.add.f32 @!p1 [tilespmem:s13], [sflag:$0x4], $0x80, s15, s8, $0xb8;
	[tilespmem:$0x1C000] =	vst v63  }
0x9a: {  	s8 =	simm.s32 @!p1 $0x4  }
0x9b: {  	_ =	swait.ge @!p1 [sflag:s8], $0x4000  }
0x9c: {  	[sflag:s8] =	ssyncset.done @!p1 $0x0  }
0x9d: {  	s20 =	sadd.s32 $0x30, s12;
	[sflag:s8] =	ssyncadd.s32 @!p1 $0xFFFFC000  }
0x9e: {  	[tilespmem:s30], [sflag:$0x8] =	stream.linear.gather [hbm4b:s20+s3], $0x80, $0x38;
	[tilespmem:$0x1C000] =	vst v63  }
0x9f: {  	s22 =	sadd.s32 $0x30, s22  }
0xa0: {  	[tilespmem:s31], [sflag:$0x8] =	stream.linear.gather [hbm4b:s22+s3], $0x80, $0x38;
	[tilespmem:$0x1C000] =	vst v63  }
0xa1: {  	_ =	swait.ge [sflag:s0], $0x80  }
0xa2: {  	[sflag:s0] =	ssyncset.done $0x0  }
0xa3: {  	[sflag:s0] =	ssyncadd.s32 $0xFFFFFF80  }
0xa4: {  	_ =	swait.ge [sflag:s0], $0x80  }
0xa5: {  	[sflag:s0] =	ssyncset.done $0x0  }
0xa6: {  	[sflag:s0] =	ssyncadd.s32 $0xFFFFFF80  }
0xa7: {  	[tilespmem:s4], [sflag:$0x2] =	stream.indirect.gather [hbm4b:s5+s23], $0x80, s23, s23, $0xb8;
	[tilespmem:$0x1C000] =	vst v63  }
0xa8: {  	_ =	swait.ge [sflag:s6], $0x4000  }
0xa9: {  	[sflag:s6] =	ssyncset.done $0x0  }
0xaa: {  	[sflag:s6] =	ssyncadd.s32 $0xFFFFC000  }
0xab: {  	[spmem:s2] =	stream.indirect.scatter.add.f32 [tilespmem:s29], [sflag:$0x3], $0x80, s21, s23, $0xb8;
	[tilespmem:$0x1C000] =	vst v63  }
0xac: {  	p1 =	por $0x0, $0x0;
	_ =	swait.ge [sflag:s7], $0x4000  }
0xad: {  	s8 =	sadd.s32 @!p1 $0x0, s17;
	s11 =	sadd.s32 @!p1 $0x0, s16;
	[sflag:s7] =	ssyncset.done $0x0  }
0xae: {  	s13 =	simm.s32 @!p1 $0x0;
	s12 =	sadd.s32 @!p1 $0x40, s8;
	[sflag:s7] =	ssyncadd.s32 $0xFFFFC000  }
0xaf: {  	[tilespmem:s13], [sflag:$0x5] =	stream.linear.gather @!p1 [hbm4b:s12+s13], $0x80, $0x38;
	[tilespmem:$0x1C000] =	vst v63  }
0xb0: {  	s15 =	simm.s32 @!p1 $0x200;
	s12 =	sadd.s32 @!p1 $0x40, s11  }
0xb1: {  	[tilespmem:s15], [sflag:$0x5] =	stream.linear.gather @!p1 [hbm4b:s12+s13], $0x80, $0x38;
	[tilespmem:$0x1C000] =	vst v63  }
0xb2: {  	_ =	swait.ge [sflag:s9], $0x80  }
0xb3: {  	[sflag:s9] =	ssyncset.done $0x0  }
0xb4: {  	[sflag:s9] =	ssyncadd.s32 $0xFFFFFF80  }
0xb5: {  	_ =	swait.ge [sflag:s9], $0x80  }
0xb6: {  	[sflag:s9] =	ssyncset.done $0x0  }
0xb7: {  	[sflag:s9] =	ssyncadd.s32 $0xFFFFFF80  }
0xb8: {  	[tilespmem:s29], [sflag:$0x1] =	stream.indirect.gather [hbm4b:s5+s23], $0x80, s25, s23, $0xb8;
	[tilespmem:$0x1C000] =	vst v63  }
0xb9: {  	_ =	swait.ge [sflag:s14], $0x4000  }
0xba: {  	[sflag:s14] =	ssyncset.done $0x0  }
0xbb: {  	[sflag:s14] =	ssyncadd.s32 $0xFFFFC000  }
0xbc: {  	[spmem:s2] =	stream.indirect.scatter.add.f32 [tilespmem:s4], [sflag:$0x4], $0x80, s24, s23, $0xb8;
	[tilespmem:$0x1C000] =	vst v63  }
0xbd: {  	_ =	swait.ge [sflag:s18], $0x4000  }
0xbe: {  	[sflag:s18] =	ssyncset.done $0x0  }
0xbf: {  	s8 =	sadd.s32 @!p1 $0x50, s8;
	s12 =	simm.s32 @!p1 $0x80;
	[sflag:s18] =	ssyncadd.s32 $0xFFFFC000  }
0xc0: {  	[tilespmem:s12], [sflag:$0x6] =	stream.linear.gather @!p1 [hbm4b:s8+s13], $0x80, $0x38;
	[tilespmem:$0x1C000] =	vst v63  }
0xc1: {  	s8 =	sadd.s32 @!p1 $0x50, s11;
	s11 =	simm.s32 @!p1 $0x280  }
0xc2: {  	[tilespmem:s11], [sflag:$0x6] =	stream.linear.gather @!p1 [hbm4b:s8+s13], $0x80, $0x38;
	[tilespmem:$0x1C000] =	vst v63  }
0xc3: {  	_ =	swait.ge [sflag:s10], $0x80  }
0xc4: {  	[sflag:s10] =	ssyncset.done $0x0  }
0xc5: {  	[sflag:s10] =	ssyncadd.s32 $0xFFFFFF80  }
0xc6: {  	_ =	swait.ge [sflag:s10], $0x80  }
0xc7: {  	[sflag:s10] =	ssyncset.done $0x0  }
0xc8: {  	[sflag:s10] =	ssyncadd.s32 $0xFFFFFF80  }
0xc9: {  	[tilespmem:s4], [sflag:$0x2] =	stream.indirect.gather [hbm4b:s5+s23], $0x80, s30, s23, $0xb8;
	[tilespmem:$0x1C000] =	vst v63  }
0xca: {  	p2 =	por $0x0, $0x0;
	_ =	swait.ge [sflag:s6], $0x4000  }
0xcb: {  	s15 =	simm.s32 $0x80;
	s13 =	simm.s32 $0x40;
	[sflag:s6] =	ssyncset.done $0x0  }
.LBB2_6:
0xcc: {  	s8 =	simm.s32 @!p2 $0x3  }
0xcd: {  	[sflag:s6] =	ssyncadd.s32 $0xFFFFC000;
	s12 =	smov.u32 s15;
	s15 =	sadd.s32 $0x40, s15  }
0xce: {  	[spmem:s2] =	stream.indirect.scatter.add.f32 [tilespmem:s29], [sflag:$0x3], $0x80, s26, s23, $0xb8;
	[tilespmem:$0x1C000] =	vst v63  }
0xcf: {  	p1 =	sne.s32 s15, $0xA00;
	_ =	swait.ge @!p2 [sflag:s8], $0x4000  }
0xd0: {  	s11 =	sadd.s32 s13, s17;
	[sflag:s8] =	ssyncset.done @!p2 $0x0  }
0xd1: {  	s19 =	sadd.s32 s13, s16;
	[sflag:s8] =	ssyncadd.s32 @!p2 $0xFFFFC000;
	s8 =	sadd.s32 $0x20, s11  }
0xd2: {  	[tilespmem:s25], [sflag:$0x7] =	stream.linear.gather [hbm4b:s8+s3], $0x80, $0x38;
	[tilespmem:$0x1C000] =	vst v63  }
0xd3: {  	s8 =	sadd.s32 $0x20, s19  }
0xd4: {  	[tilespmem:s26], [sflag:$0x7] =	stream.linear.gather [hbm4b:s8+s3], $0x80, $0x38;
	[tilespmem:$0x1C000] =	vst v63  }
0xd5: {  	_ =	swait.ge [sflag:s28], $0x80  }
0xd6: {  	[sflag:s28] =	ssyncset.done $0x0  }
0xd7: {  	[sflag:s28] =	ssyncadd.s32 $0xFFFFFF80  }
0xd8: {  	_ =	swait.ge [sflag:s28], $0x80  }
0xd9: {  	[sflag:s28] =	ssyncset.done $0x0  }
0xda: {  	s8 =	simm.s32 @!p2 $0x2;
	[sflag:s28] =	ssyncadd.s32 $0xFFFFFF80  }
0xdb: {  	[tilespmem:s29], [sflag:$0x1] =	stream.indirect.gather [hbm4b:s5+s23], $0x80, s3, s23, $0xb8;
	[tilespmem:$0x1C000] =	vst v63  }
0xdc: {  	_ =	swait.ge @!p2 [sflag:s8], $0x4000  }
0xdd: {  	s20 =	simm.s32 @!p2 $0x4400;
	s21 =	simm.s32 @!p2 $0x4;
	[sflag:s8] =	ssyncset.done @!p2 $0x0  }
0xde: {  	s22 =	simm.s32 @!p2 $0x380;
	[sflag:s8] =	ssyncadd.s32 @!p2 $0xFFFFC000;
	s8 =	simm.s32 @!p2 $0x80  }
0xdf: {  	[spmem:s2] =	stream.indirect.scatter.add.f32 @!p2 [tilespmem:s20], [sflag:$0x4], $0x80, s22, s8, $0xb8;
	[tilespmem:$0x1C000] =	vst v63  }
0xe0: {  	_ =	swait.ge @!p2 [sflag:s21], $0x4000  }
0xe1: {  	[sflag:s21] =	ssyncset.done @!p2 $0x0  }
0xe2: {  	s8 =	sadd.s32 $0x30, s11;
	[sflag:s21] =	ssyncadd.s32 @!p2 $0xFFFFC000;
	s21 =	simm.s32 $0x200  }
0xe3: {  	[tilespmem:s30], [sflag:$0x8] =	stream.linear.gather [hbm4b:s8+s3], $0x80, $0x38;
	[tilespmem:$0x1C000] =	vst v63  }
0xe4: {  	s8 =	sadd.s32 $0x30, s19  }
0xe5: {  	[tilespmem:s31], [sflag:$0x8] =	stream.linear.gather [hbm4b:s8+s3], $0x80, $0x38;
	[tilespmem:$0x1C000] =	vst v63  }
0xe6: {  	_ =	swait.ge [sflag:s0], $0x80  }
0xe7: {  	[sflag:s0] =	ssyncset.done $0x0  }
0xe8: {  	[sflag:s0] =	ssyncadd.s32 $0xFFFFFF80  }
0xe9: {  	_ =	swait.ge [sflag:s0], $0x80  }
0xea: {  	[sflag:s0] =	ssyncset.done $0x0  }
0xeb: {  	[sflag:s0] =	ssyncadd.s32 $0xFFFFFF80  }
0xec: {  	[tilespmem:s4], [sflag:$0x2] =	stream.indirect.gather [hbm4b:s5+s23], $0x80, s23, s23, $0xb8;
	[tilespmem:$0x1C000] =	vst v63  }
0xed: {  	_ =	swait.ge [sflag:s6], $0x4000  }
0xee: {  	[sflag:s6] =	ssyncset.done $0x0  }
0xef: {  	[sflag:s6] =	ssyncadd.s32 $0xFFFFC000  }
0xf0: {  	[spmem:s2] =	stream.indirect.scatter.add.f32 [tilespmem:s29], [sflag:$0x3], $0x80, s21, s23, $0xb8;
	[tilespmem:$0x1C000] =	vst v63  }
0xf1: {  	p2 =	seq.s32 s13, $0x9C0;
	_ =	swait.ge [sflag:s7], $0x4000  }
0xf2: {  	s11 =	sadd.s32 @!p2 s13, s16;
	s8 =	sadd.s32 @!p2 s13, s17;
	[sflag:s7] =	ssyncset.done $0x0  }
0xf3: {  	s19 =	simm.s32 @!p2 $0x0;
	s13 =	sadd.s32 @!p2 $0x40, s8;
	[sflag:s7] =	ssyncadd.s32 $0xFFFFC000  }
0xf4: {  	[tilespmem:s19], [sflag:$0x5] =	stream.linear.gather @!p2 [hbm4b:s13+s19], $0x80, $0x38;
	[tilespmem:$0x1C000] =	vst v63  }
0xf5: {  	s20 =	simm.s32 @!p2 $0x200;
	s8 =	sadd.s32 @!p2 $0x50, s8;
	s13 =	sadd.s32 @!p2 $0x40, s11  }
0xf6: {  	[tilespmem:s20], [sflag:$0x5] =	stream.linear.gather @!p2 [hbm4b:s13+s19], $0x80, $0x38;
	[tilespmem:$0x1C000] =	vst v63  }
0xf7: {  	s11 =	sadd.s32 @!p2 $0x50, s11;
	s13 =	smov.u32 s12;
	_ =	swait.ge [sflag:s9], $0x80  }
0xf8: {  	[sflag:s9] =	ssyncset.done $0x0  }
0xf9: {  	[sflag:s9] =	ssyncadd.s32 $0xFFFFFF80  }
0xfa: {  	_ =	swait.ge [sflag:s9], $0x80  }
0xfb: {  	[sflag:s9] =	ssyncset.done $0x0  }
0xfc: {  	[sflag:s9] =	ssyncadd.s32 $0xFFFFFF80  }
0xfd: {  	[tilespmem:s29], [sflag:$0x1] =	stream.indirect.gather [hbm4b:s5+s23], $0x80, s25, s23, $0xb8;
	[tilespmem:$0x1C000] =	vst v63  }
0xfe: {  	_ =	swait.ge [sflag:s14], $0x4000  }
0xff: {  	[sflag:s14] =	ssyncset.done $0x0  }
0x100: {  	[sflag:s14] =	ssyncadd.s32 $0xFFFFC000  }
0x101: {  	[spmem:s2] =	stream.indirect.scatter.add.f32 [tilespmem:s4], [sflag:$0x4], $0x80, s24, s23, $0xb8;
	[tilespmem:$0x1C000] =	vst v63  }
0x102: {  	_ =	swait.ge [sflag:s18], $0x4000  }
0x103: {  	[sflag:s18] =	ssyncset.done $0x0  }
0x104: {  	s12 =	simm.s32 @!p2 $0x80;
	[sflag:s18] =	ssyncadd.s32 $0xFFFFC000  }
0x105: {  	[tilespmem:s12], [sflag:$0x6] =	stream.linear.gather @!p2 [hbm4b:s8+s19], $0x80, $0x38;
	[tilespmem:$0x1C000] =	vst v63  }
0x106: {  	s8 =	simm.s32 @!p2 $0x280  }
0x107: {  	[tilespmem:s8], [sflag:$0x6] =	stream.linear.gather @!p2 [hbm4b:s11+s19], $0x80, $0x38;
	[tilespmem:$0x1C000] =	vst v63  }
0x108: {  	_ =	swait.ge [sflag:s10], $0x80  }
0x109: {  	[sflag:s10] =	ssyncset.done $0x0  }
0x10a: {  	[sflag:s10] =	ssyncadd.s32 $0xFFFFFF80  }
0x10b: {  	_ =	swait.ge [sflag:s10], $0x80  }
.Ltmp3:
0x10c: {  	[sflag:s10] =	ssyncset.done $0x0;
	(pc) =	sbr.rel @p1 .LBB2_6-.Ltmp3, $4  }
0x10d: {  	[sflag:s10] =	ssyncadd.s32 $0xFFFFFF80  }
0x10e: {  	[tilespmem:s4], [sflag:$0x2] =	stream.indirect.gather [hbm4b:s5+s23], $0x80, s30, s23, $0xb8;
	[tilespmem:$0x1C000] =	vst v63  }
0x10f: {  	_ =	swait.ge [sflag:s6], $0x4000  }
0x110: {  	p2 =	seq.s32 s13, $0x0;
	[sflag:s6] =	ssyncset.done $0x0  }
.Ltmp4:
0x111: {  	_ = 	snop;
	(pc) =	sbr.rel .LBB2_7-.Ltmp4, $1  }
0x112: {  	_ =	sdelay $0x3  }
.LBB2_2:
0x113: {  	s8 =	rddreg [dreg:$0xe]  }
0x114: {  	s22 =	rddreg [dreg:$0x7];
	s11 =	sor.u32 $0x1C09, s8  }
0x115: {  	[dreg:$0x12] =	wrdreg s11  }
0x116: {  	[spmem:s12], [sflag:s11] =	dma.local [hbm:s22], $0x2780  }
0x117: {  	_ =	swait.ge [sflag:s13], $0x2780  }
0x118: {  	[sflag:s13] =	ssyncset.done $0x0  }
0x119: {  	[sflag:s13] =	ssyncadd.s32 $0xFFFFD880  }
0x11a: {  	[bflag:$0x0] =	sbarrier.arrive $0xFFFF  }
0x11b: {  	s11 =	simm.s32 $0x0;
	s13 =	rddreg [dreg:$0x8]  }
0x11c: {  	[tilespmem:s11], [sflag:$0x5] =	stream.linear.gather [hbm4b:s13+s11], $0x80, $0x38;
	[tilespmem:$0x1C000] =	vst v63  }
0x11d: {  	s15 =	rddreg [dreg:$0x9]  }
0x11e: {  	[tilespmem:s21], [sflag:$0x5] =	stream.linear.gather [hbm4b:s15+s11], $0x80, $0x38;
	[tilespmem:$0x1C000] =	vst v63  }
0x11f: {  	p1 =	por $0x1, $0x1;
	s19 =	rddreg [dreg:$0xa]  }
0x120: {  	[tilespmem:s23], [sflag:$0x6] =	stream.linear.gather [hbm4b:s19+s11], $0x80, $0x38;
	[tilespmem:$0x1C000] =	vst v63  }
0x121: {  	s12 =	simm.s32 @!p1 $0x3;
	s20 =	rddreg [dreg:$0xb]  }
0x122: {  	[tilespmem:s24], [sflag:$0x6] =	stream.linear.gather [hbm4b:s20+s11], $0x80, $0x38;
	[tilespmem:$0x1C000] =	vst v63  }
0x123: {  	_ =	swait.ge @!p1 [sflag:s12], $0x4000  }
0x124: {  	s22 =	sadd.s32 $0x0, s17;
	[sflag:s12] =	ssyncset.done @!p1 $0x0  }
0x125: {  	s15 =	sadd.s32 $0x0, s16;
	s11 =	sadd.s32 $0x20, s22;
	[sflag:s12] =	ssyncadd.s32 @!p1 $0xFFFFC000  }
0x126: {  	[tilespmem:s25], [sflag:$0x7] =	stream.linear.gather [hbm4b:s11+s3], $0x80, $0x38;
	[tilespmem:$0x1C000] =	vst v63  }
0x127: {  	s19 =	sadd.s32 $0x20, s15  }
0x128: {  	[tilespmem:s26], [sflag:$0x7] =	stream.linear.gather [hbm4b:s19+s3], $0x80, $0x38;
	[tilespmem:$0x1C000] =	vst v63  }
0x129: {  	_ =	swait.ge [sflag:s28], $0x80  }
0x12a: {  	[sflag:s28] =	ssyncset.done $0x0  }
0x12b: {  	[sflag:s28] =	ssyncadd.s32 $0xFFFFFF80  }
0x12c: {  	_ =	swait.ge [sflag:s28], $0x80  }
0x12d: {  	[sflag:s28] =	ssyncset.done $0x0  }
0x12e: {  	s12 =	simm.s32 @!p1 $0x2;
	[sflag:s28] =	ssyncadd.s32 $0xFFFFFF80  }
0x12f: {  	[tilespmem:s29], [sflag:$0x1] =	stream.indirect.gather [hbm4b:s1+s23], $0x80, s3, s23, $0xb8;
	[tilespmem:$0x1C000] =	vst v63  }
0x130: {  	_ =	swait.ge @!p1 [sflag:s12], $0x4000  }
0x131: {  	s8 =	simm.s32 @!p1 $0x4400;
	[sflag:s12] =	ssyncset.done @!p1 $0x0  }
0x132: {  	s20 =	simm.s32 @!p1 $0x380;
	[sflag:s12] =	ssyncadd.s32 @!p1 $0xFFFFC000;
	s12 =	simm.s32 @!p1 $0x80  }
0x133: {  	[spmem:s2] =	stream.indirect.scatter.add.f32 @!p1 [tilespmem:s8], [sflag:$0x4], $0x80, s20, s12, $0xb8;
	[tilespmem:$0x1C000] =	vst v63  }
0x134: {  	s8 =	simm.s32 @!p1 $0x4  }
0x135: {  	_ =	swait.ge @!p1 [sflag:s8], $0x4000  }
0x136: {  	[sflag:s8] =	ssyncset.done @!p1 $0x0  }
0x137: {  	s20 =	sadd.s32 $0x30, s22;
	[sflag:s8] =	ssyncadd.s32 @!p1 $0xFFFFC000  }
0x138: {  	[tilespmem:s30], [sflag:$0x8] =	stream.linear.gather [hbm4b:s20+s3], $0x80, $0x38;
	[tilespmem:$0x1C000] =	vst v63  }
0x139: {  	s22 =	sadd.s32 $0x30, s15  }
0x13a: {  	[tilespmem:s31], [sflag:$0x8] =	stream.linear.gather [hbm4b:s22+s3], $0x80, $0x38;
	[tilespmem:$0x1C000] =	vst v63  }
0x13b: {  	_ =	swait.ge [sflag:s0], $0x80  }
0x13c: {  	[sflag:s0] =	ssyncset.done $0x0  }
0x13d: {  	[sflag:s0] =	ssyncadd.s32 $0xFFFFFF80  }
0x13e: {  	_ =	swait.ge [sflag:s0], $0x80  }
0x13f: {  	[sflag:s0] =	ssyncset.done $0x0  }
0x140: {  	[sflag:s0] =	ssyncadd.s32 $0xFFFFFF80  }
0x141: {  	[tilespmem:s4], [sflag:$0x2] =	stream.indirect.gather [hbm4b:s1+s23], $0x80, s23, s23, $0xb8;
	[tilespmem:$0x1C000] =	vst v63  }
0x142: {  	_ =	swait.ge [sflag:s6], $0x4000  }
0x143: {  	[sflag:s6] =	ssyncset.done $0x0  }
0x144: {  	[sflag:s6] =	ssyncadd.s32 $0xFFFFC000  }
0x145: {  	[spmem:s2] =	stream.indirect.scatter.add.f32 [tilespmem:s29], [sflag:$0x3], $0x80, s21, s23, $0xb8;
	[tilespmem:$0x1C000] =	vst v63  }
0x146: {  	p1 =	por $0x0, $0x0;
	_ =	swait.ge [sflag:s7], $0x4000  }
0x147: {  	s8 =	sadd.s32 @!p1 $0x0, s17;
	s12 =	sadd.s32 @!p1 $0x0, s16;
	[sflag:s7] =	ssyncset.done $0x0  }
0x148: {  	s15 =	simm.s32 @!p1 $0x0;
	s13 =	sadd.s32 @!p1 $0x40, s8;
	[sflag:s7] =	ssyncadd.s32 $0xFFFFC000  }
0x149: {  	[tilespmem:s15], [sflag:$0x5] =	stream.linear.gather @!p1 [hbm4b:s13+s15], $0x80, $0x38;
	[tilespmem:$0x1C000] =	vst v63  }
0x14a: {  	s20 =	simm.s32 @!p1 $0x200;
	s13 =	sadd.s32 @!p1 $0x40, s12  }
0x14b: {  	[tilespmem:s20], [sflag:$0x5] =	stream.linear.gather @!p1 [hbm4b:s13+s15], $0x80, $0x38;
	[tilespmem:$0x1C000] =	vst v63  }
0x14c: {  	_ =	swait.ge [sflag:s9], $0x80  }
0x14d: {  	[sflag:s9] =	ssyncset.done $0x0  }
0x14e: {  	[sflag:s9] =	ssyncadd.s32 $0xFFFFFF80  }
0x14f: {  	_ =	swait.ge [sflag:s9], $0x80  }
0x150: {  	[sflag:s9] =	ssyncset.done $0x0  }
0x151: {  	[sflag:s9] =	ssyncadd.s32 $0xFFFFFF80  }
0x152: {  	[tilespmem:s29], [sflag:$0x1] =	stream.indirect.gather [hbm4b:s1+s23], $0x80, s25, s23, $0xb8;
	[tilespmem:$0x1C000] =	vst v63  }
0x153: {  	_ =	swait.ge [sflag:s14], $0x4000  }
0x154: {  	[sflag:s14] =	ssyncset.done $0x0  }
0x155: {  	[sflag:s14] =	ssyncadd.s32 $0xFFFFC000  }
0x156: {  	[spmem:s2] =	stream.indirect.scatter.add.f32 [tilespmem:s4], [sflag:$0x4], $0x80, s24, s23, $0xb8;
	[tilespmem:$0x1C000] =	vst v63  }
0x157: {  	_ =	swait.ge [sflag:s18], $0x4000  }
0x158: {  	[sflag:s18] =	ssyncset.done $0x0  }
0x159: {  	s8 =	sadd.s32 @!p1 $0x50, s8;
	s13 =	simm.s32 @!p1 $0x80;
	[sflag:s18] =	ssyncadd.s32 $0xFFFFC000  }
0x15a: {  	[tilespmem:s13], [sflag:$0x6] =	stream.linear.gather @!p1 [hbm4b:s8+s15], $0x80, $0x38;
	[tilespmem:$0x1C000] =	vst v63  }
0x15b: {  	s8 =	sadd.s32 @!p1 $0x50, s12;
	s12 =	simm.s32 @!p1 $0x280  }
0x15c: {  	[tilespmem:s12], [sflag:$0x6] =	stream.linear.gather @!p1 [hbm4b:s8+s15], $0x80, $0x38;
	[tilespmem:$0x1C000] =	vst v63  }
0x15d: {  	_ =	swait.ge [sflag:s10], $0x80  }
0x15e: {  	[sflag:s10] =	ssyncset.done $0x0  }
0x15f: {  	[sflag:s10] =	ssyncadd.s32 $0xFFFFFF80  }
0x160: {  	_ =	swait.ge [sflag:s10], $0x80  }
0x161: {  	[sflag:s10] =	ssyncset.done $0x0  }
0x162: {  	[sflag:s10] =	ssyncadd.s32 $0xFFFFFF80  }
0x163: {  	[tilespmem:s4], [sflag:$0x2] =	stream.indirect.gather [hbm4b:s1+s23], $0x80, s30, s23, $0xb8;
	[tilespmem:$0x1C000] =	vst v63  }
0x164: {  	p2 =	por $0x0, $0x0;
	_ =	swait.ge [sflag:s6], $0x4000  }
0x165: {  	s13 =	simm.s32 $0x40;
	s15 =	simm.s32 $0x80;
	[sflag:s6] =	ssyncset.done $0x0  }
.LBB2_3:
0x166: {  	s8 =	simm.s32 @!p2 $0x3  }
0x167: {  	[sflag:s6] =	ssyncadd.s32 $0xFFFFC000;
	s12 =	smov.u32 s15;
	s15 =	sadd.s32 $0x40, s15  }
0x168: {  	[spmem:s2] =	stream.indirect.scatter.add.f32 [tilespmem:s29], [sflag:$0x3], $0x80, s26, s23, $0xb8;
	[tilespmem:$0x1C000] =	vst v63  }
0x169: {  	p1 =	seq.s32 s15, $0xA00;
	_ =	swait.ge @!p2 [sflag:s8], $0x4000  }
0x16a: {  	s20 =	sadd.s32 s13, s17;
	[sflag:s8] =	ssyncset.done @!p2 $0x0  }
0x16b: {  	s21 =	sadd.s32 s13, s16;
	[sflag:s8] =	ssyncadd.s32 @!p2 $0xFFFFC000;
	s8 =	sadd.s32 $0x20, s20  }
0x16c: {  	[tilespmem:s25], [sflag:$0x7] =	stream.linear.gather [hbm4b:s8+s3], $0x80, $0x38;
	[tilespmem:$0x1C000] =	vst v63  }
0x16d: {  	s8 =	sadd.s32 $0x20, s21  }
0x16e: {  	[tilespmem:s26], [sflag:$0x7] =	stream.linear.gather [hbm4b:s8+s3], $0x80, $0x38;
	[tilespmem:$0x1C000] =	vst v63  }
0x16f: {  	_ =	swait.ge [sflag:s28], $0x80  }
0x170: {  	[sflag:s28] =	ssyncset.done $0x0  }
0x171: {  	[sflag:s28] =	ssyncadd.s32 $0xFFFFFF80  }
0x172: {  	_ =	swait.ge [sflag:s28], $0x80  }
0x173: {  	[sflag:s28] =	ssyncset.done $0x0  }
0x174: {  	s8 =	simm.s32 @!p2 $0x2;
	[sflag:s28] =	ssyncadd.s32 $0xFFFFFF80  }
0x175: {  	[tilespmem:s29], [sflag:$0x1] =	stream.indirect.gather [hbm4b:s1+s23], $0x80, s3, s23, $0xb8;
	[tilespmem:$0x1C000] =	vst v63  }
0x176: {  	_ =	swait.ge @!p2 [sflag:s8], $0x4000  }
0x177: {  	s19 =	simm.s32 @!p2 $0x4400;
	s11 =	simm.s32 @!p2 $0x4;
	[sflag:s8] =	ssyncset.done @!p2 $0x0  }
0x178: {  	s22 =	simm.s32 @!p2 $0x380;
	[sflag:s8] =	ssyncadd.s32 @!p2 $0xFFFFC000;
	s8 =	simm.s32 @!p2 $0x80  }
0x179: {  	[spmem:s2] =	stream.indirect.scatter.add.f32 @!p2 [tilespmem:s19], [sflag:$0x4], $0x80, s22, s8, $0xb8;
	[tilespmem:$0x1C000] =	vst v63  }
0x17a: {  	_ =	swait.ge @!p2 [sflag:s11], $0x4000  }
0x17b: {  	[sflag:s11] =	ssyncset.done @!p2 $0x0  }
0x17c: {  	s8 =	sadd.s32 $0x30, s20;
	[sflag:s11] =	ssyncadd.s32 @!p2 $0xFFFFC000  }
0x17d: {  	[tilespmem:s30], [sflag:$0x8] =	stream.linear.gather [hbm4b:s8+s3], $0x80, $0x38;
	[tilespmem:$0x1C000] =	vst v63  }
0x17e: {  	s8 =	sadd.s32 $0x30, s21;
	s21 =	simm.s32 $0x200  }
0x17f: {  	[tilespmem:s31], [sflag:$0x8] =	stream.linear.gather [hbm4b:s8+s3], $0x80, $0x38;
	[tilespmem:$0x1C000] =	vst v63  }
0x180: {  	_ =	swait.ge [sflag:s0], $0x80  }
0x181: {  	[sflag:s0] =	ssyncset.done $0x0  }
0x182: {  	[sflag:s0] =	ssyncadd.s32 $0xFFFFFF80  }
0x183: {  	_ =	swait.ge [sflag:s0], $0x80  }
0x184: {  	[sflag:s0] =	ssyncset.done $0x0  }
0x185: {  	[sflag:s0] =	ssyncadd.s32 $0xFFFFFF80  }
0x186: {  	[tilespmem:s4], [sflag:$0x2] =	stream.indirect.gather [hbm4b:s1+s23], $0x80, s23, s23, $0xb8;
	[tilespmem:$0x1C000] =	vst v63  }
0x187: {  	_ =	swait.ge [sflag:s6], $0x4000  }
0x188: {  	[sflag:s6] =	ssyncset.done $0x0  }
0x189: {  	[sflag:s6] =	ssyncadd.s32 $0xFFFFC000  }
0x18a: {  	[spmem:s2] =	stream.indirect.scatter.add.f32 [tilespmem:s29], [sflag:$0x3], $0x80, s21, s23, $0xb8;
	[tilespmem:$0x1C000] =	vst v63  }
0x18b: {  	p2 =	seq.s32 s13, $0x9C0;
	_ =	swait.ge [sflag:s7], $0x4000  }
0x18c: {  	s11 =	sadd.s32 @!p2 s13, s16;
	s8 =	sadd.s32 @!p2 s13, s17;
	[sflag:s7] =	ssyncset.done $0x0  }
0x18d: {  	s19 =	simm.s32 @!p2 $0x0;
	s13 =	sadd.s32 @!p2 $0x40, s8;
	[sflag:s7] =	ssyncadd.s32 $0xFFFFC000  }
0x18e: {  	[tilespmem:s19], [sflag:$0x5] =	stream.linear.gather @!p2 [hbm4b:s13+s19], $0x80, $0x38;
	[tilespmem:$0x1C000] =	vst v63  }
0x18f: {  	s20 =	simm.s32 @!p2 $0x200;
	s8 =	sadd.s32 @!p2 $0x50, s8;
	s13 =	sadd.s32 @!p2 $0x40, s11  }
0x190: {  	[tilespmem:s20], [sflag:$0x5] =	stream.linear.gather @!p2 [hbm4b:s13+s19], $0x80, $0x38;
	[tilespmem:$0x1C000] =	vst v63  }
0x191: {  	s11 =	sadd.s32 @!p2 $0x50, s11;
	s13 =	smov.u32 s12;
	_ =	swait.ge [sflag:s9], $0x80  }
0x192: {  	[sflag:s9] =	ssyncset.done $0x0  }
0x193: {  	[sflag:s9] =	ssyncadd.s32 $0xFFFFFF80  }
0x194: {  	_ =	swait.ge [sflag:s9], $0x80  }
0x195: {  	[sflag:s9] =	ssyncset.done $0x0  }
0x196: {  	[sflag:s9] =	ssyncadd.s32 $0xFFFFFF80  }
0x197: {  	[tilespmem:s29], [sflag:$0x1] =	stream.indirect.gather [hbm4b:s1+s23], $0x80, s25, s23, $0xb8;
	[tilespmem:$0x1C000] =	vst v63  }
0x198: {  	_ =	swait.ge [sflag:s14], $0x4000  }
0x199: {  	[sflag:s14] =	ssyncset.done $0x0  }
0x19a: {  	[sflag:s14] =	ssyncadd.s32 $0xFFFFC000  }
0x19b: {  	[spmem:s2] =	stream.indirect.scatter.add.f32 [tilespmem:s4], [sflag:$0x4], $0x80, s24, s23, $0xb8;
	[tilespmem:$0x1C000] =	vst v63  }
0x19c: {  	_ =	swait.ge [sflag:s18], $0x4000  }
0x19d: {  	[sflag:s18] =	ssyncset.done $0x0  }
0x19e: {  	s12 =	simm.s32 @!p2 $0x80;
	[sflag:s18] =	ssyncadd.s32 $0xFFFFC000  }
0x19f: {  	[tilespmem:s12], [sflag:$0x6] =	stream.linear.gather @!p2 [hbm4b:s8+s19], $0x80, $0x38;
	[tilespmem:$0x1C000] =	vst v63  }
0x1a0: {  	s8 =	simm.s32 @!p2 $0x280  }
0x1a1: {  	[tilespmem:s8], [sflag:$0x6] =	stream.linear.gather @!p2 [hbm4b:s11+s19], $0x80, $0x38;
	[tilespmem:$0x1C000] =	vst v63  }
0x1a2: {  	_ =	swait.ge [sflag:s10], $0x80  }
0x1a3: {  	[sflag:s10] =	ssyncset.done $0x0  }
0x1a4: {  	[sflag:s10] =	ssyncadd.s32 $0xFFFFFF80  }
0x1a5: {  	_ =	swait.ge [sflag:s10], $0x80  }
.Ltmp5:
0x1a6: {  	[sflag:s10] =	ssyncset.done $0x0;
	(pc) =	sbr.rel @!p1 .LBB2_3-.Ltmp5, $4  }
0x1a7: {  	[sflag:s10] =	ssyncadd.s32 $0xFFFFFF80  }
0x1a8: {  	[tilespmem:s4], [sflag:$0x2] =	stream.indirect.gather [hbm4b:s1+s23], $0x80, s30, s23, $0xb8;
	[tilespmem:$0x1C000] =	vst v63  }
0x1a9: {  	_ =	swait.ge [sflag:s6], $0x4000  }
0x1aa: {  	p2 =	seq.s32 s13, $0x0;
	[sflag:s6] =	ssyncset.done $0x0  }
0x1ab: {  	s8 =	simm.s32 @!p2 $0x3;
	[sflag:s6] =	ssyncadd.s32 $0xFFFFC000  }
0x1ac: {  	[spmem:s2] =	stream.indirect.scatter.add.f32 [tilespmem:s29], [sflag:$0x3], $0x80, s26, s23, $0xb8;
	[tilespmem:$0x1C000] =	vst v63  }
0x1ad: {  	_ =	swait.ge @!p2 [sflag:s8], $0x4000  }
0x1ae: {  	s11 =	sadd.s32 s13, s17;
	[sflag:s8] =	ssyncset.done @!p2 $0x0  }
0x1af: {  	s12 =	sadd.s32 s13, s16;
	s15 =	sadd.s32 $0x20, s11;
	[sflag:s8] =	ssyncadd.s32 @!p2 $0xFFFFC000  }
0x1b0: {  	[tilespmem:s25], [sflag:$0x7] =	stream.linear.gather [hbm4b:s15+s3], $0x80, $0x38;
	[tilespmem:$0x1C000] =	vst v63  }
0x1b1: {  	s19 =	sadd.s32 $0x20, s12  }
0x1b2: {  	[tilespmem:s26], [sflag:$0x7] =	stream.linear.gather [hbm4b:s19+s3], $0x80, $0x38;
	[tilespmem:$0x1C000] =	vst v63  }
0x1b3: {  	_ =	swait.ge [sflag:s28], $0x80  }
0x1b4: {  	[sflag:s28] =	ssyncset.done $0x0  }
0x1b5: {  	[sflag:s28] =	ssyncadd.s32 $0xFFFFFF80  }
0x1b6: {  	_ =	swait.ge [sflag:s28], $0x80  }
0x1b7: {  	[sflag:s28] =	ssyncset.done $0x0  }
0x1b8: {  	s8 =	simm.s32 @!p2 $0x2;
	[sflag:s28] =	ssyncadd.s32 $0xFFFFFF80  }
0x1b9: {  	[tilespmem:s29], [sflag:$0x1] =	stream.indirect.gather [hbm4b:s1+s23], $0x80, s3, s23, $0xb8;
	[tilespmem:$0x1C000] =	vst v63  }
0x1ba: {  	_ =	swait.ge @!p2 [sflag:s8], $0x4000  }
0x1bb: {  	s15 =	simm.s32 @!p2 $0x4400;
	[sflag:s8] =	ssyncset.done @!p2 $0x0  }
0x1bc: {  	s19 =	simm.s32 @!p2 $0x380;
	[sflag:s8] =	ssyncadd.s32 @!p2 $0xFFFFC000;
	s8 =	simm.s32 @!p2 $0x80  }
0x1bd: {  	[spmem:s2] =	stream.indirect.scatter.add.f32 @!p2 [tilespmem:s15], [sflag:$0x4], $0x80, s19, s8, $0xb8;
	[tilespmem:$0x1C000] =	vst v63  }
0x1be: {  	s8 =	simm.s32 @!p2 $0x4  }
0x1bf: {  	_ =	swait.ge @!p2 [sflag:s8], $0x4000  }
0x1c0: {  	[sflag:s8] =	ssyncset.done @!p2 $0x0  }
0x1c1: {  	s20 =	sadd.s32 $0x30, s11;
	[sflag:s8] =	ssyncadd.s32 @!p2 $0xFFFFC000  }
0x1c2: {  	[tilespmem:s30], [sflag:$0x8] =	stream.linear.gather [hbm4b:s20+s3], $0x80, $0x38;
	[tilespmem:$0x1C000] =	vst v63  }
0x1c3: {  	s22 =	sadd.s32 $0x30, s12  }
0x1c4: {  	[tilespmem:s31], [sflag:$0x8] =	stream.linear.gather [hbm4b:s22+s3], $0x80, $0x38;
	[tilespmem:$0x1C000] =	vst v63  }
0x1c5: {  	_ =	swait.ge [sflag:s0], $0x80  }
0x1c6: {  	[sflag:s0] =	ssyncset.done $0x0  }
0x1c7: {  	[sflag:s0] =	ssyncadd.s32 $0xFFFFFF80  }
0x1c8: {  	_ =	swait.ge [sflag:s0], $0x80  }
0x1c9: {  	[sflag:s0] =	ssyncset.done $0x0  }
0x1ca: {  	[sflag:s0] =	ssyncadd.s32 $0xFFFFFF80  }
0x1cb: {  	[tilespmem:s4], [sflag:$0x2] =	stream.indirect.gather [hbm4b:s1+s23], $0x80, s23, s23, $0xb8;
	[tilespmem:$0x1C000] =	vst v63  }
0x1cc: {  	_ =	swait.ge [sflag:s6], $0x4000  }
0x1cd: {  	[sflag:s6] =	ssyncset.done $0x0  }
0x1ce: {  	[sflag:s6] =	ssyncadd.s32 $0xFFFFC000  }
0x1cf: {  	[spmem:s2] =	stream.indirect.scatter.add.f32 [tilespmem:s29], [sflag:$0x3], $0x80, s21, s23, $0xb8;
	[tilespmem:$0x1C000] =	vst v63  }
0x1d0: {  	p1 =	seq.s32 s13, $0x9C0;
	_ =	swait.ge [sflag:s7], $0x4000  }
0x1d1: {  	s11 =	sadd.s32 @!p1 s13, s16;
	s8 =	sadd.s32 @!p1 s13, s17;
	[sflag:s7] =	ssyncset.done $0x0  }
0x1d2: {  	s13 =	simm.s32 @!p1 $0x0;
	s12 =	sadd.s32 @!p1 $0x40, s8;
	[sflag:s7] =	ssyncadd.s32 $0xFFFFC000  }
0x1d3: {  	[tilespmem:s13], [sflag:$0x5] =	stream.linear.gather @!p1 [hbm4b:s12+s13], $0x80, $0x38;
	[tilespmem:$0x1C000] =	vst v63  }
0x1d4: {  	s15 =	simm.s32 @!p1 $0x200;
	s12 =	sadd.s32 @!p1 $0x40, s11  }
0x1d5: {  	[tilespmem:s15], [sflag:$0x5] =	stream.linear.gather @!p1 [hbm4b:s12+s13], $0x80, $0x38;
	[tilespmem:$0x1C000] =	vst v63  }
0x1d6: {  	_ =	swait.ge [sflag:s9], $0x80  }
0x1d7: {  	[sflag:s9] =	ssyncset.done $0x0  }
0x1d8: {  	[sflag:s9] =	ssyncadd.s32 $0xFFFFFF80  }
0x1d9: {  	_ =	swait.ge [sflag:s9], $0x80  }
0x1da: {  	[sflag:s9] =	ssyncset.done $0x0  }
0x1db: {  	[sflag:s9] =	ssyncadd.s32 $0xFFFFFF80  }
0x1dc: {  	[tilespmem:s29], [sflag:$0x1] =	stream.indirect.gather [hbm4b:s1+s23], $0x80, s25, s23, $0xb8;
	[tilespmem:$0x1C000] =	vst v63  }
0x1dd: {  	_ =	swait.ge [sflag:s14], $0x4000  }
0x1de: {  	[sflag:s14] =	ssyncset.done $0x0  }
0x1df: {  	[sflag:s14] =	ssyncadd.s32 $0xFFFFC000  }
0x1e0: {  	[spmem:s2] =	stream.indirect.scatter.add.f32 [tilespmem:s4], [sflag:$0x4], $0x80, s24, s23, $0xb8;
	[tilespmem:$0x1C000] =	vst v63  }
0x1e1: {  	_ =	swait.ge [sflag:s18], $0x4000  }
0x1e2: {  	[sflag:s18] =	ssyncset.done $0x0  }
0x1e3: {  	s8 =	sadd.s32 @!p1 $0x50, s8;
	s12 =	simm.s32 @!p1 $0x80;
	[sflag:s18] =	ssyncadd.s32 $0xFFFFC000  }
0x1e4: {  	[tilespmem:s12], [sflag:$0x6] =	stream.linear.gather @!p1 [hbm4b:s8+s13], $0x80, $0x38;
	[tilespmem:$0x1C000] =	vst v63  }
0x1e5: {  	s8 =	sadd.s32 @!p1 $0x50, s11;
	s11 =	simm.s32 @!p1 $0x280  }
0x1e6: {  	[tilespmem:s11], [sflag:$0x6] =	stream.linear.gather @!p1 [hbm4b:s8+s13], $0x80, $0x38;
	[tilespmem:$0x1C000] =	vst v63  }
0x1e7: {  	_ =	swait.ge [sflag:s10], $0x80  }
0x1e8: {  	[sflag:s10] =	ssyncset.done $0x0  }
0x1e9: {  	[sflag:s10] =	ssyncadd.s32 $0xFFFFFF80  }
0x1ea: {  	_ =	swait.ge [sflag:s10], $0x80  }
0x1eb: {  	[sflag:s10] =	ssyncset.done $0x0  }
0x1ec: {  	[sflag:s10] =	ssyncadd.s32 $0xFFFFFF80  }
0x1ed: {  	[tilespmem:s4], [sflag:$0x2] =	stream.indirect.gather [hbm4b:s1+s23], $0x80, s30, s23, $0xb8;
	[tilespmem:$0x1C000] =	vst v63  }
.Ltmp6:
0x1ee: {  	_ =	swait.ge [sflag:s6], $0x4000;
	(pc) =	sbr.rel .LBB2_8-.Ltmp6, $4  }
0x1ef: {  	s12 =	rddreg [dreg:$0x4]  }
0x1f0: {  	[sflag:s6] =	ssyncset.done $0x0;
	s11 =	rddreg [dreg:$0x11]  }
0x1f1: {  	s13 =	rddreg [dreg:$0x12];
	[sflag:s6] =	ssyncadd.s32 $0xFFFFC000  }
0x1f2: {  	[spmem:s2] =	stream.indirect.scatter.add.f32 [tilespmem:s29], [sflag:$0x3], $0x80, s26, s23, $0xb8;
	[tilespmem:$0x1C000] =	vst v63  }
.LBB2_9:
0x1f3: {  	_ =	sfence.sel $0x180000  }
0x1f4: {  	[bflag:$0x0] =	sbarrier.arrive $0xFFFF  }
0x1f5: {  	_ =	strace $0x9000004A  }
0x1f6: {  	s0 =	stileid.u32;
	[bflag:$0x2] =	sbarrier.arrive $0xFFFF  }
0x1f7: {  	p0 =	sne.s32 s0, $0x0;
	s0 =	rddreg [dreg:$0x3]  }
0x1f8: {  	s0 =	sadd.s32 @!p0 $0x100000, s0  }
0x1f9: {  	[sflag:s0] =	ssyncadd.tile.s32 @!p0 $0x1;
	_ =	shalt  }
.Lfunc_end2:
_tile_overlayer_lowered:
.L_overlay_start_2:
0x1fa: {  	(tag) =	ssettag $0x2  }
0x1fb: {  	s0 =	rddreg [dreg:$0x0];
	s2 =	stileid.u32  }
0x1fc: {  	s1 =	rddreg [dreg:$0x1];
	p0 =	sne.s32 s2, $0x0  }
0x1fd: {  	s3 =	rddreg [dreg:$0x2];
	[bflag:$0x3] =	sbarrier.arrive $0xFFFF;
	s2 =	simm.s32 @!p0 $0x1C09  }
0x1fe: {  	[timem:s3], [sflag:s2] =	dma.local @!p0 [hbm:s0], s1  }
0x1ff: {  	s0 =	simm.s32 @!p0 $0x9  }
0x200: {  	_ =	swait.ge @!p0 [sflag:s0], s1  }
0x201: {  	s1 =	ssub.s32 @!p0 $0x0, s1;
	[sflag:s0] =	ssyncset.done @!p0 $0x0  }
0x202: {  	[sflag:s0] =	ssyncadd.s32 @!p0 s1  }
0x203: {  	[bflag:$0x3] =	sbarrier.arrive $0xFFFF  }
0x204: {  	_ =	shalt  }

</sc_bundles>
